<compile_context>
chip_gen: v7x
topology: tpu7x:2x2x1
jax: 0.10.2.dev20260603
libtpu: 0.0.44.dev20260713+nightly
codegen_flags: <defaults>
</compile_context>

<pallas_src>
import jax
import jax.numpy as jnp
from jax import lax
from jax.experimental import pallas as pl
from jax.experimental.pallas import tpu as pltpu
from jax.experimental.pallas import tpu_sc as plsc

N_NODES = 10000
D = 128
DH = D // 2
N_EDGES = 320000

NC = 2
NS = 16
EPS = N_EDGES // NS
K = 80
CHUNKS = EPS // K
NBUF = 5
GROUPS = CHUNKS // NBUF
ACC_N = 10240
ROWS_PER_SUB = ACC_N // NS
ZR = 16

_MESH = plsc.VectorSubcoreMesh(
    core_axis_name="c", subcore_axis_name="s", num_cores=NC, num_subcores=NS)


def _segsum_body(y_hbm, src_hbm, dst_hbm, out_hbm,
                 src_v, dst_v, rows_v, zbuf, acc, gsems, ssems):
    cid = lax.axis_index("c")
    sid = lax.axis_index("s")

    zero16 = jnp.zeros((16,), jnp.float32)

    def zrow(i, carry):
        for j in range(DH // 16):
            zbuf[i, pl.ds(j * 16, 16)] = zero16
        return carry

    lax.fori_loop(0, ZR, zrow, 0)
    base = sid * ROWS_PER_SUB
    for t in range(ROWS_PER_SUB // ZR):
        pltpu.sync_copy(zbuf, acc.at[pl.ds(base + t * ZR, ZR)])

    pltpu.sync_copy(src_hbm.at[sid], src_v)
    pltpu.sync_copy(dst_hbm.at[sid], dst_v)
    plsc.subcore_barrier()

    yh = y_hbm.at[cid]

    def start_gather(q, b):
        pltpu.async_copy(yh.at[src_v.at[q]], rows_v.at[b], gsems[b])

    def wait_gather(q, b):
        pltpu.make_async_copy(yh.at[src_v.at[q]], rows_v.at[b],
                              gsems[b]).wait()

    def start_scatter(q, b):
        pltpu.async_copy(rows_v.at[b], acc.at[dst_v.at[q]], ssems[b],
                         add=True)

    def wait_scatter(q, b):
        pltpu.make_async_copy(rows_v.at[b], acc.at[dst_v.at[q]],
                              ssems[b]).wait()

    for b in range(NBUF):
        start_gather(b, b)

    def group(g, carry):
        base_q = g * NBUF
        for b in range(NBUF):
            wait_gather(base_q + b, b)
            start_scatter(base_q + b, b)
        for b in range(NBUF):
            @pl.when(g < GROUPS - 1)
            def _(b=b):
                wait_scatter(base_q + b, b)
                start_gather(base_q + NBUF + b, b)
        return carry

    lax.fori_loop(0, GROUPS, group, 0)
    for b in range(NBUF):
        wait_scatter(CHUNKS - NBUF + b, b)
    plsc.subcore_barrier()

    pltpu.sync_copy(acc.at[pl.ds(base, ROWS_PER_SUB)],
                    out_hbm.at[cid, pl.ds(base, ROWS_PER_SUB)])


_segsum = pl.kernel(
    _segsum_body,
    out_type=jax.ShapeDtypeStruct((NC, ACC_N, DH), jnp.float32),
    mesh=_MESH,
    scratch_types=[
        pltpu.VMEM((CHUNKS, K), jnp.int32),
        pltpu.VMEM((CHUNKS, K), jnp.int32),
        pltpu.VMEM((NBUF, K, DH), jnp.float32),
        pltpu.VMEM((ZR, DH), jnp.float32),
        pltpu.VMEM_SHARED((ACC_N, DH), jnp.float32),
        [pltpu.SemaphoreType.DMA] * NBUF,
        [pltpu.SemaphoreType.DMA] * NBUF,
    ],
    compiler_params=pltpu.CompilerParams(use_tc_tiling_on_sc=False),
)


def _dense1_body(x_ref, wroot_ref, b_ref, xs_ref, r_ref):
    xb = x_ref[...]
    dn = (((1,), (1,)), ((), ()))
    xs_ref[0] = xb[:, :DH]
    xs_ref[1] = xb[:, DH:]
    r_ref[...] = lax.dot_general(xb, wroot_ref[...], dn,
                                 preferred_element_type=jnp.float32) + b_ref[...]


def _dense1(x, w_root, b, blk):
    n = x.shape[0]
    grid = n // blk
    return pl.pallas_call(
        _dense1_body,
        grid=(grid,),
        in_specs=[
            pl.BlockSpec((blk, D), lambda i: (i, 0)),
            pl.BlockSpec((D, D), lambda i: (0, 0)),
            pl.BlockSpec((1, D), lambda i: (0, 0)),
        ],
        out_specs=[
            pl.BlockSpec((NC, blk, DH), lambda i: (0, i, 0)),
            pl.BlockSpec((blk, D), lambda i: (i, 0)),
        ],
        out_shape=[
            jax.ShapeDtypeStruct((NC, n, DH), jnp.float32),
            jax.ShapeDtypeStruct((n, D), jnp.float32),
        ],
    )(x, w_root, b.reshape(1, D))


def _dense2_body(p_ref, root_ref, wrel_ref, wroot_ref, b_ref, y_ref, r_ref):
    agg = jnp.concatenate([p_ref[0], p_ref[1]], axis=-1)
    dn = (((1,), (1,)), ((), ()))
    rel = lax.dot_general(agg, wrel_ref[...], dn,
                          preferred_element_type=jnp.float32)
    h = jnp.maximum(rel + root_ref[...], 0.0)
    y_ref[0] = h[:, :DH]
    y_ref[1] = h[:, DH:]
    r_ref[...] = lax.dot_general(h, wroot_ref[...], dn,
                                 preferred_element_type=jnp.float32) + b_ref[...]


def _dense2(p, root, w_rel, w_root, b, blk):
    n = root.shape[0]
    grid = n // blk
    return pl.pallas_call(
        _dense2_body,
        grid=(grid,),
        in_specs=[
            pl.BlockSpec((NC, blk, DH), lambda i: (0, i, 0)),
            pl.BlockSpec((blk, D), lambda i: (i, 0)),
            pl.BlockSpec((D, D), lambda i: (0, 0)),
            pl.BlockSpec((D, D), lambda i: (0, 0)),
            pl.BlockSpec((1, D), lambda i: (0, 0)),
        ],
        out_specs=[
            pl.BlockSpec((NC, blk, DH), lambda i: (0, i, 0)),
            pl.BlockSpec((blk, D), lambda i: (i, 0)),
        ],
        out_shape=[
            jax.ShapeDtypeStruct((NC, n, DH), jnp.float32),
            jax.ShapeDtypeStruct((n, D), jnp.float32),
        ],
    )(p, root, w_rel, w_root, b.reshape(1, D))


def _dense3_body(p_ref, root_ref, wrel_ref, wout_ref, bout_ref, o_ref):
    agg = jnp.concatenate([p_ref[0], p_ref[1]], axis=-1)
    dn = (((1,), (1,)), ((), ()))
    rel = lax.dot_general(agg, wrel_ref[...], dn,
                          preferred_element_type=jnp.float32)
    h = jnp.maximum(rel + root_ref[...], 0.0)
    o_ref[...] = jnp.sum(h * wout_ref[...], axis=1, keepdims=True) + bout_ref[0, 0]


def _dense3(p, root, w_rel, w_out, b_out, blk):
    n = root.shape[0]
    grid = n // blk
    return pl.pallas_call(
        _dense3_body,
        grid=(grid,),
        in_specs=[
            pl.BlockSpec((NC, blk, DH), lambda i: (0, i, 0)),
            pl.BlockSpec((blk, D), lambda i: (i, 0)),
            pl.BlockSpec((D, D), lambda i: (0, 0)),
            pl.BlockSpec((1, D), lambda i: (0, 0)),
            pl.BlockSpec((1, 1), lambda i: (0, 0)),
        ],
        out_specs=pl.BlockSpec((blk, 1), lambda i: (i, 0)),
        out_shape=jax.ShapeDtypeStruct((n, 1), jnp.float32),
    )(p, root, w_rel, w_out, b_out.reshape(1, 1))


def kernel(x, edge_index, W_rel1, b_rel1, W_root1, W_rel2, b_rel2, W_root2,
           W_out, b_out):
    src = edge_index[0].astype(jnp.int32).reshape(NS, CHUNKS, K)
    dst = edge_index[1].astype(jnp.int32).reshape(NS, CHUNKS, K)

    blk = 1000
    xs, r1 = _dense1(x, W_root1, b_rel1, blk)
    p1 = _segsum(xs, src, dst)
    hs, r2 = _dense2(p1, r1, W_rel1, W_root2, b_rel2, blk)
    p2 = _segsum(hs, src, dst)
    return _dense3(p2, r2, W_rel2, W_out, b_out, blk)

# --- scband reference (transcript-rebuilt; emitter-appended) ---
"""Pipeline reference for scband-gcn-31954556683004 (READ-ONLY COPY).

The authoritative reference and input builder live on the scoring server;
editing this copy changes nothing except your own understanding.
"""

import jax, jax.numpy as jnp
import numpy as np

N_NODES = 10000
N_EDGES = 320000
D_FEAT = 128
D_HID = 128


def setup_inputs(seed: int = 0) -> dict:
    key = jax.random.key(seed)
    ks = jax.random.split(key, 12)
    x = jax.random.normal(ks[0], (N_NODES, D_FEAT), dtype=jnp.float32)
    edge_index = jax.random.randint(ks[1], (2, N_EDGES), 0, N_NODES, dtype=jnp.int64)
    s1 = 1.0 / np.sqrt(D_FEAT)
    s2 = 1.0 / np.sqrt(D_HID)
    W_rel1 = jax.random.normal(ks[2], (D_HID, D_FEAT), dtype=jnp.float32) * s1
    b_rel1 = jnp.zeros((D_HID,), dtype=jnp.float32)
    W_root1 = jax.random.normal(ks[3], (D_HID, D_FEAT), dtype=jnp.float32) * s1
    W_rel2 = jax.random.normal(ks[4], (D_HID, D_HID), dtype=jnp.float32) * s2
    b_rel2 = jnp.zeros((D_HID,), dtype=jnp.float32)
    W_root2 = jax.random.normal(ks[5], (D_HID, D_HID), dtype=jnp.float32) * s2
    W_out = jax.random.normal(ks[6], (1, D_HID), dtype=jnp.float32) * s2
    b_out = jnp.zeros((1,), dtype=jnp.float32)
    return {"x": x, "edge_index": edge_index,
            "W_rel1": W_rel1, "b_rel1": b_rel1, "W_root1": W_root1,
            "W_rel2": W_rel2, "b_rel2": b_rel2, "W_root2": W_root2,
            "W_out": W_out, "b_out": b_out}


def _graph_conv(x, src, dst, W_rel, b_rel, W_root):
    # PyG GraphConv: out = lin_rel(sum_{j in N(i)} x_j) + lin_root(x_i)
    agg = jax.ops.segment_sum(jnp.take(x, src, axis=0), dst, num_segments=x.shape[0])
    return agg @ W_rel.T + b_rel + x @ W_root.T


def reference(x, edge_index, W_rel1, b_rel1, W_root1, W_rel2, b_rel2, W_root2, W_out, b_out):
    src = edge_index[0]
    dst = edge_index[1]
    h = _graph_conv(x, src, dst, W_rel1, b_rel1, W_root1)
    h = jax.nn.relu(h)
    h = _graph_conv(h, src, dst, W_rel2, b_rel2, W_root2)
    h = jax.nn.relu(h)
    out = h @ W_out.T + b_out
    return out

if __name__ == "__main__":
    import jax
    _d = setup_inputs()
    print(jax.jit(kernel)(*tuple(_d.values())))

</pallas_src>

<mosaic_0001>
#map = affine_map<(d0, d1) -> (0, 0, 0)>
module attributes {stable_mosaic.version = 14 : i64} {
  func.func @_segsum_body(%arg0: i32, %arg1: i32, %arg2: memref<2x10000x64xf32, #tpu.memory_space<hbm>>, %arg3: memref<16x250x80xi32, #tpu.memory_space<hbm>>, %arg4: memref<16x250x80xi32, #tpu.memory_space<hbm>>, %arg5: memref<2x10240x64xf32, #tpu.memory_space<hbm>>, %arg6: memref<250x80xi32, #tpu.memory_space<vmem>>, %arg7: memref<250x80xi32, #tpu.memory_space<vmem>>, %arg8: memref<5x80x64xf32, #tpu.memory_space<vmem>>, %arg9: memref<16x64xf32, #tpu.memory_space<vmem>>, %arg10: memref<10240x64xf32, #tpu.memory_space<vmem_shared>>, %arg11: memref<!tpu.dma_semaphore, #tpu.memory_space<semaphore_mem>>, %arg12: memref<!tpu.dma_semaphore, #tpu.memory_space<semaphore_mem>>, %arg13: memref<!tpu.dma_semaphore, #tpu.memory_space<semaphore_mem>>, %arg14: memref<!tpu.dma_semaphore, #tpu.memory_space<semaphore_mem>>, %arg15: memref<!tpu.dma_semaphore, #tpu.memory_space<semaphore_mem>>, %arg16: memref<!tpu.dma_semaphore, #tpu.memory_space<semaphore_mem>>, %arg17: memref<!tpu.dma_semaphore, #tpu.memory_space<semaphore_mem>>, %arg18: memref<!tpu.dma_semaphore, #tpu.memory_space<semaphore_mem>>, %arg19: memref<!tpu.dma_semaphore, #tpu.memory_space<semaphore_mem>>, %arg20: memref<!tpu.dma_semaphore, #tpu.memory_space<semaphore_mem>>) attributes {dimension_semantics = [#tpu.dimension_semantics<core_parallel>, #tpu.dimension_semantics<subcore_parallel>], iteration_bounds = array<i64: 2, 16>, scalar_prefetch = 0 : i64, scratch_operands = 15 : i64, tpu.core_type = #tpu.core_type<sc_vector_subcore>, window_params = [{transform_indices = #map}, {transform_indices = #map}, {transform_indices = #map}, {transform_indices = #map}]} {
    %broadcast_in_dim3A = arith.constant 0.000000e+00 : f32
    %broadcast_in_dim3A_0 = vector.broadcast %broadcast_in_dim3A : f32 to vector<16xf32>
    %scan3A = arith.constant 0 : i32
    %scan3A_1 = arith.constant 0 : i32
    %scan3A_2 = arith.constant 16 : i32
    %scan3A_3 = arith.addi %scan3A_1, %scan3A_2 : i32
    %scan3A_4 = arith.constant 1 : i32
    scf.for %scan3A_231 = %scan3A_1 to %scan3A_3 step %scan3A_4  : i32 {
      %swap3A = arith.index_cast %scan3A_231 : i32 to index
      %swap3A_232 = arith.constant 0 : index
      %swap3A_233 = tpu.vector_load %arg9[%swap3A, %swap3A_232] {strides = array<i32>} : memref<16x64xf32, #tpu.memory_space<vmem>>, vector<1x16xf32>,
      %swap3A_234 = vector.shape_cast %swap3A_233 : vector<1x16xf32> to vector<16xf32>
      %swap3A_235 = vector.shape_cast %broadcast_in_dim3A_0 : vector<16xf32> to vector<1x16xf32>
      tpu.vector_store %arg9[%swap3A, %swap3A_232], %swap3A_235 {strides = array<i32>} : memref<16x64xf32, #tpu.memory_space<vmem>>, vector<1x16xf32>,
      %swap3A_236 = arith.index_cast %scan3A_231 : i32 to index
      %swap3A_237 = arith.constant 16 : index
      %swap3A_238 = tpu.vector_load %arg9[%swap3A_236, %swap3A_237] {strides = array<i32>} : memref<16x64xf32, #tpu.memory_space<vmem>>, vector<1x16xf32>,
      %swap3A_239 = vector.shape_cast %swap3A_238 : vector<1x16xf32> to vector<16xf32>
      %swap3A_240 = vector.shape_cast %broadcast_in_dim3A_0 : vector<16xf32> to vector<1x16xf32>
      tpu.vector_store %arg9[%swap3A_236, %swap3A_237], %swap3A_240 {strides = array<i32>} : memref<16x64xf32, #tpu.memory_space<vmem>>, vector<1x16xf32>,
      %swap3A_241 = arith.index_cast %scan3A_231 : i32 to index
      %swap3A_242 = arith.constant 32 : index
      %swap3A_243 = tpu.vector_load %arg9[%swap3A_241, %swap3A_242] {strides = array<i32>} : memref<16x64xf32, #tpu.memory_space<vmem>>, vector<1x16xf32>,
      %swap3A_244 = vector.shape_cast %swap3A_243 : vector<1x16xf32> to vector<16xf32>
      %swap3A_245 = vector.shape_cast %broadcast_in_dim3A_0 : vector<16xf32> to vector<1x16xf32>
      tpu.vector_store %arg9[%swap3A_241, %swap3A_242], %swap3A_245 {strides = array<i32>} : memref<16x64xf32, #tpu.memory_space<vmem>>, vector<1x16xf32>,
      %swap3A_246 = arith.index_cast %scan3A_231 : i32 to index
      %swap3A_247 = arith.constant 48 : index
      %swap3A_248 = tpu.vector_load %arg9[%swap3A_246, %swap3A_247] {strides = array<i32>} : memref<16x64xf32, #tpu.memory_space<vmem>>, vector<1x16xf32>,
      %swap3A_249 = vector.shape_cast %swap3A_248 : vector<1x16xf32> to vector<16xf32>
      %swap3A_250 = vector.shape_cast %broadcast_in_dim3A_0 : vector<16xf32> to vector<1x16xf32>
      tpu.vector_store %arg9[%swap3A_246, %swap3A_247], %swap3A_250 {strides = array<i32>} : memref<16x64xf32, #tpu.memory_space<vmem>>, vector<1x16xf32>,
    }
    %scan3A_5 = arith.constant 16 : i32
    %mul3A = arith.constant 640 : i32
    %mul3A_6 = arith.muli %arg1, %mul3A : i32
    %add3A = arith.constant 0 : i32
    %add3A_7 = arith.addi %mul3A_6, %add3A : i32
    "tpu.region"() ({
      %run_scoped3A = tpu.sem_alloc : memref<!tpu.dma_semaphore, #tpu.memory_space<semaphore_mem>>
      %dma_start3A_231 = arith.constant 0 : i32
      %dma_start3A_232 = tpu.memref_slice %arg10[%add3A_7, %dma_start3A_231] : memref<10240x64xf32, #tpu.memory_space<vmem_shared>> -> memref<16x64xf32, #tpu.memory_space<vmem_shared>>
      %dma_start3A_233 = arith.constant 0 : i32
      %dma_start3A_234 = tpu.memref_slice %arg10[%add3A_7, %dma_start3A_233] : memref<10240x64xf32, #tpu.memory_space<vmem_shared>> -> memref<16x64xf32, #tpu.memory_space<vmem_shared>>
      tpu.enqueue_dma source(%arg9 : memref<16x64xf32, #tpu.memory_space<vmem>>) target(%dma_start3A_234 : memref<16x64xf32, #tpu.memory_space<vmem_shared>>) target_semaphore(%run_scoped3A : memref<!tpu.dma_semaphore, #tpu.memory_space<semaphore_mem>>)
      %dma_wait3A_235 = arith.constant 0 : i32
      %dma_wait3A_236 = tpu.memref_slice %arg10[%add3A_7, %dma_wait3A_235] : memref<10240x64xf32, #tpu.memory_space<vmem_shared>> -> memref<16x64xf32, #tpu.memory_space<vmem_shared>>
      %dma_wait3A_237 = arith.constant 0 : i32
      %dma_wait3A_238 = tpu.memref_slice %arg10[%add3A_7, %dma_wait3A_237] : memref<10240x64xf32, #tpu.memory_space<vmem_shared>> -> memref<16x64xf32, #tpu.memory_space<vmem_shared>>
      tpu.wait_dma2 semaphore(%run_scoped3A : memref<!tpu.dma_semaphore, #tpu.memory_space<semaphore_mem>>) src(%arg9 : memref<16x64xf32, #tpu.memory_space<vmem>>) dst(%dma_wait3A_238 : memref<16x64xf32, #tpu.memory_space<vmem_shared>>)
      tpu.yield
    }) : () -> ()
    %add3A_8 = arith.constant 16 : i32
    %add3A_9 = arith.addi %mul3A_6, %add3A_8 : i32
    "tpu.region"() ({
      %run_scoped3A = tpu.sem_alloc : memref<!tpu.dma_semaphore, #tpu.memory_space<semaphore_mem>>
      %dma_start3A_231 = arith.constant 0 : i32
      %dma_start3A_232 = tpu.memref_slice %arg10[%add3A_9, %dma_start3A_231] : memref<10240x64xf32, #tpu.memory_space<vmem_shared>> -> memref<16x64xf32, #tpu.memory_space<vmem_shared>>
      %dma_start3A_233 = arith.constant 0 : i32
      %dma_start3A_234 = tpu.memref_slice %arg10[%add3A_9, %dma_start3A_233] : memref<10240x64xf32, #tpu.memory_space<vmem_shared>> -> memref<16x64xf32, #tpu.memory_space<vmem_shared>>
      tpu.enqueue_dma source(%arg9 : memref<16x64xf32, #tpu.memory_space<vmem>>) target(%dma_start3A_234 : memref<16x64xf32, #tpu.memory_space<vmem_shared>>) target_semaphore(%run_scoped3A : memref<!tpu.dma_semaphore, #tpu.memory_space<semaphore_mem>>)
      %dma_wait3A_235 = arith.constant 0 : i32
      %dma_wait3A_236 = tpu.memref_slice %arg10[%add3A_9, %dma_wait3A_235] : memref<10240x64xf32, #tpu.memory_space<vmem_shared>> -> memref<16x64xf32, #tpu.memory_space<vmem_shared>>
      %dma_wait3A_237 = arith.constant 0 : i32
      %dma_wait3A_238 = tpu.memref_slice %arg10[%add3A_9, %dma_wait3A_237] : memref<10240x64xf32, #tpu.memory_space<vmem_shared>> -> memref<16x64xf32, #tpu.memory_space<vmem_shared>>
      tpu.wait_dma2 semaphore(%run_scoped3A : memref<!tpu.dma_semaphore, #tpu.memory_space<semaphore_mem>>) src(%arg9 : memref<16x64xf32, #tpu.memory_space<vmem>>) dst(%dma_wait3A_238 : memref<16x64xf32, #tpu.memory_space<vmem_shared>>)
      tpu.yield
    }) : () -> ()
    %add3A_10 = arith.constant 32 : i32
    %add3A_11 = arith.addi %mul3A_6, %add3A_10 : i32
    "tpu.region"() ({
      %run_scoped3A = tpu.sem_alloc : memref<!tpu.dma_semaphore, #tpu.memory_space<semaphore_mem>>
      %dma_start3A_231 = arith.constant 0 : i32
      %dma_start3A_232 = tpu.memref_slice %arg10[%add3A_11, %dma_start3A_231] : memref<10240x64xf32, #tpu.memory_space<vmem_shared>> -> memref<16x64xf32, #tpu.memory_space<vmem_shared>>
      %dma_start3A_233 = arith.constant 0 : i32
      %dma_start3A_234 = tpu.memref_slice %arg10[%add3A_11, %dma_start3A_233] : memref<10240x64xf32, #tpu.memory_space<vmem_shared>> -> memref<16x64xf32, #tpu.memory_space<vmem_shared>>
      tpu.enqueue_dma source(%arg9 : memref<16x64xf32, #tpu.memory_space<vmem>>) target(%dma_start3A_234 : memref<16x64xf32, #tpu.memory_space<vmem_shared>>) target_semaphore(%run_scoped3A : memref<!tpu.dma_semaphore, #tpu.memory_space<semaphore_mem>>)
      %dma_wait3A_235 = arith.constant 0 : i32
      %dma_wait3A_236 = tpu.memref_slice %arg10[%add3A_11, %dma_wait3A_235] : memref<10240x64xf32, #tpu.memory_space<vmem_shared>> -> memref<16x64xf32, #tpu.memory_space<vmem_shared>>
      %dma_wait3A_237 = arith.constant 0 : i32
      %dma_wait3A_238 = tpu.memref_slice %arg10[%add3A_11, %dma_wait3A_237] : memref<10240x64xf32, #tpu.memory_space<vmem_shared>> -> memref<16x64xf32, #tpu.memory_space<vmem_shared>>
      tpu.wait_dma2 semaphore(%run_scoped3A : memref<!tpu.dma_semaphore, #tpu.memory_space<semaphore_mem>>) src(%arg9 : memref<16x64xf32, #tpu.memory_space<vmem>>) dst(%dma_wait3A_238 : memref<16x64xf32, #tpu.memory_space<vmem_shared>>)
      tpu.yield
    }) : () -> ()
    %add3A_12 = arith.constant 48 : i32
    %add3A_13 = arith.addi %mul3A_6, %add3A_12 : i32
    "tpu.region"() ({
      %run_scoped3A = tpu.sem_alloc : memref<!tpu.dma_semaphore, #tpu.memory_space<semaphore_mem>>
      %dma_start3A_231 = arith.constant 0 : i32
      %dma_start3A_232 = tpu.memref_slice %arg10[%add3A_13, %dma_start3A_231] : memref<10240x64xf32, #tpu.memory_space<vmem_shared>> -> memref<16x64xf32, #tpu.memory_space<vmem_shared>>
      %dma_start3A_233 = arith.constant 0 : i32
      %dma_start3A_234 = tpu.memref_slice %arg10[%add3A_13, %dma_start3A_233] : memref<10240x64xf32, #tpu.memory_space<vmem_shared>> -> memref<16x64xf32, #tpu.memory_space<vmem_shared>>
      tpu.enqueue_dma source(%arg9 : memref<16x64xf32, #tpu.memory_space<vmem>>) target(%dma_start3A_234 : memref<16x64xf32, #tpu.memory_space<vmem_shared>>) target_semaphore(%run_scoped3A : memref<!tpu.dma_semaphore, #tpu.memory_space<semaphore_mem>>)
      %dma_wait3A_235 = arith.constant 0 : i32
      %dma_wait3A_236 = tpu.memref_slice %arg10[%add3A_13, %dma_wait3A_235] : memref<10240x64xf32, #tpu.memory_space<vmem_shared>> -> memref<16x64xf32, #tpu.memory_space<vmem_shared>>
      %dma_wait3A_237 = arith.constant 0 : i32
      %dma_wait3A_238 = tpu.memref_slice %arg10[%add3A_13, %dma_wait3A_237] : memref<10240x64xf32, #tpu.memory_space<vmem_shared>> -> memref<16x64xf32, #tpu.memory_space<vmem_shared>>
      tpu.wait_dma2 semaphore(%run_scoped3A : memref<!tpu.dma_semaphore, #tpu.memory_space<semaphore_mem>>) src(%arg9 : memref<16x64xf32, #tpu.memory_space<vmem>>) dst(%dma_wait3A_238 : memref<16x64xf32, #tpu.memory_space<vmem_shared>>)
      tpu.yield
    }) : () -> ()
    %add3A_14 = arith.constant 64 : i32
    %add3A_15 = arith.addi %mul3A_6, %add3A_14 : i32
    "tpu.region"() ({
      %run_scoped3A = tpu.sem_alloc : memref<!tpu.dma_semaphore, #tpu.memory_space<semaphore_mem>>
      %dma_start3A_231 = arith.constant 0 : i32
      %dma_start3A_232 = tpu.memref_slice %arg10[%add3A_15, %dma_start3A_231] : memref<10240x64xf32, #tpu.memory_space<vmem_shared>> -> memref<16x64xf32, #tpu.memory_space<vmem_shared>>
      %dma_start3A_233 = arith.constant 0 : i32
      %dma_start3A_234 = tpu.memref_slice %arg10[%add3A_15, %dma_start3A_233] : memref<10240x64xf32, #tpu.memory_space<vmem_shared>> -> memref<16x64xf32, #tpu.memory_space<vmem_shared>>
      tpu.enqueue_dma source(%arg9 : memref<16x64xf32, #tpu.memory_space<vmem>>) target(%dma_start3A_234 : memref<16x64xf32, #tpu.memory_space<vmem_shared>>) target_semaphore(%run_scoped3A : memref<!tpu.dma_semaphore, #tpu.memory_space<semaphore_mem>>)
      %dma_wait3A_235 = arith.constant 0 : i32
      %dma_wait3A_236 = tpu.memref_slice %arg10[%add3A_15, %dma_wait3A_235] : memref<10240x64xf32, #tpu.memory_space<vmem_shared>> -> memref<16x64xf32, #tpu.memory_space<vmem_shared>>
      %dma_wait3A_237 = arith.constant 0 : i32
      %dma_wait3A_238 = tpu.memref_slice %arg10[%add3A_15, %dma_wait3A_237] : memref<10240x64xf32, #tpu.memory_space<vmem_shared>> -> memref<16x64xf32, #tpu.memory_space<vmem_shared>>
      tpu.wait_dma2 semaphore(%run_scoped3A : memref<!tpu.dma_semaphore, #tpu.memory_space<semaphore_mem>>) src(%arg9 : memref<16x64xf32, #tpu.memory_space<vmem>>) dst(%dma_wait3A_238 : memref<16x64xf32, #tpu.memory_space<vmem_shared>>)
      tpu.yield
    }) : () -> ()
    %add3A_16 = arith.constant 80 : i32
    %add3A_17 = arith.addi %mul3A_6, %add3A_16 : i32
    "tpu.region"() ({
      %run_scoped3A = tpu.sem_alloc : memref<!tpu.dma_semaphore, #tpu.memory_space<semaphore_mem>>
      %dma_start3A_231 = arith.constant 0 : i32
      %dma_start3A_232 = tpu.memref_slice %arg10[%add3A_17, %dma_start3A_231] : memref<10240x64xf32, #tpu.memory_space<vmem_shared>> -> memref<16x64xf32, #tpu.memory_space<vmem_shared>>
      %dma_start3A_233 = arith.constant 0 : i32
      %dma_start3A_234 = tpu.memref_slice %arg10[%add3A_17, %dma_start3A_233] : memref<10240x64xf32, #tpu.memory_space<vmem_shared>> -> memref<16x64xf32, #tpu.memory_space<vmem_shared>>
      tpu.enqueue_dma source(%arg9 : memref<16x64xf32, #tpu.memory_space<vmem>>) target(%dma_start3A_234 : memref<16x64xf32, #tpu.memory_space<vmem_shared>>) target_semaphore(%run_scoped3A : memref<!tpu.dma_semaphore, #tpu.memory_space<semaphore_mem>>)
      %dma_wait3A_235 = arith.constant 0 : i32
      %dma_wait3A_236 = tpu.memref_slice %arg10[%add3A_17, %dma_wait3A_235] : memref<10240x64xf32, #tpu.memory_space<vmem_shared>> -> memref<16x64xf32, #tpu.memory_space<vmem_shared>>
      %dma_wait3A_237 = arith.constant 0 : i32
      %dma_wait3A_238 = tpu.memref_slice %arg10[%add3A_17, %dma_wait3A_237] : memref<10240x64xf32, #tpu.memory_space<vmem_shared>> -> memref<16x64xf32, #tpu.memory_space<vmem_shared>>
      tpu.wait_dma2 semaphore(%run_scoped3A : memref<!tpu.dma_semaphore, #tpu.memory_space<semaphore_mem>>) src(%arg9 : memref<16x64xf32, #tpu.memory_space<vmem>>) dst(%dma_wait3A_238 : memref<16x64xf32, #tpu.memory_space<vmem_shared>>)
      tpu.yield
    }) : () -> ()
    %add3A_18 = arith.constant 96 : i32
    %add3A_19 = arith.addi %mul3A_6, %add3A_18 : i32
    "tpu.region"() ({
      %run_scoped3A = tpu.sem_alloc : memref<!tpu.dma_semaphore, #tpu.memory_space<semaphore_mem>>
      %dma_start3A_231 = arith.constant 0 : i32
      %dma_start3A_232 = tpu.memref_slice %arg10[%add3A_19, %dma_start3A_231] : memref<10240x64xf32, #tpu.memory_space<vmem_shared>> -> memref<16x64xf32, #tpu.memory_space<vmem_shared>>
      %dma_start3A_233 = arith.constant 0 : i32
      %dma_start3A_234 = tpu.memref_slice %arg10[%add3A_19, %dma_start3A_233] : memref<10240x64xf32, #tpu.memory_space<vmem_shared>> -> memref<16x64xf32, #tpu.memory_space<vmem_shared>>
      tpu.enqueue_dma source(%arg9 : memref<16x64xf32, #tpu.memory_space<vmem>>) target(%dma_start3A_234 : memref<16x64xf32, #tpu.memory_space<vmem_shared>>) target_semaphore(%run_scoped3A : memref<!tpu.dma_semaphore, #tpu.memory_space<semaphore_mem>>)
      %dma_wait3A_235 = arith.constant 0 : i32
      %dma_wait3A_236 = tpu.memref_slice %arg10[%add3A_19, %dma_wait3A_235] : memref<10240x64xf32, #tpu.memory_space<vmem_shared>> -> memref<16x64xf32, #tpu.memory_space<vmem_shared>>
      %dma_wait3A_237 = arith.constant 0 : i32
      %dma_wait3A_238 = tpu.memref_slice %arg10[%add3A_19, %dma_wait3A_237] : memref<10240x64xf32, #tpu.memory_space<vmem_shared>> -> memref<16x64xf32, #tpu.memory_space<vmem_shared>>
      tpu.wait_dma2 semaphore(%run_scoped3A : memref<!tpu.dma_semaphore, #tpu.memory_space<semaphore_mem>>) src(%arg9 : memref<16x64xf32, #tpu.memory_space<vmem>>) dst(%dma_wait3A_238 : memref<16x64xf32, #tpu.memory_space<vmem_shared>>)
      tpu.yield
    }) : () -> ()
    %add3A_20 = arith.constant 112 : i32
    %add3A_21 = arith.addi %mul3A_6, %add3A_20 : i32
    "tpu.region"() ({
      %run_scoped3A = tpu.sem_alloc : memref<!tpu.dma_semaphore, #tpu.memory_space<semaphore_mem>>
      %dma_start3A_231 = arith.constant 0 : i32
      %dma_start3A_232 = tpu.memref_slice %arg10[%add3A_21, %dma_start3A_231] : memref<10240x64xf32, #tpu.memory_space<vmem_shared>> -> memref<16x64xf32, #tpu.memory_space<vmem_shared>>
      %dma_start3A_233 = arith.constant 0 : i32
      %dma_start3A_234 = tpu.memref_slice %arg10[%add3A_21, %dma_start3A_233] : memref<10240x64xf32, #tpu.memory_space<vmem_shared>> -> memref<16x64xf32, #tpu.memory_space<vmem_shared>>
      tpu.enqueue_dma source(%arg9 : memref<16x64xf32, #tpu.memory_space<vmem>>) target(%dma_start3A_234 : memref<16x64xf32, #tpu.memory_space<vmem_shared>>) target_semaphore(%run_scoped3A : memref<!tpu.dma_semaphore, #tpu.memory_space<semaphore_mem>>)
      %dma_wait3A_235 = arith.constant 0 : i32
      %dma_wait3A_236 = tpu.memref_slice %arg10[%add3A_21, %dma_wait3A_235] : memref<10240x64xf32, #tpu.memory_space<vmem_shared>> -> memref<16x64xf32, #tpu.memory_space<vmem_shared>>
      %dma_wait3A_237 = arith.constant 0 : i32
      %dma_wait3A_238 = tpu.memref_slice %arg10[%add3A_21, %dma_wait3A_237] : memref<10240x64xf32, #tpu.memory_space<vmem_shared>> -> memref<16x64xf32, #tpu.memory_space<vmem_shared>>
      tpu.wait_dma2 semaphore(%run_scoped3A : memref<!tpu.dma_semaphore, #tpu.memory_space<semaphore_mem>>) src(%arg9 : memref<16x64xf32, #tpu.memory_space<vmem>>) dst(%dma_wait3A_238 : memref<16x64xf32, #tpu.memory_space<vmem_shared>>)
      tpu.yield
    }) : () -> ()
    %add3A_22 = arith.constant 128 : i32
    %add3A_23 = arith.addi %mul3A_6, %add3A_22 : i32
    "tpu.region"() ({
      %run_scoped3A = tpu.sem_alloc : memref<!tpu.dma_semaphore, #tpu.memory_space<semaphore_mem>>
      %dma_start3A_231 = arith.constant 0 : i32
      %dma_start3A_232 = tpu.memref_slice %arg10[%add3A_23, %dma_start3A_231] : memref<10240x64xf32, #tpu.memory_space<vmem_shared>> -> memref<16x64xf32, #tpu.memory_space<vmem_shared>>
      %dma_start3A_233 = arith.constant 0 : i32
      %dma_start3A_234 = tpu.memref_slice %arg10[%add3A_23, %dma_start3A_233] : memref<10240x64xf32, #tpu.memory_space<vmem_shared>> -> memref<16x64xf32, #tpu.memory_space<vmem_shared>>
      tpu.enqueue_dma source(%arg9 : memref<16x64xf32, #tpu.memory_space<vmem>>) target(%dma_start3A_234 : memref<16x64xf32, #tpu.memory_space<vmem_shared>>) target_semaphore(%run_scoped3A : memref<!tpu.dma_semaphore, #tpu.memory_space<semaphore_mem>>)
      %dma_wait3A_235 = arith.constant 0 : i32
      %dma_wait3A_236 = tpu.memref_slice %arg10[%add3A_23, %dma_wait3A_235] : memref<10240x64xf32, #tpu.memory_space<vmem_shared>> -> memref<16x64xf32, #tpu.memory_space<vmem_shared>>
      %dma_wait3A_237 = arith.constant 0 : i32
      %dma_wait3A_238 = tpu.memref_slice %arg10[%add3A_23, %dma_wait3A_237] : memref<10240x64xf32, #tpu.memory_space<vmem_shared>> -> memref<16x64xf32, #tpu.memory_space<vmem_shared>>
      tpu.wait_dma2 semaphore(%run_scoped3A : memref<!tpu.dma_semaphore, #tpu.memory_space<semaphore_mem>>) src(%arg9 : memref<16x64xf32, #tpu.memory_space<vmem>>) dst(%dma_wait3A_238 : memref<16x64xf32, #tpu.memory_space<vmem_shared>>)
      tpu.yield
    }) : () -> ()
    %add3A_24 = arith.constant 144 : i32
    %add3A_25 = arith.addi %mul3A_6, %add3A_24 : i32
    "tpu.region"() ({
      %run_scoped3A = tpu.sem_alloc : memref<!tpu.dma_semaphore, #tpu.memory_space<semaphore_mem>>
      %dma_start3A_231 = arith.constant 0 : i32
      %dma_start3A_232 = tpu.memref_slice %arg10[%add3A_25, %dma_start3A_231] : memref<10240x64xf32, #tpu.memory_space<vmem_shared>> -> memref<16x64xf32, #tpu.memory_space<vmem_shared>>
      %dma_start3A_233 = arith.constant 0 : i32
      %dma_start3A_234 = tpu.memref_slice %arg10[%add3A_25, %dma_start3A_233] : memref<10240x64xf32, #tpu.memory_space<vmem_shared>> -> memref<16x64xf32, #tpu.memory_space<vmem_shared>>
      tpu.enqueue_dma source(%arg9 : memref<16x64xf32, #tpu.memory_space<vmem>>) target(%dma_start3A_234 : memref<16x64xf32, #tpu.memory_space<vmem_shared>>) target_semaphore(%run_scoped3A : memref<!tpu.dma_semaphore, #tpu.memory_space<semaphore_mem>>)
      %dma_wait3A_235 = arith.constant 0 : i32
      %dma_wait3A_236 = tpu.memref_slice %arg10[%add3A_25, %dma_wait3A_235] : memref<10240x64xf32, #tpu.memory_space<vmem_shared>> -> memref<16x64xf32, #tpu.memory_space<vmem_shared>>
      %dma_wait3A_237 = arith.constant 0 : i32
      %dma_wait3A_238 = tpu.memref_slice %arg10[%add3A_25, %dma_wait3A_237] : memref<10240x64xf32, #tpu.memory_space<vmem_shared>> -> memref<16x64xf32, #tpu.memory_space<vmem_shared>>
      tpu.wait_dma2 semaphore(%run_scoped3A : memref<!tpu.dma_semaphore, #tpu.memory_space<semaphore_mem>>) src(%arg9 : memref<16x64xf32, #tpu.memory_space<vmem>>) dst(%dma_wait3A_238 : memref<16x64xf32, #tpu.memory_space<vmem_shared>>)
      tpu.yield
    }) : () -> ()
    %add3A_26 = arith.constant 160 : i32
    %add3A_27 = arith.addi %mul3A_6, %add3A_26 : i32
    "tpu.region"() ({
      %run_scoped3A = tpu.sem_alloc : memref<!tpu.dma_semaphore, #tpu.memory_space<semaphore_mem>>
      %dma_start3A_231 = arith.constant 0 : i32
      %dma_start3A_232 = tpu.memref_slice %arg10[%add3A_27, %dma_start3A_231] : memref<10240x64xf32, #tpu.memory_space<vmem_shared>> -> memref<16x64xf32, #tpu.memory_space<vmem_shared>>
      %dma_start3A_233 = arith.constant 0 : i32
      %dma_start3A_234 = tpu.memref_slice %arg10[%add3A_27, %dma_start3A_233] : memref<10240x64xf32, #tpu.memory_space<vmem_shared>> -> memref<16x64xf32, #tpu.memory_space<vmem_shared>>
      tpu.enqueue_dma source(%arg9 : memref<16x64xf32, #tpu.memory_space<vmem>>) target(%dma_start3A_234 : memref<16x64xf32, #tpu.memory_space<vmem_shared>>) target_semaphore(%run_scoped3A : memref<!tpu.dma_semaphore, #tpu.memory_space<semaphore_mem>>)
      %dma_wait3A_235 = arith.constant 0 : i32
      %dma_wait3A_236 = tpu.memref_slice %arg10[%add3A_27, %dma_wait3A_235] : memref<10240x64xf32, #tpu.memory_space<vmem_shared>> -> memref<16x64xf32, #tpu.memory_space<vmem_shared>>
      %dma_wait3A_237 = arith.constant 0 : i32
      %dma_wait3A_238 = tpu.memref_slice %arg10[%add3A_27, %dma_wait3A_237] : memref<10240x64xf32, #tpu.memory_space<vmem_shared>> -> memref<16x64xf32, #tpu.memory_space<vmem_shared>>
      tpu.wait_dma2 semaphore(%run_scoped3A : memref<!tpu.dma_semaphore, #tpu.memory_space<semaphore_mem>>) src(%arg9 : memref<16x64xf32, #tpu.memory_space<vmem>>) dst(%dma_wait3A_238 : memref<16x64xf32, #tpu.memory_space<vmem_shared>>)
      tpu.yield
    }) : () -> ()
    %add3A_28 = arith.constant 176 : i32
    %add3A_29 = arith.addi %mul3A_6, %add3A_28 : i32
    "tpu.region"() ({
      %run_scoped3A = tpu.sem_alloc : memref<!tpu.dma_semaphore, #tpu.memory_space<semaphore_mem>>
      %dma_start3A_231 = arith.constant 0 : i32
      %dma_start3A_232 = tpu.memref_slice %arg10[%add3A_29, %dma_start3A_231] : memref<10240x64xf32, #tpu.memory_space<vmem_shared>> -> memref<16x64xf32, #tpu.memory_space<vmem_shared>>
      %dma_start3A_233 = arith.constant 0 : i32
      %dma_start3A_234 = tpu.memref_slice %arg10[%add3A_29, %dma_start3A_233] : memref<10240x64xf32, #tpu.memory_space<vmem_shared>> -> memref<16x64xf32, #tpu.memory_space<vmem_shared>>
      tpu.enqueue_dma source(%arg9 : memref<16x64xf32, #tpu.memory_space<vmem>>) target(%dma_start3A_234 : memref<16x64xf32, #tpu.memory_space<vmem_shared>>) target_semaphore(%run_scoped3A : memref<!tpu.dma_semaphore, #tpu.memory_space<semaphore_mem>>)
      %dma_wait3A_235 = arith.constant 0 : i32
      %dma_wait3A_236 = tpu.memref_slice %arg10[%add3A_29, %dma_wait3A_235] : memref<10240x64xf32, #tpu.memory_space<vmem_shared>> -> memref<16x64xf32, #tpu.memory_space<vmem_shared>>
      %dma_wait3A_237 = arith.constant 0 : i32
      %dma_wait3A_238 = tpu.memref_slice %arg10[%add3A_29, %dma_wait3A_237] : memref<10240x64xf32, #tpu.memory_space<vmem_shared>> -> memref<16x64xf32, #tpu.memory_space<vmem_shared>>
      tpu.wait_dma2 semaphore(%run_scoped3A : memref<!tpu.dma_semaphore, #tpu.memory_space<semaphore_mem>>) src(%arg9 : memref<16x64xf32, #tpu.memory_space<vmem>>) dst(%dma_wait3A_238 : memref<16x64xf32, #tpu.memory_space<vmem_shared>>)
      tpu.yield
    }) : () -> ()
    %add3A_30 = arith.constant 192 : i32
    %add3A_31 = arith.addi %mul3A_6, %add3A_30 : i32
    "tpu.region"() ({
      %run_scoped3A = tpu.sem_alloc : memref<!tpu.dma_semaphore, #tpu.memory_space<semaphore_mem>>
      %dma_start3A_231 = arith.constant 0 : i32
      %dma_start3A_232 = tpu.memref_slice %arg10[%add3A_31, %dma_start3A_231] : memref<10240x64xf32, #tpu.memory_space<vmem_shared>> -> memref<16x64xf32, #tpu.memory_space<vmem_shared>>
      %dma_start3A_233 = arith.constant 0 : i32
      %dma_start3A_234 = tpu.memref_slice %arg10[%add3A_31, %dma_start3A_233] : memref<10240x64xf32, #tpu.memory_space<vmem_shared>> -> memref<16x64xf32, #tpu.memory_space<vmem_shared>>
      tpu.enqueue_dma source(%arg9 : memref<16x64xf32, #tpu.memory_space<vmem>>) target(%dma_start3A_234 : memref<16x64xf32, #tpu.memory_space<vmem_shared>>) target_semaphore(%run_scoped3A : memref<!tpu.dma_semaphore, #tpu.memory_space<semaphore_mem>>)
      %dma_wait3A_235 = arith.constant 0 : i32
      %dma_wait3A_236 = tpu.memref_slice %arg10[%add3A_31, %dma_wait3A_235] : memref<10240x64xf32, #tpu.memory_space<vmem_shared>> -> memref<16x64xf32, #tpu.memory_space<vmem_shared>>
      %dma_wait3A_237 = arith.constant 0 : i32
      %dma_wait3A_238 = tpu.memref_slice %arg10[%add3A_31, %dma_wait3A_237] : memref<10240x64xf32, #tpu.memory_space<vmem_shared>> -> memref<16x64xf32, #tpu.memory_space<vmem_shared>>
      tpu.wait_dma2 semaphore(%run_scoped3A : memref<!tpu.dma_semaphore, #tpu.memory_space<semaphore_mem>>) src(%arg9 : memref<16x64xf32, #tpu.memory_space<vmem>>) dst(%dma_wait3A_238 : memref<16x64xf32, #tpu.memory_space<vmem_shared>>)
      tpu.yield
    }) : () -> ()
    %add3A_32 = arith.constant 208 : i32
    %add3A_33 = arith.addi %mul3A_6, %add3A_32 : i32
    "tpu.region"() ({
      %run_scoped3A = tpu.sem_alloc : memref<!tpu.dma_semaphore, #tpu.memory_space<semaphore_mem>>
      %dma_start3A_231 = arith.constant 0 : i32
      %dma_start3A_232 = tpu.memref_slice %arg10[%add3A_33, %dma_start3A_231] : memref<10240x64xf32, #tpu.memory_space<vmem_shared>> -> memref<16x64xf32, #tpu.memory_space<vmem_shared>>
      %dma_start3A_233 = arith.constant 0 : i32
      %dma_start3A_234 = tpu.memref_slice %arg10[%add3A_33, %dma_start3A_233] : memref<10240x64xf32, #tpu.memory_space<vmem_shared>> -> memref<16x64xf32, #tpu.memory_space<vmem_shared>>
      tpu.enqueue_dma source(%arg9 : memref<16x64xf32, #tpu.memory_space<vmem>>) target(%dma_start3A_234 : memref<16x64xf32, #tpu.memory_space<vmem_shared>>) target_semaphore(%run_scoped3A : memref<!tpu.dma_semaphore, #tpu.memory_space<semaphore_mem>>)
      %dma_wait3A_235 = arith.constant 0 : i32
      %dma_wait3A_236 = tpu.memref_slice %arg10[%add3A_33, %dma_wait3A_235] : memref<10240x64xf32, #tpu.memory_space<vmem_shared>> -> memref<16x64xf32, #tpu.memory_space<vmem_shared>>
      %dma_wait3A_237 = arith.constant 0 : i32
      %dma_wait3A_238 = tpu.memref_slice %arg10[%add3A_33, %dma_wait3A_237] : memref<10240x64xf32, #tpu.memory_space<vmem_shared>> -> memref<16x64xf32, #tpu.memory_space<vmem_shared>>
      tpu.wait_dma2 semaphore(%run_scoped3A : memref<!tpu.dma_semaphore, #tpu.memory_space<semaphore_mem>>) src(%arg9 : memref<16x64xf32, #tpu.memory_space<vmem>>) dst(%dma_wait3A_238 : memref<16x64xf32, #tpu.memory_space<vmem_shared>>)
      tpu.yield
    }) : () -> ()
    %add3A_34 = arith.constant 224 : i32
    %add3A_35 = arith.addi %mul3A_6, %add3A_34 : i32
    "tpu.region"() ({
      %run_scoped3A = tpu.sem_alloc : memref<!tpu.dma_semaphore, #tpu.memory_space<semaphore_mem>>
      %dma_start3A_231 = arith.constant 0 : i32
      %dma_start3A_232 = tpu.memref_slice %arg10[%add3A_35, %dma_start3A_231] : memref<10240x64xf32, #tpu.memory_space<vmem_shared>> -> memref<16x64xf32, #tpu.memory_space<vmem_shared>>
      %dma_start3A_233 = arith.constant 0 : i32
      %dma_start3A_234 = tpu.memref_slice %arg10[%add3A_35, %dma_start3A_233] : memref<10240x64xf32, #tpu.memory_space<vmem_shared>> -> memref<16x64xf32, #tpu.memory_space<vmem_shared>>
      tpu.enqueue_dma source(%arg9 : memref<16x64xf32, #tpu.memory_space<vmem>>) target(%dma_start3A_234 : memref<16x64xf32, #tpu.memory_space<vmem_shared>>) target_semaphore(%run_scoped3A : memref<!tpu.dma_semaphore, #tpu.memory_space<semaphore_mem>>)
      %dma_wait3A_235 = arith.constant 0 : i32
      %dma_wait3A_236 = tpu.memref_slice %arg10[%add3A_35, %dma_wait3A_235] : memref<10240x64xf32, #tpu.memory_space<vmem_shared>> -> memref<16x64xf32, #tpu.memory_space<vmem_shared>>
      %dma_wait3A_237 = arith.constant 0 : i32
      %dma_wait3A_238 = tpu.memref_slice %arg10[%add3A_35, %dma_wait3A_237] : memref<10240x64xf32, #tpu.memory_space<vmem_shared>> -> memref<16x64xf32, #tpu.memory_space<vmem_shared>>
      tpu.wait_dma2 semaphore(%run_scoped3A : memref<!tpu.dma_semaphore, #tpu.memory_space<semaphore_mem>>) src(%arg9 : memref<16x64xf32, #tpu.memory_space<vmem>>) dst(%dma_wait3A_238 : memref<16x64xf32, #tpu.memory_space<vmem_shared>>)
      tpu.yield
    }) : () -> ()
    %add3A_36 = arith.constant 240 : i32
    %add3A_37 = arith.addi %mul3A_6, %add3A_36 : i32
    "tpu.region"() ({
      %run_scoped3A = tpu.sem_alloc : memref<!tpu.dma_semaphore, #tpu.memory_space<semaphore_mem>>
      %dma_start3A_231 = arith.constant 0 : i32
      %dma_start3A_232 = tpu.memref_slice %arg10[%add3A_37, %dma_start3A_231] : memref<10240x64xf32, #tpu.memory_space<vmem_shared>> -> memref<16x64xf32, #tpu.memory_space<vmem_shared>>
      %dma_start3A_233 = arith.constant 0 : i32
      %dma_start3A_234 = tpu.memref_slice %arg10[%add3A_37, %dma_start3A_233] : memref<10240x64xf32, #tpu.memory_space<vmem_shared>> -> memref<16x64xf32, #tpu.memory_space<vmem_shared>>
      tpu.enqueue_dma source(%arg9 : memref<16x64xf32, #tpu.memory_space<vmem>>) target(%dma_start3A_234 : memref<16x64xf32, #tpu.memory_space<vmem_shared>>) target_semaphore(%run_scoped3A : memref<!tpu.dma_semaphore, #tpu.memory_space<semaphore_mem>>)
      %dma_wait3A_235 = arith.constant 0 : i32
      %dma_wait3A_236 = tpu.memref_slice %arg10[%add3A_37, %dma_wait3A_235] : memref<10240x64xf32, #tpu.memory_space<vmem_shared>> -> memref<16x64xf32, #tpu.memory_space<vmem_shared>>
      %dma_wait3A_237 = arith.constant 0 : i32
      %dma_wait3A_238 = tpu.memref_slice %arg10[%add3A_37, %dma_wait3A_237] : memref<10240x64xf32, #tpu.memory_space<vmem_shared>> -> memref<16x64xf32, #tpu.memory_space<vmem_shared>>
      tpu.wait_dma2 semaphore(%run_scoped3A : memref<!tpu.dma_semaphore, #tpu.memory_space<semaphore_mem>>) src(%arg9 : memref<16x64xf32, #tpu.memory_space<vmem>>) dst(%dma_wait3A_238 : memref<16x64xf32, #tpu.memory_space<vmem_shared>>)
      tpu.yield
    }) : () -> ()
    %add3A_38 = arith.constant 256 : i32
    %add3A_39 = arith.addi %mul3A_6, %add3A_38 : i32
    "tpu.region"() ({
      %run_scoped3A = tpu.sem_alloc : memref<!tpu.dma_semaphore, #tpu.memory_space<semaphore_mem>>
      %dma_start3A_231 = arith.constant 0 : i32
      %dma_start3A_232 = tpu.memref_slice %arg10[%add3A_39, %dma_start3A_231] : memref<10240x64xf32, #tpu.memory_space<vmem_shared>> -> memref<16x64xf32, #tpu.memory_space<vmem_shared>>
      %dma_start3A_233 = arith.constant 0 : i32
      %dma_start3A_234 = tpu.memref_slice %arg10[%add3A_39, %dma_start3A_233] : memref<10240x64xf32, #tpu.memory_space<vmem_shared>> -> memref<16x64xf32, #tpu.memory_space<vmem_shared>>
      tpu.enqueue_dma source(%arg9 : memref<16x64xf32, #tpu.memory_space<vmem>>) target(%dma_start3A_234 : memref<16x64xf32, #tpu.memory_space<vmem_shared>>) target_semaphore(%run_scoped3A : memref<!tpu.dma_semaphore, #tpu.memory_space<semaphore_mem>>)
      %dma_wait3A_235 = arith.constant 0 : i32
      %dma_wait3A_236 = tpu.memref_slice %arg10[%add3A_39, %dma_wait3A_235] : memref<10240x64xf32, #tpu.memory_space<vmem_shared>> -> memref<16x64xf32, #tpu.memory_space<vmem_shared>>
      %dma_wait3A_237 = arith.constant 0 : i32
      %dma_wait3A_238 = tpu.memref_slice %arg10[%add3A_39, %dma_wait3A_237] : memref<10240x64xf32, #tpu.memory_space<vmem_shared>> -> memref<16x64xf32, #tpu.memory_space<vmem_shared>>
      tpu.wait_dma2 semaphore(%run_scoped3A : memref<!tpu.dma_semaphore, #tpu.memory_space<semaphore_mem>>) src(%arg9 : memref<16x64xf32, #tpu.memory_space<vmem>>) dst(%dma_wait3A_238 : memref<16x64xf32, #tpu.memory_space<vmem_shared>>)
      tpu.yield
    }) : () -> ()
    %add3A_40 = arith.constant 272 : i32
    %add3A_41 = arith.addi %mul3A_6, %add3A_40 : i32
    "tpu.region"() ({
      %run_scoped3A = tpu.sem_alloc : memref<!tpu.dma_semaphore, #tpu.memory_space<semaphore_mem>>
      %dma_start3A_231 = arith.constant 0 : i32
      %dma_start3A_232 = tpu.memref_slice %arg10[%add3A_41, %dma_start3A_231] : memref<10240x64xf32, #tpu.memory_space<vmem_shared>> -> memref<16x64xf32, #tpu.memory_space<vmem_shared>>
      %dma_start3A_233 = arith.constant 0 : i32
      %dma_start3A_234 = tpu.memref_slice %arg10[%add3A_41, %dma_start3A_233] : memref<10240x64xf32, #tpu.memory_space<vmem_shared>> -> memref<16x64xf32, #tpu.memory_space<vmem_shared>>
      tpu.enqueue_dma source(%arg9 : memref<16x64xf32, #tpu.memory_space<vmem>>) target(%dma_start3A_234 : memref<16x64xf32, #tpu.memory_space<vmem_shared>>) target_semaphore(%run_scoped3A : memref<!tpu.dma_semaphore, #tpu.memory_space<semaphore_mem>>)
      %dma_wait3A_235 = arith.constant 0 : i32
      %dma_wait3A_236 = tpu.memref_slice %arg10[%add3A_41, %dma_wait3A_235] : memref<10240x64xf32, #tpu.memory_space<vmem_shared>> -> memref<16x64xf32, #tpu.memory_space<vmem_shared>>
      %dma_wait3A_237 = arith.constant 0 : i32
      %dma_wait3A_238 = tpu.memref_slice %arg10[%add3A_41, %dma_wait3A_237] : memref<10240x64xf32, #tpu.memory_space<vmem_shared>> -> memref<16x64xf32, #tpu.memory_space<vmem_shared>>
      tpu.wait_dma2 semaphore(%run_scoped3A : memref<!tpu.dma_semaphore, #tpu.memory_space<semaphore_mem>>) src(%arg9 : memref<16x64xf32, #tpu.memory_space<vmem>>) dst(%dma_wait3A_238 : memref<16x64xf32, #tpu.memory_space<vmem_shared>>)
      tpu.yield
    }) : () -> ()
    %add3A_42 = arith.constant 288 : i32
    %add3A_43 = arith.addi %mul3A_6, %add3A_42 : i32
    "tpu.region"() ({
      %run_scoped3A = tpu.sem_alloc : memref<!tpu.dma_semaphore, #tpu.memory_space<semaphore_mem>>
      %dma_start3A_231 = arith.constant 0 : i32
      %dma_start3A_232 = tpu.memref_slice %arg10[%add3A_43, %dma_start3A_231] : memref<10240x64xf32, #tpu.memory_space<vmem_shared>> -> memref<16x64xf32, #tpu.memory_space<vmem_shared>>
      %dma_start3A_233 = arith.constant 0 : i32
      %dma_start3A_234 = tpu.memref_slice %arg10[%add3A_43, %dma_start3A_233] : memref<10240x64xf32, #tpu.memory_space<vmem_shared>> -> memref<16x64xf32, #tpu.memory_space<vmem_shared>>
      tpu.enqueue_dma source(%arg9 : memref<16x64xf32, #tpu.memory_space<vmem>>) target(%dma_start3A_234 : memref<16x64xf32, #tpu.memory_space<vmem_shared>>) target_semaphore(%run_scoped3A : memref<!tpu.dma_semaphore, #tpu.memory_space<semaphore_mem>>)
      %dma_wait3A_235 = arith.constant 0 : i32
      %dma_wait3A_236 = tpu.memref_slice %arg10[%add3A_43, %dma_wait3A_235] : memref<10240x64xf32, #tpu.memory_space<vmem_shared>> -> memref<16x64xf32, #tpu.memory_space<vmem_shared>>
      %dma_wait3A_237 = arith.constant 0 : i32
      %dma_wait3A_238 = tpu.memref_slice %arg10[%add3A_43, %dma_wait3A_237] : memref<10240x64xf32, #tpu.memory_space<vmem_shared>> -> memref<16x64xf32, #tpu.memory_space<vmem_shared>>
      tpu.wait_dma2 semaphore(%run_scoped3A : memref<!tpu.dma_semaphore, #tpu.memory_space<semaphore_mem>>) src(%arg9 : memref<16x64xf32, #tpu.memory_space<vmem>>) dst(%dma_wait3A_238 : memref<16x64xf32, #tpu.memory_space<vmem_shared>>)
      tpu.yield
    }) : () -> ()
    %add3A_44 = arith.constant 304 : i32
    %add3A_45 = arith.addi %mul3A_6, %add3A_44 : i32
    "tpu.region"() ({
      %run_scoped3A = tpu.sem_alloc : memref<!tpu.dma_semaphore, #tpu.memory_space<semaphore_mem>>
      %dma_start3A_231 = arith.constant 0 : i32
      %dma_start3A_232 = tpu.memref_slice %arg10[%add3A_45, %dma_start3A_231] : memref<10240x64xf32, #tpu.memory_space<vmem_shared>> -> memref<16x64xf32, #tpu.memory_space<vmem_shared>>
      %dma_start3A_233 = arith.constant 0 : i32
      %dma_start3A_234 = tpu.memref_slice %arg10[%add3A_45, %dma_start3A_233] : memref<10240x64xf32, #tpu.memory_space<vmem_shared>> -> memref<16x64xf32, #tpu.memory_space<vmem_shared>>
      tpu.enqueue_dma source(%arg9 : memref<16x64xf32, #tpu.memory_space<vmem>>) target(%dma_start3A_234 : memref<16x64xf32, #tpu.memory_space<vmem_shared>>) target_semaphore(%run_scoped3A : memref<!tpu.dma_semaphore, #tpu.memory_space<semaphore_mem>>)
      %dma_wait3A_235 = arith.constant 0 : i32
      %dma_wait3A_236 = tpu.memref_slice %arg10[%add3A_45, %dma_wait3A_235] : memref<10240x64xf32, #tpu.memory_space<vmem_shared>> -> memref<16x64xf32, #tpu.memory_space<vmem_shared>>
      %dma_wait3A_237 = arith.constant 0 : i32
      %dma_wait3A_238 = tpu.memref_slice %arg10[%add3A_45, %dma_wait3A_237] : memref<10240x64xf32, #tpu.memory_space<vmem_shared>> -> memref<16x64xf32, #tpu.memory_space<vmem_shared>>
      tpu.wait_dma2 semaphore(%run_scoped3A : memref<!tpu.dma_semaphore, #tpu.memory_space<semaphore_mem>>) src(%arg9 : memref<16x64xf32, #tpu.memory_space<vmem>>) dst(%dma_wait3A_238 : memref<16x64xf32, #tpu.memory_space<vmem_shared>>)
      tpu.yield
    }) : () -> ()
    %add3A_46 = arith.constant 320 : i32
    %add3A_47 = arith.addi %mul3A_6, %add3A_46 : i32
    "tpu.region"() ({
      %run_scoped3A = tpu.sem_alloc : memref<!tpu.dma_semaphore, #tpu.memory_space<semaphore_mem>>
      %dma_start3A_231 = arith.constant 0 : i32
      %dma_start3A_232 = tpu.memref_slice %arg10[%add3A_47, %dma_start3A_231] : memref<10240x64xf32, #tpu.memory_space<vmem_shared>> -> memref<16x64xf32, #tpu.memory_space<vmem_shared>>
      %dma_start3A_233 = arith.constant 0 : i32
      %dma_start3A_234 = tpu.memref_slice %arg10[%add3A_47, %dma_start3A_233] : memref<10240x64xf32, #tpu.memory_space<vmem_shared>> -> memref<16x64xf32, #tpu.memory_space<vmem_shared>>
      tpu.enqueue_dma source(%arg9 : memref<16x64xf32, #tpu.memory_space<vmem>>) target(%dma_start3A_234 : memref<16x64xf32, #tpu.memory_space<vmem_shared>>) target_semaphore(%run_scoped3A : memref<!tpu.dma_semaphore, #tpu.memory_space<semaphore_mem>>)
      %dma_wait3A_235 = arith.constant 0 : i32
      %dma_wait3A_236 = tpu.memref_slice %arg10[%add3A_47, %dma_wait3A_235] : memref<10240x64xf32, #tpu.memory_space<vmem_shared>> -> memref<16x64xf32, #tpu.memory_space<vmem_shared>>
      %dma_wait3A_237 = arith.constant 0 : i32
      %dma_wait3A_238 = tpu.memref_slice %arg10[%add3A_47, %dma_wait3A_237] : memref<10240x64xf32, #tpu.memory_space<vmem_shared>> -> memref<16x64xf32, #tpu.memory_space<vmem_shared>>
      tpu.wait_dma2 semaphore(%run_scoped3A : memref<!tpu.dma_semaphore, #tpu.memory_space<semaphore_mem>>) src(%arg9 : memref<16x64xf32, #tpu.memory_space<vmem>>) dst(%dma_wait3A_238 : memref<16x64xf32, #tpu.memory_space<vmem_shared>>)
      tpu.yield
    }) : () -> ()
    %add3A_48 = arith.constant 336 : i32
    %add3A_49 = arith.addi %mul3A_6, %add3A_48 : i32
    "tpu.region"() ({
      %run_scoped3A = tpu.sem_alloc : memref<!tpu.dma_semaphore, #tpu.memory_space<semaphore_mem>>
      %dma_start3A_231 = arith.constant 0 : i32
      %dma_start3A_232 = tpu.memref_slice %arg10[%add3A_49, %dma_start3A_231] : memref<10240x64xf32, #tpu.memory_space<vmem_shared>> -> memref<16x64xf32, #tpu.memory_space<vmem_shared>>
      %dma_start3A_233 = arith.constant 0 : i32
      %dma_start3A_234 = tpu.memref_slice %arg10[%add3A_49, %dma_start3A_233] : memref<10240x64xf32, #tpu.memory_space<vmem_shared>> -> memref<16x64xf32, #tpu.memory_space<vmem_shared>>
      tpu.enqueue_dma source(%arg9 : memref<16x64xf32, #tpu.memory_space<vmem>>) target(%dma_start3A_234 : memref<16x64xf32, #tpu.memory_space<vmem_shared>>) target_semaphore(%run_scoped3A : memref<!tpu.dma_semaphore, #tpu.memory_space<semaphore_mem>>)
      %dma_wait3A_235 = arith.constant 0 : i32
      %dma_wait3A_236 = tpu.memref_slice %arg10[%add3A_49, %dma_wait3A_235] : memref<10240x64xf32, #tpu.memory_space<vmem_shared>> -> memref<16x64xf32, #tpu.memory_space<vmem_shared>>
      %dma_wait3A_237 = arith.constant 0 : i32
      %dma_wait3A_238 = tpu.memref_slice %arg10[%add3A_49, %dma_wait3A_237] : memref<10240x64xf32, #tpu.memory_space<vmem_shared>> -> memref<16x64xf32, #tpu.memory_space<vmem_shared>>
      tpu.wait_dma2 semaphore(%run_scoped3A : memref<!tpu.dma_semaphore, #tpu.memory_space<semaphore_mem>>) src(%arg9 : memref<16x64xf32, #tpu.memory_space<vmem>>) dst(%dma_wait3A_238 : memref<16x64xf32, #tpu.memory_space<vmem_shared>>)
      tpu.yield
    }) : () -> ()
    %add3A_50 = arith.constant 352 : i32
    %add3A_51 = arith.addi %mul3A_6, %add3A_50 : i32
    "tpu.region"() ({
      %run_scoped3A = tpu.sem_alloc : memref<!tpu.dma_semaphore, #tpu.memory_space<semaphore_mem>>
      %dma_start3A_231 = arith.constant 0 : i32
      %dma_start3A_232 = tpu.memref_slice %arg10[%add3A_51, %dma_start3A_231] : memref<10240x64xf32, #tpu.memory_space<vmem_shared>> -> memref<16x64xf32, #tpu.memory_space<vmem_shared>>
      %dma_start3A_233 = arith.constant 0 : i32
      %dma_start3A_234 = tpu.memref_slice %arg10[%add3A_51, %dma_start3A_233] : memref<10240x64xf32, #tpu.memory_space<vmem_shared>> -> memref<16x64xf32, #tpu.memory_space<vmem_shared>>
      tpu.enqueue_dma source(%arg9 : memref<16x64xf32, #tpu.memory_space<vmem>>) target(%dma_start3A_234 : memref<16x64xf32, #tpu.memory_space<vmem_shared>>) target_semaphore(%run_scoped3A : memref<!tpu.dma_semaphore, #tpu.memory_space<semaphore_mem>>)
      %dma_wait3A_235 = arith.constant 0 : i32
      %dma_wait3A_236 = tpu.memref_slice %arg10[%add3A_51, %dma_wait3A_235] : memref<10240x64xf32, #tpu.memory_space<vmem_shared>> -> memref<16x64xf32, #tpu.memory_space<vmem_shared>>
      %dma_wait3A_237 = arith.constant 0 : i32
      %dma_wait3A_238 = tpu.memref_slice %arg10[%add3A_51, %dma_wait3A_237] : memref<10240x64xf32, #tpu.memory_space<vmem_shared>> -> memref<16x64xf32, #tpu.memory_space<vmem_shared>>
      tpu.wait_dma2 semaphore(%run_scoped3A : memref<!tpu.dma_semaphore, #tpu.memory_space<semaphore_mem>>) src(%arg9 : memref<16x64xf32, #tpu.memory_space<vmem>>) dst(%dma_wait3A_238 : memref<16x64xf32, #tpu.memory_space<vmem_shared>>)
      tpu.yield
    }) : () -> ()
    %add3A_52 = arith.constant 368 : i32
    %add3A_53 = arith.addi %mul3A_6, %add3A_52 : i32
    "tpu.region"() ({
      %run_scoped3A = tpu.sem_alloc : memref<!tpu.dma_semaphore, #tpu.memory_space<semaphore_mem>>
      %dma_start3A_231 = arith.constant 0 : i32
      %dma_start3A_232 = tpu.memref_slice %arg10[%add3A_53, %dma_start3A_231] : memref<10240x64xf32, #tpu.memory_space<vmem_shared>> -> memref<16x64xf32, #tpu.memory_space<vmem_shared>>
      %dma_start3A_233 = arith.constant 0 : i32
      %dma_start3A_234 = tpu.memref_slice %arg10[%add3A_53, %dma_start3A_233] : memref<10240x64xf32, #tpu.memory_space<vmem_shared>> -> memref<16x64xf32, #tpu.memory_space<vmem_shared>>
      tpu.enqueue_dma source(%arg9 : memref<16x64xf32, #tpu.memory_space<vmem>>) target(%dma_start3A_234 : memref<16x64xf32, #tpu.memory_space<vmem_shared>>) target_semaphore(%run_scoped3A : memref<!tpu.dma_semaphore, #tpu.memory_space<semaphore_mem>>)
      %dma_wait3A_235 = arith.constant 0 : i32
      %dma_wait3A_236 = tpu.memref_slice %arg10[%add3A_53, %dma_wait3A_235] : memref<10240x64xf32, #tpu.memory_space<vmem_shared>> -> memref<16x64xf32, #tpu.memory_space<vmem_shared>>
      %dma_wait3A_237 = arith.constant 0 : i32
      %dma_wait3A_238 = tpu.memref_slice %arg10[%add3A_53, %dma_wait3A_237] : memref<10240x64xf32, #tpu.memory_space<vmem_shared>> -> memref<16x64xf32, #tpu.memory_space<vmem_shared>>
      tpu.wait_dma2 semaphore(%run_scoped3A : memref<!tpu.dma_semaphore, #tpu.memory_space<semaphore_mem>>) src(%arg9 : memref<16x64xf32, #tpu.memory_space<vmem>>) dst(%dma_wait3A_238 : memref<16x64xf32, #tpu.memory_space<vmem_shared>>)
      tpu.yield
    }) : () -> ()
    %add3A_54 = arith.constant 384 : i32
    %add3A_55 = arith.addi %mul3A_6, %add3A_54 : i32
    "tpu.region"() ({
      %run_scoped3A = tpu.sem_alloc : memref<!tpu.dma_semaphore, #tpu.memory_space<semaphore_mem>>
      %dma_start3A_231 = arith.constant 0 : i32
      %dma_start3A_232 = tpu.memref_slice %arg10[%add3A_55, %dma_start3A_231] : memref<10240x64xf32, #tpu.memory_space<vmem_shared>> -> memref<16x64xf32, #tpu.memory_space<vmem_shared>>
      %dma_start3A_233 = arith.constant 0 : i32
      %dma_start3A_234 = tpu.memref_slice %arg10[%add3A_55, %dma_start3A_233] : memref<10240x64xf32, #tpu.memory_space<vmem_shared>> -> memref<16x64xf32, #tpu.memory_space<vmem_shared>>
      tpu.enqueue_dma source(%arg9 : memref<16x64xf32, #tpu.memory_space<vmem>>) target(%dma_start3A_234 : memref<16x64xf32, #tpu.memory_space<vmem_shared>>) target_semaphore(%run_scoped3A : memref<!tpu.dma_semaphore, #tpu.memory_space<semaphore_mem>>)
      %dma_wait3A_235 = arith.constant 0 : i32
      %dma_wait3A_236 = tpu.memref_slice %arg10[%add3A_55, %dma_wait3A_235] : memref<10240x64xf32, #tpu.memory_space<vmem_shared>> -> memref<16x64xf32, #tpu.memory_space<vmem_shared>>
      %dma_wait3A_237 = arith.constant 0 : i32
      %dma_wait3A_238 = tpu.memref_slice %arg10[%add3A_55, %dma_wait3A_237] : memref<10240x64xf32, #tpu.memory_space<vmem_shared>> -> memref<16x64xf32, #tpu.memory_space<vmem_shared>>
      tpu.wait_dma2 semaphore(%run_scoped3A : memref<!tpu.dma_semaphore, #tpu.memory_space<semaphore_mem>>) src(%arg9 : memref<16x64xf32, #tpu.memory_space<vmem>>) dst(%dma_wait3A_238 : memref<16x64xf32, #tpu.memory_space<vmem_shared>>)
      tpu.yield
    }) : () -> ()
    %add3A_56 = arith.constant 400 : i32
    %add3A_57 = arith.addi %mul3A_6, %add3A_56 : i32
    "tpu.region"() ({
      %run_scoped3A = tpu.sem_alloc : memref<!tpu.dma_semaphore, #tpu.memory_space<semaphore_mem>>
      %dma_start3A_231 = arith.constant 0 : i32
      %dma_start3A_232 = tpu.memref_slice %arg10[%add3A_57, %dma_start3A_231] : memref<10240x64xf32, #tpu.memory_space<vmem_shared>> -> memref<16x64xf32, #tpu.memory_space<vmem_shared>>
      %dma_start3A_233 = arith.constant 0 : i32
      %dma_start3A_234 = tpu.memref_slice %arg10[%add3A_57, %dma_start3A_233] : memref<10240x64xf32, #tpu.memory_space<vmem_shared>> -> memref<16x64xf32, #tpu.memory_space<vmem_shared>>
      tpu.enqueue_dma source(%arg9 : memref<16x64xf32, #tpu.memory_space<vmem>>) target(%dma_start3A_234 : memref<16x64xf32, #tpu.memory_space<vmem_shared>>) target_semaphore(%run_scoped3A : memref<!tpu.dma_semaphore, #tpu.memory_space<semaphore_mem>>)
      %dma_wait3A_235 = arith.constant 0 : i32
      %dma_wait3A_236 = tpu.memref_slice %arg10[%add3A_57, %dma_wait3A_235] : memref<10240x64xf32, #tpu.memory_space<vmem_shared>> -> memref<16x64xf32, #tpu.memory_space<vmem_shared>>
      %dma_wait3A_237 = arith.constant 0 : i32
      %dma_wait3A_238 = tpu.memref_slice %arg10[%add3A_57, %dma_wait3A_237] : memref<10240x64xf32, #tpu.memory_space<vmem_shared>> -> memref<16x64xf32, #tpu.memory_space<vmem_shared>>
      tpu.wait_dma2 semaphore(%run_scoped3A : memref<!tpu.dma_semaphore, #tpu.memory_space<semaphore_mem>>) src(%arg9 : memref<16x64xf32, #tpu.memory_space<vmem>>) dst(%dma_wait3A_238 : memref<16x64xf32, #tpu.memory_space<vmem_shared>>)
      tpu.yield
    }) : () -> ()
    %add3A_58 = arith.constant 416 : i32
    %add3A_59 = arith.addi %mul3A_6, %add3A_58 : i32
    "tpu.region"() ({
      %run_scoped3A = tpu.sem_alloc : memref<!tpu.dma_semaphore, #tpu.memory_space<semaphore_mem>>
      %dma_start3A_231 = arith.constant 0 : i32
      %dma_start3A_232 = tpu.memref_slice %arg10[%add3A_59, %dma_start3A_231] : memref<10240x64xf32, #tpu.memory_space<vmem_shared>> -> memref<16x64xf32, #tpu.memory_space<vmem_shared>>
      %dma_start3A_233 = arith.constant 0 : i32
      %dma_start3A_234 = tpu.memref_slice %arg10[%add3A_59, %dma_start3A_233] : memref<10240x64xf32, #tpu.memory_space<vmem_shared>> -> memref<16x64xf32, #tpu.memory_space<vmem_shared>>
      tpu.enqueue_dma source(%arg9 : memref<16x64xf32, #tpu.memory_space<vmem>>) target(%dma_start3A_234 : memref<16x64xf32, #tpu.memory_space<vmem_shared>>) target_semaphore(%run_scoped3A : memref<!tpu.dma_semaphore, #tpu.memory_space<semaphore_mem>>)
      %dma_wait3A_235 = arith.constant 0 : i32
      %dma_wait3A_236 = tpu.memref_slice %arg10[%add3A_59, %dma_wait3A_235] : memref<10240x64xf32, #tpu.memory_space<vmem_shared>> -> memref<16x64xf32, #tpu.memory_space<vmem_shared>>
      %dma_wait3A_237 = arith.constant 0 : i32
      %dma_wait3A_238 = tpu.memref_slice %arg10[%add3A_59, %dma_wait3A_237] : memref<10240x64xf32, #tpu.memory_space<vmem_shared>> -> memref<16x64xf32, #tpu.memory_space<vmem_shared>>
      tpu.wait_dma2 semaphore(%run_scoped3A : memref<!tpu.dma_semaphore, #tpu.memory_space<semaphore_mem>>) src(%arg9 : memref<16x64xf32, #tpu.memory_space<vmem>>) dst(%dma_wait3A_238 : memref<16x64xf32, #tpu.memory_space<vmem_shared>>)
      tpu.yield
    }) : () -> ()
    %add3A_60 = arith.constant 432 : i32
    %add3A_61 = arith.addi %mul3A_6, %add3A_60 : i32
    "tpu.region"() ({
      %run_scoped3A = tpu.sem_alloc : memref<!tpu.dma_semaphore, #tpu.memory_space<semaphore_mem>>
      %dma_start3A_231 = arith.constant 0 : i32
      %dma_start3A_232 = tpu.memref_slice %arg10[%add3A_61, %dma_start3A_231] : memref<10240x64xf32, #tpu.memory_space<vmem_shared>> -> memref<16x64xf32, #tpu.memory_space<vmem_shared>>
      %dma_start3A_233 = arith.constant 0 : i32
      %dma_start3A_234 = tpu.memref_slice %arg10[%add3A_61, %dma_start3A_233] : memref<10240x64xf32, #tpu.memory_space<vmem_shared>> -> memref<16x64xf32, #tpu.memory_space<vmem_shared>>
      tpu.enqueue_dma source(%arg9 : memref<16x64xf32, #tpu.memory_space<vmem>>) target(%dma_start3A_234 : memref<16x64xf32, #tpu.memory_space<vmem_shared>>) target_semaphore(%run_scoped3A : memref<!tpu.dma_semaphore, #tpu.memory_space<semaphore_mem>>)
      %dma_wait3A_235 = arith.constant 0 : i32
      %dma_wait3A_236 = tpu.memref_slice %arg10[%add3A_61, %dma_wait3A_235] : memref<10240x64xf32, #tpu.memory_space<vmem_shared>> -> memref<16x64xf32, #tpu.memory_space<vmem_shared>>
      %dma_wait3A_237 = arith.constant 0 : i32
      %dma_wait3A_238 = tpu.memref_slice %arg10[%add3A_61, %dma_wait3A_237] : memref<10240x64xf32, #tpu.memory_space<vmem_shared>> -> memref<16x64xf32, #tpu.memory_space<vmem_shared>>
      tpu.wait_dma2 semaphore(%run_scoped3A : memref<!tpu.dma_semaphore, #tpu.memory_space<semaphore_mem>>) src(%arg9 : memref<16x64xf32, #tpu.memory_space<vmem>>) dst(%dma_wait3A_238 : memref<16x64xf32, #tpu.memory_space<vmem_shared>>)
      tpu.yield
    }) : () -> ()
    %add3A_62 = arith.constant 448 : i32
    %add3A_63 = arith.addi %mul3A_6, %add3A_62 : i32
    "tpu.region"() ({
      %run_scoped3A = tpu.sem_alloc : memref<!tpu.dma_semaphore, #tpu.memory_space<semaphore_mem>>
      %dma_start3A_231 = arith.constant 0 : i32
      %dma_start3A_232 = tpu.memref_slice %arg10[%add3A_63, %dma_start3A_231] : memref<10240x64xf32, #tpu.memory_space<vmem_shared>> -> memref<16x64xf32, #tpu.memory_space<vmem_shared>>
      %dma_start3A_233 = arith.constant 0 : i32
      %dma_start3A_234 = tpu.memref_slice %arg10[%add3A_63, %dma_start3A_233] : memref<10240x64xf32, #tpu.memory_space<vmem_shared>> -> memref<16x64xf32, #tpu.memory_space<vmem_shared>>
      tpu.enqueue_dma source(%arg9 : memref<16x64xf32, #tpu.memory_space<vmem>>) target(%dma_start3A_234 : memref<16x64xf32, #tpu.memory_space<vmem_shared>>) target_semaphore(%run_scoped3A : memref<!tpu.dma_semaphore, #tpu.memory_space<semaphore_mem>>)
      %dma_wait3A_235 = arith.constant 0 : i32
      %dma_wait3A_236 = tpu.memref_slice %arg10[%add3A_63, %dma_wait3A_235] : memref<10240x64xf32, #tpu.memory_space<vmem_shared>> -> memref<16x64xf32, #tpu.memory_space<vmem_shared>>
      %dma_wait3A_237 = arith.constant 0 : i32
      %dma_wait3A_238 = tpu.memref_slice %arg10[%add3A_63, %dma_wait3A_237] : memref<10240x64xf32, #tpu.memory_space<vmem_shared>> -> memref<16x64xf32, #tpu.memory_space<vmem_shared>>
      tpu.wait_dma2 semaphore(%run_scoped3A : memref<!tpu.dma_semaphore, #tpu.memory_space<semaphore_mem>>) src(%arg9 : memref<16x64xf32, #tpu.memory_space<vmem>>) dst(%dma_wait3A_238 : memref<16x64xf32, #tpu.memory_space<vmem_shared>>)
      tpu.yield
    }) : () -> ()
    %add3A_64 = arith.constant 464 : i32
    %add3A_65 = arith.addi %mul3A_6, %add3A_64 : i32
    "tpu.region"() ({
      %run_scoped3A = tpu.sem_alloc : memref<!tpu.dma_semaphore, #tpu.memory_space<semaphore_mem>>
      %dma_start3A_231 = arith.constant 0 : i32
      %dma_start3A_232 = tpu.memref_slice %arg10[%add3A_65, %dma_start3A_231] : memref<10240x64xf32, #tpu.memory_space<vmem_shared>> -> memref<16x64xf32, #tpu.memory_space<vmem_shared>>
      %dma_start3A_233 = arith.constant 0 : i32
      %dma_start3A_234 = tpu.memref_slice %arg10[%add3A_65, %dma_start3A_233] : memref<10240x64xf32, #tpu.memory_space<vmem_shared>> -> memref<16x64xf32, #tpu.memory_space<vmem_shared>>
      tpu.enqueue_dma source(%arg9 : memref<16x64xf32, #tpu.memory_space<vmem>>) target(%dma_start3A_234 : memref<16x64xf32, #tpu.memory_space<vmem_shared>>) target_semaphore(%run_scoped3A : memref<!tpu.dma_semaphore, #tpu.memory_space<semaphore_mem>>)
      %dma_wait3A_235 = arith.constant 0 : i32
      %dma_wait3A_236 = tpu.memref_slice %arg10[%add3A_65, %dma_wait3A_235] : memref<10240x64xf32, #tpu.memory_space<vmem_shared>> -> memref<16x64xf32, #tpu.memory_space<vmem_shared>>
      %dma_wait3A_237 = arith.constant 0 : i32
      %dma_wait3A_238 = tpu.memref_slice %arg10[%add3A_65, %dma_wait3A_237] : memref<10240x64xf32, #tpu.memory_space<vmem_shared>> -> memref<16x64xf32, #tpu.memory_space<vmem_shared>>
      tpu.wait_dma2 semaphore(%run_scoped3A : memref<!tpu.dma_semaphore, #tpu.memory_space<semaphore_mem>>) src(%arg9 : memref<16x64xf32, #tpu.memory_space<vmem>>) dst(%dma_wait3A_238 : memref<16x64xf32, #tpu.memory_space<vmem_shared>>)
      tpu.yield
    }) : () -> ()
    %add3A_66 = arith.constant 480 : i32
    %add3A_67 = arith.addi %mul3A_6, %add3A_66 : i32
    "tpu.region"() ({
      %run_scoped3A = tpu.sem_alloc : memref<!tpu.dma_semaphore, #tpu.memory_space<semaphore_mem>>
      %dma_start3A_231 = arith.constant 0 : i32
      %dma_start3A_232 = tpu.memref_slice %arg10[%add3A_67, %dma_start3A_231] : memref<10240x64xf32, #tpu.memory_space<vmem_shared>> -> memref<16x64xf32, #tpu.memory_space<vmem_shared>>
      %dma_start3A_233 = arith.constant 0 : i32
      %dma_start3A_234 = tpu.memref_slice %arg10[%add3A_67, %dma_start3A_233] : memref<10240x64xf32, #tpu.memory_space<vmem_shared>> -> memref<16x64xf32, #tpu.memory_space<vmem_shared>>
      tpu.enqueue_dma source(%arg9 : memref<16x64xf32, #tpu.memory_space<vmem>>) target(%dma_start3A_234 : memref<16x64xf32, #tpu.memory_space<vmem_shared>>) target_semaphore(%run_scoped3A : memref<!tpu.dma_semaphore, #tpu.memory_space<semaphore_mem>>)
      %dma_wait3A_235 = arith.constant 0 : i32
      %dma_wait3A_236 = tpu.memref_slice %arg10[%add3A_67, %dma_wait3A_235] : memref<10240x64xf32, #tpu.memory_space<vmem_shared>> -> memref<16x64xf32, #tpu.memory_space<vmem_shared>>
      %dma_wait3A_237 = arith.constant 0 : i32
      %dma_wait3A_238 = tpu.memref_slice %arg10[%add3A_67, %dma_wait3A_237] : memref<10240x64xf32, #tpu.memory_space<vmem_shared>> -> memref<16x64xf32, #tpu.memory_space<vmem_shared>>
      tpu.wait_dma2 semaphore(%run_scoped3A : memref<!tpu.dma_semaphore, #tpu.memory_space<semaphore_mem>>) src(%arg9 : memref<16x64xf32, #tpu.memory_space<vmem>>) dst(%dma_wait3A_238 : memref<16x64xf32, #tpu.memory_space<vmem_shared>>)
      tpu.yield
    }) : () -> ()
    %add3A_68 = arith.constant 496 : i32
    %add3A_69 = arith.addi %mul3A_6, %add3A_68 : i32
    "tpu.region"() ({
      %run_scoped3A = tpu.sem_alloc : memref<!tpu.dma_semaphore, #tpu.memory_space<semaphore_mem>>
      %dma_start3A_231 = arith.constant 0 : i32
      %dma_start3A_232 = tpu.memref_slice %arg10[%add3A_69, %dma_start3A_231] : memref<10240x64xf32, #tpu.memory_space<vmem_shared>> -> memref<16x64xf32, #tpu.memory_space<vmem_shared>>
      %dma_start3A_233 = arith.constant 0 : i32
      %dma_start3A_234 = tpu.memref_slice %arg10[%add3A_69, %dma_start3A_233] : memref<10240x64xf32, #tpu.memory_space<vmem_shared>> -> memref<16x64xf32, #tpu.memory_space<vmem_shared>>
      tpu.enqueue_dma source(%arg9 : memref<16x64xf32, #tpu.memory_space<vmem>>) target(%dma_start3A_234 : memref<16x64xf32, #tpu.memory_space<vmem_shared>>) target_semaphore(%run_scoped3A : memref<!tpu.dma_semaphore, #tpu.memory_space<semaphore_mem>>)
      %dma_wait3A_235 = arith.constant 0 : i32
      %dma_wait3A_236 = tpu.memref_slice %arg10[%add3A_69, %dma_wait3A_235] : memref<10240x64xf32, #tpu.memory_space<vmem_shared>> -> memref<16x64xf32, #tpu.memory_space<vmem_shared>>
      %dma_wait3A_237 = arith.constant 0 : i32
      %dma_wait3A_238 = tpu.memref_slice %arg10[%add3A_69, %dma_wait3A_237] : memref<10240x64xf32, #tpu.memory_space<vmem_shared>> -> memref<16x64xf32, #tpu.memory_space<vmem_shared>>
      tpu.wait_dma2 semaphore(%run_scoped3A : memref<!tpu.dma_semaphore, #tpu.memory_space<semaphore_mem>>) src(%arg9 : memref<16x64xf32, #tpu.memory_space<vmem>>) dst(%dma_wait3A_238 : memref<16x64xf32, #tpu.memory_space<vmem_shared>>)
      tpu.yield
    }) : () -> ()
    %add3A_70 = arith.constant 512 : i32
    %add3A_71 = arith.addi %mul3A_6, %add3A_70 : i32
    "tpu.region"() ({
      %run_scoped3A = tpu.sem_alloc : memref<!tpu.dma_semaphore, #tpu.memory_space<semaphore_mem>>
      %dma_start3A_231 = arith.constant 0 : i32
      %dma_start3A_232 = tpu.memref_slice %arg10[%add3A_71, %dma_start3A_231] : memref<10240x64xf32, #tpu.memory_space<vmem_shared>> -> memref<16x64xf32, #tpu.memory_space<vmem_shared>>
      %dma_start3A_233 = arith.constant 0 : i32
      %dma_start3A_234 = tpu.memref_slice %arg10[%add3A_71, %dma_start3A_233] : memref<10240x64xf32, #tpu.memory_space<vmem_shared>> -> memref<16x64xf32, #tpu.memory_space<vmem_shared>>
      tpu.enqueue_dma source(%arg9 : memref<16x64xf32, #tpu.memory_space<vmem>>) target(%dma_start3A_234 : memref<16x64xf32, #tpu.memory_space<vmem_shared>>) target_semaphore(%run_scoped3A : memref<!tpu.dma_semaphore, #tpu.memory_space<semaphore_mem>>)
      %dma_wait3A_235 = arith.constant 0 : i32
      %dma_wait3A_236 = tpu.memref_slice %arg10[%add3A_71, %dma_wait3A_235] : memref<10240x64xf32, #tpu.memory_space<vmem_shared>> -> memref<16x64xf32, #tpu.memory_space<vmem_shared>>
      %dma_wait3A_237 = arith.constant 0 : i32
      %dma_wait3A_238 = tpu.memref_slice %arg10[%add3A_71, %dma_wait3A_237] : memref<10240x64xf32, #tpu.memory_space<vmem_shared>> -> memref<16x64xf32, #tpu.memory_space<vmem_shared>>
      tpu.wait_dma2 semaphore(%run_scoped3A : memref<!tpu.dma_semaphore, #tpu.memory_space<semaphore_mem>>) src(%arg9 : memref<16x64xf32, #tpu.memory_space<vmem>>) dst(%dma_wait3A_238 : memref<16x64xf32, #tpu.memory_space<vmem_shared>>)
      tpu.yield
    }) : () -> ()
    %add3A_72 = arith.constant 528 : i32
    %add3A_73 = arith.addi %mul3A_6, %add3A_72 : i32
    "tpu.region"() ({
      %run_scoped3A = tpu.sem_alloc : memref<!tpu.dma_semaphore, #tpu.memory_space<semaphore_mem>>
      %dma_start3A_231 = arith.constant 0 : i32
      %dma_start3A_232 = tpu.memref_slice %arg10[%add3A_73, %dma_start3A_231] : memref<10240x64xf32, #tpu.memory_space<vmem_shared>> -> memref<16x64xf32, #tpu.memory_space<vmem_shared>>
      %dma_start3A_233 = arith.constant 0 : i32
      %dma_start3A_234 = tpu.memref_slice %arg10[%add3A_73, %dma_start3A_233] : memref<10240x64xf32, #tpu.memory_space<vmem_shared>> -> memref<16x64xf32, #tpu.memory_space<vmem_shared>>
      tpu.enqueue_dma source(%arg9 : memref<16x64xf32, #tpu.memory_space<vmem>>) target(%dma_start3A_234 : memref<16x64xf32, #tpu.memory_space<vmem_shared>>) target_semaphore(%run_scoped3A : memref<!tpu.dma_semaphore, #tpu.memory_space<semaphore_mem>>)
      %dma_wait3A_235 = arith.constant 0 : i32
      %dma_wait3A_236 = tpu.memref_slice %arg10[%add3A_73, %dma_wait3A_235] : memref<10240x64xf32, #tpu.memory_space<vmem_shared>> -> memref<16x64xf32, #tpu.memory_space<vmem_shared>>
      %dma_wait3A_237 = arith.constant 0 : i32
      %dma_wait3A_238 = tpu.memref_slice %arg10[%add3A_73, %dma_wait3A_237] : memref<10240x64xf32, #tpu.memory_space<vmem_shared>> -> memref<16x64xf32, #tpu.memory_space<vmem_shared>>
      tpu.wait_dma2 semaphore(%run_scoped3A : memref<!tpu.dma_semaphore, #tpu.memory_space<semaphore_mem>>) src(%arg9 : memref<16x64xf32, #tpu.memory_space<vmem>>) dst(%dma_wait3A_238 : memref<16x64xf32, #tpu.memory_space<vmem_shared>>)
      tpu.yield
    }) : () -> ()
    %add3A_74 = arith.constant 544 : i32
    %add3A_75 = arith.addi %mul3A_6, %add3A_74 : i32
    "tpu.region"() ({
      %run_scoped3A = tpu.sem_alloc : memref<!tpu.dma_semaphore, #tpu.memory_space<semaphore_mem>>
      %dma_start3A_231 = arith.constant 0 : i32
      %dma_start3A_232 = tpu.memref_slice %arg10[%add3A_75, %dma_start3A_231] : memref<10240x64xf32, #tpu.memory_space<vmem_shared>> -> memref<16x64xf32, #tpu.memory_space<vmem_shared>>
      %dma_start3A_233 = arith.constant 0 : i32
      %dma_start3A_234 = tpu.memref_slice %arg10[%add3A_75, %dma_start3A_233] : memref<10240x64xf32, #tpu.memory_space<vmem_shared>> -> memref<16x64xf32, #tpu.memory_space<vmem_shared>>
      tpu.enqueue_dma source(%arg9 : memref<16x64xf32, #tpu.memory_space<vmem>>) target(%dma_start3A_234 : memref<16x64xf32, #tpu.memory_space<vmem_shared>>) target_semaphore(%run_scoped3A : memref<!tpu.dma_semaphore, #tpu.memory_space<semaphore_mem>>)
      %dma_wait3A_235 = arith.constant 0 : i32
      %dma_wait3A_236 = tpu.memref_slice %arg10[%add3A_75, %dma_wait3A_235] : memref<10240x64xf32, #tpu.memory_space<vmem_shared>> -> memref<16x64xf32, #tpu.memory_space<vmem_shared>>
      %dma_wait3A_237 = arith.constant 0 : i32
      %dma_wait3A_238 = tpu.memref_slice %arg10[%add3A_75, %dma_wait3A_237] : memref<10240x64xf32, #tpu.memory_space<vmem_shared>> -> memref<16x64xf32, #tpu.memory_space<vmem_shared>>
      tpu.wait_dma2 semaphore(%run_scoped3A : memref<!tpu.dma_semaphore, #tpu.memory_space<semaphore_mem>>) src(%arg9 : memref<16x64xf32, #tpu.memory_space<vmem>>) dst(%dma_wait3A_238 : memref<16x64xf32, #tpu.memory_space<vmem_shared>>)
      tpu.yield
    }) : () -> ()
    %add3A_76 = arith.constant 560 : i32
    %add3A_77 = arith.addi %mul3A_6, %add3A_76 : i32
    "tpu.region"() ({
      %run_scoped3A = tpu.sem_alloc : memref<!tpu.dma_semaphore, #tpu.memory_space<semaphore_mem>>
      %dma_start3A_231 = arith.constant 0 : i32
      %dma_start3A_232 = tpu.memref_slice %arg10[%add3A_77, %dma_start3A_231] : memref<10240x64xf32, #tpu.memory_space<vmem_shared>> -> memref<16x64xf32, #tpu.memory_space<vmem_shared>>
      %dma_start3A_233 = arith.constant 0 : i32
      %dma_start3A_234 = tpu.memref_slice %arg10[%add3A_77, %dma_start3A_233] : memref<10240x64xf32, #tpu.memory_space<vmem_shared>> -> memref<16x64xf32, #tpu.memory_space<vmem_shared>>
      tpu.enqueue_dma source(%arg9 : memref<16x64xf32, #tpu.memory_space<vmem>>) target(%dma_start3A_234 : memref<16x64xf32, #tpu.memory_space<vmem_shared>>) target_semaphore(%run_scoped3A : memref<!tpu.dma_semaphore, #tpu.memory_space<semaphore_mem>>)
      %dma_wait3A_235 = arith.constant 0 : i32
      %dma_wait3A_236 = tpu.memref_slice %arg10[%add3A_77, %dma_wait3A_235] : memref<10240x64xf32, #tpu.memory_space<vmem_shared>> -> memref<16x64xf32, #tpu.memory_space<vmem_shared>>
      %dma_wait3A_237 = arith.constant 0 : i32
      %dma_wait3A_238 = tpu.memref_slice %arg10[%add3A_77, %dma_wait3A_237] : memref<10240x64xf32, #tpu.memory_space<vmem_shared>> -> memref<16x64xf32, #tpu.memory_space<vmem_shared>>
      tpu.wait_dma2 semaphore(%run_scoped3A : memref<!tpu.dma_semaphore, #tpu.memory_space<semaphore_mem>>) src(%arg9 : memref<16x64xf32, #tpu.memory_space<vmem>>) dst(%dma_wait3A_238 : memref<16x64xf32, #tpu.memory_space<vmem_shared>>)
      tpu.yield
    }) : () -> ()
    %add3A_78 = arith.constant 576 : i32
    %add3A_79 = arith.addi %mul3A_6, %add3A_78 : i32
    "tpu.region"() ({
      %run_scoped3A = tpu.sem_alloc : memref<!tpu.dma_semaphore, #tpu.memory_space<semaphore_mem>>
      %dma_start3A_231 = arith.constant 0 : i32
      %dma_start3A_232 = tpu.memref_slice %arg10[%add3A_79, %dma_start3A_231] : memref<10240x64xf32, #tpu.memory_space<vmem_shared>> -> memref<16x64xf32, #tpu.memory_space<vmem_shared>>
      %dma_start3A_233 = arith.constant 0 : i32
      %dma_start3A_234 = tpu.memref_slice %arg10[%add3A_79, %dma_start3A_233] : memref<10240x64xf32, #tpu.memory_space<vmem_shared>> -> memref<16x64xf32, #tpu.memory_space<vmem_shared>>
      tpu.enqueue_dma source(%arg9 : memref<16x64xf32, #tpu.memory_space<vmem>>) target(%dma_start3A_234 : memref<16x64xf32, #tpu.memory_space<vmem_shared>>) target_semaphore(%run_scoped3A : memref<!tpu.dma_semaphore, #tpu.memory_space<semaphore_mem>>)
      %dma_wait3A_235 = arith.constant 0 : i32
      %dma_wait3A_236 = tpu.memref_slice %arg10[%add3A_79, %dma_wait3A_235] : memref<10240x64xf32, #tpu.memory_space<vmem_shared>> -> memref<16x64xf32, #tpu.memory_space<vmem_shared>>
      %dma_wait3A_237 = arith.constant 0 : i32
      %dma_wait3A_238 = tpu.memref_slice %arg10[%add3A_79, %dma_wait3A_237] : memref<10240x64xf32, #tpu.memory_space<vmem_shared>> -> memref<16x64xf32, #tpu.memory_space<vmem_shared>>
      tpu.wait_dma2 semaphore(%run_scoped3A : memref<!tpu.dma_semaphore, #tpu.memory_space<semaphore_mem>>) src(%arg9 : memref<16x64xf32, #tpu.memory_space<vmem>>) dst(%dma_wait3A_238 : memref<16x64xf32, #tpu.memory_space<vmem_shared>>)
      tpu.yield
    }) : () -> ()
    %add3A_80 = arith.constant 592 : i32
    %add3A_81 = arith.addi %mul3A_6, %add3A_80 : i32
    "tpu.region"() ({
      %run_scoped3A = tpu.sem_alloc : memref<!tpu.dma_semaphore, #tpu.memory_space<semaphore_mem>>
      %dma_start3A_231 = arith.constant 0 : i32
      %dma_start3A_232 = tpu.memref_slice %arg10[%add3A_81, %dma_start3A_231] : memref<10240x64xf32, #tpu.memory_space<vmem_shared>> -> memref<16x64xf32, #tpu.memory_space<vmem_shared>>
      %dma_start3A_233 = arith.constant 0 : i32
      %dma_start3A_234 = tpu.memref_slice %arg10[%add3A_81, %dma_start3A_233] : memref<10240x64xf32, #tpu.memory_space<vmem_shared>> -> memref<16x64xf32, #tpu.memory_space<vmem_shared>>
      tpu.enqueue_dma source(%arg9 : memref<16x64xf32, #tpu.memory_space<vmem>>) target(%dma_start3A_234 : memref<16x64xf32, #tpu.memory_space<vmem_shared>>) target_semaphore(%run_scoped3A : memref<!tpu.dma_semaphore, #tpu.memory_space<semaphore_mem>>)
      %dma_wait3A_235 = arith.constant 0 : i32
      %dma_wait3A_236 = tpu.memref_slice %arg10[%add3A_81, %dma_wait3A_235] : memref<10240x64xf32, #tpu.memory_space<vmem_shared>> -> memref<16x64xf32, #tpu.memory_space<vmem_shared>>
      %dma_wait3A_237 = arith.constant 0 : i32
      %dma_wait3A_238 = tpu.memref_slice %arg10[%add3A_81, %dma_wait3A_237] : memref<10240x64xf32, #tpu.memory_space<vmem_shared>> -> memref<16x64xf32, #tpu.memory_space<vmem_shared>>
      tpu.wait_dma2 semaphore(%run_scoped3A : memref<!tpu.dma_semaphore, #tpu.memory_space<semaphore_mem>>) src(%arg9 : memref<16x64xf32, #tpu.memory_space<vmem>>) dst(%dma_wait3A_238 : memref<16x64xf32, #tpu.memory_space<vmem_shared>>)
      tpu.yield
    }) : () -> ()
    %add3A_82 = arith.constant 608 : i32
    %add3A_83 = arith.addi %mul3A_6, %add3A_82 : i32
    "tpu.region"() ({
      %run_scoped3A = tpu.sem_alloc : memref<!tpu.dma_semaphore, #tpu.memory_space<semaphore_mem>>
      %dma_start3A_231 = arith.constant 0 : i32
      %dma_start3A_232 = tpu.memref_slice %arg10[%add3A_83, %dma_start3A_231] : memref<10240x64xf32, #tpu.memory_space<vmem_shared>> -> memref<16x64xf32, #tpu.memory_space<vmem_shared>>
      %dma_start3A_233 = arith.constant 0 : i32
      %dma_start3A_234 = tpu.memref_slice %arg10[%add3A_83, %dma_start3A_233] : memref<10240x64xf32, #tpu.memory_space<vmem_shared>> -> memref<16x64xf32, #tpu.memory_space<vmem_shared>>
      tpu.enqueue_dma source(%arg9 : memref<16x64xf32, #tpu.memory_space<vmem>>) target(%dma_start3A_234 : memref<16x64xf32, #tpu.memory_space<vmem_shared>>) target_semaphore(%run_scoped3A : memref<!tpu.dma_semaphore, #tpu.memory_space<semaphore_mem>>)
      %dma_wait3A_235 = arith.constant 0 : i32
      %dma_wait3A_236 = tpu.memref_slice %arg10[%add3A_83, %dma_wait3A_235] : memref<10240x64xf32, #tpu.memory_space<vmem_shared>> -> memref<16x64xf32, #tpu.memory_space<vmem_shared>>
      %dma_wait3A_237 = arith.constant 0 : i32
      %dma_wait3A_238 = tpu.memref_slice %arg10[%add3A_83, %dma_wait3A_237] : memref<10240x64xf32, #tpu.memory_space<vmem_shared>> -> memref<16x64xf32, #tpu.memory_space<vmem_shared>>
      tpu.wait_dma2 semaphore(%run_scoped3A : memref<!tpu.dma_semaphore, #tpu.memory_space<semaphore_mem>>) src(%arg9 : memref<16x64xf32, #tpu.memory_space<vmem>>) dst(%dma_wait3A_238 : memref<16x64xf32, #tpu.memory_space<vmem_shared>>)
      tpu.yield
    }) : () -> ()
    %add3A_84 = arith.constant 624 : i32
    %add3A_85 = arith.addi %mul3A_6, %add3A_84 : i32
    "tpu.region"() ({
      %run_scoped3A = tpu.sem_alloc : memref<!tpu.dma_semaphore, #tpu.memory_space<semaphore_mem>>
      %dma_start3A_231 = arith.constant 0 : i32
      %dma_start3A_232 = tpu.memref_slice %arg10[%add3A_85, %dma_start3A_231] : memref<10240x64xf32, #tpu.memory_space<vmem_shared>> -> memref<16x64xf32, #tpu.memory_space<vmem_shared>>
      %dma_start3A_233 = arith.constant 0 : i32
      %dma_start3A_234 = tpu.memref_slice %arg10[%add3A_85, %dma_start3A_233] : memref<10240x64xf32, #tpu.memory_space<vmem_shared>> -> memref<16x64xf32, #tpu.memory_space<vmem_shared>>
      tpu.enqueue_dma source(%arg9 : memref<16x64xf32, #tpu.memory_space<vmem>>) target(%dma_start3A_234 : memref<16x64xf32, #tpu.memory_space<vmem_shared>>) target_semaphore(%run_scoped3A : memref<!tpu.dma_semaphore, #tpu.memory_space<semaphore_mem>>)
      %dma_wait3A_235 = arith.constant 0 : i32
      %dma_wait3A_236 = tpu.memref_slice %arg10[%add3A_85, %dma_wait3A_235] : memref<10240x64xf32, #tpu.memory_space<vmem_shared>> -> memref<16x64xf32, #tpu.memory_space<vmem_shared>>
      %dma_wait3A_237 = arith.constant 0 : i32
      %dma_wait3A_238 = tpu.memref_slice %arg10[%add3A_85, %dma_wait3A_237] : memref<10240x64xf32, #tpu.memory_space<vmem_shared>> -> memref<16x64xf32, #tpu.memory_space<vmem_shared>>
      tpu.wait_dma2 semaphore(%run_scoped3A : memref<!tpu.dma_semaphore, #tpu.memory_space<semaphore_mem>>) src(%arg9 : memref<16x64xf32, #tpu.memory_space<vmem>>) dst(%dma_wait3A_238 : memref<16x64xf32, #tpu.memory_space<vmem_shared>>)
      tpu.yield
    }) : () -> ()
    "tpu.region"() ({
      %run_scoped3A = tpu.sem_alloc : memref<!tpu.dma_semaphore, #tpu.memory_space<semaphore_mem>>
      %dma_start3A_231 = arith.constant 0 : i32
      %dma_start3A_232 = arith.constant 0 : i32
      %dma_start3A_233 = tpu.memref_slice %arg3[%arg1, %dma_start3A_231, %dma_start3A_232] : memref<16x250x80xi32, #tpu.memory_space<hbm>> -> memref<1x250x80xi32, #tpu.memory_space<hbm>>
      %dma_start3A_234 = tpu.memref_squeeze %dma_start3A_233 : memref<1x250x80xi32, #tpu.memory_space<hbm>> -> memref<250x80xi32, #tpu.memory_space<hbm>>
      %dma_start3A_235 = arith.constant 0 : i32
      %dma_start3A_236 = arith.constant 0 : i32
      %dma_start3A_237 = tpu.memref_slice %arg3[%arg1, %dma_start3A_235, %dma_start3A_236] : memref<16x250x80xi32, #tpu.memory_space<hbm>> -> memref<1x250x80xi32, #tpu.memory_space<hbm>>
      %dma_start3A_238 = tpu.memref_squeeze %dma_start3A_237 : memref<1x250x80xi32, #tpu.memory_space<hbm>> -> memref<250x80xi32, #tpu.memory_space<hbm>>
      tpu.enqueue_dma source(%dma_start3A_238 : memref<250x80xi32, #tpu.memory_space<hbm>>) target(%arg6 : memref<250x80xi32, #tpu.memory_space<vmem>>) target_semaphore(%run_scoped3A : memref<!tpu.dma_semaphore, #tpu.memory_space<semaphore_mem>>)
      %dma_wait3A_239 = arith.constant 0 : i32
      %dma_wait3A_240 = arith.constant 0 : i32
      %dma_wait3A_241 = tpu.memref_slice %arg3[%arg1, %dma_wait3A_239, %dma_wait3A_240] : memref<16x250x80xi32, #tpu.memory_space<hbm>> -> memref<1x250x80xi32, #tpu.memory_space<hbm>>
      %dma_wait3A_242 = tpu.memref_squeeze %dma_wait3A_241 : memref<1x250x80xi32, #tpu.memory_space<hbm>> -> memref<250x80xi32, #tpu.memory_space<hbm>>
      %dma_wait3A_243 = arith.constant 0 : i32
      %dma_wait3A_244 = arith.constant 0 : i32
      %dma_wait3A_245 = tpu.memref_slice %arg3[%arg1, %dma_wait3A_243, %dma_wait3A_244] : memref<16x250x80xi32, #tpu.memory_space<hbm>> -> memref<1x250x80xi32, #tpu.memory_space<hbm>>
      %dma_wait3A_246 = tpu.memref_squeeze %dma_wait3A_245 : memref<1x250x80xi32, #tpu.memory_space<hbm>> -> memref<250x80xi32, #tpu.memory_space<hbm>>
      tpu.wait_dma2 semaphore(%run_scoped3A : memref<!tpu.dma_semaphore, #tpu.memory_space<semaphore_mem>>) src(%dma_wait3A_246 : memref<250x80xi32, #tpu.memory_space<hbm>>) dst(%arg6 : memref<250x80xi32, #tpu.memory_space<vmem>>)
      tpu.yield
    }) : () -> ()
    "tpu.region"() ({
      %run_scoped3A = tpu.sem_alloc : memref<!tpu.dma_semaphore, #tpu.memory_space<semaphore_mem>>
      %dma_start3A_231 = arith.constant 0 : i32
      %dma_start3A_232 = arith.constant 0 : i32
      %dma_start3A_233 = tpu.memref_slice %arg4[%arg1, %dma_start3A_231, %dma_start3A_232] : memref<16x250x80xi32, #tpu.memory_space<hbm>> -> memref<1x250x80xi32, #tpu.memory_space<hbm>>
      %dma_start3A_234 = tpu.memref_squeeze %dma_start3A_233 : memref<1x250x80xi32, #tpu.memory_space<hbm>> -> memref<250x80xi32, #tpu.memory_space<hbm>>
      %dma_start3A_235 = arith.constant 0 : i32
      %dma_start3A_236 = arith.constant 0 : i32
      %dma_start3A_237 = tpu.memref_slice %arg4[%arg1, %dma_start3A_235, %dma_start3A_236] : memref<16x250x80xi32, #tpu.memory_space<hbm>> -> memref<1x250x80xi32, #tpu.memory_space<hbm>>
      %dma_start3A_238 = tpu.memref_squeeze %dma_start3A_237 : memref<1x250x80xi32, #tpu.memory_space<hbm>> -> memref<250x80xi32, #tpu.memory_space<hbm>>
      tpu.enqueue_dma source(%dma_start3A_238 : memref<250x80xi32, #tpu.memory_space<hbm>>) target(%arg7 : memref<250x80xi32, #tpu.memory_space<vmem>>) target_semaphore(%run_scoped3A : memref<!tpu.dma_semaphore, #tpu.memory_space<semaphore_mem>>)
      %dma_wait3A_239 = arith.constant 0 : i32
      %dma_wait3A_240 = arith.constant 0 : i32
      %dma_wait3A_241 = tpu.memref_slice %arg4[%arg1, %dma_wait3A_239, %dma_wait3A_240] : memref<16x250x80xi32, #tpu.memory_space<hbm>> -> memref<1x250x80xi32, #tpu.memory_space<hbm>>
      %dma_wait3A_242 = tpu.memref_squeeze %dma_wait3A_241 : memref<1x250x80xi32, #tpu.memory_space<hbm>> -> memref<250x80xi32, #tpu.memory_space<hbm>>
      %dma_wait3A_243 = arith.constant 0 : i32
      %dma_wait3A_244 = arith.constant 0 : i32
      %dma_wait3A_245 = tpu.memref_slice %arg4[%arg1, %dma_wait3A_243, %dma_wait3A_244] : memref<16x250x80xi32, #tpu.memory_space<hbm>> -> memref<1x250x80xi32, #tpu.memory_space<hbm>>
      %dma_wait3A_246 = tpu.memref_squeeze %dma_wait3A_245 : memref<1x250x80xi32, #tpu.memory_space<hbm>> -> memref<250x80xi32, #tpu.memory_space<hbm>>
      tpu.wait_dma2 semaphore(%run_scoped3A : memref<!tpu.dma_semaphore, #tpu.memory_space<semaphore_mem>>) src(%dma_wait3A_246 : memref<250x80xi32, #tpu.memory_space<hbm>>) dst(%arg7 : memref<250x80xi32, #tpu.memory_space<vmem>>)
      tpu.yield
    }) : () -> ()
    %barrier3A = arith.constant 0 : index
    tpu.barrier barrier_id(%barrier3A)
    %dma_start3A = arith.constant 0 : i32
    %dma_start3A_86 = arith.constant 0 : i32
    %dma_start3A_87 = arith.constant 0 : i32
    %dma_start3A_88 = arith.constant 0 : i32
    %dma_start3A_89 = tpu.memref_slice %arg8[%dma_start3A_86, %dma_start3A_87, %dma_start3A_88] : memref<5x80x64xf32, #tpu.memory_space<vmem>> -> memref<1x80x64xf32, #tpu.memory_space<vmem>>
    %dma_start3A_90 = tpu.memref_squeeze %dma_start3A_89 : memref<1x80x64xf32, #tpu.memory_space<vmem>> -> memref<80x64xf32, #tpu.memory_space<vmem>>
    %dma_start3A_91 = arith.constant 0 : i32
    %dma_start3A_92 = tpu.memref_slice %arg6[%dma_start3A, %dma_start3A_91] : memref<250x80xi32, #tpu.memory_space<vmem>> -> memref<1x80xi32, #tpu.memory_space<vmem>>
    %dma_start3A_93 = tpu.memref_squeeze %dma_start3A_92 : memref<1x80xi32, #tpu.memory_space<vmem>> -> memref<80xi32, #tpu.memory_space<vmem>>
    %dma_start3A_94 = arith.constant 0 : i32
    %dma_start3A_95 = arith.constant 0 : i32
    %dma_start3A_96 = tpu.memref_slice %arg2[%arg0, %dma_start3A_94, %dma_start3A_95] : memref<2x10000x64xf32, #tpu.memory_space<hbm>> -> memref<1x10000x64xf32, #tpu.memory_space<hbm>>
    %dma_start3A_97 = tpu.memref_squeeze %dma_start3A_96 : memref<1x10000x64xf32, #tpu.memory_space<hbm>> -> memref<10000x64xf32, #tpu.memory_space<hbm>>
    %dma_start3A_98 = arith.constant 0 : i32
    %dma_start3A_99 = arith.constant 0 : i32
    %dma_start3A_100 = tpu.memref_slice %dma_start3A_97[%dma_start3A_98, %dma_start3A_99] : memref<10000x64xf32, #tpu.memory_space<hbm>> -> memref<10000x64xf32, #tpu.memory_space<hbm>>
    tpu.enqueue_indirect_dma source(%dma_start3A_100 : memref<10000x64xf32, #tpu.memory_space<hbm>>) target(%dma_start3A_90 : memref<80x64xf32, #tpu.memory_space<vmem>>) offsets(%dma_start3A_93 : memref<80xi32, #tpu.memory_space<vmem>>) semaphore(%arg11 : memref<!tpu.dma_semaphore, #tpu.memory_space<semaphore_mem>>)
    %dma_start3A_101 = arith.constant 1 : i32
    %dma_start3A_102 = arith.constant 1 : i32
    %dma_start3A_103 = arith.constant 0 : i32
    %dma_start3A_104 = arith.constant 0 : i32
    %dma_start3A_105 = tpu.memref_slice %arg8[%dma_start3A_102, %dma_start3A_103, %dma_start3A_104] : memref<5x80x64xf32, #tpu.memory_space<vmem>> -> memref<1x80x64xf32, #tpu.memory_space<vmem>>
    %dma_start3A_106 = tpu.memref_squeeze %dma_start3A_105 : memref<1x80x64xf32, #tpu.memory_space<vmem>> -> memref<80x64xf32, #tpu.memory_space<vmem>>
    %dma_start3A_107 = arith.constant 0 : i32
    %dma_start3A_108 = tpu.memref_slice %arg6[%dma_start3A_101, %dma_start3A_107] : memref<250x80xi32, #tpu.memory_space<vmem>> -> memref<1x80xi32, #tpu.memory_space<vmem>>
    %dma_start3A_109 = tpu.memref_squeeze %dma_start3A_108 : memref<1x80xi32, #tpu.memory_space<vmem>> -> memref<80xi32, #tpu.memory_space<vmem>>
    %dma_start3A_110 = arith.constant 0 : i32
    %dma_start3A_111 = arith.constant 0 : i32
    %dma_start3A_112 = tpu.memref_slice %arg2[%arg0, %dma_start3A_110, %dma_start3A_111] : memref<2x10000x64xf32, #tpu.memory_space<hbm>> -> memref<1x10000x64xf32, #tpu.memory_space<hbm>>
    %dma_start3A_113 = tpu.memref_squeeze %dma_start3A_112 : memref<1x10000x64xf32, #tpu.memory_space<hbm>> -> memref<10000x64xf32, #tpu.memory_space<hbm>>
    %dma_start3A_114 = arith.constant 0 : i32
    %dma_start3A_115 = arith.constant 0 : i32
    %dma_start3A_116 = tpu.memref_slice %dma_start3A_113[%dma_start3A_114, %dma_start3A_115] : memref<10000x64xf32, #tpu.memory_space<hbm>> -> memref<10000x64xf32, #tpu.memory_space<hbm>>
    tpu.enqueue_indirect_dma source(%dma_start3A_116 : memref<10000x64xf32, #tpu.memory_space<hbm>>) target(%dma_start3A_106 : memref<80x64xf32, #tpu.memory_space<vmem>>) offsets(%dma_start3A_109 : memref<80xi32, #tpu.memory_space<vmem>>) semaphore(%arg12 : memref<!tpu.dma_semaphore, #tpu.memory_space<semaphore_mem>>)
    %dma_start3A_117 = arith.constant 2 : i32
    %dma_start3A_118 = arith.constant 2 : i32
    %dma_start3A_119 = arith.constant 0 : i32
    %dma_start3A_120 = arith.constant 0 : i32
    %dma_start3A_121 = tpu.memref_slice %arg8[%dma_start3A_118, %dma_start3A_119, %dma_start3A_120] : memref<5x80x64xf32, #tpu.memory_space<vmem>> -> memref<1x80x64xf32, #tpu.memory_space<vmem>>
    %dma_start3A_122 = tpu.memref_squeeze %dma_start3A_121 : memref<1x80x64xf32, #tpu.memory_space<vmem>> -> memref<80x64xf32, #tpu.memory_space<vmem>>
    %dma_start3A_123 = arith.constant 0 : i32
    %dma_start3A_124 = tpu.memref_slice %arg6[%dma_start3A_117, %dma_start3A_123] : memref<250x80xi32, #tpu.memory_space<vmem>> -> memref<1x80xi32, #tpu.memory_space<vmem>>
    %dma_start3A_125 = tpu.memref_squeeze %dma_start3A_124 : memref<1x80xi32, #tpu.memory_space<vmem>> -> memref<80xi32, #tpu.memory_space<vmem>>
    %dma_start3A_126 = arith.constant 0 : i32
    %dma_start3A_127 = arith.constant 0 : i32
    %dma_start3A_128 = tpu.memref_slice %arg2[%arg0, %dma_start3A_126, %dma_start3A_127] : memref<2x10000x64xf32, #tpu.memory_space<hbm>> -> memref<1x10000x64xf32, #tpu.memory_space<hbm>>
    %dma_start3A_129 = tpu.memref_squeeze %dma_start3A_128 : memref<1x10000x64xf32, #tpu.memory_space<hbm>> -> memref<10000x64xf32, #tpu.memory_space<hbm>>
    %dma_start3A_130 = arith.constant 0 : i32
    %dma_start3A_131 = arith.constant 0 : i32
    %dma_start3A_132 = tpu.memref_slice %dma_start3A_129[%dma_start3A_130, %dma_start3A_131] : memref<10000x64xf32, #tpu.memory_space<hbm>> -> memref<10000x64xf32, #tpu.memory_space<hbm>>
    tpu.enqueue_indirect_dma source(%dma_start3A_132 : memref<10000x64xf32, #tpu.memory_space<hbm>>) target(%dma_start3A_122 : memref<80x64xf32, #tpu.memory_space<vmem>>) offsets(%dma_start3A_125 : memref<80xi32, #tpu.memory_space<vmem>>) semaphore(%arg13 : memref<!tpu.dma_semaphore, #tpu.memory_space<semaphore_mem>>)
    %dma_start3A_133 = arith.constant 3 : i32
    %dma_start3A_134 = arith.constant 3 : i32
    %dma_start3A_135 = arith.constant 0 : i32
    %dma_start3A_136 = arith.constant 0 : i32
    %dma_start3A_137 = tpu.memref_slice %arg8[%dma_start3A_134, %dma_start3A_135, %dma_start3A_136] : memref<5x80x64xf32, #tpu.memory_space<vmem>> -> memref<1x80x64xf32, #tpu.memory_space<vmem>>
    %dma_start3A_138 = tpu.memref_squeeze %dma_start3A_137 : memref<1x80x64xf32, #tpu.memory_space<vmem>> -> memref<80x64xf32, #tpu.memory_space<vmem>>
    %dma_start3A_139 = arith.constant 0 : i32
    %dma_start3A_140 = tpu.memref_slice %arg6[%dma_start3A_133, %dma_start3A_139] : memref<250x80xi32, #tpu.memory_space<vmem>> -> memref<1x80xi32, #tpu.memory_space<vmem>>
    %dma_start3A_141 = tpu.memref_squeeze %dma_start3A_140 : memref<1x80xi32, #tpu.memory_space<vmem>> -> memref<80xi32, #tpu.memory_space<vmem>>
    %dma_start3A_142 = arith.constant 0 : i32
    %dma_start3A_143 = arith.constant 0 : i32
    %dma_start3A_144 = tpu.memref_slice %arg2[%arg0, %dma_start3A_142, %dma_start3A_143] : memref<2x10000x64xf32, #tpu.memory_space<hbm>> -> memref<1x10000x64xf32, #tpu.memory_space<hbm>>
    %dma_start3A_145 = tpu.memref_squeeze %dma_start3A_144 : memref<1x10000x64xf32, #tpu.memory_space<hbm>> -> memref<10000x64xf32, #tpu.memory_space<hbm>>
    %dma_start3A_146 = arith.constant 0 : i32
    %dma_start3A_147 = arith.constant 0 : i32
    %dma_start3A_148 = tpu.memref_slice %dma_start3A_145[%dma_start3A_146, %dma_start3A_147] : memref<10000x64xf32, #tpu.memory_space<hbm>> -> memref<10000x64xf32, #tpu.memory_space<hbm>>
    tpu.enqueue_indirect_dma source(%dma_start3A_148 : memref<10000x64xf32, #tpu.memory_space<hbm>>) target(%dma_start3A_138 : memref<80x64xf32, #tpu.memory_space<vmem>>) offsets(%dma_start3A_141 : memref<80xi32, #tpu.memory_space<vmem>>) semaphore(%arg14 : memref<!tpu.dma_semaphore, #tpu.memory_space<semaphore_mem>>)
    %dma_start3A_149 = arith.constant 4 : i32
    %dma_start3A_150 = arith.constant 4 : i32
    %dma_start3A_151 = arith.constant 0 : i32
    %dma_start3A_152 = arith.constant 0 : i32
    %dma_start3A_153 = tpu.memref_slice %arg8[%dma_start3A_150, %dma_start3A_151, %dma_start3A_152] : memref<5x80x64xf32, #tpu.memory_space<vmem>> -> memref<1x80x64xf32, #tpu.memory_space<vmem>>
    %dma_start3A_154 = tpu.memref_squeeze %dma_start3A_153 : memref<1x80x64xf32, #tpu.memory_space<vmem>> -> memref<80x64xf32, #tpu.memory_space<vmem>>
    %dma_start3A_155 = arith.constant 0 : i32
    %dma_start3A_156 = tpu.memref_slice %arg6[%dma_start3A_149, %dma_start3A_155] : memref<250x80xi32, #tpu.memory_space<vmem>> -> memref<1x80xi32, #tpu.memory_space<vmem>>
    %dma_start3A_157 = tpu.memref_squeeze %dma_start3A_156 : memref<1x80xi32, #tpu.memory_space<vmem>> -> memref<80xi32, #tpu.memory_space<vmem>>
    %dma_start3A_158 = arith.constant 0 : i32
    %dma_start3A_159 = arith.constant 0 : i32
    %dma_start3A_160 = tpu.memref_slice %arg2[%arg0, %dma_start3A_158, %dma_start3A_159] : memref<2x10000x64xf32, #tpu.memory_space<hbm>> -> memref<1x10000x64xf32, #tpu.memory_space<hbm>>
    %dma_start3A_161 = tpu.memref_squeeze %dma_start3A_160 : memref<1x10000x64xf32, #tpu.memory_space<hbm>> -> memref<10000x64xf32, #tpu.memory_space<hbm>>
    %dma_start3A_162 = arith.constant 0 : i32
    %dma_start3A_163 = arith.constant 0 : i32
    %dma_start3A_164 = tpu.memref_slice %dma_start3A_161[%dma_start3A_162, %dma_start3A_163] : memref<10000x64xf32, #tpu.memory_space<hbm>> -> memref<10000x64xf32, #tpu.memory_space<hbm>>
    tpu.enqueue_indirect_dma source(%dma_start3A_164 : memref<10000x64xf32, #tpu.memory_space<hbm>>) target(%dma_start3A_154 : memref<80x64xf32, #tpu.memory_space<vmem>>) offsets(%dma_start3A_157 : memref<80xi32, #tpu.memory_space<vmem>>) semaphore(%arg15 : memref<!tpu.dma_semaphore, #tpu.memory_space<semaphore_mem>>)
    %scan3A_165 = arith.constant 0 : i32
    %scan3A_166 = arith.constant 0 : i32
    %scan3A_167 = arith.constant 50 : i32
    %scan3A_168 = arith.addi %scan3A_166, %scan3A_167 : i32
    %scan3A_169 = arith.constant 1 : i32
    scf.for %scan3A_231 = %scan3A_166 to %scan3A_168 step %scan3A_169  : i32 {
      %mul3A_232 = arith.constant 5 : i32
      %mul3A_233 = arith.muli %scan3A_231, %mul3A_232 : i32
      %add3A_234 = arith.constant 0 : i32
      %add3A_235 = arith.addi %mul3A_233, %add3A_234 : i32
      %dma_wait3A_236 = arith.constant 0 : i32
      %dma_wait3A_237 = arith.constant 0 : i32
      %dma_wait3A_238 = arith.constant 0 : i32
      %dma_wait3A_239 = tpu.memref_slice %arg8[%dma_wait3A_236, %dma_wait3A_237, %dma_wait3A_238] : memref<5x80x64xf32, #tpu.memory_space<vmem>> -> memref<1x80x64xf32, #tpu.memory_space<vmem>>
      %dma_wait3A_240 = tpu.memref_squeeze %dma_wait3A_239 : memref<1x80x64xf32, #tpu.memory_space<vmem>> -> memref<80x64xf32, #tpu.memory_space<vmem>>
      %dma_wait3A_241 = arith.constant 0 : i32
      %dma_wait3A_242 = tpu.memref_slice %arg6[%add3A_235, %dma_wait3A_241] : memref<250x80xi32, #tpu.memory_space<vmem>> -> memref<1x80xi32, #tpu.memory_space<vmem>>
      %dma_wait3A_243 = tpu.memref_squeeze %dma_wait3A_242 : memref<1x80xi32, #tpu.memory_space<vmem>> -> memref<80xi32, #tpu.memory_space<vmem>>
      %dma_wait3A_244 = arith.constant 0 : i32
      %dma_wait3A_245 = arith.constant 0 : i32
      %dma_wait3A_246 = tpu.memref_slice %arg2[%arg0, %dma_wait3A_244, %dma_wait3A_245] : memref<2x10000x64xf32, #tpu.memory_space<hbm>> -> memref<1x10000x64xf32, #tpu.memory_space<hbm>>
      %dma_wait3A_247 = tpu.memref_squeeze %dma_wait3A_246 : memref<1x10000x64xf32, #tpu.memory_space<hbm>> -> memref<10000x64xf32, #tpu.memory_space<hbm>>
      %dma_wait3A_248 = arith.constant 0 : i32
      %dma_wait3A_249 = arith.constant 0 : i32
      %dma_wait3A_250 = tpu.memref_slice %dma_wait3A_247[%dma_wait3A_248, %dma_wait3A_249] : memref<10000x64xf32, #tpu.memory_space<hbm>> -> memref<10000x64xf32, #tpu.memory_space<hbm>>
      tpu.wait_indirect_dma semaphore(%arg11 : memref<!tpu.dma_semaphore, #tpu.memory_space<semaphore_mem>>) src(%dma_wait3A_250 : memref<10000x64xf32, #tpu.memory_space<hbm>>) dst(%dma_wait3A_240 : memref<80x64xf32, #tpu.memory_space<vmem>>)
      %add3A_251 = arith.constant 0 : i32
      %add3A_252 = arith.addi %mul3A_233, %add3A_251 : i32
      %dma_start3A_253 = arith.constant 0 : i32
      %dma_start3A_254 = arith.constant 0 : i32
      %dma_start3A_255 = arith.constant 0 : i32
      %dma_start3A_256 = tpu.memref_slice %arg8[%dma_start3A_253, %dma_start3A_254, %dma_start3A_255] : memref<5x80x64xf32, #tpu.memory_space<vmem>> -> memref<1x80x64xf32, #tpu.memory_space<vmem>>
      %dma_start3A_257 = tpu.memref_squeeze %dma_start3A_256 : memref<1x80x64xf32, #tpu.memory_space<vmem>> -> memref<80x64xf32, #tpu.memory_space<vmem>>
      %dma_start3A_258 = arith.constant 0 : i32
      %dma_start3A_259 = tpu.memref_slice %arg7[%add3A_252, %dma_start3A_258] : memref<250x80xi32, #tpu.memory_space<vmem>> -> memref<1x80xi32, #tpu.memory_space<vmem>>
      %dma_start3A_260 = tpu.memref_squeeze %dma_start3A_259 : memref<1x80xi32, #tpu.memory_space<vmem>> -> memref<80xi32, #tpu.memory_space<vmem>>
      %dma_start3A_261 = arith.constant 0 : i32
      %dma_start3A_262 = arith.constant 0 : i32
      %dma_start3A_263 = tpu.memref_slice %arg10[%dma_start3A_261, %dma_start3A_262] : memref<10240x64xf32, #tpu.memory_space<vmem_shared>> -> memref<10240x64xf32, #tpu.memory_space<vmem_shared>>
      tpu.enqueue_indirect_dma source(%dma_start3A_257 : memref<80x64xf32, #tpu.memory_space<vmem>>) target(%dma_start3A_263 : memref<10240x64xf32, #tpu.memory_space<vmem_shared>>) offsets(%dma_start3A_260 : memref<80xi32, #tpu.memory_space<vmem>>) semaphore(%arg16 : memref<!tpu.dma_semaphore, #tpu.memory_space<semaphore_mem>>) {add = true}
      %add3A_264 = arith.constant 1 : i32
      %add3A_265 = arith.addi %mul3A_233, %add3A_264 : i32
      %dma_wait3A_266 = arith.constant 1 : i32
      %dma_wait3A_267 = arith.constant 0 : i32
      %dma_wait3A_268 = arith.constant 0 : i32
      %dma_wait3A_269 = tpu.memref_slice %arg8[%dma_wait3A_266, %dma_wait3A_267, %dma_wait3A_268] : memref<5x80x64xf32, #tpu.memory_space<vmem>> -> memref<1x80x64xf32, #tpu.memory_space<vmem>>
      %dma_wait3A_270 = tpu.memref_squeeze %dma_wait3A_269 : memref<1x80x64xf32, #tpu.memory_space<vmem>> -> memref<80x64xf32, #tpu.memory_space<vmem>>
      %dma_wait3A_271 = arith.constant 0 : i32
      %dma_wait3A_272 = tpu.memref_slice %arg6[%add3A_265, %dma_wait3A_271] : memref<250x80xi32, #tpu.memory_space<vmem>> -> memref<1x80xi32, #tpu.memory_space<vmem>>
      %dma_wait3A_273 = tpu.memref_squeeze %dma_wait3A_272 : memref<1x80xi32, #tpu.memory_space<vmem>> -> memref<80xi32, #tpu.memory_space<vmem>>
      %dma_wait3A_274 = arith.constant 0 : i32
      %dma_wait3A_275 = arith.constant 0 : i32
      %dma_wait3A_276 = tpu.memref_slice %arg2[%arg0, %dma_wait3A_274, %dma_wait3A_275] : memref<2x10000x64xf32, #tpu.memory_space<hbm>> -> memref<1x10000x64xf32, #tpu.memory_space<hbm>>
      %dma_wait3A_277 = tpu.memref_squeeze %dma_wait3A_276 : memref<1x10000x64xf32, #tpu.memory_space<hbm>> -> memref<10000x64xf32, #tpu.memory_space<hbm>>
      %dma_wait3A_278 = arith.constant 0 : i32
      %dma_wait3A_279 = arith.constant 0 : i32
      %dma_wait3A_280 = tpu.memref_slice %dma_wait3A_277[%dma_wait3A_278, %dma_wait3A_279] : memref<10000x64xf32, #tpu.memory_space<hbm>> -> memref<10000x64xf32, #tpu.memory_space<hbm>>
      tpu.wait_indirect_dma semaphore(%arg12 : memref<!tpu.dma_semaphore, #tpu.memory_space<semaphore_mem>>) src(%dma_wait3A_280 : memref<10000x64xf32, #tpu.memory_space<hbm>>) dst(%dma_wait3A_270 : memref<80x64xf32, #tpu.memory_space<vmem>>)
      %add3A_281 = arith.constant 1 : i32
      %add3A_282 = arith.addi %mul3A_233, %add3A_281 : i32
      %dma_start3A_283 = arith.constant 1 : i32
      %dma_start3A_284 = arith.constant 0 : i32
      %dma_start3A_285 = arith.constant 0 : i32
      %dma_start3A_286 = tpu.memref_slice %arg8[%dma_start3A_283, %dma_start3A_284, %dma_start3A_285] : memref<5x80x64xf32, #tpu.memory_space<vmem>> -> memref<1x80x64xf32, #tpu.memory_space<vmem>>
      %dma_start3A_287 = tpu.memref_squeeze %dma_start3A_286 : memref<1x80x64xf32, #tpu.memory_space<vmem>> -> memref<80x64xf32, #tpu.memory_space<vmem>>
      %dma_start3A_288 = arith.constant 0 : i32
      %dma_start3A_289 = tpu.memref_slice %arg7[%add3A_282, %dma_start3A_288] : memref<250x80xi32, #tpu.memory_space<vmem>> -> memref<1x80xi32, #tpu.memory_space<vmem>>
      %dma_start3A_290 = tpu.memref_squeeze %dma_start3A_289 : memref<1x80xi32, #tpu.memory_space<vmem>> -> memref<80xi32, #tpu.memory_space<vmem>>
      %dma_start3A_291 = arith.constant 0 : i32
      %dma_start3A_292 = arith.constant 0 : i32
      %dma_start3A_293 = tpu.memref_slice %arg10[%dma_start3A_291, %dma_start3A_292] : memref<10240x64xf32, #tpu.memory_space<vmem_shared>> -> memref<10240x64xf32, #tpu.memory_space<vmem_shared>>
      tpu.enqueue_indirect_dma source(%dma_start3A_287 : memref<80x64xf32, #tpu.memory_space<vmem>>) target(%dma_start3A_293 : memref<10240x64xf32, #tpu.memory_space<vmem_shared>>) offsets(%dma_start3A_290 : memref<80xi32, #tpu.memory_space<vmem>>) semaphore(%arg17 : memref<!tpu.dma_semaphore, #tpu.memory_space<semaphore_mem>>) {add = true}
      %add3A_294 = arith.constant 2 : i32
      %add3A_295 = arith.addi %mul3A_233, %add3A_294 : i32
      %dma_wait3A_296 = arith.constant 2 : i32
      %dma_wait3A_297 = arith.constant 0 : i32
      %dma_wait3A_298 = arith.constant 0 : i32
      %dma_wait3A_299 = tpu.memref_slice %arg8[%dma_wait3A_296, %dma_wait3A_297, %dma_wait3A_298] : memref<5x80x64xf32, #tpu.memory_space<vmem>> -> memref<1x80x64xf32, #tpu.memory_space<vmem>>
      %dma_wait3A_300 = tpu.memref_squeeze %dma_wait3A_299 : memref<1x80x64xf32, #tpu.memory_space<vmem>> -> memref<80x64xf32, #tpu.memory_space<vmem>>
      %dma_wait3A_301 = arith.constant 0 : i32
      %dma_wait3A_302 = tpu.memref_slice %arg6[%add3A_295, %dma_wait3A_301] : memref<250x80xi32, #tpu.memory_space<vmem>> -> memref<1x80xi32, #tpu.memory_space<vmem>>
      %dma_wait3A_303 = tpu.memref_squeeze %dma_wait3A_302 : memref<1x80xi32, #tpu.memory_space<vmem>> -> memref<80xi32, #tpu.memory_space<vmem>>
      %dma_wait3A_304 = arith.constant 0 : i32
      %dma_wait3A_305 = arith.constant 0 : i32
      %dma_wait3A_306 = tpu.memref_slice %arg2[%arg0, %dma_wait3A_304, %dma_wait3A_305] : memref<2x10000x64xf32, #tpu.memory_space<hbm>> -> memref<1x10000x64xf32, #tpu.memory_space<hbm>>
      %dma_wait3A_307 = tpu.memref_squeeze %dma_wait3A_306 : memref<1x10000x64xf32, #tpu.memory_space<hbm>> -> memref<10000x64xf32, #tpu.memory_space<hbm>>
      %dma_wait3A_308 = arith.constant 0 : i32
      %dma_wait3A_309 = arith.constant 0 : i32
      %dma_wait3A_310 = tpu.memref_slice %dma_wait3A_307[%dma_wait3A_308, %dma_wait3A_309] : memref<10000x64xf32, #tpu.memory_space<hbm>> -> memref<10000x64xf32, #tpu.memory_space<hbm>>
      tpu.wait_indirect_dma semaphore(%arg13 : memref<!tpu.dma_semaphore, #tpu.memory_space<semaphore_mem>>) src(%dma_wait3A_310 : memref<10000x64xf32, #tpu.memory_space<hbm>>) dst(%dma_wait3A_300 : memref<80x64xf32, #tpu.memory_space<vmem>>)
      %add3A_311 = arith.constant 2 : i32
      %add3A_312 = arith.addi %mul3A_233, %add3A_311 : i32
      %dma_start3A_313 = arith.constant 2 : i32
      %dma_start3A_314 = arith.constant 0 : i32
      %dma_start3A_315 = arith.constant 0 : i32
      %dma_start3A_316 = tpu.memref_slice %arg8[%dma_start3A_313, %dma_start3A_314, %dma_start3A_315] : memref<5x80x64xf32, #tpu.memory_space<vmem>> -> memref<1x80x64xf32, #tpu.memory_space<vmem>>
      %dma_start3A_317 = tpu.memref_squeeze %dma_start3A_316 : memref<1x80x64xf32, #tpu.memory_space<vmem>> -> memref<80x64xf32, #tpu.memory_space<vmem>>
      %dma_start3A_318 = arith.constant 0 : i32
      %dma_start3A_319 = tpu.memref_slice %arg7[%add3A_312, %dma_start3A_318] : memref<250x80xi32, #tpu.memory_space<vmem>> -> memref<1x80xi32, #tpu.memory_space<vmem>>
      %dma_start3A_320 = tpu.memref_squeeze %dma_start3A_319 : memref<1x80xi32, #tpu.memory_space<vmem>> -> memref<80xi32, #tpu.memory_space<vmem>>
      %dma_start3A_321 = arith.constant 0 : i32
      %dma_start3A_322 = arith.constant 0 : i32
      %dma_start3A_323 = tpu.memref_slice %arg10[%dma_start3A_321, %dma_start3A_322] : memref<10240x64xf32, #tpu.memory_space<vmem_shared>> -> memref<10240x64xf32, #tpu.memory_space<vmem_shared>>
      tpu.enqueue_indirect_dma source(%dma_start3A_317 : memref<80x64xf32, #tpu.memory_space<vmem>>) target(%dma_start3A_323 : memref<10240x64xf32, #tpu.memory_space<vmem_shared>>) offsets(%dma_start3A_320 : memref<80xi32, #tpu.memory_space<vmem>>) semaphore(%arg18 : memref<!tpu.dma_semaphore, #tpu.memory_space<semaphore_mem>>) {add = true}
      %add3A_324 = arith.constant 3 : i32
      %add3A_325 = arith.addi %mul3A_233, %add3A_324 : i32
      %dma_wait3A_326 = arith.constant 3 : i32
      %dma_wait3A_327 = arith.constant 0 : i32
      %dma_wait3A_328 = arith.constant 0 : i32
      %dma_wait3A_329 = tpu.memref_slice %arg8[%dma_wait3A_326, %dma_wait3A_327, %dma_wait3A_328] : memref<5x80x64xf32, #tpu.memory_space<vmem>> -> memref<1x80x64xf32, #tpu.memory_space<vmem>>
      %dma_wait3A_330 = tpu.memref_squeeze %dma_wait3A_329 : memref<1x80x64xf32, #tpu.memory_space<vmem>> -> memref<80x64xf32, #tpu.memory_space<vmem>>
      %dma_wait3A_331 = arith.constant 0 : i32
      %dma_wait3A_332 = tpu.memref_slice %arg6[%add3A_325, %dma_wait3A_331] : memref<250x80xi32, #tpu.memory_space<vmem>> -> memref<1x80xi32, #tpu.memory_space<vmem>>
      %dma_wait3A_333 = tpu.memref_squeeze %dma_wait3A_332 : memref<1x80xi32, #tpu.memory_space<vmem>> -> memref<80xi32, #tpu.memory_space<vmem>>
      %dma_wait3A_334 = arith.constant 0 : i32
      %dma_wait3A_335 = arith.constant 0 : i32
      %dma_wait3A_336 = tpu.memref_slice %arg2[%arg0, %dma_wait3A_334, %dma_wait3A_335] : memref<2x10000x64xf32, #tpu.memory_space<hbm>> -> memref<1x10000x64xf32, #tpu.memory_space<hbm>>
      %dma_wait3A_337 = tpu.memref_squeeze %dma_wait3A_336 : memref<1x10000x64xf32, #tpu.memory_space<hbm>> -> memref<10000x64xf32, #tpu.memory_space<hbm>>
      %dma_wait3A_338 = arith.constant 0 : i32
      %dma_wait3A_339 = arith.constant 0 : i32
      %dma_wait3A_340 = tpu.memref_slice %dma_wait3A_337[%dma_wait3A_338, %dma_wait3A_339] : memref<10000x64xf32, #tpu.memory_space<hbm>> -> memref<10000x64xf32, #tpu.memory_space<hbm>>
      tpu.wait_indirect_dma semaphore(%arg14 : memref<!tpu.dma_semaphore, #tpu.memory_space<semaphore_mem>>) src(%dma_wait3A_340 : memref<10000x64xf32, #tpu.memory_space<hbm>>) dst(%dma_wait3A_330 : memref<80x64xf32, #tpu.memory_space<vmem>>)
      %add3A_341 = arith.constant 3 : i32
      %add3A_342 = arith.addi %mul3A_233, %add3A_341 : i32
      %dma_start3A_343 = arith.constant 3 : i32
      %dma_start3A_344 = arith.constant 0 : i32
      %dma_start3A_345 = arith.constant 0 : i32
      %dma_start3A_346 = tpu.memref_slice %arg8[%dma_start3A_343, %dma_start3A_344, %dma_start3A_345] : memref<5x80x64xf32, #tpu.memory_space<vmem>> -> memref<1x80x64xf32, #tpu.memory_space<vmem>>
      %dma_start3A_347 = tpu.memref_squeeze %dma_start3A_346 : memref<1x80x64xf32, #tpu.memory_space<vmem>> -> memref<80x64xf32, #tpu.memory_space<vmem>>
      %dma_start3A_348 = arith.constant 0 : i32
      %dma_start3A_349 = tpu.memref_slice %arg7[%add3A_342, %dma_start3A_348] : memref<250x80xi32, #tpu.memory_space<vmem>> -> memref<1x80xi32, #tpu.memory_space<vmem>>
      %dma_start3A_350 = tpu.memref_squeeze %dma_start3A_349 : memref<1x80xi32, #tpu.memory_space<vmem>> -> memref<80xi32, #tpu.memory_space<vmem>>
      %dma_start3A_351 = arith.constant 0 : i32
      %dma_start3A_352 = arith.constant 0 : i32
      %dma_start3A_353 = tpu.memref_slice %arg10[%dma_start3A_351, %dma_start3A_352] : memref<10240x64xf32, #tpu.memory_space<vmem_shared>> -> memref<10240x64xf32, #tpu.memory_space<vmem_shared>>
      tpu.enqueue_indirect_dma source(%dma_start3A_347 : memref<80x64xf32, #tpu.memory_space<vmem>>) target(%dma_start3A_353 : memref<10240x64xf32, #tpu.memory_space<vmem_shared>>) offsets(%dma_start3A_350 : memref<80xi32, #tpu.memory_space<vmem>>) semaphore(%arg19 : memref<!tpu.dma_semaphore, #tpu.memory_space<semaphore_mem>>) {add = true}
      %add3A_354 = arith.constant 4 : i32
      %add3A_355 = arith.addi %mul3A_233, %add3A_354 : i32
      %dma_wait3A_356 = arith.constant 4 : i32
      %dma_wait3A_357 = arith.constant 0 : i32
      %dma_wait3A_358 = arith.constant 0 : i32
      %dma_wait3A_359 = tpu.memref_slice %arg8[%dma_wait3A_356, %dma_wait3A_357, %dma_wait3A_358] : memref<5x80x64xf32, #tpu.memory_space<vmem>> -> memref<1x80x64xf32, #tpu.memory_space<vmem>>
      %dma_wait3A_360 = tpu.memref_squeeze %dma_wait3A_359 : memref<1x80x64xf32, #tpu.memory_space<vmem>> -> memref<80x64xf32, #tpu.memory_space<vmem>>
      %dma_wait3A_361 = arith.constant 0 : i32
      %dma_wait3A_362 = tpu.memref_slice %arg6[%add3A_355, %dma_wait3A_361] : memref<250x80xi32, #tpu.memory_space<vmem>> -> memref<1x80xi32, #tpu.memory_space<vmem>>
      %dma_wait3A_363 = tpu.memref_squeeze %dma_wait3A_362 : memref<1x80xi32, #tpu.memory_space<vmem>> -> memref<80xi32, #tpu.memory_space<vmem>>
      %dma_wait3A_364 = arith.constant 0 : i32
      %dma_wait3A_365 = arith.constant 0 : i32
      %dma_wait3A_366 = tpu.memref_slice %arg2[%arg0, %dma_wait3A_364, %dma_wait3A_365] : memref<2x10000x64xf32, #tpu.memory_space<hbm>> -> memref<1x10000x64xf32, #tpu.memory_space<hbm>>
      %dma_wait3A_367 = tpu.memref_squeeze %dma_wait3A_366 : memref<1x10000x64xf32, #tpu.memory_space<hbm>> -> memref<10000x64xf32, #tpu.memory_space<hbm>>
      %dma_wait3A_368 = arith.constant 0 : i32
      %dma_wait3A_369 = arith.constant 0 : i32
      %dma_wait3A_370 = tpu.memref_slice %dma_wait3A_367[%dma_wait3A_368, %dma_wait3A_369] : memref<10000x64xf32, #tpu.memory_space<hbm>> -> memref<10000x64xf32, #tpu.memory_space<hbm>>
      tpu.wait_indirect_dma semaphore(%arg15 : memref<!tpu.dma_semaphore, #tpu.memory_space<semaphore_mem>>) src(%dma_wait3A_370 : memref<10000x64xf32, #tpu.memory_space<hbm>>) dst(%dma_wait3A_360 : memref<80x64xf32, #tpu.memory_space<vmem>>)
      %add3A_371 = arith.constant 4 : i32
      %add3A_372 = arith.addi %mul3A_233, %add3A_371 : i32
      %dma_start3A_373 = arith.constant 4 : i32
      %dma_start3A_374 = arith.constant 0 : i32
      %dma_start3A_375 = arith.constant 0 : i32
      %dma_start3A_376 = tpu.memref_slice %arg8[%dma_start3A_373, %dma_start3A_374, %dma_start3A_375] : memref<5x80x64xf32, #tpu.memory_space<vmem>> -> memref<1x80x64xf32, #tpu.memory_space<vmem>>
      %dma_start3A_377 = tpu.memref_squeeze %dma_start3A_376 : memref<1x80x64xf32, #tpu.memory_space<vmem>> -> memref<80x64xf32, #tpu.memory_space<vmem>>
      %dma_start3A_378 = arith.constant 0 : i32
      %dma_start3A_379 = tpu.memref_slice %arg7[%add3A_372, %dma_start3A_378] : memref<250x80xi32, #tpu.memory_space<vmem>> -> memref<1x80xi32, #tpu.memory_space<vmem>>
      %dma_start3A_380 = tpu.memref_squeeze %dma_start3A_379 : memref<1x80xi32, #tpu.memory_space<vmem>> -> memref<80xi32, #tpu.memory_space<vmem>>
      %dma_start3A_381 = arith.constant 0 : i32
      %dma_start3A_382 = arith.constant 0 : i32
      %dma_start3A_383 = tpu.memref_slice %arg10[%dma_start3A_381, %dma_start3A_382] : memref<10240x64xf32, #tpu.memory_space<vmem_shared>> -> memref<10240x64xf32, #tpu.memory_space<vmem_shared>>
      tpu.enqueue_indirect_dma source(%dma_start3A_377 : memref<80x64xf32, #tpu.memory_space<vmem>>) target(%dma_start3A_383 : memref<10240x64xf32, #tpu.memory_space<vmem_shared>>) offsets(%dma_start3A_380 : memref<80xi32, #tpu.memory_space<vmem>>) semaphore(%arg20 : memref<!tpu.dma_semaphore, #tpu.memory_space<semaphore_mem>>) {add = true}
      %lt3A = arith.constant 49 : i32
      %lt3A_384 = arith.cmpi slt, %scan3A_231, %lt3A : i32
      %convert_element_type3A = arith.extui %lt3A_384 : i1 to i32
      %cond3A = arith.constant 0 : i32
      %cond3A_385 = arith.cmpi ne, %convert_element_type3A, %cond3A : i32
      scf.if %cond3A_385 {
        %add3A_406 = arith.constant 0 : i32
        %add3A_407 = arith.addi %mul3A_233, %add3A_406 : i32
        %dma_wait3A_408 = arith.constant 0 : i32
        %dma_wait3A_409 = arith.constant 0 : i32
        %dma_wait3A_410 = arith.constant 0 : i32
        %dma_wait3A_411 = tpu.memref_slice %arg8[%dma_wait3A_408, %dma_wait3A_409, %dma_wait3A_410] : memref<5x80x64xf32, #tpu.memory_space<vmem>> -> memref<1x80x64xf32, #tpu.memory_space<vmem>>
        %dma_wait3A_412 = tpu.memref_squeeze %dma_wait3A_411 : memref<1x80x64xf32, #tpu.memory_space<vmem>> -> memref<80x64xf32, #tpu.memory_space<vmem>>
        %dma_wait3A_413 = arith.constant 0 : i32
        %dma_wait3A_414 = tpu.memref_slice %arg7[%add3A_407, %dma_wait3A_413] : memref<250x80xi32, #tpu.memory_space<vmem>> -> memref<1x80xi32, #tpu.memory_space<vmem>>
        %dma_wait3A_415 = tpu.memref_squeeze %dma_wait3A_414 : memref<1x80xi32, #tpu.memory_space<vmem>> -> memref<80xi32, #tpu.memory_space<vmem>>
        %dma_wait3A_416 = arith.constant 0 : i32
        %dma_wait3A_417 = arith.constant 0 : i32
        %dma_wait3A_418 = tpu.memref_slice %arg10[%dma_wait3A_416, %dma_wait3A_417] : memref<10240x64xf32, #tpu.memory_space<vmem_shared>> -> memref<10240x64xf32, #tpu.memory_space<vmem_shared>>
        tpu.wait_indirect_dma semaphore(%arg16 : memref<!tpu.dma_semaphore, #tpu.memory_space<semaphore_mem>>) src(%dma_wait3A_412 : memref<80x64xf32, #tpu.memory_space<vmem>>) dst(%dma_wait3A_418 : memref<10240x64xf32, #tpu.memory_space<vmem_shared>>)
        %add3A_419 = arith.constant 5 : i32
        %add3A_420 = arith.addi %mul3A_233, %add3A_419 : i32
        %add3A_421 = arith.constant 0 : i32
        %add3A_422 = arith.addi %add3A_420, %add3A_421 : i32
        %dma_start3A_423 = arith.constant 0 : i32
        %dma_start3A_424 = arith.constant 0 : i32
        %dma_start3A_425 = arith.constant 0 : i32
        %dma_start3A_426 = tpu.memref_slice %arg8[%dma_start3A_423, %dma_start3A_424, %dma_start3A_425] : memref<5x80x64xf32, #tpu.memory_space<vmem>> -> memref<1x80x64xf32, #tpu.memory_space<vmem>>
        %dma_start3A_427 = tpu.memref_squeeze %dma_start3A_426 : memref<1x80x64xf32, #tpu.memory_space<vmem>> -> memref<80x64xf32, #tpu.memory_space<vmem>>
        %dma_start3A_428 = arith.constant 0 : i32
        %dma_start3A_429 = tpu.memref_slice %arg6[%add3A_422, %dma_start3A_428] : memref<250x80xi32, #tpu.memory_space<vmem>> -> memref<1x80xi32, #tpu.memory_space<vmem>>
        %dma_start3A_430 = tpu.memref_squeeze %dma_start3A_429 : memref<1x80xi32, #tpu.memory_space<vmem>> -> memref<80xi32, #tpu.memory_space<vmem>>
        %dma_start3A_431 = arith.constant 0 : i32
        %dma_start3A_432 = arith.constant 0 : i32
        %dma_start3A_433 = tpu.memref_slice %arg2[%arg0, %dma_start3A_431, %dma_start3A_432] : memref<2x10000x64xf32, #tpu.memory_space<hbm>> -> memref<1x10000x64xf32, #tpu.memory_space<hbm>>
        %dma_start3A_434 = tpu.memref_squeeze %dma_start3A_433 : memref<1x10000x64xf32, #tpu.memory_space<hbm>> -> memref<10000x64xf32, #tpu.memory_space<hbm>>
        %dma_start3A_435 = arith.constant 0 : i32
        %dma_start3A_436 = arith.constant 0 : i32
        %dma_start3A_437 = tpu.memref_slice %dma_start3A_434[%dma_start3A_435, %dma_start3A_436] : memref<10000x64xf32, #tpu.memory_space<hbm>> -> memref<10000x64xf32, #tpu.memory_space<hbm>>
        tpu.enqueue_indirect_dma source(%dma_start3A_437 : memref<10000x64xf32, #tpu.memory_space<hbm>>) target(%dma_start3A_427 : memref<80x64xf32, #tpu.memory_space<vmem>>) offsets(%dma_start3A_430 : memref<80xi32, #tpu.memory_space<vmem>>) semaphore(%arg11 : memref<!tpu.dma_semaphore, #tpu.memory_space<semaphore_mem>>)
      } else {
      }
      %lt3A_386 = arith.constant 49 : i32
      %lt3A_387 = arith.cmpi slt, %scan3A_231, %lt3A_386 : i32
      %convert_element_type3A_388 = arith.extui %lt3A_387 : i1 to i32
      %cond3A_389 = arith.constant 0 : i32
      %cond3A_390 = arith.cmpi ne, %convert_element_type3A_388, %cond3A_389 : i32
      scf.if %cond3A_390 {
        %add3A_406 = arith.constant 1 : i32
        %add3A_407 = arith.addi %mul3A_233, %add3A_406 : i32
        %dma_wait3A_408 = arith.constant 1 : i32
        %dma_wait3A_409 = arith.constant 0 : i32
        %dma_wait3A_410 = arith.constant 0 : i32
        %dma_wait3A_411 = tpu.memref_slice %arg8[%dma_wait3A_408, %dma_wait3A_409, %dma_wait3A_410] : memref<5x80x64xf32, #tpu.memory_space<vmem>> -> memref<1x80x64xf32, #tpu.memory_space<vmem>>
        %dma_wait3A_412 = tpu.memref_squeeze %dma_wait3A_411 : memref<1x80x64xf32, #tpu.memory_space<vmem>> -> memref<80x64xf32, #tpu.memory_space<vmem>>
        %dma_wait3A_413 = arith.constant 0 : i32
        %dma_wait3A_414 = tpu.memref_slice %arg7[%add3A_407, %dma_wait3A_413] : memref<250x80xi32, #tpu.memory_space<vmem>> -> memref<1x80xi32, #tpu.memory_space<vmem>>
        %dma_wait3A_415 = tpu.memref_squeeze %dma_wait3A_414 : memref<1x80xi32, #tpu.memory_space<vmem>> -> memref<80xi32, #tpu.memory_space<vmem>>
        %dma_wait3A_416 = arith.constant 0 : i32
        %dma_wait3A_417 = arith.constant 0 : i32
        %dma_wait3A_418 = tpu.memref_slice %arg10[%dma_wait3A_416, %dma_wait3A_417] : memref<10240x64xf32, #tpu.memory_space<vmem_shared>> -> memref<10240x64xf32, #tpu.memory_space<vmem_shared>>
        tpu.wait_indirect_dma semaphore(%arg17 : memref<!tpu.dma_semaphore, #tpu.memory_space<semaphore_mem>>) src(%dma_wait3A_412 : memref<80x64xf32, #tpu.memory_space<vmem>>) dst(%dma_wait3A_418 : memref<10240x64xf32, #tpu.memory_space<vmem_shared>>)
        %add3A_419 = arith.constant 5 : i32
        %add3A_420 = arith.addi %mul3A_233, %add3A_419 : i32
        %add3A_421 = arith.constant 1 : i32
        %add3A_422 = arith.addi %add3A_420, %add3A_421 : i32
        %dma_start3A_423 = arith.constant 1 : i32
        %dma_start3A_424 = arith.constant 0 : i32
        %dma_start3A_425 = arith.constant 0 : i32
        %dma_start3A_426 = tpu.memref_slice %arg8[%dma_start3A_423, %dma_start3A_424, %dma_start3A_425] : memref<5x80x64xf32, #tpu.memory_space<vmem>> -> memref<1x80x64xf32, #tpu.memory_space<vmem>>
        %dma_start3A_427 = tpu.memref_squeeze %dma_start3A_426 : memref<1x80x64xf32, #tpu.memory_space<vmem>> -> memref<80x64xf32, #tpu.memory_space<vmem>>
        %dma_start3A_428 = arith.constant 0 : i32
        %dma_start3A_429 = tpu.memref_slice %arg6[%add3A_422, %dma_start3A_428] : memref<250x80xi32, #tpu.memory_space<vmem>> -> memref<1x80xi32, #tpu.memory_space<vmem>>
        %dma_start3A_430 = tpu.memref_squeeze %dma_start3A_429 : memref<1x80xi32, #tpu.memory_space<vmem>> -> memref<80xi32, #tpu.memory_space<vmem>>
        %dma_start3A_431 = arith.constant 0 : i32
        %dma_start3A_432 = arith.constant 0 : i32
        %dma_start3A_433 = tpu.memref_slice %arg2[%arg0, %dma_start3A_431, %dma_start3A_432] : memref<2x10000x64xf32, #tpu.memory_space<hbm>> -> memref<1x10000x64xf32, #tpu.memory_space<hbm>>
        %dma_start3A_434 = tpu.memref_squeeze %dma_start3A_433 : memref<1x10000x64xf32, #tpu.memory_space<hbm>> -> memref<10000x64xf32, #tpu.memory_space<hbm>>
        %dma_start3A_435 = arith.constant 0 : i32
        %dma_start3A_436 = arith.constant 0 : i32
        %dma_start3A_437 = tpu.memref_slice %dma_start3A_434[%dma_start3A_435, %dma_start3A_436] : memref<10000x64xf32, #tpu.memory_space<hbm>> -> memref<10000x64xf32, #tpu.memory_space<hbm>>
        tpu.enqueue_indirect_dma source(%dma_start3A_437 : memref<10000x64xf32, #tpu.memory_space<hbm>>) target(%dma_start3A_427 : memref<80x64xf32, #tpu.memory_space<vmem>>) offsets(%dma_start3A_430 : memref<80xi32, #tpu.memory_space<vmem>>) semaphore(%arg12 : memref<!tpu.dma_semaphore, #tpu.memory_space<semaphore_mem>>)
      } else {
      }
      %lt3A_391 = arith.constant 49 : i32
      %lt3A_392 = arith.cmpi slt, %scan3A_231, %lt3A_391 : i32
      %convert_element_type3A_393 = arith.extui %lt3A_392 : i1 to i32
      %cond3A_394 = arith.constant 0 : i32
      %cond3A_395 = arith.cmpi ne, %convert_element_type3A_393, %cond3A_394 : i32
      scf.if %cond3A_395 {
        %add3A_406 = arith.constant 2 : i32
        %add3A_407 = arith.addi %mul3A_233, %add3A_406 : i32
        %dma_wait3A_408 = arith.constant 2 : i32
        %dma_wait3A_409 = arith.constant 0 : i32
        %dma_wait3A_410 = arith.constant 0 : i32
        %dma_wait3A_411 = tpu.memref_slice %arg8[%dma_wait3A_408, %dma_wait3A_409, %dma_wait3A_410] : memref<5x80x64xf32, #tpu.memory_space<vmem>> -> memref<1x80x64xf32, #tpu.memory_space<vmem>>
        %dma_wait3A_412 = tpu.memref_squeeze %dma_wait3A_411 : memref<1x80x64xf32, #tpu.memory_space<vmem>> -> memref<80x64xf32, #tpu.memory_space<vmem>>
        %dma_wait3A_413 = arith.constant 0 : i32
        %dma_wait3A_414 = tpu.memref_slice %arg7[%add3A_407, %dma_wait3A_413] : memref<250x80xi32, #tpu.memory_space<vmem>> -> memref<1x80xi32, #tpu.memory_space<vmem>>
        %dma_wait3A_415 = tpu.memref_squeeze %dma_wait3A_414 : memref<1x80xi32, #tpu.memory_space<vmem>> -> memref<80xi32, #tpu.memory_space<vmem>>
        %dma_wait3A_416 = arith.constant 0 : i32
        %dma_wait3A_417 = arith.constant 0 : i32
        %dma_wait3A_418 = tpu.memref_slice %arg10[%dma_wait3A_416, %dma_wait3A_417] : memref<10240x64xf32, #tpu.memory_space<vmem_shared>> -> memref<10240x64xf32, #tpu.memory_space<vmem_shared>>
        tpu.wait_indirect_dma semaphore(%arg18 : memref<!tpu.dma_semaphore, #tpu.memory_space<semaphore_mem>>) src(%dma_wait3A_412 : memref<80x64xf32, #tpu.memory_space<vmem>>) dst(%dma_wait3A_418 : memref<10240x64xf32, #tpu.memory_space<vmem_shared>>)
        %add3A_419 = arith.constant 5 : i32
        %add3A_420 = arith.addi %mul3A_233, %add3A_419 : i32
        %add3A_421 = arith.constant 2 : i32
        %add3A_422 = arith.addi %add3A_420, %add3A_421 : i32
        %dma_start3A_423 = arith.constant 2 : i32
        %dma_start3A_424 = arith.constant 0 : i32
        %dma_start3A_425 = arith.constant 0 : i32
        %dma_start3A_426 = tpu.memref_slice %arg8[%dma_start3A_423, %dma_start3A_424, %dma_start3A_425] : memref<5x80x64xf32, #tpu.memory_space<vmem>> -> memref<1x80x64xf32, #tpu.memory_space<vmem>>
        %dma_start3A_427 = tpu.memref_squeeze %dma_start3A_426 : memref<1x80x64xf32, #tpu.memory_space<vmem>> -> memref<80x64xf32, #tpu.memory_space<vmem>>
        %dma_start3A_428 = arith.constant 0 : i32
        %dma_start3A_429 = tpu.memref_slice %arg6[%add3A_422, %dma_start3A_428] : memref<250x80xi32, #tpu.memory_space<vmem>> -> memref<1x80xi32, #tpu.memory_space<vmem>>
        %dma_start3A_430 = tpu.memref_squeeze %dma_start3A_429 : memref<1x80xi32, #tpu.memory_space<vmem>> -> memref<80xi32, #tpu.memory_space<vmem>>
        %dma_start3A_431 = arith.constant 0 : i32
        %dma_start3A_432 = arith.constant 0 : i32
        %dma_start3A_433 = tpu.memref_slice %arg2[%arg0, %dma_start3A_431, %dma_start3A_432] : memref<2x10000x64xf32, #tpu.memory_space<hbm>> -> memref<1x10000x64xf32, #tpu.memory_space<hbm>>
        %dma_start3A_434 = tpu.memref_squeeze %dma_start3A_433 : memref<1x10000x64xf32, #tpu.memory_space<hbm>> -> memref<10000x64xf32, #tpu.memory_space<hbm>>
        %dma_start3A_435 = arith.constant 0 : i32
        %dma_start3A_436 = arith.constant 0 : i32
        %dma_start3A_437 = tpu.memref_slice %dma_start3A_434[%dma_start3A_435, %dma_start3A_436] : memref<10000x64xf32, #tpu.memory_space<hbm>> -> memref<10000x64xf32, #tpu.memory_space<hbm>>
        tpu.enqueue_indirect_dma source(%dma_start3A_437 : memref<10000x64xf32, #tpu.memory_space<hbm>>) target(%dma_start3A_427 : memref<80x64xf32, #tpu.memory_space<vmem>>) offsets(%dma_start3A_430 : memref<80xi32, #tpu.memory_space<vmem>>) semaphore(%arg13 : memref<!tpu.dma_semaphore, #tpu.memory_space<semaphore_mem>>)
      } else {
      }
      %lt3A_396 = arith.constant 49 : i32
      %lt3A_397 = arith.cmpi slt, %scan3A_231, %lt3A_396 : i32
      %convert_element_type3A_398 = arith.extui %lt3A_397 : i1 to i32
      %cond3A_399 = arith.constant 0 : i32
      %cond3A_400 = arith.cmpi ne, %convert_element_type3A_398, %cond3A_399 : i32
      scf.if %cond3A_400 {
        %add3A_406 = arith.constant 3 : i32
        %add3A_407 = arith.addi %mul3A_233, %add3A_406 : i32
        %dma_wait3A_408 = arith.constant 3 : i32
        %dma_wait3A_409 = arith.constant 0 : i32
        %dma_wait3A_410 = arith.constant 0 : i32
        %dma_wait3A_411 = tpu.memref_slice %arg8[%dma_wait3A_408, %dma_wait3A_409, %dma_wait3A_410] : memref<5x80x64xf32, #tpu.memory_space<vmem>> -> memref<1x80x64xf32, #tpu.memory_space<vmem>>
        %dma_wait3A_412 = tpu.memref_squeeze %dma_wait3A_411 : memref<1x80x64xf32, #tpu.memory_space<vmem>> -> memref<80x64xf32, #tpu.memory_space<vmem>>
        %dma_wait3A_413 = arith.constant 0 : i32
        %dma_wait3A_414 = tpu.memref_slice %arg7[%add3A_407, %dma_wait3A_413] : memref<250x80xi32, #tpu.memory_space<vmem>> -> memref<1x80xi32, #tpu.memory_space<vmem>>
        %dma_wait3A_415 = tpu.memref_squeeze %dma_wait3A_414 : memref<1x80xi32, #tpu.memory_space<vmem>> -> memref<80xi32, #tpu.memory_space<vmem>>
        %dma_wait3A_416 = arith.constant 0 : i32
        %dma_wait3A_417 = arith.constant 0 : i32
        %dma_wait3A_418 = tpu.memref_slice %arg10[%dma_wait3A_416, %dma_wait3A_417] : memref<10240x64xf32, #tpu.memory_space<vmem_shared>> -> memref<10240x64xf32, #tpu.memory_space<vmem_shared>>
        tpu.wait_indirect_dma semaphore(%arg19 : memref<!tpu.dma_semaphore, #tpu.memory_space<semaphore_mem>>) src(%dma_wait3A_412 : memref<80x64xf32, #tpu.memory_space<vmem>>) dst(%dma_wait3A_418 : memref<10240x64xf32, #tpu.memory_space<vmem_shared>>)
        %add3A_419 = arith.constant 5 : i32
        %add3A_420 = arith.addi %mul3A_233, %add3A_419 : i32
        %add3A_421 = arith.constant 3 : i32
        %add3A_422 = arith.addi %add3A_420, %add3A_421 : i32
        %dma_start3A_423 = arith.constant 3 : i32
        %dma_start3A_424 = arith.constant 0 : i32
        %dma_start3A_425 = arith.constant 0 : i32
        %dma_start3A_426 = tpu.memref_slice %arg8[%dma_start3A_423, %dma_start3A_424, %dma_start3A_425] : memref<5x80x64xf32, #tpu.memory_space<vmem>> -> memref<1x80x64xf32, #tpu.memory_space<vmem>>
        %dma_start3A_427 = tpu.memref_squeeze %dma_start3A_426 : memref<1x80x64xf32, #tpu.memory_space<vmem>> -> memref<80x64xf32, #tpu.memory_space<vmem>>
        %dma_start3A_428 = arith.constant 0 : i32
        %dma_start3A_429 = tpu.memref_slice %arg6[%add3A_422, %dma_start3A_428] : memref<250x80xi32, #tpu.memory_space<vmem>> -> memref<1x80xi32, #tpu.memory_space<vmem>>
        %dma_start3A_430 = tpu.memref_squeeze %dma_start3A_429 : memref<1x80xi32, #tpu.memory_space<vmem>> -> memref<80xi32, #tpu.memory_space<vmem>>
        %dma_start3A_431 = arith.constant 0 : i32
        %dma_start3A_432 = arith.constant 0 : i32
        %dma_start3A_433 = tpu.memref_slice %arg2[%arg0, %dma_start3A_431, %dma_start3A_432] : memref<2x10000x64xf32, #tpu.memory_space<hbm>> -> memref<1x10000x64xf32, #tpu.memory_space<hbm>>
        %dma_start3A_434 = tpu.memref_squeeze %dma_start3A_433 : memref<1x10000x64xf32, #tpu.memory_space<hbm>> -> memref<10000x64xf32, #tpu.memory_space<hbm>>
        %dma_start3A_435 = arith.constant 0 : i32
        %dma_start3A_436 = arith.constant 0 : i32
        %dma_start3A_437 = tpu.memref_slice %dma_start3A_434[%dma_start3A_435, %dma_start3A_436] : memref<10000x64xf32, #tpu.memory_space<hbm>> -> memref<10000x64xf32, #tpu.memory_space<hbm>>
        tpu.enqueue_indirect_dma source(%dma_start3A_437 : memref<10000x64xf32, #tpu.memory_space<hbm>>) target(%dma_start3A_427 : memref<80x64xf32, #tpu.memory_space<vmem>>) offsets(%dma_start3A_430 : memref<80xi32, #tpu.memory_space<vmem>>) semaphore(%arg14 : memref<!tpu.dma_semaphore, #tpu.memory_space<semaphore_mem>>)
      } else {
      }
      %lt3A_401 = arith.constant 49 : i32
      %lt3A_402 = arith.cmpi slt, %scan3A_231, %lt3A_401 : i32
      %convert_element_type3A_403 = arith.extui %lt3A_402 : i1 to i32
      %cond3A_404 = arith.constant 0 : i32
      %cond3A_405 = arith.cmpi ne, %convert_element_type3A_403, %cond3A_404 : i32
      scf.if %cond3A_405 {
        %add3A_406 = arith.constant 4 : i32
        %add3A_407 = arith.addi %mul3A_233, %add3A_406 : i32
        %dma_wait3A_408 = arith.constant 4 : i32
        %dma_wait3A_409 = arith.constant 0 : i32
        %dma_wait3A_410 = arith.constant 0 : i32
        %dma_wait3A_411 = tpu.memref_slice %arg8[%dma_wait3A_408, %dma_wait3A_409, %dma_wait3A_410] : memref<5x80x64xf32, #tpu.memory_space<vmem>> -> memref<1x80x64xf32, #tpu.memory_space<vmem>>
        %dma_wait3A_412 = tpu.memref_squeeze %dma_wait3A_411 : memref<1x80x64xf32, #tpu.memory_space<vmem>> -> memref<80x64xf32, #tpu.memory_space<vmem>>
        %dma_wait3A_413 = arith.constant 0 : i32
        %dma_wait3A_414 = tpu.memref_slice %arg7[%add3A_407, %dma_wait3A_413] : memref<250x80xi32, #tpu.memory_space<vmem>> -> memref<1x80xi32, #tpu.memory_space<vmem>>
        %dma_wait3A_415 = tpu.memref_squeeze %dma_wait3A_414 : memref<1x80xi32, #tpu.memory_space<vmem>> -> memref<80xi32, #tpu.memory_space<vmem>>
        %dma_wait3A_416 = arith.constant 0 : i32
        %dma_wait3A_417 = arith.constant 0 : i32
        %dma_wait3A_418 = tpu.memref_slice %arg10[%dma_wait3A_416, %dma_wait3A_417] : memref<10240x64xf32, #tpu.memory_space<vmem_shared>> -> memref<10240x64xf32, #tpu.memory_space<vmem_shared>>
        tpu.wait_indirect_dma semaphore(%arg20 : memref<!tpu.dma_semaphore, #tpu.memory_space<semaphore_mem>>) src(%dma_wait3A_412 : memref<80x64xf32, #tpu.memory_space<vmem>>) dst(%dma_wait3A_418 : memref<10240x64xf32, #tpu.memory_space<vmem_shared>>)
        %add3A_419 = arith.constant 5 : i32
        %add3A_420 = arith.addi %mul3A_233, %add3A_419 : i32
        %add3A_421 = arith.constant 4 : i32
        %add3A_422 = arith.addi %add3A_420, %add3A_421 : i32
        %dma_start3A_423 = arith.constant 4 : i32
        %dma_start3A_424 = arith.constant 0 : i32
        %dma_start3A_425 = arith.constant 0 : i32
        %dma_start3A_426 = tpu.memref_slice %arg8[%dma_start3A_423, %dma_start3A_424, %dma_start3A_425] : memref<5x80x64xf32, #tpu.memory_space<vmem>> -> memref<1x80x64xf32, #tpu.memory_space<vmem>>
        %dma_start3A_427 = tpu.memref_squeeze %dma_start3A_426 : memref<1x80x64xf32, #tpu.memory_space<vmem>> -> memref<80x64xf32, #tpu.memory_space<vmem>>
        %dma_start3A_428 = arith.constant 0 : i32
        %dma_start3A_429 = tpu.memref_slice %arg6[%add3A_422, %dma_start3A_428] : memref<250x80xi32, #tpu.memory_space<vmem>> -> memref<1x80xi32, #tpu.memory_space<vmem>>
        %dma_start3A_430 = tpu.memref_squeeze %dma_start3A_429 : memref<1x80xi32, #tpu.memory_space<vmem>> -> memref<80xi32, #tpu.memory_space<vmem>>
        %dma_start3A_431 = arith.constant 0 : i32
        %dma_start3A_432 = arith.constant 0 : i32
        %dma_start3A_433 = tpu.memref_slice %arg2[%arg0, %dma_start3A_431, %dma_start3A_432] : memref<2x10000x64xf32, #tpu.memory_space<hbm>> -> memref<1x10000x64xf32, #tpu.memory_space<hbm>>
        %dma_start3A_434 = tpu.memref_squeeze %dma_start3A_433 : memref<1x10000x64xf32, #tpu.memory_space<hbm>> -> memref<10000x64xf32, #tpu.memory_space<hbm>>
        %dma_start3A_435 = arith.constant 0 : i32
        %dma_start3A_436 = arith.constant 0 : i32
        %dma_start3A_437 = tpu.memref_slice %dma_start3A_434[%dma_start3A_435, %dma_start3A_436] : memref<10000x64xf32, #tpu.memory_space<hbm>> -> memref<10000x64xf32, #tpu.memory_space<hbm>>
        tpu.enqueue_indirect_dma source(%dma_start3A_437 : memref<10000x64xf32, #tpu.memory_space<hbm>>) target(%dma_start3A_427 : memref<80x64xf32, #tpu.memory_space<vmem>>) offsets(%dma_start3A_430 : memref<80xi32, #tpu.memory_space<vmem>>) semaphore(%arg15 : memref<!tpu.dma_semaphore, #tpu.memory_space<semaphore_mem>>)
      } else {
      }
    }
    %scan3A_170 = arith.constant 50 : i32
    %dma_wait3A = arith.constant 0 : i32
    %dma_wait3A_171 = arith.constant 245 : i32
    %dma_wait3A_172 = arith.constant 0 : i32
    %dma_wait3A_173 = arith.constant 0 : i32
    %dma_wait3A_174 = tpu.memref_slice %arg8[%dma_wait3A, %dma_wait3A_172, %dma_wait3A_173] : memref<5x80x64xf32, #tpu.memory_space<vmem>> -> memref<1x80x64xf32, #tpu.memory_space<vmem>>
    %dma_wait3A_175 = tpu.memref_squeeze %dma_wait3A_174 : memref<1x80x64xf32, #tpu.memory_space<vmem>> -> memref<80x64xf32, #tpu.memory_space<vmem>>
    %dma_wait3A_176 = arith.constant 0 : i32
    %dma_wait3A_177 = tpu.memref_slice %arg7[%dma_wait3A_171, %dma_wait3A_176] : memref<250x80xi32, #tpu.memory_space<vmem>> -> memref<1x80xi32, #tpu.memory_space<vmem>>
    %dma_wait3A_178 = tpu.memref_squeeze %dma_wait3A_177 : memref<1x80xi32, #tpu.memory_space<vmem>> -> memref<80xi32, #tpu.memory_space<vmem>>
    %dma_wait3A_179 = arith.constant 0 : i32
    %dma_wait3A_180 = arith.constant 0 : i32
    %dma_wait3A_181 = tpu.memref_slice %arg10[%dma_wait3A_179, %dma_wait3A_180] : memref<10240x64xf32, #tpu.memory_space<vmem_shared>> -> memref<10240x64xf32, #tpu.memory_space<vmem_shared>>
    tpu.wait_indirect_dma semaphore(%arg16 : memref<!tpu.dma_semaphore, #tpu.memory_space<semaphore_mem>>) src(%dma_wait3A_175 : memref<80x64xf32, #tpu.memory_space<vmem>>) dst(%dma_wait3A_181 : memref<10240x64xf32, #tpu.memory_space<vmem_shared>>)
    %dma_wait3A_182 = arith.constant 1 : i32
    %dma_wait3A_183 = arith.constant 246 : i32
    %dma_wait3A_184 = arith.constant 0 : i32
    %dma_wait3A_185 = arith.constant 0 : i32
    %dma_wait3A_186 = tpu.memref_slice %arg8[%dma_wait3A_182, %dma_wait3A_184, %dma_wait3A_185] : memref<5x80x64xf32, #tpu.memory_space<vmem>> -> memref<1x80x64xf32, #tpu.memory_space<vmem>>
    %dma_wait3A_187 = tpu.memref_squeeze %dma_wait3A_186 : memref<1x80x64xf32, #tpu.memory_space<vmem>> -> memref<80x64xf32, #tpu.memory_space<vmem>>
    %dma_wait3A_188 = arith.constant 0 : i32
    %dma_wait3A_189 = tpu.memref_slice %arg7[%dma_wait3A_183, %dma_wait3A_188] : memref<250x80xi32, #tpu.memory_space<vmem>> -> memref<1x80xi32, #tpu.memory_space<vmem>>
    %dma_wait3A_190 = tpu.memref_squeeze %dma_wait3A_189 : memref<1x80xi32, #tpu.memory_space<vmem>> -> memref<80xi32, #tpu.memory_space<vmem>>
    %dma_wait3A_191 = arith.constant 0 : i32
    %dma_wait3A_192 = arith.constant 0 : i32
    %dma_wait3A_193 = tpu.memref_slice %arg10[%dma_wait3A_191, %dma_wait3A_192] : memref<10240x64xf32, #tpu.memory_space<vmem_shared>> -> memref<10240x64xf32, #tpu.memory_space<vmem_shared>>
    tpu.wait_indirect_dma semaphore(%arg17 : memref<!tpu.dma_semaphore, #tpu.memory_space<semaphore_mem>>) src(%dma_wait3A_187 : memref<80x64xf32, #tpu.memory_space<vmem>>) dst(%dma_wait3A_193 : memref<10240x64xf32, #tpu.memory_space<vmem_shared>>)
    %dma_wait3A_194 = arith.constant 2 : i32
    %dma_wait3A_195 = arith.constant 247 : i32
    %dma_wait3A_196 = arith.constant 0 : i32
    %dma_wait3A_197 = arith.constant 0 : i32
    %dma_wait3A_198 = tpu.memref_slice %arg8[%dma_wait3A_194, %dma_wait3A_196, %dma_wait3A_197] : memref<5x80x64xf32, #tpu.memory_space<vmem>> -> memref<1x80x64xf32, #tpu.memory_space<vmem>>
    %dma_wait3A_199 = tpu.memref_squeeze %dma_wait3A_198 : memref<1x80x64xf32, #tpu.memory_space<vmem>> -> memref<80x64xf32, #tpu.memory_space<vmem>>
    %dma_wait3A_200 = arith.constant 0 : i32
    %dma_wait3A_201 = tpu.memref_slice %arg7[%dma_wait3A_195, %dma_wait3A_200] : memref<250x80xi32, #tpu.memory_space<vmem>> -> memref<1x80xi32, #tpu.memory_space<vmem>>
    %dma_wait3A_202 = tpu.memref_squeeze %dma_wait3A_201 : memref<1x80xi32, #tpu.memory_space<vmem>> -> memref<80xi32, #tpu.memory_space<vmem>>
    %dma_wait3A_203 = arith.constant 0 : i32
    %dma_wait3A_204 = arith.constant 0 : i32
    %dma_wait3A_205 = tpu.memref_slice %arg10[%dma_wait3A_203, %dma_wait3A_204] : memref<10240x64xf32, #tpu.memory_space<vmem_shared>> -> memref<10240x64xf32, #tpu.memory_space<vmem_shared>>
    tpu.wait_indirect_dma semaphore(%arg18 : memref<!tpu.dma_semaphore, #tpu.memory_space<semaphore_mem>>) src(%dma_wait3A_199 : memref<80x64xf32, #tpu.memory_space<vmem>>) dst(%dma_wait3A_205 : memref<10240x64xf32, #tpu.memory_space<vmem_shared>>)
    %dma_wait3A_206 = arith.constant 3 : i32
    %dma_wait3A_207 = arith.constant 248 : i32
    %dma_wait3A_208 = arith.constant 0 : i32
    %dma_wait3A_209 = arith.constant 0 : i32
    %dma_wait3A_210 = tpu.memref_slice %arg8[%dma_wait3A_206, %dma_wait3A_208, %dma_wait3A_209] : memref<5x80x64xf32, #tpu.memory_space<vmem>> -> memref<1x80x64xf32, #tpu.memory_space<vmem>>
    %dma_wait3A_211 = tpu.memref_squeeze %dma_wait3A_210 : memref<1x80x64xf32, #tpu.memory_space<vmem>> -> memref<80x64xf32, #tpu.memory_space<vmem>>
    %dma_wait3A_212 = arith.constant 0 : i32
    %dma_wait3A_213 = tpu.memref_slice %arg7[%dma_wait3A_207, %dma_wait3A_212] : memref<250x80xi32, #tpu.memory_space<vmem>> -> memref<1x80xi32, #tpu.memory_space<vmem>>
    %dma_wait3A_214 = tpu.memref_squeeze %dma_wait3A_213 : memref<1x80xi32, #tpu.memory_space<vmem>> -> memref<80xi32, #tpu.memory_space<vmem>>
    %dma_wait3A_215 = arith.constant 0 : i32
    %dma_wait3A_216 = arith.constant 0 : i32
    %dma_wait3A_217 = tpu.memref_slice %arg10[%dma_wait3A_215, %dma_wait3A_216] : memref<10240x64xf32, #tpu.memory_space<vmem_shared>> -> memref<10240x64xf32, #tpu.memory_space<vmem_shared>>
    tpu.wait_indirect_dma semaphore(%arg19 : memref<!tpu.dma_semaphore, #tpu.memory_space<semaphore_mem>>) src(%dma_wait3A_211 : memref<80x64xf32, #tpu.memory_space<vmem>>) dst(%dma_wait3A_217 : memref<10240x64xf32, #tpu.memory_space<vmem_shared>>)
    %dma_wait3A_218 = arith.constant 4 : i32
    %dma_wait3A_219 = arith.constant 249 : i32
    %dma_wait3A_220 = arith.constant 0 : i32
    %dma_wait3A_221 = arith.constant 0 : i32
    %dma_wait3A_222 = tpu.memref_slice %arg8[%dma_wait3A_218, %dma_wait3A_220, %dma_wait3A_221] : memref<5x80x64xf32, #tpu.memory_space<vmem>> -> memref<1x80x64xf32, #tpu.memory_space<vmem>>
    %dma_wait3A_223 = tpu.memref_squeeze %dma_wait3A_222 : memref<1x80x64xf32, #tpu.memory_space<vmem>> -> memref<80x64xf32, #tpu.memory_space<vmem>>
    %dma_wait3A_224 = arith.constant 0 : i32
    %dma_wait3A_225 = tpu.memref_slice %arg7[%dma_wait3A_219, %dma_wait3A_224] : memref<250x80xi32, #tpu.memory_space<vmem>> -> memref<1x80xi32, #tpu.memory_space<vmem>>
    %dma_wait3A_226 = tpu.memref_squeeze %dma_wait3A_225 : memref<1x80xi32, #tpu.memory_space<vmem>> -> memref<80xi32, #tpu.memory_space<vmem>>
    %dma_wait3A_227 = arith.constant 0 : i32
    %dma_wait3A_228 = arith.constant 0 : i32
    %dma_wait3A_229 = tpu.memref_slice %arg10[%dma_wait3A_227, %dma_wait3A_228] : memref<10240x64xf32, #tpu.memory_space<vmem_shared>> -> memref<10240x64xf32, #tpu.memory_space<vmem_shared>>
    tpu.wait_indirect_dma semaphore(%arg20 : memref<!tpu.dma_semaphore, #tpu.memory_space<semaphore_mem>>) src(%dma_wait3A_223 : memref<80x64xf32, #tpu.memory_space<vmem>>) dst(%dma_wait3A_229 : memref<10240x64xf32, #tpu.memory_space<vmem_shared>>)
    %barrier3A_230 = arith.constant 0 : index
    tpu.barrier barrier_id(%barrier3A_230)
    "tpu.region"() ({
      %run_scoped3A = tpu.sem_alloc : memref<!tpu.dma_semaphore, #tpu.memory_space<semaphore_mem>>
      %dma_start3A_231 = arith.constant 0 : i32
      %dma_start3A_232 = tpu.memref_slice %arg5[%arg0, %mul3A_6, %dma_start3A_231] : memref<2x10240x64xf32, #tpu.memory_space<hbm>> -> memref<1x640x64xf32, #tpu.memory_space<hbm>>
      %dma_start3A_233 = tpu.memref_squeeze %dma_start3A_232 : memref<1x640x64xf32, #tpu.memory_space<hbm>> -> memref<640x64xf32, #tpu.memory_space<hbm>>
      %dma_start3A_234 = arith.constant 0 : i32
      %dma_start3A_235 = tpu.memref_slice %arg10[%mul3A_6, %dma_start3A_234] : memref<10240x64xf32, #tpu.memory_space<vmem_shared>> -> memref<640x64xf32, #tpu.memory_space<vmem_shared>>
      tpu.enqueue_dma source(%dma_start3A_235 : memref<640x64xf32, #tpu.memory_space<vmem_shared>>) target(%dma_start3A_233 : memref<640x64xf32, #tpu.memory_space<hbm>>) target_semaphore(%run_scoped3A : memref<!tpu.dma_semaphore, #tpu.memory_space<semaphore_mem>>)
      %dma_wait3A_236 = arith.constant 0 : i32
      %dma_wait3A_237 = tpu.memref_slice %arg5[%arg0, %mul3A_6, %dma_wait3A_236] : memref<2x10240x64xf32, #tpu.memory_space<hbm>> -> memref<1x640x64xf32, #tpu.memory_space<hbm>>
      %dma_wait3A_238 = tpu.memref_squeeze %dma_wait3A_237 : memref<1x640x64xf32, #tpu.memory_space<hbm>> -> memref<640x64xf32, #tpu.memory_space<hbm>>
      %dma_wait3A_239 = arith.constant 0 : i32
      %dma_wait3A_240 = tpu.memref_slice %arg10[%mul3A_6, %dma_wait3A_239] : memref<10240x64xf32, #tpu.memory_space<vmem_shared>> -> memref<640x64xf32, #tpu.memory_space<vmem_shared>>
      tpu.wait_dma2 semaphore(%run_scoped3A : memref<!tpu.dma_semaphore, #tpu.memory_space<semaphore_mem>>) src(%dma_wait3A_240 : memref<640x64xf32, #tpu.memory_space<vmem_shared>>) dst(%dma_wait3A_238 : memref<640x64xf32, #tpu.memory_space<hbm>>)
      tpu.yield
    }) : () -> ()
    return
  }
}

#map = affine_map<(d0, d1) -> (0, 0, 0)>
module attributes {stable_mosaic.version = 14 : i64} {
  func.func @_segsum_body(%arg0: i32, %arg1: i32, %arg2: memref<2x10000x64xf32, #tpu.memory_space<hbm>>, %arg3: memref<16x250x80xi32, #tpu.memory_space<hbm>>, %arg4: memref<16x250x80xi32, #tpu.memory_space<hbm>>, %arg5: memref<2x10240x64xf32, #tpu.memory_space<hbm>>, %arg6: memref<250x80xi32, #tpu.memory_space<vmem>>, %arg7: memref<250x80xi32, #tpu.memory_space<vmem>>, %arg8: memref<5x80x64xf32, #tpu.memory_space<vmem>>, %arg9: memref<16x64xf32, #tpu.memory_space<vmem>>, %arg10: memref<10240x64xf32, #tpu.memory_space<vmem_shared>>, %arg11: memref<!tpu.dma_semaphore, #tpu.memory_space<semaphore_mem>>, %arg12: memref<!tpu.dma_semaphore, #tpu.memory_space<semaphore_mem>>, %arg13: memref<!tpu.dma_semaphore, #tpu.memory_space<semaphore_mem>>, %arg14: memref<!tpu.dma_semaphore, #tpu.memory_space<semaphore_mem>>, %arg15: memref<!tpu.dma_semaphore, #tpu.memory_space<semaphore_mem>>, %arg16: memref<!tpu.dma_semaphore, #tpu.memory_space<semaphore_mem>>, %arg17: memref<!tpu.dma_semaphore, #tpu.memory_space<semaphore_mem>>, %arg18: memref<!tpu.dma_semaphore, #tpu.memory_space<semaphore_mem>>, %arg19: memref<!tpu.dma_semaphore, #tpu.memory_space<semaphore_mem>>, %arg20: memref<!tpu.dma_semaphore, #tpu.memory_space<semaphore_mem>>) attributes {dimension_semantics = [#tpu.dimension_semantics<core_parallel>, #tpu.dimension_semantics<subcore_parallel>], iteration_bounds = array<i64: 2, 16>, scalar_prefetch = 0 : i64, scratch_operands = 15 : i64, tpu.core_type = #tpu.core_type<sc_vector_subcore>, window_params = [{transform_indices = #map}, {transform_indices = #map}, {transform_indices = #map}, {transform_indices = #map}]} {
    %broadcast_in_dim3A = arith.constant 0.000000e+00 : f32
    %broadcast_in_dim3A_0 = vector.broadcast %broadcast_in_dim3A : f32 to vector<16xf32>
    %scan3A = arith.constant 0 : i32
    %scan3A_1 = arith.constant 0 : i32
    %scan3A_2 = arith.constant 16 : i32
    %scan3A_3 = arith.addi %scan3A_1, %scan3A_2 : i32
    %scan3A_4 = arith.constant 1 : i32
    scf.for %scan3A_231 = %scan3A_1 to %scan3A_3 step %scan3A_4  : i32 {
      %swap3A = arith.index_cast %scan3A_231 : i32 to index
      %swap3A_232 = arith.constant 0 : index
      %swap3A_233 = tpu.vector_load %arg9[%swap3A, %swap3A_232] {strides = array<i32>} : memref<16x64xf32, #tpu.memory_space<vmem>>, vector<1x16xf32>,
      %swap3A_234 = vector.shape_cast %swap3A_233 : vector<1x16xf32> to vector<16xf32>
      %swap3A_235 = vector.shape_cast %broadcast_in_dim3A_0 : vector<16xf32> to vector<1x16xf32>
      tpu.vector_store %arg9[%swap3A, %swap3A_232], %swap3A_235 {strides = array<i32>} : memref<16x64xf32, #tpu.memory_space<vmem>>, vector<1x16xf32>,
      %swap3A_236 = arith.index_cast %scan3A_231 : i32 to index
      %swap3A_237 = arith.constant 16 : index
      %swap3A_238 = tpu.vector_load %arg9[%swap3A_236, %swap3A_237] {strides = array<i32>} : memref<16x64xf32, #tpu.memory_space<vmem>>, vector<1x16xf32>,
      %swap3A_239 = vector.shape_cast %swap3A_238 : vector<1x16xf32> to vector<16xf32>
      %swap3A_240 = vector.shape_cast %broadcast_in_dim3A_0 : vector<16xf32> to vector<1x16xf32>
      tpu.vector_store %arg9[%swap3A_236, %swap3A_237], %swap3A_240 {strides = array<i32>} : memref<16x64xf32, #tpu.memory_space<vmem>>, vector<1x16xf32>,
      %swap3A_241 = arith.index_cast %scan3A_231 : i32 to index
      %swap3A_242 = arith.constant 32 : index
      %swap3A_243 = tpu.vector_load %arg9[%swap3A_241, %swap3A_242] {strides = array<i32>} : memref<16x64xf32, #tpu.memory_space<vmem>>, vector<1x16xf32>,
      %swap3A_244 = vector.shape_cast %swap3A_243 : vector<1x16xf32> to vector<16xf32>
      %swap3A_245 = vector.shape_cast %broadcast_in_dim3A_0 : vector<16xf32> to vector<1x16xf32>
      tpu.vector_store %arg9[%swap3A_241, %swap3A_242], %swap3A_245 {strides = array<i32>} : memref<16x64xf32, #tpu.memory_space<vmem>>, vector<1x16xf32>,
      %swap3A_246 = arith.index_cast %scan3A_231 : i32 to index
      %swap3A_247 = arith.constant 48 : index
      %swap3A_248 = tpu.vector_load %arg9[%swap3A_246, %swap3A_247] {strides = array<i32>} : memref<16x64xf32, #tpu.memory_space<vmem>>, vector<1x16xf32>,
      %swap3A_249 = vector.shape_cast %swap3A_248 : vector<1x16xf32> to vector<16xf32>
      %swap3A_250 = vector.shape_cast %broadcast_in_dim3A_0 : vector<16xf32> to vector<1x16xf32>
      tpu.vector_store %arg9[%swap3A_246, %swap3A_247], %swap3A_250 {strides = array<i32>} : memref<16x64xf32, #tpu.memory_space<vmem>>, vector<1x16xf32>,
    }
    %scan3A_5 = arith.constant 16 : i32
    %mul3A = arith.constant 640 : i32
    %mul3A_6 = arith.muli %arg1, %mul3A : i32
    %add3A = arith.constant 0 : i32
    %add3A_7 = arith.addi %mul3A_6, %add3A : i32
    "tpu.region"() ({
      %run_scoped3A = tpu.sem_alloc : memref<!tpu.dma_semaphore, #tpu.memory_space<semaphore_mem>>
      %dma_start3A_231 = arith.constant 0 : i32
      %dma_start3A_232 = tpu.memref_slice %arg10[%add3A_7, %dma_start3A_231] : memref<10240x64xf32, #tpu.memory_space<vmem_shared>> -> memref<16x64xf32, #tpu.memory_space<vmem_shared>>
      %dma_start3A_233 = arith.constant 0 : i32
      %dma_start3A_234 = tpu.memref_slice %arg10[%add3A_7, %dma_start3A_233] : memref<10240x64xf32, #tpu.memory_space<vmem_shared>> -> memref<16x64xf32, #tpu.memory_space<vmem_shared>>
      tpu.enqueue_dma source(%arg9 : memref<16x64xf32, #tpu.memory_space<vmem>>) target(%dma_start3A_234 : memref<16x64xf32, #tpu.memory_space<vmem_shared>>) target_semaphore(%run_scoped3A : memref<!tpu.dma_semaphore, #tpu.memory_space<semaphore_mem>>)
      %dma_wait3A_235 = arith.constant 0 : i32
      %dma_wait3A_236 = tpu.memref_slice %arg10[%add3A_7, %dma_wait3A_235] : memref<10240x64xf32, #tpu.memory_space<vmem_shared>> -> memref<16x64xf32, #tpu.memory_space<vmem_shared>>
      %dma_wait3A_237 = arith.constant 0 : i32
      %dma_wait3A_238 = tpu.memref_slice %arg10[%add3A_7, %dma_wait3A_237] : memref<10240x64xf32, #tpu.memory_space<vmem_shared>> -> memref<16x64xf32, #tpu.memory_space<vmem_shared>>
      tpu.wait_dma2 semaphore(%run_scoped3A : memref<!tpu.dma_semaphore, #tpu.memory_space<semaphore_mem>>) src(%arg9 : memref<16x64xf32, #tpu.memory_space<vmem>>) dst(%dma_wait3A_238 : memref<16x64xf32, #tpu.memory_space<vmem_shared>>)
      tpu.yield
    }) : () -> ()
    %add3A_8 = arith.constant 16 : i32
    %add3A_9 = arith.addi %mul3A_6, %add3A_8 : i32
    "tpu.region"() ({
      %run_scoped3A = tpu.sem_alloc : memref<!tpu.dma_semaphore, #tpu.memory_space<semaphore_mem>>
      %dma_start3A_231 = arith.constant 0 : i32
      %dma_start3A_232 = tpu.memref_slice %arg10[%add3A_9, %dma_start3A_231] : memref<10240x64xf32, #tpu.memory_space<vmem_shared>> -> memref<16x64xf32, #tpu.memory_space<vmem_shared>>
      %dma_start3A_233 = arith.constant 0 : i32
      %dma_start3A_234 = tpu.memref_slice %arg10[%add3A_9, %dma_start3A_233] : memref<10240x64xf32, #tpu.memory_space<vmem_shared>> -> memref<16x64xf32, #tpu.memory_space<vmem_shared>>
      tpu.enqueue_dma source(%arg9 : memref<16x64xf32, #tpu.memory_space<vmem>>) target(%dma_start3A_234 : memref<16x64xf32, #tpu.memory_space<vmem_shared>>) target_semaphore(%run_scoped3A : memref<!tpu.dma_semaphore, #tpu.memory_space<semaphore_mem>>)
      %dma_wait3A_235 = arith.constant 0 : i32
      %dma_wait3A_236 = tpu.memref_slice %arg10[%add3A_9, %dma_wait3A_235] : memref<10240x64xf32, #tpu.memory_space<vmem_shared>> -> memref<16x64xf32, #tpu.memory_space<vmem_shared>>
      %dma_wait3A_237 = arith.constant 0 : i32
      %dma_wait3A_238 = tpu.memref_slice %arg10[%add3A_9, %dma_wait3A_237] : memref<10240x64xf32, #tpu.memory_space<vmem_shared>> -> memref<16x64xf32, #tpu.memory_space<vmem_shared>>
      tpu.wait_dma2 semaphore(%run_scoped3A : memref<!tpu.dma_semaphore, #tpu.memory_space<semaphore_mem>>) src(%arg9 : memref<16x64xf32, #tpu.memory_space<vmem>>) dst(%dma_wait3A_238 : memref<16x64xf32, #tpu.memory_space<vmem_shared>>)
      tpu.yield
    }) : () -> ()
    %add3A_10 = arith.constant 32 : i32
    %add3A_11 = arith.addi %mul3A_6, %add3A_10 : i32
    "tpu.region"() ({
      %run_scoped3A = tpu.sem_alloc : memref<!tpu.dma_semaphore, #tpu.memory_space<semaphore_mem>>
      %dma_start3A_231 = arith.constant 0 : i32
      %dma_start3A_232 = tpu.memref_slice %arg10[%add3A_11, %dma_start3A_231] : memref<10240x64xf32, #tpu.memory_space<vmem_shared>> -> memref<16x64xf32, #tpu.memory_space<vmem_shared>>
      %dma_start3A_233 = arith.constant 0 : i32
      %dma_start3A_234 = tpu.memref_slice %arg10[%add3A_11, %dma_start3A_233] : memref<10240x64xf32, #tpu.memory_space<vmem_shared>> -> memref<16x64xf32, #tpu.memory_space<vmem_shared>>
      tpu.enqueue_dma source(%arg9 : memref<16x64xf32, #tpu.memory_space<vmem>>) target(%dma_start3A_234 : memref<16x64xf32, #tpu.memory_space<vmem_shared>>) target_semaphore(%run_scoped3A : memref<!tpu.dma_semaphore, #tpu.memory_space<semaphore_mem>>)
      %dma_wait3A_235 = arith.constant 0 : i32
      %dma_wait3A_236 = tpu.memref_slice %arg10[%add3A_11, %dma_wait3A_235] : memref<10240x64xf32, #tpu.memory_space<vmem_shared>> -> memref<16x64xf32, #tpu.memory_space<vmem_shared>>
      %dma_wait3A_237 = arith.constant 0 : i32
      %dma_wait3A_238 = tpu.memref_slice %arg10[%add3A_11, %dma_wait3A_237] : memref<10240x64xf32, #tpu.memory_space<vmem_shared>> -> memref<16x64xf32, #tpu.memory_space<vmem_shared>>
      tpu.wait_dma2 semaphore(%run_scoped3A : memref<!tpu.dma_semaphore, #tpu.memory_space<semaphore_mem>>) src(%arg9 : memref<16x64xf32, #tpu.memory_space<vmem>>) dst(%dma_wait3A_238 : memref<16x64xf32, #tpu.memory_space<vmem_shared>>)
      tpu.yield
    }) : () -> ()
    %add3A_12 = arith.constant 48 : i32
    %add3A_13 = arith.addi %mul3A_6, %add3A_12 : i32
    "tpu.region"() ({
      %run_scoped3A = tpu.sem_alloc : memref<!tpu.dma_semaphore, #tpu.memory_space<semaphore_mem>>
      %dma_start3A_231 = arith.constant 0 : i32
      %dma_start3A_232 = tpu.memref_slice %arg10[%add3A_13, %dma_start3A_231] : memref<10240x64xf32, #tpu.memory_space<vmem_shared>> -> memref<16x64xf32, #tpu.memory_space<vmem_shared>>
      %dma_start3A_233 = arith.constant 0 : i32
      %dma_start3A_234 = tpu.memref_slice %arg10[%add3A_13, %dma_start3A_233] : memref<10240x64xf32, #tpu.memory_space<vmem_shared>> -> memref<16x64xf32, #tpu.memory_space<vmem_shared>>
      tpu.enqueue_dma source(%arg9 : memref<16x64xf32, #tpu.memory_space<vmem>>) target(%dma_start3A_234 : memref<16x64xf32, #tpu.memory_space<vmem_shared>>) target_semaphore(%run_scoped3A : memref<!tpu.dma_semaphore, #tpu.memory_space<semaphore_mem>>)
      %dma_wait3A_235 = arith.constant 0 : i32
      %dma_wait3A_236 = tpu.memref_slice %arg10[%add3A_13, %dma_wait3A_235] : memref<10240x64xf32, #tpu.memory_space<vmem_shared>> -> memref<16x64xf32, #tpu.memory_space<vmem_shared>>
      %dma_wait3A_237 = arith.constant 0 : i32
      %dma_wait3A_238 = tpu.memref_slice %arg10[%add3A_13, %dma_wait3A_237] : memref<10240x64xf32, #tpu.memory_space<vmem_shared>> -> memref<16x64xf32, #tpu.memory_space<vmem_shared>>
      tpu.wait_dma2 semaphore(%run_scoped3A : memref<!tpu.dma_semaphore, #tpu.memory_space<semaphore_mem>>) src(%arg9 : memref<16x64xf32, #tpu.memory_space<vmem>>) dst(%dma_wait3A_238 : memref<16x64xf32, #tpu.memory_space<vmem_shared>>)
      tpu.yield
    }) : () -> ()
    %add3A_14 = arith.constant 64 : i32
    %add3A_15 = arith.addi %mul3A_6, %add3A_14 : i32
    "tpu.region"() ({
      %run_scoped3A = tpu.sem_alloc : memref<!tpu.dma_semaphore, #tpu.memory_space<semaphore_mem>>
      %dma_start3A_231 = arith.constant 0 : i32
      %dma_start3A_232 = tpu.memref_slice %arg10[%add3A_15, %dma_start3A_231] : memref<10240x64xf32, #tpu.memory_space<vmem_shared>> -> memref<16x64xf32, #tpu.memory_space<vmem_shared>>
      %dma_start3A_233 = arith.constant 0 : i32
      %dma_start3A_234 = tpu.memref_slice %arg10[%add3A_15, %dma_start3A_233] : memref<10240x64xf32, #tpu.memory_space<vmem_shared>> -> memref<16x64xf32, #tpu.memory_space<vmem_shared>>
      tpu.enqueue_dma source(%arg9 : memref<16x64xf32, #tpu.memory_space<vmem>>) target(%dma_start3A_234 : memref<16x64xf32, #tpu.memory_space<vmem_shared>>) target_semaphore(%run_scoped3A : memref<!tpu.dma_semaphore, #tpu.memory_space<semaphore_mem>>)
      %dma_wait3A_235 = arith.constant 0 : i32
      %dma_wait3A_236 = tpu.memref_slice %arg10[%add3A_15, %dma_wait3A_235] : memref<10240x64xf32, #tpu.memory_space<vmem_shared>> -> memref<16x64xf32, #tpu.memory_space<vmem_shared>>
      %dma_wait3A_237 = arith.constant 0 : i32
      %dma_wait3A_238 = tpu.memref_slice %arg10[%add3A_15, %dma_wait3A_237] : memref<10240x64xf32, #tpu.memory_space<vmem_shared>> -> memref<16x64xf32, #tpu.memory_space<vmem_shared>>
      tpu.wait_dma2 semaphore(%run_scoped3A : memref<!tpu.dma_semaphore, #tpu.memory_space<semaphore_mem>>) src(%arg9 : memref<16x64xf32, #tpu.memory_space<vmem>>) dst(%dma_wait3A_238 : memref<16x64xf32, #tpu.memory_space<vmem_shared>>)
      tpu.yield
    }) : () -> ()
    %add3A_16 = arith.constant 80 : i32
    %add3A_17 = arith.addi %mul3A_6, %add3A_16 : i32
    "tpu.region"() ({
      %run_scoped3A = tpu.sem_alloc : memref<!tpu.dma_semaphore, #tpu.memory_space<semaphore_mem>>
      %dma_start3A_231 = arith.constant 0 : i32
      %dma_start3A_232 = tpu.memref_slice %arg10[%add3A_17, %dma_start3A_231] : memref<10240x64xf32, #tpu.memory_space<vmem_shared>> -> memref<16x64xf32, #tpu.memory_space<vmem_shared>>
      %dma_start3A_233 = arith.constant 0 : i32
      %dma_start3A_234 = tpu.memref_slice %arg10[%add3A_17, %dma_start3A_233] : memref<10240x64xf32, #tpu.memory_space<vmem_shared>> -> memref<16x64xf32, #tpu.memory_space<vmem_shared>>
      tpu.enqueue_dma source(%arg9 : memref<16x64xf32, #tpu.memory_space<vmem>>) target(%dma_start3A_234 : memref<16x64xf32, #tpu.memory_space<vmem_shared>>) target_semaphore(%run_scoped3A : memref<!tpu.dma_semaphore, #tpu.memory_space<semaphore_mem>>)
      %dma_wait3A_235 = arith.constant 0 : i32
      %dma_wait3A_236 = tpu.memref_slice %arg10[%add3A_17, %dma_wait3A_235] : memref<10240x64xf32, #tpu.memory_space<vmem_shared>> -> memref<16x64xf32, #tpu.memory_space<vmem_shared>>
      %dma_wait3A_237 = arith.constant 0 : i32
      %dma_wait3A_238 = tpu.memref_slice %arg10[%add3A_17, %dma_wait3A_237] : memref<10240x64xf32, #tpu.memory_space<vmem_shared>> -> memref<16x64xf32, #tpu.memory_space<vmem_shared>>
      tpu.wait_dma2 semaphore(%run_scoped3A : memref<!tpu.dma_semaphore, #tpu.memory_space<semaphore_mem>>) src(%arg9 : memref<16x64xf32, #tpu.memory_space<vmem>>) dst(%dma_wait3A_238 : memref<16x64xf32, #tpu.memory_space<vmem_shared>>)
      tpu.yield
    }) : () -> ()
    %add3A_18 = arith.constant 96 : i32
    %add3A_19 = arith.addi %mul3A_6, %add3A_18 : i32
    "tpu.region"() ({
      %run_scoped3A = tpu.sem_alloc : memref<!tpu.dma_semaphore, #tpu.memory_space<semaphore_mem>>
      %dma_start3A_231 = arith.constant 0 : i32
      %dma_start3A_232 = tpu.memref_slice %arg10[%add3A_19, %dma_start3A_231] : memref<10240x64xf32, #tpu.memory_space<vmem_shared>> -> memref<16x64xf32, #tpu.memory_space<vmem_shared>>
      %dma_start3A_233 = arith.constant 0 : i32
      %dma_start3A_234 = tpu.memref_slice %arg10[%add3A_19, %dma_start3A_233] : memref<10240x64xf32, #tpu.memory_space<vmem_shared>> -> memref<16x64xf32, #tpu.memory_space<vmem_shared>>
      tpu.enqueue_dma source(%arg9 : memref<16x64xf32, #tpu.memory_space<vmem>>) target(%dma_start3A_234 : memref<16x64xf32, #tpu.memory_space<vmem_shared>>) target_semaphore(%run_scoped3A : memref<!tpu.dma_semaphore, #tpu.memory_space<semaphore_mem>>)
      %dma_wait3A_235 = arith.constant 0 : i32
      %dma_wait3A_236 = tpu.memref_slice %arg10[%add3A_19, %dma_wait3A_235] : memref<10240x64xf32, #tpu.memory_space<vmem_shared>> -> memref<16x64xf32, #tpu.memory_space<vmem_shared>>
      %dma_wait3A_237 = arith.constant 0 : i32
      %dma_wait3A_238 = tpu.memref_slice %arg10[%add3A_19, %dma_wait3A_237] : memref<10240x64xf32, #tpu.memory_space<vmem_shared>> -> memref<16x64xf32, #tpu.memory_space<vmem_shared>>
      tpu.wait_dma2 semaphore(%run_scoped3A : memref<!tpu.dma_semaphore, #tpu.memory_space<semaphore_mem>>) src(%arg9 : memref<16x64xf32, #tpu.memory_space<vmem>>) dst(%dma_wait3A_238 : memref<16x64xf32, #tpu.memory_space<vmem_shared>>)
      tpu.yield
    }) : () -> ()
    %add3A_20 = arith.constant 112 : i32
    %add3A_21 = arith.addi %mul3A_6, %add3A_20 : i32
    "tpu.region"() ({
      %run_scoped3A = tpu.sem_alloc : memref<!tpu.dma_semaphore, #tpu.memory_space<semaphore_mem>>
      %dma_start3A_231 = arith.constant 0 : i32
      %dma_start3A_232 = tpu.memref_slice %arg10[%add3A_21, %dma_start3A_231] : memref<10240x64xf32, #tpu.memory_space<vmem_shared>> -> memref<16x64xf32, #tpu.memory_space<vmem_shared>>
      %dma_start3A_233 = arith.constant 0 : i32
      %dma_start3A_234 = tpu.memref_slice %arg10[%add3A_21, %dma_start3A_233] : memref<10240x64xf32, #tpu.memory_space<vmem_shared>> -> memref<16x64xf32, #tpu.memory_space<vmem_shared>>
      tpu.enqueue_dma source(%arg9 : memref<16x64xf32, #tpu.memory_space<vmem>>) target(%dma_start3A_234 : memref<16x64xf32, #tpu.memory_space<vmem_shared>>) target_semaphore(%run_scoped3A : memref<!tpu.dma_semaphore, #tpu.memory_space<semaphore_mem>>)
      %dma_wait3A_235 = arith.constant 0 : i32
      %dma_wait3A_236 = tpu.memref_slice %arg10[%add3A_21, %dma_wait3A_235] : memref<10240x64xf32, #tpu.memory_space<vmem_shared>> -> memref<16x64xf32, #tpu.memory_space<vmem_shared>>
      %dma_wait3A_237 = arith.constant 0 : i32
      %dma_wait3A_238 = tpu.memref_slice %arg10[%add3A_21, %dma_wait3A_237] : memref<10240x64xf32, #tpu.memory_space<vmem_shared>> -> memref<16x64xf32, #tpu.memory_space<vmem_shared>>
      tpu.wait_dma2 semaphore(%run_scoped3A : memref<!tpu.dma_semaphore, #tpu.memory_space<semaphore_mem>>) src(%arg9 : memref<16x64xf32, #tpu.memory_space<vmem>>) dst(%dma_wait3A_238 : memref<16x64xf32, #tpu.memory_space<vmem_shared>>)
      tpu.yield
    }) : () -> ()
    %add3A_22 = arith.constant 128 : i32
    %add3A_23 = arith.addi %mul3A_6, %add3A_22 : i32
    "tpu.region"() ({
      %run_scoped3A = tpu.sem_alloc : memref<!tpu.dma_semaphore, #tpu.memory_space<semaphore_mem>>
      %dma_start3A_231 = arith.constant 0 : i32
      %dma_start3A_232 = tpu.memref_slice %arg10[%add3A_23, %dma_start3A_231] : memref<10240x64xf32, #tpu.memory_space<vmem_shared>> -> memref<16x64xf32, #tpu.memory_space<vmem_shared>>
      %dma_start3A_233 = arith.constant 0 : i32
      %dma_start3A_234 = tpu.memref_slice %arg10[%add3A_23, %dma_start3A_233] : memref<10240x64xf32, #tpu.memory_space<vmem_shared>> -> memref<16x64xf32, #tpu.memory_space<vmem_shared>>
      tpu.enqueue_dma source(%arg9 : memref<16x64xf32, #tpu.memory_space<vmem>>) target(%dma_start3A_234 : memref<16x64xf32, #tpu.memory_space<vmem_shared>>) target_semaphore(%run_scoped3A : memref<!tpu.dma_semaphore, #tpu.memory_space<semaphore_mem>>)
      %dma_wait3A_235 = arith.constant 0 : i32
      %dma_wait3A_236 = tpu.memref_slice %arg10[%add3A_23, %dma_wait3A_235] : memref<10240x64xf32, #tpu.memory_space<vmem_shared>> -> memref<16x64xf32, #tpu.memory_space<vmem_shared>>
      %dma_wait3A_237 = arith.constant 0 : i32
      %dma_wait3A_238 = tpu.memref_slice %arg10[%add3A_23, %dma_wait3A_237] : memref<10240x64xf32, #tpu.memory_space<vmem_shared>> -> memref<16x64xf32, #tpu.memory_space<vmem_shared>>
      tpu.wait_dma2 semaphore(%run_scoped3A : memref<!tpu.dma_semaphore, #tpu.memory_space<semaphore_mem>>) src(%arg9 : memref<16x64xf32, #tpu.memory_space<vmem>>) dst(%dma_wait3A_238 : memref<16x64xf32, #tpu.memory_space<vmem_shared>>)
      tpu.yield
    }) : () -> ()
    %add3A_24 = arith.constant 144 : i32
    %add3A_25 = arith.addi %mul3A_6, %add3A_24 : i32
    "tpu.region"() ({
      %run_scoped3A = tpu.sem_alloc : memref<!tpu.dma_semaphore, #tpu.memory_space<semaphore_mem>>
      %dma_start3A_231 = arith.constant 0 : i32
      %dma_start3A_232 = tpu.memref_slice %arg10[%add3A_25, %dma_start3A_231] : memref<10240x64xf32, #tpu.memory_space<vmem_shared>> -> memref<16x64xf32, #tpu.memory_space<vmem_shared>>
      %dma_start3A_233 = arith.constant 0 : i32
      %dma_start3A_234 = tpu.memref_slice %arg10[%add3A_25, %dma_start3A_233] : memref<10240x64xf32, #tpu.memory_space<vmem_shared>> -> memref<16x64xf32, #tpu.memory_space<vmem_shared>>
      tpu.enqueue_dma source(%arg9 : memref<16x64xf32, #tpu.memory_space<vmem>>) target(%dma_start3A_234 : memref<16x64xf32, #tpu.memory_space<vmem_shared>>) target_semaphore(%run_scoped3A : memref<!tpu.dma_semaphore, #tpu.memory_space<semaphore_mem>>)
      %dma_wait3A_235 = arith.constant 0 : i32
      %dma_wait3A_236 = tpu.memref_slice %arg10[%add3A_25, %dma_wait3A_235] : memref<10240x64xf32, #tpu.memory_space<vmem_shared>> -> memref<16x64xf32, #tpu.memory_space<vmem_shared>>
      %dma_wait3A_237 = arith.constant 0 : i32
      %dma_wait3A_238 = tpu.memref_slice %arg10[%add3A_25, %dma_wait3A_237] : memref<10240x64xf32, #tpu.memory_space<vmem_shared>> -> memref<16x64xf32, #tpu.memory_space<vmem_shared>>
      tpu.wait_dma2 semaphore(%run_scoped3A : memref<!tpu.dma_semaphore, #tpu.memory_space<semaphore_mem>>) src(%arg9 : memref<16x64xf32, #tpu.memory_space<vmem>>) dst(%dma_wait3A_238 : memref<16x64xf32, #tpu.memory_space<vmem_shared>>)
      tpu.yield
    }) : () -> ()
    %add3A_26 = arith.constant 160 : i32
    %add3A_27 = arith.addi %mul3A_6, %add3A_26 : i32
    "tpu.region"() ({
      %run_scoped3A = tpu.sem_alloc : memref<!tpu.dma_semaphore, #tpu.memory_space<semaphore_mem>>
      %dma_start3A_231 = arith.constant 0 : i32
      %dma_start3A_232 = tpu.memref_slice %arg10[%add3A_27, %dma_start3A_231] : memref<10240x64xf32, #tpu.memory_space<vmem_shared>> -> memref<16x64xf32, #tpu.memory_space<vmem_shared>>
      %dma_start3A_233 = arith.constant 0 : i32
      %dma_start3A_234 = tpu.memref_slice %arg10[%add3A_27, %dma_start3A_233] : memref<10240x64xf32, #tpu.memory_space<vmem_shared>> -> memref<16x64xf32, #tpu.memory_space<vmem_shared>>
      tpu.enqueue_dma source(%arg9 : memref<16x64xf32, #tpu.memory_space<vmem>>) target(%dma_start3A_234 : memref<16x64xf32, #tpu.memory_space<vmem_shared>>) target_semaphore(%run_scoped3A : memref<!tpu.dma_semaphore, #tpu.memory_space<semaphore_mem>>)
      %dma_wait3A_235 = arith.constant 0 : i32
      %dma_wait3A_236 = tpu.memref_slice %arg10[%add3A_27, %dma_wait3A_235] : memref<10240x64xf32, #tpu.memory_space<vmem_shared>> -> memref<16x64xf32, #tpu.memory_space<vmem_shared>>
      %dma_wait3A_237 = arith.constant 0 : i32
      %dma_wait3A_238 = tpu.memref_slice %arg10[%add3A_27, %dma_wait3A_237] : memref<10240x64xf32, #tpu.memory_space<vmem_shared>> -> memref<16x64xf32, #tpu.memory_space<vmem_shared>>
      tpu.wait_dma2 semaphore(%run_scoped3A : memref<!tpu.dma_semaphore, #tpu.memory_space<semaphore_mem>>) src(%arg9 : memref<16x64xf32, #tpu.memory_space<vmem>>) dst(%dma_wait3A_238 : memref<16x64xf32, #tpu.memory_space<vmem_shared>>)
      tpu.yield
    }) : () -> ()
    %add3A_28 = arith.constant 176 : i32
    %add3A_29 = arith.addi %mul3A_6, %add3A_28 : i32
    "tpu.region"() ({
      %run_scoped3A = tpu.sem_alloc : memref<!tpu.dma_semaphore, #tpu.memory_space<semaphore_mem>>
      %dma_start3A_231 = arith.constant 0 : i32
      %dma_start3A_232 = tpu.memref_slice %arg10[%add3A_29, %dma_start3A_231] : memref<10240x64xf32, #tpu.memory_space<vmem_shared>> -> memref<16x64xf32, #tpu.memory_space<vmem_shared>>
      %dma_start3A_233 = arith.constant 0 : i32
      %dma_start3A_234 = tpu.memref_slice %arg10[%add3A_29, %dma_start3A_233] : memref<10240x64xf32, #tpu.memory_space<vmem_shared>> -> memref<16x64xf32, #tpu.memory_space<vmem_shared>>
      tpu.enqueue_dma source(%arg9 : memref<16x64xf32, #tpu.memory_space<vmem>>) target(%dma_start3A_234 : memref<16x64xf32, #tpu.memory_space<vmem_shared>>) target_semaphore(%run_scoped3A : memref<!tpu.dma_semaphore, #tpu.memory_space<semaphore_mem>>)
      %dma_wait3A_235 = arith.constant 0 : i32
      %dma_wait3A_236 = tpu.memref_slice %arg10[%add3A_29, %dma_wait3A_235] : memref<10240x64xf32, #tpu.memory_space<vmem_shared>> -> memref<16x64xf32, #tpu.memory_space<vmem_shared>>
      %dma_wait3A_237 = arith.constant 0 : i32
      %dma_wait3A_238 = tpu.memref_slice %arg10[%add3A_29, %dma_wait3A_237] : memref<10240x64xf32, #tpu.memory_space<vmem_shared>> -> memref<16x64xf32, #tpu.memory_space<vmem_shared>>
      tpu.wait_dma2 semaphore(%run_scoped3A : memref<!tpu.dma_semaphore, #tpu.memory_space<semaphore_mem>>) src(%arg9 : memref<16x64xf32, #tpu.memory_space<vmem>>) dst(%dma_wait3A_238 : memref<16x64xf32, #tpu.memory_space<vmem_shared>>)
      tpu.yield
    }) : () -> ()
    %add3A_30 = arith.constant 192 : i32
    %add3A_31 = arith.addi %mul3A_6, %add3A_30 : i32
    "tpu.region"() ({
      %run_scoped3A = tpu.sem_alloc : memref<!tpu.dma_semaphore, #tpu.memory_space<semaphore_mem>>
      %dma_start3A_231 = arith.constant 0 : i32
      %dma_start3A_232 = tpu.memref_slice %arg10[%add3A_31, %dma_start3A_231] : memref<10240x64xf32, #tpu.memory_space<vmem_shared>> -> memref<16x64xf32, #tpu.memory_space<vmem_shared>>
      %dma_start3A_233 = arith.constant 0 : i32
      %dma_start3A_234 = tpu.memref_slice %arg10[%add3A_31, %dma_start3A_233] : memref<10240x64xf32, #tpu.memory_space<vmem_shared>> -> memref<16x64xf32, #tpu.memory_space<vmem_shared>>
      tpu.enqueue_dma source(%arg9 : memref<16x64xf32, #tpu.memory_space<vmem>>) target(%dma_start3A_234 : memref<16x64xf32, #tpu.memory_space<vmem_shared>>) target_semaphore(%run_scoped3A : memref<!tpu.dma_semaphore, #tpu.memory_space<semaphore_mem>>)
      %dma_wait3A_235 = arith.constant 0 : i32
      %dma_wait3A_236 = tpu.memref_slice %arg10[%add3A_31, %dma_wait3A_235] : memref<10240x64xf32, #tpu.memory_space<vmem_shared>> -> memref<16x64xf32, #tpu.memory_space<vmem_shared>>
      %dma_wait3A_237 = arith.constant 0 : i32
      %dma_wait3A_238 = tpu.memref_slice %arg10[%add3A_31, %dma_wait3A_237] : memref<10240x64xf32, #tpu.memory_space<vmem_shared>> -> memref<16x64xf32, #tpu.memory_space<vmem_shared>>
      tpu.wait_dma2 semaphore(%run_scoped3A : memref<!tpu.dma_semaphore, #tpu.memory_space<semaphore_mem>>) src(%arg9 : memref<16x64xf32, #tpu.memory_space<vmem>>) dst(%dma_wait3A_238 : memref<16x64xf32, #tpu.memory_space<vmem_shared>>)
      tpu.yield
    }) : () -> ()
    %add3A_32 = arith.constant 208 : i32
    %add3A_33 = arith.addi %mul3A_6, %add3A_32 : i32
    "tpu.region"() ({
      %run_scoped3A = tpu.sem_alloc : memref<!tpu.dma_semaphore, #tpu.memory_space<semaphore_mem>>
      %dma_start3A_231 = arith.constant 0 : i32
      %dma_start3A_232 = tpu.memref_slice %arg10[%add3A_33, %dma_start3A_231] : memref<10240x64xf32, #tpu.memory_space<vmem_shared>> -> memref<16x64xf32, #tpu.memory_space<vmem_shared>>
      %dma_start3A_233 = arith.constant 0 : i32
      %dma_start3A_234 = tpu.memref_slice %arg10[%add3A_33, %dma_start3A_233] : memref<10240x64xf32, #tpu.memory_space<vmem_shared>> -> memref<16x64xf32, #tpu.memory_space<vmem_shared>>
      tpu.enqueue_dma source(%arg9 : memref<16x64xf32, #tpu.memory_space<vmem>>) target(%dma_start3A_234 : memref<16x64xf32, #tpu.memory_space<vmem_shared>>) target_semaphore(%run_scoped3A : memref<!tpu.dma_semaphore, #tpu.memory_space<semaphore_mem>>)
      %dma_wait3A_235 = arith.constant 0 : i32
      %dma_wait3A_236 = tpu.memref_slice %arg10[%add3A_33, %dma_wait3A_235] : memref<10240x64xf32, #tpu.memory_space<vmem_shared>> -> memref<16x64xf32, #tpu.memory_space<vmem_shared>>
      %dma_wait3A_237 = arith.constant 0 : i32
      %dma_wait3A_238 = tpu.memref_slice %arg10[%add3A_33, %dma_wait3A_237] : memref<10240x64xf32, #tpu.memory_space<vmem_shared>> -> memref<16x64xf32, #tpu.memory_space<vmem_shared>>
      tpu.wait_dma2 semaphore(%run_scoped3A : memref<!tpu.dma_semaphore, #tpu.memory_space<semaphore_mem>>) src(%arg9 : memref<16x64xf32, #tpu.memory_space<vmem>>) dst(%dma_wait3A_238 : memref<16x64xf32, #tpu.memory_space<vmem_shared>>)
      tpu.yield
    }) : () -> ()
    %add3A_34 = arith.constant 224 : i32
    %add3A_35 = arith.addi %mul3A_6, %add3A_34 : i32
    "tpu.region"() ({
      %run_scoped3A = tpu.sem_alloc : memref<!tpu.dma_semaphore, #tpu.memory_space<semaphore_mem>>
      %dma_start3A_231 = arith.constant 0 : i32
      %dma_start3A_232 = tpu.memref_slice %arg10[%add3A_35, %dma_start3A_231] : memref<10240x64xf32, #tpu.memory_space<vmem_shared>> -> memref<16x64xf32, #tpu.memory_space<vmem_shared>>
      %dma_start3A_233 = arith.constant 0 : i32
      %dma_start3A_234 = tpu.memref_slice %arg10[%add3A_35, %dma_start3A_233] : memref<10240x64xf32, #tpu.memory_space<vmem_shared>> -> memref<16x64xf32, #tpu.memory_space<vmem_shared>>
      tpu.enqueue_dma source(%arg9 : memref<16x64xf32, #tpu.memory_space<vmem>>) target(%dma_start3A_234 : memref<16x64xf32, #tpu.memory_space<vmem_shared>>) target_semaphore(%run_scoped3A : memref<!tpu.dma_semaphore, #tpu.memory_space<semaphore_mem>>)
      %dma_wait3A_235 = arith.constant 0 : i32
      %dma_wait3A_236 = tpu.memref_slice %arg10[%add3A_35, %dma_wait3A_235] : memref<10240x64xf32, #tpu.memory_space<vmem_shared>> -> memref<16x64xf32, #tpu.memory_space<vmem_shared>>
      %dma_wait3A_237 = arith.constant 0 : i32
      %dma_wait3A_238 = tpu.memref_slice %arg10[%add3A_35, %dma_wait3A_237] : memref<10240x64xf32, #tpu.memory_space<vmem_shared>> -> memref<16x64xf32, #tpu.memory_space<vmem_shared>>
      tpu.wait_dma2 semaphore(%run_scoped3A : memref<!tpu.dma_semaphore, #tpu.memory_space<semaphore_mem>>) src(%arg9 : memref<16x64xf32, #tpu.memory_space<vmem>>) dst(%dma_wait3A_238 : memref<16x64xf32, #tpu.memory_space<vmem_shared>>)
      tpu.yield
    }) : () -> ()
    %add3A_36 = arith.constant 240 : i32
    %add3A_37 = arith.addi %mul3A_6, %add3A_36 : i32
    "tpu.region"() ({
      %run_scoped3A = tpu.sem_alloc : memref<!tpu.dma_semaphore, #tpu.memory_space<semaphore_mem>>
      %dma_start3A_231 = arith.constant 0 : i32
      %dma_start3A_232 = tpu.memref_slice %arg10[%add3A_37, %dma_start3A_231] : memref<10240x64xf32, #tpu.memory_space<vmem_shared>> -> memref<16x64xf32, #tpu.memory_space<vmem_shared>>
      %dma_start3A_233 = arith.constant 0 : i32
      %dma_start3A_234 = tpu.memref_slice %arg10[%add3A_37, %dma_start3A_233] : memref<10240x64xf32, #tpu.memory_space<vmem_shared>> -> memref<16x64xf32, #tpu.memory_space<vmem_shared>>
      tpu.enqueue_dma source(%arg9 : memref<16x64xf32, #tpu.memory_space<vmem>>) target(%dma_start3A_234 : memref<16x64xf32, #tpu.memory_space<vmem_shared>>) target_semaphore(%run_scoped3A : memref<!tpu.dma_semaphore, #tpu.memory_space<semaphore_mem>>)
      %dma_wait3A_235 = arith.constant 0 : i32
      %dma_wait3A_236 = tpu.memref_slice %arg10[%add3A_37, %dma_wait3A_235] : memref<10240x64xf32, #tpu.memory_space<vmem_shared>> -> memref<16x64xf32, #tpu.memory_space<vmem_shared>>
      %dma_wait3A_237 = arith.constant 0 : i32
      %dma_wait3A_238 = tpu.memref_slice %arg10[%add3A_37, %dma_wait3A_237] : memref<10240x64xf32, #tpu.memory_space<vmem_shared>> -> memref<16x64xf32, #tpu.memory_space<vmem_shared>>
      tpu.wait_dma2 semaphore(%run_scoped3A : memref<!tpu.dma_semaphore, #tpu.memory_space<semaphore_mem>>) src(%arg9 : memref<16x64xf32, #tpu.memory_space<vmem>>) dst(%dma_wait3A_238 : memref<16x64xf32, #tpu.memory_space<vmem_shared>>)
      tpu.yield
    }) : () -> ()
    %add3A_38 = arith.constant 256 : i32
    %add3A_39 = arith.addi %mul3A_6, %add3A_38 : i32
    "tpu.region"() ({
      %run_scoped3A = tpu.sem_alloc : memref<!tpu.dma_semaphore, #tpu.memory_space<semaphore_mem>>
      %dma_start3A_231 = arith.constant 0 : i32
      %dma_start3A_232 = tpu.memref_slice %arg10[%add3A_39, %dma_start3A_231] : memref<10240x64xf32, #tpu.memory_space<vmem_shared>> -> memref<16x64xf32, #tpu.memory_space<vmem_shared>>
      %dma_start3A_233 = arith.constant 0 : i32
      %dma_start3A_234 = tpu.memref_slice %arg10[%add3A_39, %dma_start3A_233] : memref<10240x64xf32, #tpu.memory_space<vmem_shared>> -> memref<16x64xf32, #tpu.memory_space<vmem_shared>>
      tpu.enqueue_dma source(%arg9 : memref<16x64xf32, #tpu.memory_space<vmem>>) target(%dma_start3A_234 : memref<16x64xf32, #tpu.memory_space<vmem_shared>>) target_semaphore(%run_scoped3A : memref<!tpu.dma_semaphore, #tpu.memory_space<semaphore_mem>>)
      %dma_wait3A_235 = arith.constant 0 : i32
      %dma_wait3A_236 = tpu.memref_slice %arg10[%add3A_39, %dma_wait3A_235] : memref<10240x64xf32, #tpu.memory_space<vmem_shared>> -> memref<16x64xf32, #tpu.memory_space<vmem_shared>>
      %dma_wait3A_237 = arith.constant 0 : i32
      %dma_wait3A_238 = tpu.memref_slice %arg10[%add3A_39, %dma_wait3A_237] : memref<10240x64xf32, #tpu.memory_space<vmem_shared>> -> memref<16x64xf32, #tpu.memory_space<vmem_shared>>
      tpu.wait_dma2 semaphore(%run_scoped3A : memref<!tpu.dma_semaphore, #tpu.memory_space<semaphore_mem>>) src(%arg9 : memref<16x64xf32, #tpu.memory_space<vmem>>) dst(%dma_wait3A_238 : memref<16x64xf32, #tpu.memory_space<vmem_shared>>)
      tpu.yield
    }) : () -> ()
    %add3A_40 = arith.constant 272 : i32
    %add3A_41 = arith.addi %mul3A_6, %add3A_40 : i32
    "tpu.region"() ({
      %run_scoped3A = tpu.sem_alloc : memref<!tpu.dma_semaphore, #tpu.memory_space<semaphore_mem>>
      %dma_start3A_231 = arith.constant 0 : i32
      %dma_start3A_232 = tpu.memref_slice %arg10[%add3A_41, %dma_start3A_231] : memref<10240x64xf32, #tpu.memory_space<vmem_shared>> -> memref<16x64xf32, #tpu.memory_space<vmem_shared>>
      %dma_start3A_233 = arith.constant 0 : i32
      %dma_start3A_234 = tpu.memref_slice %arg10[%add3A_41, %dma_start3A_233] : memref<10240x64xf32, #tpu.memory_space<vmem_shared>> -> memref<16x64xf32, #tpu.memory_space<vmem_shared>>
      tpu.enqueue_dma source(%arg9 : memref<16x64xf32, #tpu.memory_space<vmem>>) target(%dma_start3A_234 : memref<16x64xf32, #tpu.memory_space<vmem_shared>>) target_semaphore(%run_scoped3A : memref<!tpu.dma_semaphore, #tpu.memory_space<semaphore_mem>>)
      %dma_wait3A_235 = arith.constant 0 : i32
      %dma_wait3A_236 = tpu.memref_slice %arg10[%add3A_41, %dma_wait3A_235] : memref<10240x64xf32, #tpu.memory_space<vmem_shared>> -> memref<16x64xf32, #tpu.memory_space<vmem_shared>>
      %dma_wait3A_237 = arith.constant 0 : i32
      %dma_wait3A_238 = tpu.memref_slice %arg10[%add3A_41, %dma_wait3A_237] : memref<10240x64xf32, #tpu.memory_space<vmem_shared>> -> memref<16x64xf32, #tpu.memory_space<vmem_shared>>
      tpu.wait_dma2 semaphore(%run_scoped3A : memref<!tpu.dma_semaphore, #tpu.memory_space<semaphore_mem>>) src(%arg9 : memref<16x64xf32, #tpu.memory_space<vmem>>) dst(%dma_wait3A_238 : memref<16x64xf32, #tpu.memory_space<vmem_shared>>)
      tpu.yield
    }) : () -> ()
    %add3A_42 = arith.constant 288 : i32
    %add3A_43 = arith.addi %mul3A_6, %add3A_42 : i32
    "tpu.region"() ({
      %run_scoped3A = tpu.sem_alloc : memref<!tpu.dma_semaphore, #tpu.memory_space<semaphore_mem>>
      %dma_start3A_231 = arith.constant 0 : i32
      %dma_start3A_232 = tpu.memref_slice %arg10[%add3A_43, %dma_start3A_231] : memref<10240x64xf32, #tpu.memory_space<vmem_shared>> -> memref<16x64xf32, #tpu.memory_space<vmem_shared>>
      %dma_start3A_233 = arith.constant 0 : i32
      %dma_start3A_234 = tpu.memref_slice %arg10[%add3A_43, %dma_start3A_233] : memref<10240x64xf32, #tpu.memory_space<vmem_shared>> -> memref<16x64xf32, #tpu.memory_space<vmem_shared>>
      tpu.enqueue_dma source(%arg9 : memref<16x64xf32, #tpu.memory_space<vmem>>) target(%dma_start3A_234 : memref<16x64xf32, #tpu.memory_space<vmem_shared>>) target_semaphore(%run_scoped3A : memref<!tpu.dma_semaphore, #tpu.memory_space<semaphore_mem>>)
      %dma_wait3A_235 = arith.constant 0 : i32
      %dma_wait3A_236 = tpu.memref_slice %arg10[%add3A_43, %dma_wait3A_235] : memref<10240x64xf32, #tpu.memory_space<vmem_shared>> -> memref<16x64xf32, #tpu.memory_space<vmem_shared>>
      %dma_wait3A_237 = arith.constant 0 : i32
      %dma_wait3A_238 = tpu.memref_slice %arg10[%add3A_43, %dma_wait3A_237] : memref<10240x64xf32, #tpu.memory_space<vmem_shared>> -> memref<16x64xf32, #tpu.memory_space<vmem_shared>>
      tpu.wait_dma2 semaphore(%run_scoped3A : memref<!tpu.dma_semaphore, #tpu.memory_space<semaphore_mem>>) src(%arg9 : memref<16x64xf32, #tpu.memory_space<vmem>>) dst(%dma_wait3A_238 : memref<16x64xf32, #tpu.memory_space<vmem_shared>>)
      tpu.yield
    }) : () -> ()
    %add3A_44 = arith.constant 304 : i32
    %add3A_45 = arith.addi %mul3A_6, %add3A_44 : i32
    "tpu.region"() ({
      %run_scoped3A = tpu.sem_alloc : memref<!tpu.dma_semaphore, #tpu.memory_space<semaphore_mem>>
      %dma_start3A_231 = arith.constant 0 : i32
      %dma_start3A_232 = tpu.memref_slice %arg10[%add3A_45, %dma_start3A_231] : memref<10240x64xf32, #tpu.memory_space<vmem_shared>> -> memref<16x64xf32, #tpu.memory_space<vmem_shared>>
      %dma_start3A_233 = arith.constant 0 : i32
      %dma_start3A_234 = tpu.memref_slice %arg10[%add3A_45, %dma_start3A_233] : memref<10240x64xf32, #tpu.memory_space<vmem_shared>> -> memref<16x64xf32, #tpu.memory_space<vmem_shared>>
      tpu.enqueue_dma source(%arg9 : memref<16x64xf32, #tpu.memory_space<vmem>>) target(%dma_start3A_234 : memref<16x64xf32, #tpu.memory_space<vmem_shared>>) target_semaphore(%run_scoped3A : memref<!tpu.dma_semaphore, #tpu.memory_space<semaphore_mem>>)
      %dma_wait3A_235 = arith.constant 0 : i32
      %dma_wait3A_236 = tpu.memref_slice %arg10[%add3A_45, %dma_wait3A_235] : memref<10240x64xf32, #tpu.memory_space<vmem_shared>> -> memref<16x64xf32, #tpu.memory_space<vmem_shared>>
      %dma_wait3A_237 = arith.constant 0 : i32
      %dma_wait3A_238 = tpu.memref_slice %arg10[%add3A_45, %dma_wait3A_237] : memref<10240x64xf32, #tpu.memory_space<vmem_shared>> -> memref<16x64xf32, #tpu.memory_space<vmem_shared>>
      tpu.wait_dma2 semaphore(%run_scoped3A : memref<!tpu.dma_semaphore, #tpu.memory_space<semaphore_mem>>) src(%arg9 : memref<16x64xf32, #tpu.memory_space<vmem>>) dst(%dma_wait3A_238 : memref<16x64xf32, #tpu.memory_space<vmem_shared>>)
      tpu.yield
    }) : () -> ()
    %add3A_46 = arith.constant 320 : i32
    %add3A_47 = arith.addi %mul3A_6, %add3A_46 : i32
    "tpu.region"() ({
      %run_scoped3A = tpu.sem_alloc : memref<!tpu.dma_semaphore, #tpu.memory_space<semaphore_mem>>
      %dma_start3A_231 = arith.constant 0 : i32
      %dma_start3A_232 = tpu.memref_slice %arg10[%add3A_47, %dma_start3A_231] : memref<10240x64xf32, #tpu.memory_space<vmem_shared>> -> memref<16x64xf32, #tpu.memory_space<vmem_shared>>
      %dma_start3A_233 = arith.constant 0 : i32
      %dma_start3A_234 = tpu.memref_slice %arg10[%add3A_47, %dma_start3A_233] : memref<10240x64xf32, #tpu.memory_space<vmem_shared>> -> memref<16x64xf32, #tpu.memory_space<vmem_shared>>
      tpu.enqueue_dma source(%arg9 : memref<16x64xf32, #tpu.memory_space<vmem>>) target(%dma_start3A_234 : memref<16x64xf32, #tpu.memory_space<vmem_shared>>) target_semaphore(%run_scoped3A : memref<!tpu.dma_semaphore, #tpu.memory_space<semaphore_mem>>)
      %dma_wait3A_235 = arith.constant 0 : i32
      %dma_wait3A_236 = tpu.memref_slice %arg10[%add3A_47, %dma_wait3A_235] : memref<10240x64xf32, #tpu.memory_space<vmem_shared>> -> memref<16x64xf32, #tpu.memory_space<vmem_shared>>
      %dma_wait3A_237 = arith.constant 0 : i32
      %dma_wait3A_238 = tpu.memref_slice %arg10[%add3A_47, %dma_wait3A_237] : memref<10240x64xf32, #tpu.memory_space<vmem_shared>> -> memref<16x64xf32, #tpu.memory_space<vmem_shared>>
      tpu.wait_dma2 semaphore(%run_scoped3A : memref<!tpu.dma_semaphore, #tpu.memory_space<semaphore_mem>>) src(%arg9 : memref<16x64xf32, #tpu.memory_space<vmem>>) dst(%dma_wait3A_238 : memref<16x64xf32, #tpu.memory_space<vmem_shared>>)
      tpu.yield
    }) : () -> ()
    %add3A_48 = arith.constant 336 : i32
    %add3A_49 = arith.addi %mul3A_6, %add3A_48 : i32
    "tpu.region"() ({
      %run_scoped3A = tpu.sem_alloc : memref<!tpu.dma_semaphore, #tpu.memory_space<semaphore_mem>>
      %dma_start3A_231 = arith.constant 0 : i32
      %dma_start3A_232 = tpu.memref_slice %arg10[%add3A_49, %dma_start3A_231] : memref<10240x64xf32, #tpu.memory_space<vmem_shared>> -> memref<16x64xf32, #tpu.memory_space<vmem_shared>>
      %dma_start3A_233 = arith.constant 0 : i32
      %dma_start3A_234 = tpu.memref_slice %arg10[%add3A_49, %dma_start3A_233] : memref<10240x64xf32, #tpu.memory_space<vmem_shared>> -> memref<16x64xf32, #tpu.memory_space<vmem_shared>>
      tpu.enqueue_dma source(%arg9 : memref<16x64xf32, #tpu.memory_space<vmem>>) target(%dma_start3A_234 : memref<16x64xf32, #tpu.memory_space<vmem_shared>>) target_semaphore(%run_scoped3A : memref<!tpu.dma_semaphore, #tpu.memory_space<semaphore_mem>>)
      %dma_wait3A_235 = arith.constant 0 : i32
      %dma_wait3A_236 = tpu.memref_slice %arg10[%add3A_49, %dma_wait3A_235] : memref<10240x64xf32, #tpu.memory_space<vmem_shared>> -> memref<16x64xf32, #tpu.memory_space<vmem_shared>>
      %dma_wait3A_237 = arith.constant 0 : i32
      %dma_wait3A_238 = tpu.memref_slice %arg10[%add3A_49, %dma_wait3A_237] : memref<10240x64xf32, #tpu.memory_space<vmem_shared>> -> memref<16x64xf32, #tpu.memory_space<vmem_shared>>
      tpu.wait_dma2 semaphore(%run_scoped3A : memref<!tpu.dma_semaphore, #tpu.memory_space<semaphore_mem>>) src(%arg9 : memref<16x64xf32, #tpu.memory_space<vmem>>) dst(%dma_wait3A_238 : memref<16x64xf32, #tpu.memory_space<vmem_shared>>)
      tpu.yield
    }) : () -> ()
    %add3A_50 = arith.constant 352 : i32
    %add3A_51 = arith.addi %mul3A_6, %add3A_50 : i32
    "tpu.region"() ({
      %run_scoped3A = tpu.sem_alloc : memref<!tpu.dma_semaphore, #tpu.memory_space<semaphore_mem>>
      %dma_start3A_231 = arith.constant 0 : i32
      %dma_start3A_232 = tpu.memref_slice %arg10[%add3A_51, %dma_start3A_231] : memref<10240x64xf32, #tpu.memory_space<vmem_shared>> -> memref<16x64xf32, #tpu.memory_space<vmem_shared>>
      %dma_start3A_233 = arith.constant 0 : i32
      %dma_start3A_234 = tpu.memref_slice %arg10[%add3A_51, %dma_start3A_233] : memref<10240x64xf32, #tpu.memory_space<vmem_shared>> -> memref<16x64xf32, #tpu.memory_space<vmem_shared>>
      tpu.enqueue_dma source(%arg9 : memref<16x64xf32, #tpu.memory_space<vmem>>) target(%dma_start3A_234 : memref<16x64xf32, #tpu.memory_space<vmem_shared>>) target_semaphore(%run_scoped3A : memref<!tpu.dma_semaphore, #tpu.memory_space<semaphore_mem>>)
      %dma_wait3A_235 = arith.constant 0 : i32
      %dma_wait3A_236 = tpu.memref_slice %arg10[%add3A_51, %dma_wait3A_235] : memref<10240x64xf32, #tpu.memory_space<vmem_shared>> -> memref<16x64xf32, #tpu.memory_space<vmem_shared>>
      %dma_wait3A_237 = arith.constant 0 : i32
      %dma_wait3A_238 = tpu.memref_slice %arg10[%add3A_51, %dma_wait3A_237] : memref<10240x64xf32, #tpu.memory_space<vmem_shared>> -> memref<16x64xf32, #tpu.memory_space<vmem_shared>>
      tpu.wait_dma2 semaphore(%run_scoped3A : memref<!tpu.dma_semaphore, #tpu.memory_space<semaphore_mem>>) src(%arg9 : memref<16x64xf32, #tpu.memory_space<vmem>>) dst(%dma_wait3A_238 : memref<16x64xf32, #tpu.memory_space<vmem_shared>>)
      tpu.yield
    }) : () -> ()
    %add3A_52 = arith.constant 368 : i32
    %add3A_53 = arith.addi %mul3A_6, %add3A_52 : i32
    "tpu.region"() ({
      %run_scoped3A = tpu.sem_alloc : memref<!tpu.dma_semaphore, #tpu.memory_space<semaphore_mem>>
      %dma_start3A_231 = arith.constant 0 : i32
      %dma_start3A_232 = tpu.memref_slice %arg10[%add3A_53, %dma_start3A_231] : memref<10240x64xf32, #tpu.memory_space<vmem_shared>> -> memref<16x64xf32, #tpu.memory_space<vmem_shared>>
      %dma_start3A_233 = arith.constant 0 : i32
      %dma_start3A_234 = tpu.memref_slice %arg10[%add3A_53, %dma_start3A_233] : memref<10240x64xf32, #tpu.memory_space<vmem_shared>> -> memref<16x64xf32, #tpu.memory_space<vmem_shared>>
      tpu.enqueue_dma source(%arg9 : memref<16x64xf32, #tpu.memory_space<vmem>>) target(%dma_start3A_234 : memref<16x64xf32, #tpu.memory_space<vmem_shared>>) target_semaphore(%run_scoped3A : memref<!tpu.dma_semaphore, #tpu.memory_space<semaphore_mem>>)
      %dma_wait3A_235 = arith.constant 0 : i32
      %dma_wait3A_236 = tpu.memref_slice %arg10[%add3A_53, %dma_wait3A_235] : memref<10240x64xf32, #tpu.memory_space<vmem_shared>> -> memref<16x64xf32, #tpu.memory_space<vmem_shared>>
      %dma_wait3A_237 = arith.constant 0 : i32
      %dma_wait3A_238 = tpu.memref_slice %arg10[%add3A_53, %dma_wait3A_237] : memref<10240x64xf32, #tpu.memory_space<vmem_shared>> -> memref<16x64xf32, #tpu.memory_space<vmem_shared>>
      tpu.wait_dma2 semaphore(%run_scoped3A : memref<!tpu.dma_semaphore, #tpu.memory_space<semaphore_mem>>) src(%arg9 : memref<16x64xf32, #tpu.memory_space<vmem>>) dst(%dma_wait3A_238 : memref<16x64xf32, #tpu.memory_space<vmem_shared>>)
      tpu.yield
    }) : () -> ()
    %add3A_54 = arith.constant 384 : i32
    %add3A_55 = arith.addi %mul3A_6, %add3A_54 : i32
    "tpu.region"() ({
      %run_scoped3A = tpu.sem_alloc : memref<!tpu.dma_semaphore, #tpu.memory_space<semaphore_mem>>
      %dma_start3A_231 = arith.constant 0 : i32
      %dma_start3A_232 = tpu.memref_slice %arg10[%add3A_55, %dma_start3A_231] : memref<10240x64xf32, #tpu.memory_space<vmem_shared>> -> memref<16x64xf32, #tpu.memory_space<vmem_shared>>
      %dma_start3A_233 = arith.constant 0 : i32
      %dma_start3A_234 = tpu.memref_slice %arg10[%add3A_55, %dma_start3A_233] : memref<10240x64xf32, #tpu.memory_space<vmem_shared>> -> memref<16x64xf32, #tpu.memory_space<vmem_shared>>
      tpu.enqueue_dma source(%arg9 : memref<16x64xf32, #tpu.memory_space<vmem>>) target(%dma_start3A_234 : memref<16x64xf32, #tpu.memory_space<vmem_shared>>) target_semaphore(%run_scoped3A : memref<!tpu.dma_semaphore, #tpu.memory_space<semaphore_mem>>)
      %dma_wait3A_235 = arith.constant 0 : i32
      %dma_wait3A_236 = tpu.memref_slice %arg10[%add3A_55, %dma_wait3A_235] : memref<10240x64xf32, #tpu.memory_space<vmem_shared>> -> memref<16x64xf32, #tpu.memory_space<vmem_shared>>
      %dma_wait3A_237 = arith.constant 0 : i32
      %dma_wait3A_238 = tpu.memref_slice %arg10[%add3A_55, %dma_wait3A_237] : memref<10240x64xf32, #tpu.memory_space<vmem_shared>> -> memref<16x64xf32, #tpu.memory_space<vmem_shared>>
      tpu.wait_dma2 semaphore(%run_scoped3A : memref<!tpu.dma_semaphore, #tpu.memory_space<semaphore_mem>>) src(%arg9 : memref<16x64xf32, #tpu.memory_space<vmem>>) dst(%dma_wait3A_238 : memref<16x64xf32, #tpu.memory_space<vmem_shared>>)
      tpu.yield
    }) : () -> ()
    %add3A_56 = arith.constant 400 : i32
    %add3A_57 = arith.addi %mul3A_6, %add3A_56 : i32
    "tpu.region"() ({
      %run_scoped3A = tpu.sem_alloc : memref<!tpu.dma_semaphore, #tpu.memory_space<semaphore_mem>>
      %dma_start3A_231 = arith.constant 0 : i32
      %dma_start3A_232 = tpu.memref_slice %arg10[%add3A_57, %dma_start3A_231] : memref<10240x64xf32, #tpu.memory_space<vmem_shared>> -> memref<16x64xf32, #tpu.memory_space<vmem_shared>>
      %dma_start3A_233 = arith.constant 0 : i32
      %dma_start3A_234 = tpu.memref_slice %arg10[%add3A_57, %dma_start3A_233] : memref<10240x64xf32, #tpu.memory_space<vmem_shared>> -> memref<16x64xf32, #tpu.memory_space<vmem_shared>>
      tpu.enqueue_dma source(%arg9 : memref<16x64xf32, #tpu.memory_space<vmem>>) target(%dma_start3A_234 : memref<16x64xf32, #tpu.memory_space<vmem_shared>>) target_semaphore(%run_scoped3A : memref<!tpu.dma_semaphore, #tpu.memory_space<semaphore_mem>>)
      %dma_wait3A_235 = arith.constant 0 : i32
      %dma_wait3A_236 = tpu.memref_slice %arg10[%add3A_57, %dma_wait3A_235] : memref<10240x64xf32, #tpu.memory_space<vmem_shared>> -> memref<16x64xf32, #tpu.memory_space<vmem_shared>>
      %dma_wait3A_237 = arith.constant 0 : i32
      %dma_wait3A_238 = tpu.memref_slice %arg10[%add3A_57, %dma_wait3A_237] : memref<10240x64xf32, #tpu.memory_space<vmem_shared>> -> memref<16x64xf32, #tpu.memory_space<vmem_shared>>
      tpu.wait_dma2 semaphore(%run_scoped3A : memref<!tpu.dma_semaphore, #tpu.memory_space<semaphore_mem>>) src(%arg9 : memref<16x64xf32, #tpu.memory_space<vmem>>) dst(%dma_wait3A_238 : memref<16x64xf32, #tpu.memory_space<vmem_shared>>)
      tpu.yield
    }) : () -> ()
    %add3A_58 = arith.constant 416 : i32
    %add3A_59 = arith.addi %mul3A_6, %add3A_58 : i32
    "tpu.region"() ({
      %run_scoped3A = tpu.sem_alloc : memref<!tpu.dma_semaphore, #tpu.memory_space<semaphore_mem>>
      %dma_start3A_231 = arith.constant 0 : i32
      %dma_start3A_232 = tpu.memref_slice %arg10[%add3A_59, %dma_start3A_231] : memref<10240x64xf32, #tpu.memory_space<vmem_shared>> -> memref<16x64xf32, #tpu.memory_space<vmem_shared>>
      %dma_start3A_233 = arith.constant 0 : i32
      %dma_start3A_234 = tpu.memref_slice %arg10[%add3A_59, %dma_start3A_233] : memref<10240x64xf32, #tpu.memory_space<vmem_shared>> -> memref<16x64xf32, #tpu.memory_space<vmem_shared>>
      tpu.enqueue_dma source(%arg9 : memref<16x64xf32, #tpu.memory_space<vmem>>) target(%dma_start3A_234 : memref<16x64xf32, #tpu.memory_space<vmem_shared>>) target_semaphore(%run_scoped3A : memref<!tpu.dma_semaphore, #tpu.memory_space<semaphore_mem>>)
      %dma_wait3A_235 = arith.constant 0 : i32
      %dma_wait3A_236 = tpu.memref_slice %arg10[%add3A_59, %dma_wait3A_235] : memref<10240x64xf32, #tpu.memory_space<vmem_shared>> -> memref<16x64xf32, #tpu.memory_space<vmem_shared>>
      %dma_wait3A_237 = arith.constant 0 : i32
      %dma_wait3A_238 = tpu.memref_slice %arg10[%add3A_59, %dma_wait3A_237] : memref<10240x64xf32, #tpu.memory_space<vmem_shared>> -> memref<16x64xf32, #tpu.memory_space<vmem_shared>>
      tpu.wait_dma2 semaphore(%run_scoped3A : memref<!tpu.dma_semaphore, #tpu.memory_space<semaphore_mem>>) src(%arg9 : memref<16x64xf32, #tpu.memory_space<vmem>>) dst(%dma_wait3A_238 : memref<16x64xf32, #tpu.memory_space<vmem_shared>>)
      tpu.yield
    }) : () -> ()
    %add3A_60 = arith.constant 432 : i32
    %add3A_61 = arith.addi %mul3A_6, %add3A_60 : i32
    "tpu.region"() ({
      %run_scoped3A = tpu.sem_alloc : memref<!tpu.dma_semaphore, #tpu.memory_space<semaphore_mem>>
      %dma_start3A_231 = arith.constant 0 : i32
      %dma_start3A_232 = tpu.memref_slice %arg10[%add3A_61, %dma_start3A_231] : memref<10240x64xf32, #tpu.memory_space<vmem_shared>> -> memref<16x64xf32, #tpu.memory_space<vmem_shared>>
      %dma_start3A_233 = arith.constant 0 : i32
      %dma_start3A_234 = tpu.memref_slice %arg10[%add3A_61, %dma_start3A_233] : memref<10240x64xf32, #tpu.memory_space<vmem_shared>> -> memref<16x64xf32, #tpu.memory_space<vmem_shared>>
      tpu.enqueue_dma source(%arg9 : memref<16x64xf32, #tpu.memory_space<vmem>>) target(%dma_start3A_234 : memref<16x64xf32, #tpu.memory_space<vmem_shared>>) target_semaphore(%run_scoped3A : memref<!tpu.dma_semaphore, #tpu.memory_space<semaphore_mem>>)
      %dma_wait3A_235 = arith.constant 0 : i32
      %dma_wait3A_236 = tpu.memref_slice %arg10[%add3A_61, %dma_wait3A_235] : memref<10240x64xf32, #tpu.memory_space<vmem_shared>> -> memref<16x64xf32, #tpu.memory_space<vmem_shared>>
      %dma_wait3A_237 = arith.constant 0 : i32
      %dma_wait3A_238 = tpu.memref_slice %arg10[%add3A_61, %dma_wait3A_237] : memref<10240x64xf32, #tpu.memory_space<vmem_shared>> -> memref<16x64xf32, #tpu.memory_space<vmem_shared>>
      tpu.wait_dma2 semaphore(%run_scoped3A : memref<!tpu.dma_semaphore, #tpu.memory_space<semaphore_mem>>) src(%arg9 : memref<16x64xf32, #tpu.memory_space<vmem>>) dst(%dma_wait3A_238 : memref<16x64xf32, #tpu.memory_space<vmem_shared>>)
      tpu.yield
    }) : () -> ()
    %add3A_62 = arith.constant 448 : i32
    %add3A_63 = arith.addi %mul3A_6, %add3A_62 : i32
    "tpu.region"() ({
      %run_scoped3A = tpu.sem_alloc : memref<!tpu.dma_semaphore, #tpu.memory_space<semaphore_mem>>
      %dma_start3A_231 = arith.constant 0 : i32
      %dma_start3A_232 = tpu.memref_slice %arg10[%add3A_63, %dma_start3A_231] : memref<10240x64xf32, #tpu.memory_space<vmem_shared>> -> memref<16x64xf32, #tpu.memory_space<vmem_shared>>
      %dma_start3A_233 = arith.constant 0 : i32
      %dma_start3A_234 = tpu.memref_slice %arg10[%add3A_63, %dma_start3A_233] : memref<10240x64xf32, #tpu.memory_space<vmem_shared>> -> memref<16x64xf32, #tpu.memory_space<vmem_shared>>
      tpu.enqueue_dma source(%arg9 : memref<16x64xf32, #tpu.memory_space<vmem>>) target(%dma_start3A_234 : memref<16x64xf32, #tpu.memory_space<vmem_shared>>) target_semaphore(%run_scoped3A : memref<!tpu.dma_semaphore, #tpu.memory_space<semaphore_mem>>)
      %dma_wait3A_235 = arith.constant 0 : i32
      %dma_wait3A_236 = tpu.memref_slice %arg10[%add3A_63, %dma_wait3A_235] : memref<10240x64xf32, #tpu.memory_space<vmem_shared>> -> memref<16x64xf32, #tpu.memory_space<vmem_shared>>
      %dma_wait3A_237 = arith.constant 0 : i32
      %dma_wait3A_238 = tpu.memref_slice %arg10[%add3A_63, %dma_wait3A_237] : memref<10240x64xf32, #tpu.memory_space<vmem_shared>> -> memref<16x64xf32, #tpu.memory_space<vmem_shared>>
      tpu.wait_dma2 semaphore(%run_scoped3A : memref<!tpu.dma_semaphore, #tpu.memory_space<semaphore_mem>>) src(%arg9 : memref<16x64xf32, #tpu.memory_space<vmem>>) dst(%dma_wait3A_238 : memref<16x64xf32, #tpu.memory_space<vmem_shared>>)
      tpu.yield
    }) : () -> ()
    %add3A_64 = arith.constant 464 : i32
    %add3A_65 = arith.addi %mul3A_6, %add3A_64 : i32
    "tpu.region"() ({
      %run_scoped3A = tpu.sem_alloc : memref<!tpu.dma_semaphore, #tpu.memory_space<semaphore_mem>>
      %dma_start3A_231 = arith.constant 0 : i32
      %dma_start3A_232 = tpu.memref_slice %arg10[%add3A_65, %dma_start3A_231] : memref<10240x64xf32, #tpu.memory_space<vmem_shared>> -> memref<16x64xf32, #tpu.memory_space<vmem_shared>>
      %dma_start3A_233 = arith.constant 0 : i32
      %dma_start3A_234 = tpu.memref_slice %arg10[%add3A_65, %dma_start3A_233] : memref<10240x64xf32, #tpu.memory_space<vmem_shared>> -> memref<16x64xf32, #tpu.memory_space<vmem_shared>>
      tpu.enqueue_dma source(%arg9 : memref<16x64xf32, #tpu.memory_space<vmem>>) target(%dma_start3A_234 : memref<16x64xf32, #tpu.memory_space<vmem_shared>>) target_semaphore(%run_scoped3A : memref<!tpu.dma_semaphore, #tpu.memory_space<semaphore_mem>>)
      %dma_wait3A_235 = arith.constant 0 : i32
      %dma_wait3A_236 = tpu.memref_slice %arg10[%add3A_65, %dma_wait3A_235] : memref<10240x64xf32, #tpu.memory_space<vmem_shared>> -> memref<16x64xf32, #tpu.memory_space<vmem_shared>>
      %dma_wait3A_237 = arith.constant 0 : i32
      %dma_wait3A_238 = tpu.memref_slice %arg10[%add3A_65, %dma_wait3A_237] : memref<10240x64xf32, #tpu.memory_space<vmem_shared>> -> memref<16x64xf32, #tpu.memory_space<vmem_shared>>
      tpu.wait_dma2 semaphore(%run_scoped3A : memref<!tpu.dma_semaphore, #tpu.memory_space<semaphore_mem>>) src(%arg9 : memref<16x64xf32, #tpu.memory_space<vmem>>) dst(%dma_wait3A_238 : memref<16x64xf32, #tpu.memory_space<vmem_shared>>)
      tpu.yield
    }) : () -> ()
    %add3A_66 = arith.constant 480 : i32
    %add3A_67 = arith.addi %mul3A_6, %add3A_66 : i32
    "tpu.region"() ({
      %run_scoped3A = tpu.sem_alloc : memref<!tpu.dma_semaphore, #tpu.memory_space<semaphore_mem>>
      %dma_start3A_231 = arith.constant 0 : i32
      %dma_start3A_232 = tpu.memref_slice %arg10[%add3A_67, %dma_start3A_231] : memref<10240x64xf32, #tpu.memory_space<vmem_shared>> -> memref<16x64xf32, #tpu.memory_space<vmem_shared>>
      %dma_start3A_233 = arith.constant 0 : i32
      %dma_start3A_234 = tpu.memref_slice %arg10[%add3A_67, %dma_start3A_233] : memref<10240x64xf32, #tpu.memory_space<vmem_shared>> -> memref<16x64xf32, #tpu.memory_space<vmem_shared>>
      tpu.enqueue_dma source(%arg9 : memref<16x64xf32, #tpu.memory_space<vmem>>) target(%dma_start3A_234 : memref<16x64xf32, #tpu.memory_space<vmem_shared>>) target_semaphore(%run_scoped3A : memref<!tpu.dma_semaphore, #tpu.memory_space<semaphore_mem>>)
      %dma_wait3A_235 = arith.constant 0 : i32
      %dma_wait3A_236 = tpu.memref_slice %arg10[%add3A_67, %dma_wait3A_235] : memref<10240x64xf32, #tpu.memory_space<vmem_shared>> -> memref<16x64xf32, #tpu.memory_space<vmem_shared>>
      %dma_wait3A_237 = arith.constant 0 : i32
      %dma_wait3A_238 = tpu.memref_slice %arg10[%add3A_67, %dma_wait3A_237] : memref<10240x64xf32, #tpu.memory_space<vmem_shared>> -> memref<16x64xf32, #tpu.memory_space<vmem_shared>>
      tpu.wait_dma2 semaphore(%run_scoped3A : memref<!tpu.dma_semaphore, #tpu.memory_space<semaphore_mem>>) src(%arg9 : memref<16x64xf32, #tpu.memory_space<vmem>>) dst(%dma_wait3A_238 : memref<16x64xf32, #tpu.memory_space<vmem_shared>>)
      tpu.yield
    }) : () -> ()
    %add3A_68 = arith.constant 496 : i32
    %add3A_69 = arith.addi %mul3A_6, %add3A_68 : i32
    "tpu.region"() ({
      %run_scoped3A = tpu.sem_alloc : memref<!tpu.dma_semaphore, #tpu.memory_space<semaphore_mem>>
      %dma_start3A_231 = arith.constant 0 : i32
      %dma_start3A_232 = tpu.memref_slice %arg10[%add3A_69, %dma_start3A_231] : memref<10240x64xf32, #tpu.memory_space<vmem_shared>> -> memref<16x64xf32, #tpu.memory_space<vmem_shared>>
      %dma_start3A_233 = arith.constant 0 : i32
      %dma_start3A_234 = tpu.memref_slice %arg10[%add3A_69, %dma_start3A_233] : memref<10240x64xf32, #tpu.memory_space<vmem_shared>> -> memref<16x64xf32, #tpu.memory_space<vmem_shared>>
      tpu.enqueue_dma source(%arg9 : memref<16x64xf32, #tpu.memory_space<vmem>>) target(%dma_start3A_234 : memref<16x64xf32, #tpu.memory_space<vmem_shared>>) target_semaphore(%run_scoped3A : memref<!tpu.dma_semaphore, #tpu.memory_space<semaphore_mem>>)
      %dma_wait3A_235 = arith.constant 0 : i32
      %dma_wait3A_236 = tpu.memref_slice %arg10[%add3A_69, %dma_wait3A_235] : memref<10240x64xf32, #tpu.memory_space<vmem_shared>> -> memref<16x64xf32, #tpu.memory_space<vmem_shared>>
      %dma_wait3A_237 = arith.constant 0 : i32
      %dma_wait3A_238 = tpu.memref_slice %arg10[%add3A_69, %dma_wait3A_237] : memref<10240x64xf32, #tpu.memory_space<vmem_shared>> -> memref<16x64xf32, #tpu.memory_space<vmem_shared>>
      tpu.wait_dma2 semaphore(%run_scoped3A : memref<!tpu.dma_semaphore, #tpu.memory_space<semaphore_mem>>) src(%arg9 : memref<16x64xf32, #tpu.memory_space<vmem>>) dst(%dma_wait3A_238 : memref<16x64xf32, #tpu.memory_space<vmem_shared>>)
      tpu.yield
    }) : () -> ()
    %add3A_70 = arith.constant 512 : i32
    %add3A_71 = arith.addi %mul3A_6, %add3A_70 : i32
    "tpu.region"() ({
      %run_scoped3A = tpu.sem_alloc : memref<!tpu.dma_semaphore, #tpu.memory_space<semaphore_mem>>
      %dma_start3A_231 = arith.constant 0 : i32
      %dma_start3A_232 = tpu.memref_slice %arg10[%add3A_71, %dma_start3A_231] : memref<10240x64xf32, #tpu.memory_space<vmem_shared>> -> memref<16x64xf32, #tpu.memory_space<vmem_shared>>
      %dma_start3A_233 = arith.constant 0 : i32
      %dma_start3A_234 = tpu.memref_slice %arg10[%add3A_71, %dma_start3A_233] : memref<10240x64xf32, #tpu.memory_space<vmem_shared>> -> memref<16x64xf32, #tpu.memory_space<vmem_shared>>
      tpu.enqueue_dma source(%arg9 : memref<16x64xf32, #tpu.memory_space<vmem>>) target(%dma_start3A_234 : memref<16x64xf32, #tpu.memory_space<vmem_shared>>) target_semaphore(%run_scoped3A : memref<!tpu.dma_semaphore, #tpu.memory_space<semaphore_mem>>)
      %dma_wait3A_235 = arith.constant 0 : i32
      %dma_wait3A_236 = tpu.memref_slice %arg10[%add3A_71, %dma_wait3A_235] : memref<10240x64xf32, #tpu.memory_space<vmem_shared>> -> memref<16x64xf32, #tpu.memory_space<vmem_shared>>
      %dma_wait3A_237 = arith.constant 0 : i32
      %dma_wait3A_238 = tpu.memref_slice %arg10[%add3A_71, %dma_wait3A_237] : memref<10240x64xf32, #tpu.memory_space<vmem_shared>> -> memref<16x64xf32, #tpu.memory_space<vmem_shared>>
      tpu.wait_dma2 semaphore(%run_scoped3A : memref<!tpu.dma_semaphore, #tpu.memory_space<semaphore_mem>>) src(%arg9 : memref<16x64xf32, #tpu.memory_space<vmem>>) dst(%dma_wait3A_238 : memref<16x64xf32, #tpu.memory_space<vmem_shared>>)
      tpu.yield
    }) : () -> ()
    %add3A_72 = arith.constant 528 : i32
    %add3A_73 = arith.addi %mul3A_6, %add3A_72 : i32
    "tpu.region"() ({
      %run_scoped3A = tpu.sem_alloc : memref<!tpu.dma_semaphore, #tpu.memory_space<semaphore_mem>>
      %dma_start3A_231 = arith.constant 0 : i32
      %dma_start3A_232 = tpu.memref_slice %arg10[%add3A_73, %dma_start3A_231] : memref<10240x64xf32, #tpu.memory_space<vmem_shared>> -> memref<16x64xf32, #tpu.memory_space<vmem_shared>>
      %dma_start3A_233 = arith.constant 0 : i32
      %dma_start3A_234 = tpu.memref_slice %arg10[%add3A_73, %dma_start3A_233] : memref<10240x64xf32, #tpu.memory_space<vmem_shared>> -> memref<16x64xf32, #tpu.memory_space<vmem_shared>>
      tpu.enqueue_dma source(%arg9 : memref<16x64xf32, #tpu.memory_space<vmem>>) target(%dma_start3A_234 : memref<16x64xf32, #tpu.memory_space<vmem_shared>>) target_semaphore(%run_scoped3A : memref<!tpu.dma_semaphore, #tpu.memory_space<semaphore_mem>>)
      %dma_wait3A_235 = arith.constant 0 : i32
      %dma_wait3A_236 = tpu.memref_slice %arg10[%add3A_73, %dma_wait3A_235] : memref<10240x64xf32, #tpu.memory_space<vmem_shared>> -> memref<16x64xf32, #tpu.memory_space<vmem_shared>>
      %dma_wait3A_237 = arith.constant 0 : i32
      %dma_wait3A_238 = tpu.memref_slice %arg10[%add3A_73, %dma_wait3A_237] : memref<10240x64xf32, #tpu.memory_space<vmem_shared>> -> memref<16x64xf32, #tpu.memory_space<vmem_shared>>
      tpu.wait_dma2 semaphore(%run_scoped3A : memref<!tpu.dma_semaphore, #tpu.memory_space<semaphore_mem>>) src(%arg9 : memref<16x64xf32, #tpu.memory_space<vmem>>) dst(%dma_wait3A_238 : memref<16x64xf32, #tpu.memory_space<vmem_shared>>)
      tpu.yield
    }) : () -> ()
    %add3A_74 = arith.constant 544 : i32
    %add3A_75 = arith.addi %mul3A_6, %add3A_74 : i32
    "tpu.region"() ({
      %run_scoped3A = tpu.sem_alloc : memref<!tpu.dma_semaphore, #tpu.memory_space<semaphore_mem>>
      %dma_start3A_231 = arith.constant 0 : i32
      %dma_start3A_232 = tpu.memref_slice %arg10[%add3A_75, %dma_start3A_231] : memref<10240x64xf32, #tpu.memory_space<vmem_shared>> -> memref<16x64xf32, #tpu.memory_space<vmem_shared>>
      %dma_start3A_233 = arith.constant 0 : i32
      %dma_start3A_234 = tpu.memref_slice %arg10[%add3A_75, %dma_start3A_233] : memref<10240x64xf32, #tpu.memory_space<vmem_shared>> -> memref<16x64xf32, #tpu.memory_space<vmem_shared>>
      tpu.enqueue_dma source(%arg9 : memref<16x64xf32, #tpu.memory_space<vmem>>) target(%dma_start3A_234 : memref<16x64xf32, #tpu.memory_space<vmem_shared>>) target_semaphore(%run_scoped3A : memref<!tpu.dma_semaphore, #tpu.memory_space<semaphore_mem>>)
      %dma_wait3A_235 = arith.constant 0 : i32
      %dma_wait3A_236 = tpu.memref_slice %arg10[%add3A_75, %dma_wait3A_235] : memref<10240x64xf32, #tpu.memory_space<vmem_shared>> -> memref<16x64xf32, #tpu.memory_space<vmem_shared>>
      %dma_wait3A_237 = arith.constant 0 : i32
      %dma_wait3A_238 = tpu.memref_slice %arg10[%add3A_75, %dma_wait3A_237] : memref<10240x64xf32, #tpu.memory_space<vmem_shared>> -> memref<16x64xf32, #tpu.memory_space<vmem_shared>>
      tpu.wait_dma2 semaphore(%run_scoped3A : memref<!tpu.dma_semaphore, #tpu.memory_space<semaphore_mem>>) src(%arg9 : memref<16x64xf32, #tpu.memory_space<vmem>>) dst(%dma_wait3A_238 : memref<16x64xf32, #tpu.memory_space<vmem_shared>>)
      tpu.yield
    }) : () -> ()
    %add3A_76 = arith.constant 560 : i32
    %add3A_77 = arith.addi %mul3A_6, %add3A_76 : i32
    "tpu.region"() ({
      %run_scoped3A = tpu.sem_alloc : memref<!tpu.dma_semaphore, #tpu.memory_space<semaphore_mem>>
      %dma_start3A_231 = arith.constant 0 : i32
      %dma_start3A_232 = tpu.memref_slice %arg10[%add3A_77, %dma_start3A_231] : memref<10240x64xf32, #tpu.memory_space<vmem_shared>> -> memref<16x64xf32, #tpu.memory_space<vmem_shared>>
      %dma_start3A_233 = arith.constant 0 : i32
      %dma_start3A_234 = tpu.memref_slice %arg10[%add3A_77, %dma_start3A_233] : memref<10240x64xf32, #tpu.memory_space<vmem_shared>> -> memref<16x64xf32, #tpu.memory_space<vmem_shared>>
      tpu.enqueue_dma source(%arg9 : memref<16x64xf32, #tpu.memory_space<vmem>>) target(%dma_start3A_234 : memref<16x64xf32, #tpu.memory_space<vmem_shared>>) target_semaphore(%run_scoped3A : memref<!tpu.dma_semaphore, #tpu.memory_space<semaphore_mem>>)
      %dma_wait3A_235 = arith.constant 0 : i32
      %dma_wait3A_236 = tpu.memref_slice %arg10[%add3A_77, %dma_wait3A_235] : memref<10240x64xf32, #tpu.memory_space<vmem_shared>> -> memref<16x64xf32, #tpu.memory_space<vmem_shared>>
      %dma_wait3A_237 = arith.constant 0 : i32
      %dma_wait3A_238 = tpu.memref_slice %arg10[%add3A_77, %dma_wait3A_237] : memref<10240x64xf32, #tpu.memory_space<vmem_shared>> -> memref<16x64xf32, #tpu.memory_space<vmem_shared>>
      tpu.wait_dma2 semaphore(%run_scoped3A : memref<!tpu.dma_semaphore, #tpu.memory_space<semaphore_mem>>) src(%arg9 : memref<16x64xf32, #tpu.memory_space<vmem>>) dst(%dma_wait3A_238 : memref<16x64xf32, #tpu.memory_space<vmem_shared>>)
      tpu.yield
    }) : () -> ()
    %add3A_78 = arith.constant 576 : i32
    %add3A_79 = arith.addi %mul3A_6, %add3A_78 : i32
    "tpu.region"() ({
      %run_scoped3A = tpu.sem_alloc : memref<!tpu.dma_semaphore, #tpu.memory_space<semaphore_mem>>
      %dma_start3A_231 = arith.constant 0 : i32
      %dma_start3A_232 = tpu.memref_slice %arg10[%add3A_79, %dma_start3A_231] : memref<10240x64xf32, #tpu.memory_space<vmem_shared>> -> memref<16x64xf32, #tpu.memory_space<vmem_shared>>
      %dma_start3A_233 = arith.constant 0 : i32
      %dma_start3A_234 = tpu.memref_slice %arg10[%add3A_79, %dma_start3A_233] : memref<10240x64xf32, #tpu.memory_space<vmem_shared>> -> memref<16x64xf32, #tpu.memory_space<vmem_shared>>
      tpu.enqueue_dma source(%arg9 : memref<16x64xf32, #tpu.memory_space<vmem>>) target(%dma_start3A_234 : memref<16x64xf32, #tpu.memory_space<vmem_shared>>) target_semaphore(%run_scoped3A : memref<!tpu.dma_semaphore, #tpu.memory_space<semaphore_mem>>)
      %dma_wait3A_235 = arith.constant 0 : i32
      %dma_wait3A_236 = tpu.memref_slice %arg10[%add3A_79, %dma_wait3A_235] : memref<10240x64xf32, #tpu.memory_space<vmem_shared>> -> memref<16x64xf32, #tpu.memory_space<vmem_shared>>
      %dma_wait3A_237 = arith.constant 0 : i32
      %dma_wait3A_238 = tpu.memref_slice %arg10[%add3A_79, %dma_wait3A_237] : memref<10240x64xf32, #tpu.memory_space<vmem_shared>> -> memref<16x64xf32, #tpu.memory_space<vmem_shared>>
      tpu.wait_dma2 semaphore(%run_scoped3A : memref<!tpu.dma_semaphore, #tpu.memory_space<semaphore_mem>>) src(%arg9 : memref<16x64xf32, #tpu.memory_space<vmem>>) dst(%dma_wait3A_238 : memref<16x64xf32, #tpu.memory_space<vmem_shared>>)
      tpu.yield
    }) : () -> ()
    %add3A_80 = arith.constant 592 : i32
    %add3A_81 = arith.addi %mul3A_6, %add3A_80 : i32
    "tpu.region"() ({
      %run_scoped3A = tpu.sem_alloc : memref<!tpu.dma_semaphore, #tpu.memory_space<semaphore_mem>>
      %dma_start3A_231 = arith.constant 0 : i32
      %dma_start3A_232 = tpu.memref_slice %arg10[%add3A_81, %dma_start3A_231] : memref<10240x64xf32, #tpu.memory_space<vmem_shared>> -> memref<16x64xf32, #tpu.memory_space<vmem_shared>>
      %dma_start3A_233 = arith.constant 0 : i32
      %dma_start3A_234 = tpu.memref_slice %arg10[%add3A_81, %dma_start3A_233] : memref<10240x64xf32, #tpu.memory_space<vmem_shared>> -> memref<16x64xf32, #tpu.memory_space<vmem_shared>>
      tpu.enqueue_dma source(%arg9 : memref<16x64xf32, #tpu.memory_space<vmem>>) target(%dma_start3A_234 : memref<16x64xf32, #tpu.memory_space<vmem_shared>>) target_semaphore(%run_scoped3A : memref<!tpu.dma_semaphore, #tpu.memory_space<semaphore_mem>>)
      %dma_wait3A_235 = arith.constant 0 : i32
      %dma_wait3A_236 = tpu.memref_slice %arg10[%add3A_81, %dma_wait3A_235] : memref<10240x64xf32, #tpu.memory_space<vmem_shared>> -> memref<16x64xf32, #tpu.memory_space<vmem_shared>>
      %dma_wait3A_237 = arith.constant 0 : i32
      %dma_wait3A_238 = tpu.memref_slice %arg10[%add3A_81, %dma_wait3A_237] : memref<10240x64xf32, #tpu.memory_space<vmem_shared>> -> memref<16x64xf32, #tpu.memory_space<vmem_shared>>
      tpu.wait_dma2 semaphore(%run_scoped3A : memref<!tpu.dma_semaphore, #tpu.memory_space<semaphore_mem>>) src(%arg9 : memref<16x64xf32, #tpu.memory_space<vmem>>) dst(%dma_wait3A_238 : memref<16x64xf32, #tpu.memory_space<vmem_shared>>)
      tpu.yield
    }) : () -> ()
    %add3A_82 = arith.constant 608 : i32
    %add3A_83 = arith.addi %mul3A_6, %add3A_82 : i32
    "tpu.region"() ({
      %run_scoped3A = tpu.sem_alloc : memref<!tpu.dma_semaphore, #tpu.memory_space<semaphore_mem>>
      %dma_start3A_231 = arith.constant 0 : i32
      %dma_start3A_232 = tpu.memref_slice %arg10[%add3A_83, %dma_start3A_231] : memref<10240x64xf32, #tpu.memory_space<vmem_shared>> -> memref<16x64xf32, #tpu.memory_space<vmem_shared>>
      %dma_start3A_233 = arith.constant 0 : i32
      %dma_start3A_234 = tpu.memref_slice %arg10[%add3A_83, %dma_start3A_233] : memref<10240x64xf32, #tpu.memory_space<vmem_shared>> -> memref<16x64xf32, #tpu.memory_space<vmem_shared>>
      tpu.enqueue_dma source(%arg9 : memref<16x64xf32, #tpu.memory_space<vmem>>) target(%dma_start3A_234 : memref<16x64xf32, #tpu.memory_space<vmem_shared>>) target_semaphore(%run_scoped3A : memref<!tpu.dma_semaphore, #tpu.memory_space<semaphore_mem>>)
      %dma_wait3A_235 = arith.constant 0 : i32
      %dma_wait3A_236 = tpu.memref_slice %arg10[%add3A_83, %dma_wait3A_235] : memref<10240x64xf32, #tpu.memory_space<vmem_shared>> -> memref<16x64xf32, #tpu.memory_space<vmem_shared>>
      %dma_wait3A_237 = arith.constant 0 : i32
      %dma_wait3A_238 = tpu.memref_slice %arg10[%add3A_83, %dma_wait3A_237] : memref<10240x64xf32, #tpu.memory_space<vmem_shared>> -> memref<16x64xf32, #tpu.memory_space<vmem_shared>>
      tpu.wait_dma2 semaphore(%run_scoped3A : memref<!tpu.dma_semaphore, #tpu.memory_space<semaphore_mem>>) src(%arg9 : memref<16x64xf32, #tpu.memory_space<vmem>>) dst(%dma_wait3A_238 : memref<16x64xf32, #tpu.memory_space<vmem_shared>>)
      tpu.yield
    }) : () -> ()
    %add3A_84 = arith.constant 624 : i32
    %add3A_85 = arith.addi %mul3A_6, %add3A_84 : i32
    "tpu.region"() ({
      %run_scoped3A = tpu.sem_alloc : memref<!tpu.dma_semaphore, #tpu.memory_space<semaphore_mem>>
      %dma_start3A_231 = arith.constant 0 : i32
      %dma_start3A_232 = tpu.memref_slice %arg10[%add3A_85, %dma_start3A_231] : memref<10240x64xf32, #tpu.memory_space<vmem_shared>> -> memref<16x64xf32, #tpu.memory_space<vmem_shared>>
      %dma_start3A_233 = arith.constant 0 : i32
      %dma_start3A_234 = tpu.memref_slice %arg10[%add3A_85, %dma_start3A_233] : memref<10240x64xf32, #tpu.memory_space<vmem_shared>> -> memref<16x64xf32, #tpu.memory_space<vmem_shared>>
      tpu.enqueue_dma source(%arg9 : memref<16x64xf32, #tpu.memory_space<vmem>>) target(%dma_start3A_234 : memref<16x64xf32, #tpu.memory_space<vmem_shared>>) target_semaphore(%run_scoped3A : memref<!tpu.dma_semaphore, #tpu.memory_space<semaphore_mem>>)
      %dma_wait3A_235 = arith.constant 0 : i32
      %dma_wait3A_236 = tpu.memref_slice %arg10[%add3A_85, %dma_wait3A_235] : memref<10240x64xf32, #tpu.memory_space<vmem_shared>> -> memref<16x64xf32, #tpu.memory_space<vmem_shared>>
      %dma_wait3A_237 = arith.constant 0 : i32
      %dma_wait3A_238 = tpu.memref_slice %arg10[%add3A_85, %dma_wait3A_237] : memref<10240x64xf32, #tpu.memory_space<vmem_shared>> -> memref<16x64xf32, #tpu.memory_space<vmem_shared>>
      tpu.wait_dma2 semaphore(%run_scoped3A : memref<!tpu.dma_semaphore, #tpu.memory_space<semaphore_mem>>) src(%arg9 : memref<16x64xf32, #tpu.memory_space<vmem>>) dst(%dma_wait3A_238 : memref<16x64xf32, #tpu.memory_space<vmem_shared>>)
      tpu.yield
    }) : () -> ()
    "tpu.region"() ({
      %run_scoped3A = tpu.sem_alloc : memref<!tpu.dma_semaphore, #tpu.memory_space<semaphore_mem>>
      %dma_start3A_231 = arith.constant 0 : i32
      %dma_start3A_232 = arith.constant 0 : i32
      %dma_start3A_233 = tpu.memref_slice %arg3[%arg1, %dma_start3A_231, %dma_start3A_232] : memref<16x250x80xi32, #tpu.memory_space<hbm>> -> memref<1x250x80xi32, #tpu.memory_space<hbm>>
      %dma_start3A_234 = tpu.memref_squeeze %dma_start3A_233 : memref<1x250x80xi32, #tpu.memory_space<hbm>> -> memref<250x80xi32, #tpu.memory_space<hbm>>
      %dma_start3A_235 = arith.constant 0 : i32
      %dma_start3A_236 = arith.constant 0 : i32
      %dma_start3A_237 = tpu.memref_slice %arg3[%arg1, %dma_start3A_235, %dma_start3A_236] : memref<16x250x80xi32, #tpu.memory_space<hbm>> -> memref<1x250x80xi32, #tpu.memory_space<hbm>>
      %dma_start3A_238 = tpu.memref_squeeze %dma_start3A_237 : memref<1x250x80xi32, #tpu.memory_space<hbm>> -> memref<250x80xi32, #tpu.memory_space<hbm>>
      tpu.enqueue_dma source(%dma_start3A_238 : memref<250x80xi32, #tpu.memory_space<hbm>>) target(%arg6 : memref<250x80xi32, #tpu.memory_space<vmem>>) target_semaphore(%run_scoped3A : memref<!tpu.dma_semaphore, #tpu.memory_space<semaphore_mem>>)
      %dma_wait3A_239 = arith.constant 0 : i32
      %dma_wait3A_240 = arith.constant 0 : i32
      %dma_wait3A_241 = tpu.memref_slice %arg3[%arg1, %dma_wait3A_239, %dma_wait3A_240] : memref<16x250x80xi32, #tpu.memory_space<hbm>> -> memref<1x250x80xi32, #tpu.memory_space<hbm>>
      %dma_wait3A_242 = tpu.memref_squeeze %dma_wait3A_241 : memref<1x250x80xi32, #tpu.memory_space<hbm>> -> memref<250x80xi32, #tpu.memory_space<hbm>>
      %dma_wait3A_243 = arith.constant 0 : i32
      %dma_wait3A_244 = arith.constant 0 : i32
      %dma_wait3A_245 = tpu.memref_slice %arg3[%arg1, %dma_wait3A_243, %dma_wait3A_244] : memref<16x250x80xi32, #tpu.memory_space<hbm>> -> memref<1x250x80xi32, #tpu.memory_space<hbm>>
      %dma_wait3A_246 = tpu.memref_squeeze %dma_wait3A_245 : memref<1x250x80xi32, #tpu.memory_space<hbm>> -> memref<250x80xi32, #tpu.memory_space<hbm>>
      tpu.wait_dma2 semaphore(%run_scoped3A : memref<!tpu.dma_semaphore, #tpu.memory_space<semaphore_mem>>) src(%dma_wait3A_246 : memref<250x80xi32, #tpu.memory_space<hbm>>) dst(%arg6 : memref<250x80xi32, #tpu.memory_space<vmem>>)
      tpu.yield
    }) : () -> ()
    "tpu.region"() ({
      %run_scoped3A = tpu.sem_alloc : memref<!tpu.dma_semaphore, #tpu.memory_space<semaphore_mem>>
      %dma_start3A_231 = arith.constant 0 : i32
      %dma_start3A_232 = arith.constant 0 : i32
      %dma_start3A_233 = tpu.memref_slice %arg4[%arg1, %dma_start3A_231, %dma_start3A_232] : memref<16x250x80xi32, #tpu.memory_space<hbm>> -> memref<1x250x80xi32, #tpu.memory_space<hbm>>
      %dma_start3A_234 = tpu.memref_squeeze %dma_start3A_233 : memref<1x250x80xi32, #tpu.memory_space<hbm>> -> memref<250x80xi32, #tpu.memory_space<hbm>>
      %dma_start3A_235 = arith.constant 0 : i32
      %dma_start3A_236 = arith.constant 0 : i32
      %dma_start3A_237 = tpu.memref_slice %arg4[%arg1, %dma_start3A_235, %dma_start3A_236] : memref<16x250x80xi32, #tpu.memory_space<hbm>> -> memref<1x250x80xi32, #tpu.memory_space<hbm>>
      %dma_start3A_238 = tpu.memref_squeeze %dma_start3A_237 : memref<1x250x80xi32, #tpu.memory_space<hbm>> -> memref<250x80xi32, #tpu.memory_space<hbm>>
      tpu.enqueue_dma source(%dma_start3A_238 : memref<250x80xi32, #tpu.memory_space<hbm>>) target(%arg7 : memref<250x80xi32, #tpu.memory_space<vmem>>) target_semaphore(%run_scoped3A : memref<!tpu.dma_semaphore, #tpu.memory_space<semaphore_mem>>)
      %dma_wait3A_239 = arith.constant 0 : i32
      %dma_wait3A_240 = arith.constant 0 : i32
      %dma_wait3A_241 = tpu.memref_slice %arg4[%arg1, %dma_wait3A_239, %dma_wait3A_240] : memref<16x250x80xi32, #tpu.memory_space<hbm>> -> memref<1x250x80xi32, #tpu.memory_space<hbm>>
      %dma_wait3A_242 = tpu.memref_squeeze %dma_wait3A_241 : memref<1x250x80xi32, #tpu.memory_space<hbm>> -> memref<250x80xi32, #tpu.memory_space<hbm>>
      %dma_wait3A_243 = arith.constant 0 : i32
      %dma_wait3A_244 = arith.constant 0 : i32
      %dma_wait3A_245 = tpu.memref_slice %arg4[%arg1, %dma_wait3A_243, %dma_wait3A_244] : memref<16x250x80xi32, #tpu.memory_space<hbm>> -> memref<1x250x80xi32, #tpu.memory_space<hbm>>
      %dma_wait3A_246 = tpu.memref_squeeze %dma_wait3A_245 : memref<1x250x80xi32, #tpu.memory_space<hbm>> -> memref<250x80xi32, #tpu.memory_space<hbm>>
      tpu.wait_dma2 semaphore(%run_scoped3A : memref<!tpu.dma_semaphore, #tpu.memory_space<semaphore_mem>>) src(%dma_wait3A_246 : memref<250x80xi32, #tpu.memory_space<hbm>>) dst(%arg7 : memref<250x80xi32, #tpu.memory_space<vmem>>)
      tpu.yield
    }) : () -> ()
    %barrier3A = arith.constant 0 : index
    tpu.barrier barrier_id(%barrier3A)
    %dma_start3A = arith.constant 0 : i32
    %dma_start3A_86 = arith.constant 0 : i32
    %dma_start3A_87 = arith.constant 0 : i32
    %dma_start3A_88 = arith.constant 0 : i32
    %dma_start3A_89 = tpu.memref_slice %arg8[%dma_start3A_86, %dma_start3A_87, %dma_start3A_88] : memref<5x80x64xf32, #tpu.memory_space<vmem>> -> memref<1x80x64xf32, #tpu.memory_space<vmem>>
    %dma_start3A_90 = tpu.memref_squeeze %dma_start3A_89 : memref<1x80x64xf32, #tpu.memory_space<vmem>> -> memref<80x64xf32, #tpu.memory_space<vmem>>
    %dma_start3A_91 = arith.constant 0 : i32
    %dma_start3A_92 = tpu.memref_slice %arg6[%dma_start3A, %dma_start3A_91] : memref<250x80xi32, #tpu.memory_space<vmem>> -> memref<1x80xi32, #tpu.memory_space<vmem>>
    %dma_start3A_93 = tpu.memref_squeeze %dma_start3A_92 : memref<1x80xi32, #tpu.memory_space<vmem>> -> memref<80xi32, #tpu.memory_space<vmem>>
    %dma_start3A_94 = arith.constant 0 : i32
    %dma_start3A_95 = arith.constant 0 : i32
    %dma_start3A_96 = tpu.memref_slice %arg2[%arg0, %dma_start3A_94, %dma_start3A_95] : memref<2x10000x64xf32, #tpu.memory_space<hbm>> -> memref<1x10000x64xf32, #tpu.memory_space<hbm>>
    %dma_start3A_97 = tpu.memref_squeeze %dma_start3A_96 : memref<1x10000x64xf32, #tpu.memory_space<hbm>> -> memref<10000x64xf32, #tpu.memory_space<hbm>>
    %dma_start3A_98 = arith.constant 0 : i32
    %dma_start3A_99 = arith.constant 0 : i32
    %dma_start3A_100 = tpu.memref_slice %dma_start3A_97[%dma_start3A_98, %dma_start3A_99] : memref<10000x64xf32, #tpu.memory_space<hbm>> -> memref<10000x64xf32, #tpu.memory_space<hbm>>
    tpu.enqueue_indirect_dma source(%dma_start3A_100 : memref<10000x64xf32, #tpu.memory_space<hbm>>) target(%dma_start3A_90 : memref<80x64xf32, #tpu.memory_space<vmem>>) offsets(%dma_start3A_93 : memref<80xi32, #tpu.memory_space<vmem>>) semaphore(%arg11 : memref<!tpu.dma_semaphore, #tpu.memory_space<semaphore_mem>>)
    %dma_start3A_101 = arith.constant 1 : i32
    %dma_start3A_102 = arith.constant 1 : i32
    %dma_start3A_103 = arith.constant 0 : i32
    %dma_start3A_104 = arith.constant 0 : i32
    %dma_start3A_105 = tpu.memref_slice %arg8[%dma_start3A_102, %dma_start3A_103, %dma_start3A_104] : memref<5x80x64xf32, #tpu.memory_space<vmem>> -> memref<1x80x64xf32, #tpu.memory_space<vmem>>
    %dma_start3A_106 = tpu.memref_squeeze %dma_start3A_105 : memref<1x80x64xf32, #tpu.memory_space<vmem>> -> memref<80x64xf32, #tpu.memory_space<vmem>>
    %dma_start3A_107 = arith.constant 0 : i32
    %dma_start3A_108 = tpu.memref_slice %arg6[%dma_start3A_101, %dma_start3A_107] : memref<250x80xi32, #tpu.memory_space<vmem>> -> memref<1x80xi32, #tpu.memory_space<vmem>>
    %dma_start3A_109 = tpu.memref_squeeze %dma_start3A_108 : memref<1x80xi32, #tpu.memory_space<vmem>> -> memref<80xi32, #tpu.memory_space<vmem>>
    %dma_start3A_110 = arith.constant 0 : i32
    %dma_start3A_111 = arith.constant 0 : i32
    %dma_start3A_112 = tpu.memref_slice %arg2[%arg0, %dma_start3A_110, %dma_start3A_111] : memref<2x10000x64xf32, #tpu.memory_space<hbm>> -> memref<1x10000x64xf32, #tpu.memory_space<hbm>>
    %dma_start3A_113 = tpu.memref_squeeze %dma_start3A_112 : memref<1x10000x64xf32, #tpu.memory_space<hbm>> -> memref<10000x64xf32, #tpu.memory_space<hbm>>
    %dma_start3A_114 = arith.constant 0 : i32
    %dma_start3A_115 = arith.constant 0 : i32
    %dma_start3A_116 = tpu.memref_slice %dma_start3A_113[%dma_start3A_114, %dma_start3A_115] : memref<10000x64xf32, #tpu.memory_space<hbm>> -> memref<10000x64xf32, #tpu.memory_space<hbm>>
    tpu.enqueue_indirect_dma source(%dma_start3A_116 : memref<10000x64xf32, #tpu.memory_space<hbm>>) target(%dma_start3A_106 : memref<80x64xf32, #tpu.memory_space<vmem>>) offsets(%dma_start3A_109 : memref<80xi32, #tpu.memory_space<vmem>>) semaphore(%arg12 : memref<!tpu.dma_semaphore, #tpu.memory_space<semaphore_mem>>)
    %dma_start3A_117 = arith.constant 2 : i32
    %dma_start3A_118 = arith.constant 2 : i32
    %dma_start3A_119 = arith.constant 0 : i32
    %dma_start3A_120 = arith.constant 0 : i32
    %dma_start3A_121 = tpu.memref_slice %arg8[%dma_start3A_118, %dma_start3A_119, %dma_start3A_120] : memref<5x80x64xf32, #tpu.memory_space<vmem>> -> memref<1x80x64xf32, #tpu.memory_space<vmem>>
    %dma_start3A_122 = tpu.memref_squeeze %dma_start3A_121 : memref<1x80x64xf32, #tpu.memory_space<vmem>> -> memref<80x64xf32, #tpu.memory_space<vmem>>
    %dma_start3A_123 = arith.constant 0 : i32
    %dma_start3A_124 = tpu.memref_slice %arg6[%dma_start3A_117, %dma_start3A_123] : memref<250x80xi32, #tpu.memory_space<vmem>> -> memref<1x80xi32, #tpu.memory_space<vmem>>
    %dma_start3A_125 = tpu.memref_squeeze %dma_start3A_124 : memref<1x80xi32, #tpu.memory_space<vmem>> -> memref<80xi32, #tpu.memory_space<vmem>>
    %dma_start3A_126 = arith.constant 0 : i32
    %dma_start3A_127 = arith.constant 0 : i32
    %dma_start3A_128 = tpu.memref_slice %arg2[%arg0, %dma_start3A_126, %dma_start3A_127] : memref<2x10000x64xf32, #tpu.memory_space<hbm>> -> memref<1x10000x64xf32, #tpu.memory_space<hbm>>
    %dma_start3A_129 = tpu.memref_squeeze %dma_start3A_128 : memref<1x10000x64xf32, #tpu.memory_space<hbm>> -> memref<10000x64xf32, #tpu.memory_space<hbm>>
    %dma_start3A_130 = arith.constant 0 : i32
    %dma_start3A_131 = arith.constant 0 : i32
    %dma_start3A_132 = tpu.memref_slice %dma_start3A_129[%dma_start3A_130, %dma_start3A_131] : memref<10000x64xf32, #tpu.memory_space<hbm>> -> memref<10000x64xf32, #tpu.memory_space<hbm>>
    tpu.enqueue_indirect_dma source(%dma_start3A_132 : memref<10000x64xf32, #tpu.memory_space<hbm>>) target(%dma_start3A_122 : memref<80x64xf32, #tpu.memory_space<vmem>>) offsets(%dma_start3A_125 : memref<80xi32, #tpu.memory_space<vmem>>) semaphore(%arg13 : memref<!tpu.dma_semaphore, #tpu.memory_space<semaphore_mem>>)
    %dma_start3A_133 = arith.constant 3 : i32
    %dma_start3A_134 = arith.constant 3 : i32
    %dma_start3A_135 = arith.constant 0 : i32
    %dma_start3A_136 = arith.constant 0 : i32
    %dma_start3A_137 = tpu.memref_slice %arg8[%dma_start3A_134, %dma_start3A_135, %dma_start3A_136] : memref<5x80x64xf32, #tpu.memory_space<vmem>> -> memref<1x80x64xf32, #tpu.memory_space<vmem>>
    %dma_start3A_138 = tpu.memref_squeeze %dma_start3A_137 : memref<1x80x64xf32, #tpu.memory_space<vmem>> -> memref<80x64xf32, #tpu.memory_space<vmem>>
    %dma_start3A_139 = arith.constant 0 : i32
    %dma_start3A_140 = tpu.memref_slice %arg6[%dma_start3A_133, %dma_start3A_139] : memref<250x80xi32, #tpu.memory_space<vmem>> -> memref<1x80xi32, #tpu.memory_space<vmem>>
    %dma_start3A_141 = tpu.memref_squeeze %dma_start3A_140 : memref<1x80xi32, #tpu.memory_space<vmem>> -> memref<80xi32, #tpu.memory_space<vmem>>
    %dma_start3A_142 = arith.constant 0 : i32
    %dma_start3A_143 = arith.constant 0 : i32
    %dma_start3A_144 = tpu.memref_slice %arg2[%arg0, %dma_start3A_142, %dma_start3A_143] : memref<2x10000x64xf32, #tpu.memory_space<hbm>> -> memref<1x10000x64xf32, #tpu.memory_space<hbm>>
    %dma_start3A_145 = tpu.memref_squeeze %dma_start3A_144 : memref<1x10000x64xf32, #tpu.memory_space<hbm>> -> memref<10000x64xf32, #tpu.memory_space<hbm>>
    %dma_start3A_146 = arith.constant 0 : i32
    %dma_start3A_147 = arith.constant 0 : i32
    %dma_start3A_148 = tpu.memref_slice %dma_start3A_145[%dma_start3A_146, %dma_start3A_147] : memref<10000x64xf32, #tpu.memory_space<hbm>> -> memref<10000x64xf32, #tpu.memory_space<hbm>>
    tpu.enqueue_indirect_dma source(%dma_start3A_148 : memref<10000x64xf32, #tpu.memory_space<hbm>>) target(%dma_start3A_138 : memref<80x64xf32, #tpu.memory_space<vmem>>) offsets(%dma_start3A_141 : memref<80xi32, #tpu.memory_space<vmem>>) semaphore(%arg14 : memref<!tpu.dma_semaphore, #tpu.memory_space<semaphore_mem>>)
    %dma_start3A_149 = arith.constant 4 : i32
    %dma_start3A_150 = arith.constant 4 : i32
    %dma_start3A_151 = arith.constant 0 : i32
    %dma_start3A_152 = arith.constant 0 : i32
    %dma_start3A_153 = tpu.memref_slice %arg8[%dma_start3A_150, %dma_start3A_151, %dma_start3A_152] : memref<5x80x64xf32, #tpu.memory_space<vmem>> -> memref<1x80x64xf32, #tpu.memory_space<vmem>>
    %dma_start3A_154 = tpu.memref_squeeze %dma_start3A_153 : memref<1x80x64xf32, #tpu.memory_space<vmem>> -> memref<80x64xf32, #tpu.memory_space<vmem>>
    %dma_start3A_155 = arith.constant 0 : i32
    %dma_start3A_156 = tpu.memref_slice %arg6[%dma_start3A_149, %dma_start3A_155] : memref<250x80xi32, #tpu.memory_space<vmem>> -> memref<1x80xi32, #tpu.memory_space<vmem>>
    %dma_start3A_157 = tpu.memref_squeeze %dma_start3A_156 : memref<1x80xi32, #tpu.memory_space<vmem>> -> memref<80xi32, #tpu.memory_space<vmem>>
    %dma_start3A_158 = arith.constant 0 : i32
    %dma_start3A_159 = arith.constant 0 : i32
    %dma_start3A_160 = tpu.memref_slice %arg2[%arg0, %dma_start3A_158, %dma_start3A_159] : memref<2x10000x64xf32, #tpu.memory_space<hbm>> -> memref<1x10000x64xf32, #tpu.memory_space<hbm>>
    %dma_start3A_161 = tpu.memref_squeeze %dma_start3A_160 : memref<1x10000x64xf32, #tpu.memory_space<hbm>> -> memref<10000x64xf32, #tpu.memory_space<hbm>>
    %dma_start3A_162 = arith.constant 0 : i32
    %dma_start3A_163 = arith.constant 0 : i32
    %dma_start3A_164 = tpu.memref_slice %dma_start3A_161[%dma_start3A_162, %dma_start3A_163] : memref<10000x64xf32, #tpu.memory_space<hbm>> -> memref<10000x64xf32, #tpu.memory_space<hbm>>
    tpu.enqueue_indirect_dma source(%dma_start3A_164 : memref<10000x64xf32, #tpu.memory_space<hbm>>) target(%dma_start3A_154 : memref<80x64xf32, #tpu.memory_space<vmem>>) offsets(%dma_start3A_157 : memref<80xi32, #tpu.memory_space<vmem>>) semaphore(%arg15 : memref<!tpu.dma_semaphore, #tpu.memory_space<semaphore_mem>>)
    %scan3A_165 = arith.constant 0 : i32
    %scan3A_166 = arith.constant 0 : i32
    %scan3A_167 = arith.constant 50 : i32
    %scan3A_168 = arith.addi %scan3A_166, %scan3A_167 : i32
    %scan3A_169 = arith.constant 1 : i32
    scf.for %scan3A_231 = %scan3A_166 to %scan3A_168 step %scan3A_169  : i32 {
      %mul3A_232 = arith.constant 5 : i32
      %mul3A_233 = arith.muli %scan3A_231, %mul3A_232 : i32
      %add3A_234 = arith.constant 0 : i32
      %add3A_235 = arith.addi %mul3A_233, %add3A_234 : i32
      %dma_wait3A_236 = arith.constant 0 : i32
      %dma_wait3A_237 = arith.constant 0 : i32
      %dma_wait3A_238 = arith.constant 0 : i32
      %dma_wait3A_239 = tpu.memref_slice %arg8[%dma_wait3A_236, %dma_wait3A_237, %dma_wait3A_238] : memref<5x80x64xf32, #tpu.memory_space<vmem>> -> memref<1x80x64xf32, #tpu.memory_space<vmem>>
      %dma_wait3A_240 = tpu.memref_squeeze %dma_wait3A_239 : memref<1x80x64xf32, #tpu.memory_space<vmem>> -> memref<80x64xf32, #tpu.memory_space<vmem>>
      %dma_wait3A_241 = arith.constant 0 : i32
      %dma_wait3A_242 = tpu.memref_slice %arg6[%add3A_235, %dma_wait3A_241] : memref<250x80xi32, #tpu.memory_space<vmem>> -> memref<1x80xi32, #tpu.memory_space<vmem>>
      %dma_wait3A_243 = tpu.memref_squeeze %dma_wait3A_242 : memref<1x80xi32, #tpu.memory_space<vmem>> -> memref<80xi32, #tpu.memory_space<vmem>>
      %dma_wait3A_244 = arith.constant 0 : i32
      %dma_wait3A_245 = arith.constant 0 : i32
      %dma_wait3A_246 = tpu.memref_slice %arg2[%arg0, %dma_wait3A_244, %dma_wait3A_245] : memref<2x10000x64xf32, #tpu.memory_space<hbm>> -> memref<1x10000x64xf32, #tpu.memory_space<hbm>>
      %dma_wait3A_247 = tpu.memref_squeeze %dma_wait3A_246 : memref<1x10000x64xf32, #tpu.memory_space<hbm>> -> memref<10000x64xf32, #tpu.memory_space<hbm>>
      %dma_wait3A_248 = arith.constant 0 : i32
      %dma_wait3A_249 = arith.constant 0 : i32
      %dma_wait3A_250 = tpu.memref_slice %dma_wait3A_247[%dma_wait3A_248, %dma_wait3A_249] : memref<10000x64xf32, #tpu.memory_space<hbm>> -> memref<10000x64xf32, #tpu.memory_space<hbm>>
      tpu.wait_indirect_dma semaphore(%arg11 : memref<!tpu.dma_semaphore, #tpu.memory_space<semaphore_mem>>) src(%dma_wait3A_250 : memref<10000x64xf32, #tpu.memory_space<hbm>>) dst(%dma_wait3A_240 : memref<80x64xf32, #tpu.memory_space<vmem>>)
      %add3A_251 = arith.constant 0 : i32
      %add3A_252 = arith.addi %mul3A_233, %add3A_251 : i32
      %dma_start3A_253 = arith.constant 0 : i32
      %dma_start3A_254 = arith.constant 0 : i32
      %dma_start3A_255 = arith.constant 0 : i32
      %dma_start3A_256 = tpu.memref_slice %arg8[%dma_start3A_253, %dma_start3A_254, %dma_start3A_255] : memref<5x80x64xf32, #tpu.memory_space<vmem>> -> memref<1x80x64xf32, #tpu.memory_space<vmem>>
      %dma_start3A_257 = tpu.memref_squeeze %dma_start3A_256 : memref<1x80x64xf32, #tpu.memory_space<vmem>> -> memref<80x64xf32, #tpu.memory_space<vmem>>
      %dma_start3A_258 = arith.constant 0 : i32
      %dma_start3A_259 = tpu.memref_slice %arg7[%add3A_252, %dma_start3A_258] : memref<250x80xi32, #tpu.memory_space<vmem>> -> memref<1x80xi32, #tpu.memory_space<vmem>>
      %dma_start3A_260 = tpu.memref_squeeze %dma_start3A_259 : memref<1x80xi32, #tpu.memory_space<vmem>> -> memref<80xi32, #tpu.memory_space<vmem>>
      %dma_start3A_261 = arith.constant 0 : i32
      %dma_start3A_262 = arith.constant 0 : i32
      %dma_start3A_263 = tpu.memref_slice %arg10[%dma_start3A_261, %dma_start3A_262] : memref<10240x64xf32, #tpu.memory_space<vmem_shared>> -> memref<10240x64xf32, #tpu.memory_space<vmem_shared>>
      tpu.enqueue_indirect_dma source(%dma_start3A_257 : memref<80x64xf32, #tpu.memory_space<vmem>>) target(%dma_start3A_263 : memref<10240x64xf32, #tpu.memory_space<vmem_shared>>) offsets(%dma_start3A_260 : memref<80xi32, #tpu.memory_space<vmem>>) semaphore(%arg16 : memref<!tpu.dma_semaphore, #tpu.memory_space<semaphore_mem>>) {add = true}
      %add3A_264 = arith.constant 1 : i32
      %add3A_265 = arith.addi %mul3A_233, %add3A_264 : i32
      %dma_wait3A_266 = arith.constant 1 : i32
      %dma_wait3A_267 = arith.constant 0 : i32
      %dma_wait3A_268 = arith.constant 0 : i32
      %dma_wait3A_269 = tpu.memref_slice %arg8[%dma_wait3A_266, %dma_wait3A_267, %dma_wait3A_268] : memref<5x80x64xf32, #tpu.memory_space<vmem>> -> memref<1x80x64xf32, #tpu.memory_space<vmem>>
      %dma_wait3A_270 = tpu.memref_squeeze %dma_wait3A_269 : memref<1x80x64xf32, #tpu.memory_space<vmem>> -> memref<80x64xf32, #tpu.memory_space<vmem>>
      %dma_wait3A_271 = arith.constant 0 : i32
      %dma_wait3A_272 = tpu.memref_slice %arg6[%add3A_265, %dma_wait3A_271] : memref<250x80xi32, #tpu.memory_space<vmem>> -> memref<1x80xi32, #tpu.memory_space<vmem>>
      %dma_wait3A_273 = tpu.memref_squeeze %dma_wait3A_272 : memref<1x80xi32, #tpu.memory_space<vmem>> -> memref<80xi32, #tpu.memory_space<vmem>>
      %dma_wait3A_274 = arith.constant 0 : i32
      %dma_wait3A_275 = arith.constant 0 : i32
      %dma_wait3A_276 = tpu.memref_slice %arg2[%arg0, %dma_wait3A_274, %dma_wait3A_275] : memref<2x10000x64xf32, #tpu.memory_space<hbm>> -> memref<1x10000x64xf32, #tpu.memory_space<hbm>>
      %dma_wait3A_277 = tpu.memref_squeeze %dma_wait3A_276 : memref<1x10000x64xf32, #tpu.memory_space<hbm>> -> memref<10000x64xf32, #tpu.memory_space<hbm>>
      %dma_wait3A_278 = arith.constant 0 : i32
      %dma_wait3A_279 = arith.constant 0 : i32
      %dma_wait3A_280 = tpu.memref_slice %dma_wait3A_277[%dma_wait3A_278, %dma_wait3A_279] : memref<10000x64xf32, #tpu.memory_space<hbm>> -> memref<10000x64xf32, #tpu.memory_space<hbm>>
      tpu.wait_indirect_dma semaphore(%arg12 : memref<!tpu.dma_semaphore, #tpu.memory_space<semaphore_mem>>) src(%dma_wait3A_280 : memref<10000x64xf32, #tpu.memory_space<hbm>>) dst(%dma_wait3A_270 : memref<80x64xf32, #tpu.memory_space<vmem>>)
      %add3A_281 = arith.constant 1 : i32
      %add3A_282 = arith.addi %mul3A_233, %add3A_281 : i32
      %dma_start3A_283 = arith.constant 1 : i32
      %dma_start3A_284 = arith.constant 0 : i32
      %dma_start3A_285 = arith.constant 0 : i32
      %dma_start3A_286 = tpu.memref_slice %arg8[%dma_start3A_283, %dma_start3A_284, %dma_start3A_285] : memref<5x80x64xf32, #tpu.memory_space<vmem>> -> memref<1x80x64xf32, #tpu.memory_space<vmem>>
      %dma_start3A_287 = tpu.memref_squeeze %dma_start3A_286 : memref<1x80x64xf32, #tpu.memory_space<vmem>> -> memref<80x64xf32, #tpu.memory_space<vmem>>
      %dma_start3A_288 = arith.constant 0 : i32
      %dma_start3A_289 = tpu.memref_slice %arg7[%add3A_282, %dma_start3A_288] : memref<250x80xi32, #tpu.memory_space<vmem>> -> memref<1x80xi32, #tpu.memory_space<vmem>>
      %dma_start3A_290 = tpu.memref_squeeze %dma_start3A_289 : memref<1x80xi32, #tpu.memory_space<vmem>> -> memref<80xi32, #tpu.memory_space<vmem>>
      %dma_start3A_291 = arith.constant 0 : i32
      %dma_start3A_292 = arith.constant 0 : i32
      %dma_start3A_293 = tpu.memref_slice %arg10[%dma_start3A_291, %dma_start3A_292] : memref<10240x64xf32, #tpu.memory_space<vmem_shared>> -> memref<10240x64xf32, #tpu.memory_space<vmem_shared>>
      tpu.enqueue_indirect_dma source(%dma_start3A_287 : memref<80x64xf32, #tpu.memory_space<vmem>>) target(%dma_start3A_293 : memref<10240x64xf32, #tpu.memory_space<vmem_shared>>) offsets(%dma_start3A_290 : memref<80xi32, #tpu.memory_space<vmem>>) semaphore(%arg17 : memref<!tpu.dma_semaphore, #tpu.memory_space<semaphore_mem>>) {add = true}
      %add3A_294 = arith.constant 2 : i32
      %add3A_295 = arith.addi %mul3A_233, %add3A_294 : i32
      %dma_wait3A_296 = arith.constant 2 : i32
      %dma_wait3A_297 = arith.constant 0 : i32
      %dma_wait3A_298 = arith.constant 0 : i32
      %dma_wait3A_299 = tpu.memref_slice %arg8[%dma_wait3A_296, %dma_wait3A_297, %dma_wait3A_298] : memref<5x80x64xf32, #tpu.memory_space<vmem>> -> memref<1x80x64xf32, #tpu.memory_space<vmem>>
      %dma_wait3A_300 = tpu.memref_squeeze %dma_wait3A_299 : memref<1x80x64xf32, #tpu.memory_space<vmem>> -> memref<80x64xf32, #tpu.memory_space<vmem>>
      %dma_wait3A_301 = arith.constant 0 : i32
      %dma_wait3A_302 = tpu.memref_slice %arg6[%add3A_295, %dma_wait3A_301] : memref<250x80xi32, #tpu.memory_space<vmem>> -> memref<1x80xi32, #tpu.memory_space<vmem>>
      %dma_wait3A_303 = tpu.memref_squeeze %dma_wait3A_302 : memref<1x80xi32, #tpu.memory_space<vmem>> -> memref<80xi32, #tpu.memory_space<vmem>>
      %dma_wait3A_304 = arith.constant 0 : i32
      %dma_wait3A_305 = arith.constant 0 : i32
      %dma_wait3A_306 = tpu.memref_slice %arg2[%arg0, %dma_wait3A_304, %dma_wait3A_305] : memref<2x10000x64xf32, #tpu.memory_space<hbm>> -> memref<1x10000x64xf32, #tpu.memory_space<hbm>>
      %dma_wait3A_307 = tpu.memref_squeeze %dma_wait3A_306 : memref<1x10000x64xf32, #tpu.memory_space<hbm>> -> memref<10000x64xf32, #tpu.memory_space<hbm>>
      %dma_wait3A_308 = arith.constant 0 : i32
      %dma_wait3A_309 = arith.constant 0 : i32
      %dma_wait3A_310 = tpu.memref_slice %dma_wait3A_307[%dma_wait3A_308, %dma_wait3A_309] : memref<10000x64xf32, #tpu.memory_space<hbm>> -> memref<10000x64xf32, #tpu.memory_space<hbm>>
      tpu.wait_indirect_dma semaphore(%arg13 : memref<!tpu.dma_semaphore, #tpu.memory_space<semaphore_mem>>) src(%dma_wait3A_310 : memref<10000x64xf32, #tpu.memory_space<hbm>>) dst(%dma_wait3A_300 : memref<80x64xf32, #tpu.memory_space<vmem>>)
      %add3A_311 = arith.constant 2 : i32
      %add3A_312 = arith.addi %mul3A_233, %add3A_311 : i32
      %dma_start3A_313 = arith.constant 2 : i32
      %dma_start3A_314 = arith.constant 0 : i32
      %dma_start3A_315 = arith.constant 0 : i32
      %dma_start3A_316 = tpu.memref_slice %arg8[%dma_start3A_313, %dma_start3A_314, %dma_start3A_315] : memref<5x80x64xf32, #tpu.memory_space<vmem>> -> memref<1x80x64xf32, #tpu.memory_space<vmem>>
      %dma_start3A_317 = tpu.memref_squeeze %dma_start3A_316 : memref<1x80x64xf32, #tpu.memory_space<vmem>> -> memref<80x64xf32, #tpu.memory_space<vmem>>
      %dma_start3A_318 = arith.constant 0 : i32
      %dma_start3A_319 = tpu.memref_slice %arg7[%add3A_312, %dma_start3A_318] : memref<250x80xi32, #tpu.memory_space<vmem>> -> memref<1x80xi32, #tpu.memory_space<vmem>>
      %dma_start3A_320 = tpu.memref_squeeze %dma_start3A_319 : memref<1x80xi32, #tpu.memory_space<vmem>> -> memref<80xi32, #tpu.memory_space<vmem>>
      %dma_start3A_321 = arith.constant 0 : i32
      %dma_start3A_322 = arith.constant 0 : i32
      %dma_start3A_323 = tpu.memref_slice %arg10[%dma_start3A_321, %dma_start3A_322] : memref<10240x64xf32, #tpu.memory_space<vmem_shared>> -> memref<10240x64xf32, #tpu.memory_space<vmem_shared>>
      tpu.enqueue_indirect_dma source(%dma_start3A_317 : memref<80x64xf32, #tpu.memory_space<vmem>>) target(%dma_start3A_323 : memref<10240x64xf32, #tpu.memory_space<vmem_shared>>) offsets(%dma_start3A_320 : memref<80xi32, #tpu.memory_space<vmem>>) semaphore(%arg18 : memref<!tpu.dma_semaphore, #tpu.memory_space<semaphore_mem>>) {add = true}
      %add3A_324 = arith.constant 3 : i32
      %add3A_325 = arith.addi %mul3A_233, %add3A_324 : i32
      %dma_wait3A_326 = arith.constant 3 : i32
      %dma_wait3A_327 = arith.constant 0 : i32
      %dma_wait3A_328 = arith.constant 0 : i32
      %dma_wait3A_329 = tpu.memref_slice %arg8[%dma_wait3A_326, %dma_wait3A_327, %dma_wait3A_328] : memref<5x80x64xf32, #tpu.memory_space<vmem>> -> memref<1x80x64xf32, #tpu.memory_space<vmem>>
      %dma_wait3A_330 = tpu.memref_squeeze %dma_wait3A_329 : memref<1x80x64xf32, #tpu.memory_space<vmem>> -> memref<80x64xf32, #tpu.memory_space<vmem>>
      %dma_wait3A_331 = arith.constant 0 : i32
      %dma_wait3A_332 = tpu.memref_slice %arg6[%add3A_325, %dma_wait3A_331] : memref<250x80xi32, #tpu.memory_space<vmem>> -> memref<1x80xi32, #tpu.memory_space<vmem>>
      %dma_wait3A_333 = tpu.memref_squeeze %dma_wait3A_332 : memref<1x80xi32, #tpu.memory_space<vmem>> -> memref<80xi32, #tpu.memory_space<vmem>>
      %dma_wait3A_334 = arith.constant 0 : i32
      %dma_wait3A_335 = arith.constant 0 : i32
      %dma_wait3A_336 = tpu.memref_slice %arg2[%arg0, %dma_wait3A_334, %dma_wait3A_335] : memref<2x10000x64xf32, #tpu.memory_space<hbm>> -> memref<1x10000x64xf32, #tpu.memory_space<hbm>>
      %dma_wait3A_337 = tpu.memref_squeeze %dma_wait3A_336 : memref<1x10000x64xf32, #tpu.memory_space<hbm>> -> memref<10000x64xf32, #tpu.memory_space<hbm>>
      %dma_wait3A_338 = arith.constant 0 : i32
      %dma_wait3A_339 = arith.constant 0 : i32
      %dma_wait3A_340 = tpu.memref_slice %dma_wait3A_337[%dma_wait3A_338, %dma_wait3A_339] : memref<10000x64xf32, #tpu.memory_space<hbm>> -> memref<10000x64xf32, #tpu.memory_space<hbm>>
      tpu.wait_indirect_dma semaphore(%arg14 : memref<!tpu.dma_semaphore, #tpu.memory_space<semaphore_mem>>) src(%dma_wait3A_340 : memref<10000x64xf32, #tpu.memory_space<hbm>>) dst(%dma_wait3A_330 : memref<80x64xf32, #tpu.memory_space<vmem>>)
      %add3A_341 = arith.constant 3 : i32
      %add3A_342 = arith.addi %mul3A_233, %add3A_341 : i32
      %dma_start3A_343 = arith.constant 3 : i32
      %dma_start3A_344 = arith.constant 0 : i32
      %dma_start3A_345 = arith.constant 0 : i32
      %dma_start3A_346 = tpu.memref_slice %arg8[%dma_start3A_343, %dma_start3A_344, %dma_start3A_345] : memref<5x80x64xf32, #tpu.memory_space<vmem>> -> memref<1x80x64xf32, #tpu.memory_space<vmem>>
      %dma_start3A_347 = tpu.memref_squeeze %dma_start3A_346 : memref<1x80x64xf32, #tpu.memory_space<vmem>> -> memref<80x64xf32, #tpu.memory_space<vmem>>
      %dma_start3A_348 = arith.constant 0 : i32
      %dma_start3A_349 = tpu.memref_slice %arg7[%add3A_342, %dma_start3A_348] : memref<250x80xi32, #tpu.memory_space<vmem>> -> memref<1x80xi32, #tpu.memory_space<vmem>>
      %dma_start3A_350 = tpu.memref_squeeze %dma_start3A_349 : memref<1x80xi32, #tpu.memory_space<vmem>> -> memref<80xi32, #tpu.memory_space<vmem>>
      %dma_start3A_351 = arith.constant 0 : i32
      %dma_start3A_352 = arith.constant 0 : i32
      %dma_start3A_353 = tpu.memref_slice %arg10[%dma_start3A_351, %dma_start3A_352] : memref<10240x64xf32, #tpu.memory_space<vmem_shared>> -> memref<10240x64xf32, #tpu.memory_space<vmem_shared>>
      tpu.enqueue_indirect_dma source(%dma_start3A_347 : memref<80x64xf32, #tpu.memory_space<vmem>>) target(%dma_start3A_353 : memref<10240x64xf32, #tpu.memory_space<vmem_shared>>) offsets(%dma_start3A_350 : memref<80xi32, #tpu.memory_space<vmem>>) semaphore(%arg19 : memref<!tpu.dma_semaphore, #tpu.memory_space<semaphore_mem>>) {add = true}
      %add3A_354 = arith.constant 4 : i32
      %add3A_355 = arith.addi %mul3A_233, %add3A_354 : i32
      %dma_wait3A_356 = arith.constant 4 : i32
      %dma_wait3A_357 = arith.constant 0 : i32
      %dma_wait3A_358 = arith.constant 0 : i32
      %dma_wait3A_359 = tpu.memref_slice %arg8[%dma_wait3A_356, %dma_wait3A_357, %dma_wait3A_358] : memref<5x80x64xf32, #tpu.memory_space<vmem>> -> memref<1x80x64xf32, #tpu.memory_space<vmem>>
      %dma_wait3A_360 = tpu.memref_squeeze %dma_wait3A_359 : memref<1x80x64xf32, #tpu.memory_space<vmem>> -> memref<80x64xf32, #tpu.memory_space<vmem>>
      %dma_wait3A_361 = arith.constant 0 : i32
      %dma_wait3A_362 = tpu.memref_slice %arg6[%add3A_355, %dma_wait3A_361] : memref<250x80xi32, #tpu.memory_space<vmem>> -> memref<1x80xi32, #tpu.memory_space<vmem>>
      %dma_wait3A_363 = tpu.memref_squeeze %dma_wait3A_362 : memref<1x80xi32, #tpu.memory_space<vmem>> -> memref<80xi32, #tpu.memory_space<vmem>>
      %dma_wait3A_364 = arith.constant 0 : i32
      %dma_wait3A_365 = arith.constant 0 : i32
      %dma_wait3A_366 = tpu.memref_slice %arg2[%arg0, %dma_wait3A_364, %dma_wait3A_365] : memref<2x10000x64xf32, #tpu.memory_space<hbm>> -> memref<1x10000x64xf32, #tpu.memory_space<hbm>>
      %dma_wait3A_367 = tpu.memref_squeeze %dma_wait3A_366 : memref<1x10000x64xf32, #tpu.memory_space<hbm>> -> memref<10000x64xf32, #tpu.memory_space<hbm>>
      %dma_wait3A_368 = arith.constant 0 : i32
      %dma_wait3A_369 = arith.constant 0 : i32
      %dma_wait3A_370 = tpu.memref_slice %dma_wait3A_367[%dma_wait3A_368, %dma_wait3A_369] : memref<10000x64xf32, #tpu.memory_space<hbm>> -> memref<10000x64xf32, #tpu.memory_space<hbm>>
      tpu.wait_indirect_dma semaphore(%arg15 : memref<!tpu.dma_semaphore, #tpu.memory_space<semaphore_mem>>) src(%dma_wait3A_370 : memref<10000x64xf32, #tpu.memory_space<hbm>>) dst(%dma_wait3A_360 : memref<80x64xf32, #tpu.memory_space<vmem>>)
      %add3A_371 = arith.constant 4 : i32
      %add3A_372 = arith.addi %mul3A_233, %add3A_371 : i32
      %dma_start3A_373 = arith.constant 4 : i32
      %dma_start3A_374 = arith.constant 0 : i32
      %dma_start3A_375 = arith.constant 0 : i32
      %dma_start3A_376 = tpu.memref_slice %arg8[%dma_start3A_373, %dma_start3A_374, %dma_start3A_375] : memref<5x80x64xf32, #tpu.memory_space<vmem>> -> memref<1x80x64xf32, #tpu.memory_space<vmem>>
      %dma_start3A_377 = tpu.memref_squeeze %dma_start3A_376 : memref<1x80x64xf32, #tpu.memory_space<vmem>> -> memref<80x64xf32, #tpu.memory_space<vmem>>
      %dma_start3A_378 = arith.constant 0 : i32
      %dma_start3A_379 = tpu.memref_slice %arg7[%add3A_372, %dma_start3A_378] : memref<250x80xi32, #tpu.memory_space<vmem>> -> memref<1x80xi32, #tpu.memory_space<vmem>>
      %dma_start3A_380 = tpu.memref_squeeze %dma_start3A_379 : memref<1x80xi32, #tpu.memory_space<vmem>> -> memref<80xi32, #tpu.memory_space<vmem>>
      %dma_start3A_381 = arith.constant 0 : i32
      %dma_start3A_382 = arith.constant 0 : i32
      %dma_start3A_383 = tpu.memref_slice %arg10[%dma_start3A_381, %dma_start3A_382] : memref<10240x64xf32, #tpu.memory_space<vmem_shared>> -> memref<10240x64xf32, #tpu.memory_space<vmem_shared>>
      tpu.enqueue_indirect_dma source(%dma_start3A_377 : memref<80x64xf32, #tpu.memory_space<vmem>>) target(%dma_start3A_383 : memref<10240x64xf32, #tpu.memory_space<vmem_shared>>) offsets(%dma_start3A_380 : memref<80xi32, #tpu.memory_space<vmem>>) semaphore(%arg20 : memref<!tpu.dma_semaphore, #tpu.memory_space<semaphore_mem>>) {add = true}
      %lt3A = arith.constant 49 : i32
      %lt3A_384 = arith.cmpi slt, %scan3A_231, %lt3A : i32
      %convert_element_type3A = arith.extui %lt3A_384 : i1 to i32
      %cond3A = arith.constant 0 : i32
      %cond3A_385 = arith.cmpi ne, %convert_element_type3A, %cond3A : i32
      scf.if %cond3A_385 {
        %add3A_406 = arith.constant 0 : i32
        %add3A_407 = arith.addi %mul3A_233, %add3A_406 : i32
        %dma_wait3A_408 = arith.constant 0 : i32
        %dma_wait3A_409 = arith.constant 0 : i32
        %dma_wait3A_410 = arith.constant 0 : i32
        %dma_wait3A_411 = tpu.memref_slice %arg8[%dma_wait3A_408, %dma_wait3A_409, %dma_wait3A_410] : memref<5x80x64xf32, #tpu.memory_space<vmem>> -> memref<1x80x64xf32, #tpu.memory_space<vmem>>
        %dma_wait3A_412 = tpu.memref_squeeze %dma_wait3A_411 : memref<1x80x64xf32, #tpu.memory_space<vmem>> -> memref<80x64xf32, #tpu.memory_space<vmem>>
        %dma_wait3A_413 = arith.constant 0 : i32
        %dma_wait3A_414 = tpu.memref_slice %arg7[%add3A_407, %dma_wait3A_413] : memref<250x80xi32, #tpu.memory_space<vmem>> -> memref<1x80xi32, #tpu.memory_space<vmem>>
        %dma_wait3A_415 = tpu.memref_squeeze %dma_wait3A_414 : memref<1x80xi32, #tpu.memory_space<vmem>> -> memref<80xi32, #tpu.memory_space<vmem>>
        %dma_wait3A_416 = arith.constant 0 : i32
        %dma_wait3A_417 = arith.constant 0 : i32
        %dma_wait3A_418 = tpu.memref_slice %arg10[%dma_wait3A_416, %dma_wait3A_417] : memref<10240x64xf32, #tpu.memory_space<vmem_shared>> -> memref<10240x64xf32, #tpu.memory_space<vmem_shared>>
        tpu.wait_indirect_dma semaphore(%arg16 : memref<!tpu.dma_semaphore, #tpu.memory_space<semaphore_mem>>) src(%dma_wait3A_412 : memref<80x64xf32, #tpu.memory_space<vmem>>) dst(%dma_wait3A_418 : memref<10240x64xf32, #tpu.memory_space<vmem_shared>>)
        %add3A_419 = arith.constant 5 : i32
        %add3A_420 = arith.addi %mul3A_233, %add3A_419 : i32
        %add3A_421 = arith.constant 0 : i32
        %add3A_422 = arith.addi %add3A_420, %add3A_421 : i32
        %dma_start3A_423 = arith.constant 0 : i32
        %dma_start3A_424 = arith.constant 0 : i32
        %dma_start3A_425 = arith.constant 0 : i32
        %dma_start3A_426 = tpu.memref_slice %arg8[%dma_start3A_423, %dma_start3A_424, %dma_start3A_425] : memref<5x80x64xf32, #tpu.memory_space<vmem>> -> memref<1x80x64xf32, #tpu.memory_space<vmem>>
        %dma_start3A_427 = tpu.memref_squeeze %dma_start3A_426 : memref<1x80x64xf32, #tpu.memory_space<vmem>> -> memref<80x64xf32, #tpu.memory_space<vmem>>
        %dma_start3A_428 = arith.constant 0 : i32
        %dma_start3A_429 = tpu.memref_slice %arg6[%add3A_422, %dma_start3A_428] : memref<250x80xi32, #tpu.memory_space<vmem>> -> memref<1x80xi32, #tpu.memory_space<vmem>>
        %dma_start3A_430 = tpu.memref_squeeze %dma_start3A_429 : memref<1x80xi32, #tpu.memory_space<vmem>> -> memref<80xi32, #tpu.memory_space<vmem>>
        %dma_start3A_431 = arith.constant 0 : i32
        %dma_start3A_432 = arith.constant 0 : i32
        %dma_start3A_433 = tpu.memref_slice %arg2[%arg0, %dma_start3A_431, %dma_start3A_432] : memref<2x10000x64xf32, #tpu.memory_space<hbm>> -> memref<1x10000x64xf32, #tpu.memory_space<hbm>>
        %dma_start3A_434 = tpu.memref_squeeze %dma_start3A_433 : memref<1x10000x64xf32, #tpu.memory_space<hbm>> -> memref<10000x64xf32, #tpu.memory_space<hbm>>
        %dma_start3A_435 = arith.constant 0 : i32
        %dma_start3A_436 = arith.constant 0 : i32
        %dma_start3A_437 = tpu.memref_slice %dma_start3A_434[%dma_start3A_435, %dma_start3A_436] : memref<10000x64xf32, #tpu.memory_space<hbm>> -> memref<10000x64xf32, #tpu.memory_space<hbm>>
        tpu.enqueue_indirect_dma source(%dma_start3A_437 : memref<10000x64xf32, #tpu.memory_space<hbm>>) target(%dma_start3A_427 : memref<80x64xf32, #tpu.memory_space<vmem>>) offsets(%dma_start3A_430 : memref<80xi32, #tpu.memory_space<vmem>>) semaphore(%arg11 : memref<!tpu.dma_semaphore, #tpu.memory_space<semaphore_mem>>)
      } else {
      }
      %lt3A_386 = arith.constant 49 : i32
      %lt3A_387 = arith.cmpi slt, %scan3A_231, %lt3A_386 : i32
      %convert_element_type3A_388 = arith.extui %lt3A_387 : i1 to i32
      %cond3A_389 = arith.constant 0 : i32
      %cond3A_390 = arith.cmpi ne, %convert_element_type3A_388, %cond3A_389 : i32
      scf.if %cond3A_390 {
        %add3A_406 = arith.constant 1 : i32
        %add3A_407 = arith.addi %mul3A_233, %add3A_406 : i32
        %dma_wait3A_408 = arith.constant 1 : i32
        %dma_wait3A_409 = arith.constant 0 : i32
        %dma_wait3A_410 = arith.constant 0 : i32
        %dma_wait3A_411 = tpu.memref_slice %arg8[%dma_wait3A_408, %dma_wait3A_409, %dma_wait3A_410] : memref<5x80x64xf32, #tpu.memory_space<vmem>> -> memref<1x80x64xf32, #tpu.memory_space<vmem>>
        %dma_wait3A_412 = tpu.memref_squeeze %dma_wait3A_411 : memref<1x80x64xf32, #tpu.memory_space<vmem>> -> memref<80x64xf32, #tpu.memory_space<vmem>>
        %dma_wait3A_413 = arith.constant 0 : i32
        %dma_wait3A_414 = tpu.memref_slice %arg7[%add3A_407, %dma_wait3A_413] : memref<250x80xi32, #tpu.memory_space<vmem>> -> memref<1x80xi32, #tpu.memory_space<vmem>>
        %dma_wait3A_415 = tpu.memref_squeeze %dma_wait3A_414 : memref<1x80xi32, #tpu.memory_space<vmem>> -> memref<80xi32, #tpu.memory_space<vmem>>
        %dma_wait3A_416 = arith.constant 0 : i32
        %dma_wait3A_417 = arith.constant 0 : i32
        %dma_wait3A_418 = tpu.memref_slice %arg10[%dma_wait3A_416, %dma_wait3A_417] : memref<10240x64xf32, #tpu.memory_space<vmem_shared>> -> memref<10240x64xf32, #tpu.memory_space<vmem_shared>>
        tpu.wait_indirect_dma semaphore(%arg17 : memref<!tpu.dma_semaphore, #tpu.memory_space<semaphore_mem>>) src(%dma_wait3A_412 : memref<80x64xf32, #tpu.memory_space<vmem>>) dst(%dma_wait3A_418 : memref<10240x64xf32, #tpu.memory_space<vmem_shared>>)
        %add3A_419 = arith.constant 5 : i32
        %add3A_420 = arith.addi %mul3A_233, %add3A_419 : i32
        %add3A_421 = arith.constant 1 : i32
        %add3A_422 = arith.addi %add3A_420, %add3A_421 : i32
        %dma_start3A_423 = arith.constant 1 : i32
        %dma_start3A_424 = arith.constant 0 : i32
        %dma_start3A_425 = arith.constant 0 : i32
        %dma_start3A_426 = tpu.memref_slice %arg8[%dma_start3A_423, %dma_start3A_424, %dma_start3A_425] : memref<5x80x64xf32, #tpu.memory_space<vmem>> -> memref<1x80x64xf32, #tpu.memory_space<vmem>>
        %dma_start3A_427 = tpu.memref_squeeze %dma_start3A_426 : memref<1x80x64xf32, #tpu.memory_space<vmem>> -> memref<80x64xf32, #tpu.memory_space<vmem>>
        %dma_start3A_428 = arith.constant 0 : i32
        %dma_start3A_429 = tpu.memref_slice %arg6[%add3A_422, %dma_start3A_428] : memref<250x80xi32, #tpu.memory_space<vmem>> -> memref<1x80xi32, #tpu.memory_space<vmem>>
        %dma_start3A_430 = tpu.memref_squeeze %dma_start3A_429 : memref<1x80xi32, #tpu.memory_space<vmem>> -> memref<80xi32, #tpu.memory_space<vmem>>
        %dma_start3A_431 = arith.constant 0 : i32
        %dma_start3A_432 = arith.constant 0 : i32
        %dma_start3A_433 = tpu.memref_slice %arg2[%arg0, %dma_start3A_431, %dma_start3A_432] : memref<2x10000x64xf32, #tpu.memory_space<hbm>> -> memref<1x10000x64xf32, #tpu.memory_space<hbm>>
        %dma_start3A_434 = tpu.memref_squeeze %dma_start3A_433 : memref<1x10000x64xf32, #tpu.memory_space<hbm>> -> memref<10000x64xf32, #tpu.memory_space<hbm>>
        %dma_start3A_435 = arith.constant 0 : i32
        %dma_start3A_436 = arith.constant 0 : i32
        %dma_start3A_437 = tpu.memref_slice %dma_start3A_434[%dma_start3A_435, %dma_start3A_436] : memref<10000x64xf32, #tpu.memory_space<hbm>> -> memref<10000x64xf32, #tpu.memory_space<hbm>>
        tpu.enqueue_indirect_dma source(%dma_start3A_437 : memref<10000x64xf32, #tpu.memory_space<hbm>>) target(%dma_start3A_427 : memref<80x64xf32, #tpu.memory_space<vmem>>) offsets(%dma_start3A_430 : memref<80xi32, #tpu.memory_space<vmem>>) semaphore(%arg12 : memref<!tpu.dma_semaphore, #tpu.memory_space<semaphore_mem>>)
      } else {
      }
      %lt3A_391 = arith.constant 49 : i32
      %lt3A_392 = arith.cmpi slt, %scan3A_231, %lt3A_391 : i32
      %convert_element_type3A_393 = arith.extui %lt3A_392 : i1 to i32
      %cond3A_394 = arith.constant 0 : i32
      %cond3A_395 = arith.cmpi ne, %convert_element_type3A_393, %cond3A_394 : i32
      scf.if %cond3A_395 {
        %add3A_406 = arith.constant 2 : i32
        %add3A_407 = arith.addi %mul3A_233, %add3A_406 : i32
        %dma_wait3A_408 = arith.constant 2 : i32
        %dma_wait3A_409 = arith.constant 0 : i32
        %dma_wait3A_410 = arith.constant 0 : i32
        %dma_wait3A_411 = tpu.memref_slice %arg8[%dma_wait3A_408, %dma_wait3A_409, %dma_wait3A_410] : memref<5x80x64xf32, #tpu.memory_space<vmem>> -> memref<1x80x64xf32, #tpu.memory_space<vmem>>
        %dma_wait3A_412 = tpu.memref_squeeze %dma_wait3A_411 : memref<1x80x64xf32, #tpu.memory_space<vmem>> -> memref<80x64xf32, #tpu.memory_space<vmem>>
        %dma_wait3A_413 = arith.constant 0 : i32
        %dma_wait3A_414 = tpu.memref_slice %arg7[%add3A_407, %dma_wait3A_413] : memref<250x80xi32, #tpu.memory_space<vmem>> -> memref<1x80xi32, #tpu.memory_space<vmem>>
        %dma_wait3A_415 = tpu.memref_squeeze %dma_wait3A_414 : memref<1x80xi32, #tpu.memory_space<vmem>> -> memref<80xi32, #tpu.memory_space<vmem>>
        %dma_wait3A_416 = arith.constant 0 : i32
        %dma_wait3A_417 = arith.constant 0 : i32
        %dma_wait3A_418 = tpu.memref_slice %arg10[%dma_wait3A_416, %dma_wait3A_417] : memref<10240x64xf32, #tpu.memory_space<vmem_shared>> -> memref<10240x64xf32, #tpu.memory_space<vmem_shared>>
        tpu.wait_indirect_dma semaphore(%arg18 : memref<!tpu.dma_semaphore, #tpu.memory_space<semaphore_mem>>) src(%dma_wait3A_412 : memref<80x64xf32, #tpu.memory_space<vmem>>) dst(%dma_wait3A_418 : memref<10240x64xf32, #tpu.memory_space<vmem_shared>>)
        %add3A_419 = arith.constant 5 : i32
        %add3A_420 = arith.addi %mul3A_233, %add3A_419 : i32
        %add3A_421 = arith.constant 2 : i32
        %add3A_422 = arith.addi %add3A_420, %add3A_421 : i32
        %dma_start3A_423 = arith.constant 2 : i32
        %dma_start3A_424 = arith.constant 0 : i32
        %dma_start3A_425 = arith.constant 0 : i32
        %dma_start3A_426 = tpu.memref_slice %arg8[%dma_start3A_423, %dma_start3A_424, %dma_start3A_425] : memref<5x80x64xf32, #tpu.memory_space<vmem>> -> memref<1x80x64xf32, #tpu.memory_space<vmem>>
        %dma_start3A_427 = tpu.memref_squeeze %dma_start3A_426 : memref<1x80x64xf32, #tpu.memory_space<vmem>> -> memref<80x64xf32, #tpu.memory_space<vmem>>
        %dma_start3A_428 = arith.constant 0 : i32
        %dma_start3A_429 = tpu.memref_slice %arg6[%add3A_422, %dma_start3A_428] : memref<250x80xi32, #tpu.memory_space<vmem>> -> memref<1x80xi32, #tpu.memory_space<vmem>>
        %dma_start3A_430 = tpu.memref_squeeze %dma_start3A_429 : memref<1x80xi32, #tpu.memory_space<vmem>> -> memref<80xi32, #tpu.memory_space<vmem>>
        %dma_start3A_431 = arith.constant 0 : i32
        %dma_start3A_432 = arith.constant 0 : i32
        %dma_start3A_433 = tpu.memref_slice %arg2[%arg0, %dma_start3A_431, %dma_start3A_432] : memref<2x10000x64xf32, #tpu.memory_space<hbm>> -> memref<1x10000x64xf32, #tpu.memory_space<hbm>>
        %dma_start3A_434 = tpu.memref_squeeze %dma_start3A_433 : memref<1x10000x64xf32, #tpu.memory_space<hbm>> -> memref<10000x64xf32, #tpu.memory_space<hbm>>
        %dma_start3A_435 = arith.constant 0 : i32
        %dma_start3A_436 = arith.constant 0 : i32
        %dma_start3A_437 = tpu.memref_slice %dma_start3A_434[%dma_start3A_435, %dma_start3A_436] : memref<10000x64xf32, #tpu.memory_space<hbm>> -> memref<10000x64xf32, #tpu.memory_space<hbm>>
        tpu.enqueue_indirect_dma source(%dma_start3A_437 : memref<10000x64xf32, #tpu.memory_space<hbm>>) target(%dma_start3A_427 : memref<80x64xf32, #tpu.memory_space<vmem>>) offsets(%dma_start3A_430 : memref<80xi32, #tpu.memory_space<vmem>>) semaphore(%arg13 : memref<!tpu.dma_semaphore, #tpu.memory_space<semaphore_mem>>)
      } else {
      }
      %lt3A_396 = arith.constant 49 : i32
      %lt3A_397 = arith.cmpi slt, %scan3A_231, %lt3A_396 : i32
      %convert_element_type3A_398 = arith.extui %lt3A_397 : i1 to i32
      %cond3A_399 = arith.constant 0 : i32
      %cond3A_400 = arith.cmpi ne, %convert_element_type3A_398, %cond3A_399 : i32
      scf.if %cond3A_400 {
        %add3A_406 = arith.constant 3 : i32
        %add3A_407 = arith.addi %mul3A_233, %add3A_406 : i32
        %dma_wait3A_408 = arith.constant 3 : i32
        %dma_wait3A_409 = arith.constant 0 : i32
        %dma_wait3A_410 = arith.constant 0 : i32
        %dma_wait3A_411 = tpu.memref_slice %arg8[%dma_wait3A_408, %dma_wait3A_409, %dma_wait3A_410] : memref<5x80x64xf32, #tpu.memory_space<vmem>> -> memref<1x80x64xf32, #tpu.memory_space<vmem>>
        %dma_wait3A_412 = tpu.memref_squeeze %dma_wait3A_411 : memref<1x80x64xf32, #tpu.memory_space<vmem>> -> memref<80x64xf32, #tpu.memory_space<vmem>>
        %dma_wait3A_413 = arith.constant 0 : i32
        %dma_wait3A_414 = tpu.memref_slice %arg7[%add3A_407, %dma_wait3A_413] : memref<250x80xi32, #tpu.memory_space<vmem>> -> memref<1x80xi32, #tpu.memory_space<vmem>>
        %dma_wait3A_415 = tpu.memref_squeeze %dma_wait3A_414 : memref<1x80xi32, #tpu.memory_space<vmem>> -> memref<80xi32, #tpu.memory_space<vmem>>
        %dma_wait3A_416 = arith.constant 0 : i32
        %dma_wait3A_417 = arith.constant 0 : i32
        %dma_wait3A_418 = tpu.memref_slice %arg10[%dma_wait3A_416, %dma_wait3A_417] : memref<10240x64xf32, #tpu.memory_space<vmem_shared>> -> memref<10240x64xf32, #tpu.memory_space<vmem_shared>>
        tpu.wait_indirect_dma semaphore(%arg19 : memref<!tpu.dma_semaphore, #tpu.memory_space<semaphore_mem>>) src(%dma_wait3A_412 : memref<80x64xf32, #tpu.memory_space<vmem>>) dst(%dma_wait3A_418 : memref<10240x64xf32, #tpu.memory_space<vmem_shared>>)
        %add3A_419 = arith.constant 5 : i32
        %add3A_420 = arith.addi %mul3A_233, %add3A_419 : i32
        %add3A_421 = arith.constant 3 : i32
        %add3A_422 = arith.addi %add3A_420, %add3A_421 : i32
        %dma_start3A_423 = arith.constant 3 : i32
        %dma_start3A_424 = arith.constant 0 : i32
        %dma_start3A_425 = arith.constant 0 : i32
        %dma_start3A_426 = tpu.memref_slice %arg8[%dma_start3A_423, %dma_start3A_424, %dma_start3A_425] : memref<5x80x64xf32, #tpu.memory_space<vmem>> -> memref<1x80x64xf32, #tpu.memory_space<vmem>>
        %dma_start3A_427 = tpu.memref_squeeze %dma_start3A_426 : memref<1x80x64xf32, #tpu.memory_space<vmem>> -> memref<80x64xf32, #tpu.memory_space<vmem>>
        %dma_start3A_428 = arith.constant 0 : i32
        %dma_start3A_429 = tpu.memref_slice %arg6[%add3A_422, %dma_start3A_428] : memref<250x80xi32, #tpu.memory_space<vmem>> -> memref<1x80xi32, #tpu.memory_space<vmem>>
        %dma_start3A_430 = tpu.memref_squeeze %dma_start3A_429 : memref<1x80xi32, #tpu.memory_space<vmem>> -> memref<80xi32, #tpu.memory_space<vmem>>
        %dma_start3A_431 = arith.constant 0 : i32
        %dma_start3A_432 = arith.constant 0 : i32
        %dma_start3A_433 = tpu.memref_slice %arg2[%arg0, %dma_start3A_431, %dma_start3A_432] : memref<2x10000x64xf32, #tpu.memory_space<hbm>> -> memref<1x10000x64xf32, #tpu.memory_space<hbm>>
        %dma_start3A_434 = tpu.memref_squeeze %dma_start3A_433 : memref<1x10000x64xf32, #tpu.memory_space<hbm>> -> memref<10000x64xf32, #tpu.memory_space<hbm>>
        %dma_start3A_435 = arith.constant 0 : i32
        %dma_start3A_436 = arith.constant 0 : i32
        %dma_start3A_437 = tpu.memref_slice %dma_start3A_434[%dma_start3A_435, %dma_start3A_436] : memref<10000x64xf32, #tpu.memory_space<hbm>> -> memref<10000x64xf32, #tpu.memory_space<hbm>>
        tpu.enqueue_indirect_dma source(%dma_start3A_437 : memref<10000x64xf32, #tpu.memory_space<hbm>>) target(%dma_start3A_427 : memref<80x64xf32, #tpu.memory_space<vmem>>) offsets(%dma_start3A_430 : memref<80xi32, #tpu.memory_space<vmem>>) semaphore(%arg14 : memref<!tpu.dma_semaphore, #tpu.memory_space<semaphore_mem>>)
      } else {
      }
      %lt3A_401 = arith.constant 49 : i32
      %lt3A_402 = arith.cmpi slt, %scan3A_231, %lt3A_401 : i32
      %convert_element_type3A_403 = arith.extui %lt3A_402 : i1 to i32
      %cond3A_404 = arith.constant 0 : i32
      %cond3A_405 = arith.cmpi ne, %convert_element_type3A_403, %cond3A_404 : i32
      scf.if %cond3A_405 {
        %add3A_406 = arith.constant 4 : i32
        %add3A_407 = arith.addi %mul3A_233, %add3A_406 : i32
        %dma_wait3A_408 = arith.constant 4 : i32
        %dma_wait3A_409 = arith.constant 0 : i32
        %dma_wait3A_410 = arith.constant 0 : i32
        %dma_wait3A_411 = tpu.memref_slice %arg8[%dma_wait3A_408, %dma_wait3A_409, %dma_wait3A_410] : memref<5x80x64xf32, #tpu.memory_space<vmem>> -> memref<1x80x64xf32, #tpu.memory_space<vmem>>
        %dma_wait3A_412 = tpu.memref_squeeze %dma_wait3A_411 : memref<1x80x64xf32, #tpu.memory_space<vmem>> -> memref<80x64xf32, #tpu.memory_space<vmem>>
        %dma_wait3A_413 = arith.constant 0 : i32
        %dma_wait3A_414 = tpu.memref_slice %arg7[%add3A_407, %dma_wait3A_413] : memref<250x80xi32, #tpu.memory_space<vmem>> -> memref<1x80xi32, #tpu.memory_space<vmem>>
        %dma_wait3A_415 = tpu.memref_squeeze %dma_wait3A_414 : memref<1x80xi32, #tpu.memory_space<vmem>> -> memref<80xi32, #tpu.memory_space<vmem>>
        %dma_wait3A_416 = arith.constant 0 : i32
        %dma_wait3A_417 = arith.constant 0 : i32
        %dma_wait3A_418 = tpu.memref_slice %arg10[%dma_wait3A_416, %dma_wait3A_417] : memref<10240x64xf32, #tpu.memory_space<vmem_shared>> -> memref<10240x64xf32, #tpu.memory_space<vmem_shared>>
        tpu.wait_indirect_dma semaphore(%arg20 : memref<!tpu.dma_semaphore, #tpu.memory_space<semaphore_mem>>) src(%dma_wait3A_412 : memref<80x64xf32, #tpu.memory_space<vmem>>) dst(%dma_wait3A_418 : memref<10240x64xf32, #tpu.memory_space<vmem_shared>>)
        %add3A_419 = arith.constant 5 : i32
        %add3A_420 = arith.addi %mul3A_233, %add3A_419 : i32
        %add3A_421 = arith.constant 4 : i32
        %add3A_422 = arith.addi %add3A_420, %add3A_421 : i32
        %dma_start3A_423 = arith.constant 4 : i32
        %dma_start3A_424 = arith.constant 0 : i32
        %dma_start3A_425 = arith.constant 0 : i32
        %dma_start3A_426 = tpu.memref_slice %arg8[%dma_start3A_423, %dma_start3A_424, %dma_start3A_425] : memref<5x80x64xf32, #tpu.memory_space<vmem>> -> memref<1x80x64xf32, #tpu.memory_space<vmem>>
        %dma_start3A_427 = tpu.memref_squeeze %dma_start3A_426 : memref<1x80x64xf32, #tpu.memory_space<vmem>> -> memref<80x64xf32, #tpu.memory_space<vmem>>
        %dma_start3A_428 = arith.constant 0 : i32
        %dma_start3A_429 = tpu.memref_slice %arg6[%add3A_422, %dma_start3A_428] : memref<250x80xi32, #tpu.memory_space<vmem>> -> memref<1x80xi32, #tpu.memory_space<vmem>>
        %dma_start3A_430 = tpu.memref_squeeze %dma_start3A_429 : memref<1x80xi32, #tpu.memory_space<vmem>> -> memref<80xi32, #tpu.memory_space<vmem>>
        %dma_start3A_431 = arith.constant 0 : i32
        %dma_start3A_432 = arith.constant 0 : i32
        %dma_start3A_433 = tpu.memref_slice %arg2[%arg0, %dma_start3A_431, %dma_start3A_432] : memref<2x10000x64xf32, #tpu.memory_space<hbm>> -> memref<1x10000x64xf32, #tpu.memory_space<hbm>>
        %dma_start3A_434 = tpu.memref_squeeze %dma_start3A_433 : memref<1x10000x64xf32, #tpu.memory_space<hbm>> -> memref<10000x64xf32, #tpu.memory_space<hbm>>
        %dma_start3A_435 = arith.constant 0 : i32
        %dma_start3A_436 = arith.constant 0 : i32
        %dma_start3A_437 = tpu.memref_slice %dma_start3A_434[%dma_start3A_435, %dma_start3A_436] : memref<10000x64xf32, #tpu.memory_space<hbm>> -> memref<10000x64xf32, #tpu.memory_space<hbm>>
        tpu.enqueue_indirect_dma source(%dma_start3A_437 : memref<10000x64xf32, #tpu.memory_space<hbm>>) target(%dma_start3A_427 : memref<80x64xf32, #tpu.memory_space<vmem>>) offsets(%dma_start3A_430 : memref<80xi32, #tpu.memory_space<vmem>>) semaphore(%arg15 : memref<!tpu.dma_semaphore, #tpu.memory_space<semaphore_mem>>)
      } else {
      }
    }
    %scan3A_170 = arith.constant 50 : i32
    %dma_wait3A = arith.constant 0 : i32
    %dma_wait3A_171 = arith.constant 245 : i32
    %dma_wait3A_172 = arith.constant 0 : i32
    %dma_wait3A_173 = arith.constant 0 : i32
    %dma_wait3A_174 = tpu.memref_slice %arg8[%dma_wait3A, %dma_wait3A_172, %dma_wait3A_173] : memref<5x80x64xf32, #tpu.memory_space<vmem>> -> memref<1x80x64xf32, #tpu.memory_space<vmem>>
    %dma_wait3A_175 = tpu.memref_squeeze %dma_wait3A_174 : memref<1x80x64xf32, #tpu.memory_space<vmem>> -> memref<80x64xf32, #tpu.memory_space<vmem>>
    %dma_wait3A_176 = arith.constant 0 : i32
    %dma_wait3A_177 = tpu.memref_slice %arg7[%dma_wait3A_171, %dma_wait3A_176] : memref<250x80xi32, #tpu.memory_space<vmem>> -> memref<1x80xi32, #tpu.memory_space<vmem>>
    %dma_wait3A_178 = tpu.memref_squeeze %dma_wait3A_177 : memref<1x80xi32, #tpu.memory_space<vmem>> -> memref<80xi32, #tpu.memory_space<vmem>>
    %dma_wait3A_179 = arith.constant 0 : i32
    %dma_wait3A_180 = arith.constant 0 : i32
    %dma_wait3A_181 = tpu.memref_slice %arg10[%dma_wait3A_179, %dma_wait3A_180] : memref<10240x64xf32, #tpu.memory_space<vmem_shared>> -> memref<10240x64xf32, #tpu.memory_space<vmem_shared>>
    tpu.wait_indirect_dma semaphore(%arg16 : memref<!tpu.dma_semaphore, #tpu.memory_space<semaphore_mem>>) src(%dma_wait3A_175 : memref<80x64xf32, #tpu.memory_space<vmem>>) dst(%dma_wait3A_181 : memref<10240x64xf32, #tpu.memory_space<vmem_shared>>)
    %dma_wait3A_182 = arith.constant 1 : i32
    %dma_wait3A_183 = arith.constant 246 : i32
    %dma_wait3A_184 = arith.constant 0 : i32
    %dma_wait3A_185 = arith.constant 0 : i32
    %dma_wait3A_186 = tpu.memref_slice %arg8[%dma_wait3A_182, %dma_wait3A_184, %dma_wait3A_185] : memref<5x80x64xf32, #tpu.memory_space<vmem>> -> memref<1x80x64xf32, #tpu.memory_space<vmem>>
    %dma_wait3A_187 = tpu.memref_squeeze %dma_wait3A_186 : memref<1x80x64xf32, #tpu.memory_space<vmem>> -> memref<80x64xf32, #tpu.memory_space<vmem>>
    %dma_wait3A_188 = arith.constant 0 : i32
    %dma_wait3A_189 = tpu.memref_slice %arg7[%dma_wait3A_183, %dma_wait3A_188] : memref<250x80xi32, #tpu.memory_space<vmem>> -> memref<1x80xi32, #tpu.memory_space<vmem>>
    %dma_wait3A_190 = tpu.memref_squeeze %dma_wait3A_189 : memref<1x80xi32, #tpu.memory_space<vmem>> -> memref<80xi32, #tpu.memory_space<vmem>>
    %dma_wait3A_191 = arith.constant 0 : i32
    %dma_wait3A_192 = arith.constant 0 : i32
    %dma_wait3A_193 = tpu.memref_slice %arg10[%dma_wait3A_191, %dma_wait3A_192] : memref<10240x64xf32, #tpu.memory_space<vmem_shared>> -> memref<10240x64xf32, #tpu.memory_space<vmem_shared>>
    tpu.wait_indirect_dma semaphore(%arg17 : memref<!tpu.dma_semaphore, #tpu.memory_space<semaphore_mem>>) src(%dma_wait3A_187 : memref<80x64xf32, #tpu.memory_space<vmem>>) dst(%dma_wait3A_193 : memref<10240x64xf32, #tpu.memory_space<vmem_shared>>)
    %dma_wait3A_194 = arith.constant 2 : i32
    %dma_wait3A_195 = arith.constant 247 : i32
    %dma_wait3A_196 = arith.constant 0 : i32
    %dma_wait3A_197 = arith.constant 0 : i32
    %dma_wait3A_198 = tpu.memref_slice %arg8[%dma_wait3A_194, %dma_wait3A_196, %dma_wait3A_197] : memref<5x80x64xf32, #tpu.memory_space<vmem>> -> memref<1x80x64xf32, #tpu.memory_space<vmem>>
    %dma_wait3A_199 = tpu.memref_squeeze %dma_wait3A_198 : memref<1x80x64xf32, #tpu.memory_space<vmem>> -> memref<80x64xf32, #tpu.memory_space<vmem>>
    %dma_wait3A_200 = arith.constant 0 : i32
    %dma_wait3A_201 = tpu.memref_slice %arg7[%dma_wait3A_195, %dma_wait3A_200] : memref<250x80xi32, #tpu.memory_space<vmem>> -> memref<1x80xi32, #tpu.memory_space<vmem>>
    %dma_wait3A_202 = tpu.memref_squeeze %dma_wait3A_201 : memref<1x80xi32, #tpu.memory_space<vmem>> -> memref<80xi32, #tpu.memory_space<vmem>>
    %dma_wait3A_203 = arith.constant 0 : i32
    %dma_wait3A_204 = arith.constant 0 : i32
    %dma_wait3A_205 = tpu.memref_slice %arg10[%dma_wait3A_203, %dma_wait3A_204] : memref<10240x64xf32, #tpu.memory_space<vmem_shared>> -> memref<10240x64xf32, #tpu.memory_space<vmem_shared>>
    tpu.wait_indirect_dma semaphore(%arg18 : memref<!tpu.dma_semaphore, #tpu.memory_space<semaphore_mem>>) src(%dma_wait3A_199 : memref<80x64xf32, #tpu.memory_space<vmem>>) dst(%dma_wait3A_205 : memref<10240x64xf32, #tpu.memory_space<vmem_shared>>)
    %dma_wait3A_206 = arith.constant 3 : i32
    %dma_wait3A_207 = arith.constant 248 : i32
    %dma_wait3A_208 = arith.constant 0 : i32
    %dma_wait3A_209 = arith.constant 0 : i32
    %dma_wait3A_210 = tpu.memref_slice %arg8[%dma_wait3A_206, %dma_wait3A_208, %dma_wait3A_209] : memref<5x80x64xf32, #tpu.memory_space<vmem>> -> memref<1x80x64xf32, #tpu.memory_space<vmem>>
    %dma_wait3A_211 = tpu.memref_squeeze %dma_wait3A_210 : memref<1x80x64xf32, #tpu.memory_space<vmem>> -> memref<80x64xf32, #tpu.memory_space<vmem>>
    %dma_wait3A_212 = arith.constant 0 : i32
    %dma_wait3A_213 = tpu.memref_slice %arg7[%dma_wait3A_207, %dma_wait3A_212] : memref<250x80xi32, #tpu.memory_space<vmem>> -> memref<1x80xi32, #tpu.memory_space<vmem>>
    %dma_wait3A_214 = tpu.memref_squeeze %dma_wait3A_213 : memref<1x80xi32, #tpu.memory_space<vmem>> -> memref<80xi32, #tpu.memory_space<vmem>>
    %dma_wait3A_215 = arith.constant 0 : i32
    %dma_wait3A_216 = arith.constant 0 : i32
    %dma_wait3A_217 = tpu.memref_slice %arg10[%dma_wait3A_215, %dma_wait3A_216] : memref<10240x64xf32, #tpu.memory_space<vmem_shared>> -> memref<10240x64xf32, #tpu.memory_space<vmem_shared>>
    tpu.wait_indirect_dma semaphore(%arg19 : memref<!tpu.dma_semaphore, #tpu.memory_space<semaphore_mem>>) src(%dma_wait3A_211 : memref<80x64xf32, #tpu.memory_space<vmem>>) dst(%dma_wait3A_217 : memref<10240x64xf32, #tpu.memory_space<vmem_shared>>)
    %dma_wait3A_218 = arith.constant 4 : i32
    %dma_wait3A_219 = arith.constant 249 : i32
    %dma_wait3A_220 = arith.constant 0 : i32
    %dma_wait3A_221 = arith.constant 0 : i32
    %dma_wait3A_222 = tpu.memref_slice %arg8[%dma_wait3A_218, %dma_wait3A_220, %dma_wait3A_221] : memref<5x80x64xf32, #tpu.memory_space<vmem>> -> memref<1x80x64xf32, #tpu.memory_space<vmem>>
    %dma_wait3A_223 = tpu.memref_squeeze %dma_wait3A_222 : memref<1x80x64xf32, #tpu.memory_space<vmem>> -> memref<80x64xf32, #tpu.memory_space<vmem>>
    %dma_wait3A_224 = arith.constant 0 : i32
    %dma_wait3A_225 = tpu.memref_slice %arg7[%dma_wait3A_219, %dma_wait3A_224] : memref<250x80xi32, #tpu.memory_space<vmem>> -> memref<1x80xi32, #tpu.memory_space<vmem>>
    %dma_wait3A_226 = tpu.memref_squeeze %dma_wait3A_225 : memref<1x80xi32, #tpu.memory_space<vmem>> -> memref<80xi32, #tpu.memory_space<vmem>>
    %dma_wait3A_227 = arith.constant 0 : i32
    %dma_wait3A_228 = arith.constant 0 : i32
    %dma_wait3A_229 = tpu.memref_slice %arg10[%dma_wait3A_227, %dma_wait3A_228] : memref<10240x64xf32, #tpu.memory_space<vmem_shared>> -> memref<10240x64xf32, #tpu.memory_space<vmem_shared>>
    tpu.wait_indirect_dma semaphore(%arg20 : memref<!tpu.dma_semaphore, #tpu.memory_space<semaphore_mem>>) src(%dma_wait3A_223 : memref<80x64xf32, #tpu.memory_space<vmem>>) dst(%dma_wait3A_229 : memref<10240x64xf32, #tpu.memory_space<vmem_shared>>)
    %barrier3A_230 = arith.constant 0 : index
    tpu.barrier barrier_id(%barrier3A_230)
    "tpu.region"() ({
      %run_scoped3A = tpu.sem_alloc : memref<!tpu.dma_semaphore, #tpu.memory_space<semaphore_mem>>
      %dma_start3A_231 = arith.constant 0 : i32
      %dma_start3A_232 = tpu.memref_slice %arg5[%arg0, %mul3A_6, %dma_start3A_231] : memref<2x10240x64xf32, #tpu.memory_space<hbm>> -> memref<1x640x64xf32, #tpu.memory_space<hbm>>
      %dma_start3A_233 = tpu.memref_squeeze %dma_start3A_232 : memref<1x640x64xf32, #tpu.memory_space<hbm>> -> memref<640x64xf32, #tpu.memory_space<hbm>>
      %dma_start3A_234 = arith.constant 0 : i32
      %dma_start3A_235 = tpu.memref_slice %arg10[%mul3A_6, %dma_start3A_234] : memref<10240x64xf32, #tpu.memory_space<vmem_shared>> -> memref<640x64xf32, #tpu.memory_space<vmem_shared>>
      tpu.enqueue_dma source(%dma_start3A_235 : memref<640x64xf32, #tpu.memory_space<vmem_shared>>) target(%dma_start3A_233 : memref<640x64xf32, #tpu.memory_space<hbm>>) target_semaphore(%run_scoped3A : memref<!tpu.dma_semaphore, #tpu.memory_space<semaphore_mem>>)
      %dma_wait3A_236 = arith.constant 0 : i32
      %dma_wait3A_237 = tpu.memref_slice %arg5[%arg0, %mul3A_6, %dma_wait3A_236] : memref<2x10240x64xf32, #tpu.memory_space<hbm>> -> memref<1x640x64xf32, #tpu.memory_space<hbm>>
      %dma_wait3A_238 = tpu.memref_squeeze %dma_wait3A_237 : memref<1x640x64xf32, #tpu.memory_space<hbm>> -> memref<640x64xf32, #tpu.memory_space<hbm>>
      %dma_wait3A_239 = arith.constant 0 : i32
      %dma_wait3A_240 = tpu.memref_slice %arg10[%mul3A_6, %dma_wait3A_239] : memref<10240x64xf32, #tpu.memory_space<vmem_shared>> -> memref<640x64xf32, #tpu.memory_space<vmem_shared>>
      tpu.wait_dma2 semaphore(%run_scoped3A : memref<!tpu.dma_semaphore, #tpu.memory_space<semaphore_mem>>) src(%dma_wait3A_240 : memref<640x64xf32, #tpu.memory_space<vmem_shared>>) dst(%dma_wait3A_238 : memref<640x64xf32, #tpu.memory_space<hbm>>)
      tpu.yield
    }) : () -> ()
    return
  }
}

module attributes {stable_mosaic.version = 14 : i64} {
  func.func @_dense1_body(%arg0: i32, %arg1: memref<1000x128xf32, #tpu.memory_space<vmem>>, %arg2: memref<128x128xf32, #tpu.memory_space<vmem>>, %arg3: memref<1x128xf32, #tpu.memory_space<vmem>>, %arg4: memref<2x1000x64xf32, #tpu.memory_space<vmem>>, %arg5: memref<1000x128xf32, #tpu.memory_space<vmem>>) attributes {dimension_semantics = [#tpu.dimension_semantics<arbitrary>], iteration_bounds = array<i64: 10>, scalar_prefetch = 0 : i64, scratch_operands = 0 : i64, tpu.core_type = #tpu.core_type<tc>, window_params = [{transform_indices = @transform_0, window_bounds = array<i64: 1000, 128>}, {pipeline_mode = #tpu.pipeline_mode<synchronous>, transform_indices = @transform_1, window_bounds = array<i64: 128, 128>}, {pipeline_mode = #tpu.pipeline_mode<synchronous>, transform_indices = @transform_2, window_bounds = array<i64: 1, 128>}, {transform_indices = @transform_3, window_bounds = array<i64: 2, 1000, 64>}, {transform_indices = @transform_4, window_bounds = array<i64: 1000, 128>}]} {
    %get3A = arith.constant 0 : index
    %get3A_0 = arith.constant 0 : index
    %get3A_1 = vector.load %arg1[%get3A, %get3A_0] : memref<1000x128xf32, #tpu.memory_space<vmem>>, vector<1000x128xf32>
    %slice3A = vector.extract_strided_slice %get3A_1 {offsets = [0, 0], sizes = [1000, 64], strides = [1, 1]} : vector<1000x128xf32> to vector<1000x64xf32>
    %swap3A = arith.constant 0 : index
    %swap3A_2 = arith.constant 0 : index
    %swap3A_3 = arith.constant 0 : index
    %swap3A_4 = vector.load %arg4[%swap3A, %swap3A_2, %swap3A_3] : memref<2x1000x64xf32, #tpu.memory_space<vmem>>, vector<1x1000x64xf32>
    %swap3A_5 = vector.shape_cast %swap3A_4 : vector<1x1000x64xf32> to vector<1000x64xf32>
    %swap3A_6 = vector.shape_cast %slice3A : vector<1000x64xf32> to vector<1x1000x64xf32>
    tpu.vector_store %arg4[%swap3A, %swap3A_2, %swap3A_3], %swap3A_6 {strides = array<i32>} : memref<2x1000x64xf32, #tpu.memory_space<vmem>>, vector<1x1000x64xf32>,
    %slice3A_7 = vector.extract_strided_slice %get3A_1 {offsets = [0, 64], sizes = [1000, 64], strides = [1, 1]} : vector<1000x128xf32> to vector<1000x64xf32>
    %swap3A_8 = arith.constant 1 : index
    %swap3A_9 = arith.constant 0 : index
    %swap3A_10 = arith.constant 0 : index
    %swap3A_11 = vector.load %arg4[%swap3A_8, %swap3A_9, %swap3A_10] : memref<2x1000x64xf32, #tpu.memory_space<vmem>>, vector<1x1000x64xf32>
    %swap3A_12 = vector.shape_cast %swap3A_11 : vector<1x1000x64xf32> to vector<1000x64xf32>
    %swap3A_13 = vector.shape_cast %slice3A_7 : vector<1000x64xf32> to vector<1x1000x64xf32>
    tpu.vector_store %arg4[%swap3A_8, %swap3A_9, %swap3A_10], %swap3A_13 {strides = array<i32>} : memref<2x1000x64xf32, #tpu.memory_space<vmem>>, vector<1x1000x64xf32>,
    %get3A_14 = arith.constant 0 : index
    %get3A_15 = arith.constant 0 : index
    %get3A_16 = vector.load %arg2[%get3A_14, %get3A_15] : memref<128x128xf32, #tpu.memory_space<vmem>>, vector<128x128xf32>
    %dot_general3A = arith.constant dense<0.000000e+00> : vector<1000x128xf32>
    %dot_general3A_17 = tpu.matmul %get3A_1, %get3A_16, %dot_general3A {dimension_numbers = #tpu.dot_dimension_numbers<[1], [1], [0], [0], [0, 0, 1, 0], [], []>, transpose_lhs_hint = false} : vector<1000x128xf32>, vector<128x128xf32>, vector<1000x128xf32> -> vector<1000x128xf32>
    %get3A_18 = arith.constant 0 : index
    %get3A_19 = arith.constant 0 : index
    %get3A_20 = vector.load %arg3[%get3A_18, %get3A_19] : memref<1x128xf32, #tpu.memory_space<vmem>>, vector<1x128xf32>
    %add3A = vector.broadcast %get3A_20 : vector<1x128xf32> to vector<1000x128xf32>
    %add3A_21 = arith.addf %dot_general3A_17, %add3A : vector<1000x128xf32>
    %swap3A_22 = arith.constant 0 : index
    %swap3A_23 = arith.constant 0 : index
    %swap3A_24 = vector.load %arg5[%swap3A_22, %swap3A_23] : memref<1000x128xf32, #tpu.memory_space<vmem>>, vector<1000x128xf32>
    tpu.vector_store %arg5[%swap3A_22, %swap3A_23], %add3A_21 {strides = array<i32>} : memref<1000x128xf32, #tpu.memory_space<vmem>>, vector<1000x128xf32>,
    return
  }
  func.func @transform_0(%arg0: i32) -> (i32, i32) {
    %c0_i32 = arith.constant 0 : i32
    %c0_i32_0 = arith.constant 0 : i32
    return %arg0, %c0_i32 : i32, i32
  }
  func.func @transform_1(%arg0: i32) -> (i32, i32) {
    %c0_i32 = arith.constant 0 : i32
    %c0_i32_0 = arith.constant 0 : i32
    %c0_i32_1 = arith.constant 0 : i32
    return %c0_i32, %c0_i32_0 : i32, i32
  }
  func.func @transform_2(%arg0: i32) -> (i32, i32) {
    %c0_i32 = arith.constant 0 : i32
    %c0_i32_0 = arith.constant 0 : i32
    %c0_i32_1 = arith.constant 0 : i32
    return %c0_i32, %c0_i32_0 : i32, i32
  }
  func.func @transform_3(%arg0: i32) -> (i32, i32, i32) {
    %c0_i32 = arith.constant 0 : i32
    %c0_i32_0 = arith.constant 0 : i32
    %c0_i32_1 = arith.constant 0 : i32
    return %c0_i32, %arg0, %c0_i32_0 : i32, i32, i32
  }
  func.func @transform_4(%arg0: i32) -> (i32, i32) {
    %c0_i32 = arith.constant 0 : i32
    %c0_i32_0 = arith.constant 0 : i32
    return %arg0, %c0_i32 : i32, i32
  }
}

module attributes {stable_mosaic.version = 14 : i64} {
  func.func @_dense2_body(%arg0: i32, %arg1: memref<2x1000x64xf32, #tpu.memory_space<vmem>>, %arg2: memref<1000x128xf32, #tpu.memory_space<vmem>>, %arg3: memref<128x128xf32, #tpu.memory_space<vmem>>, %arg4: memref<128x128xf32, #tpu.memory_space<vmem>>, %arg5: memref<1x128xf32, #tpu.memory_space<vmem>>, %arg6: memref<2x1000x64xf32, #tpu.memory_space<vmem>>, %arg7: memref<1000x128xf32, #tpu.memory_space<vmem>>) attributes {dimension_semantics = [#tpu.dimension_semantics<arbitrary>], iteration_bounds = array<i64: 10>, scalar_prefetch = 0 : i64, scratch_operands = 0 : i64, tpu.core_type = #tpu.core_type<tc>, window_params = [{transform_indices = @transform_0, window_bounds = array<i64: 2, 1000, 64>}, {transform_indices = @transform_1, window_bounds = array<i64: 1000, 128>}, {pipeline_mode = #tpu.pipeline_mode<synchronous>, transform_indices = @transform_2, window_bounds = array<i64: 128, 128>}, {pipeline_mode = #tpu.pipeline_mode<synchronous>, transform_indices = @transform_3, window_bounds = array<i64: 128, 128>}, {pipeline_mode = #tpu.pipeline_mode<synchronous>, transform_indices = @transform_4, window_bounds = array<i64: 1, 128>}, {transform_indices = @transform_5, window_bounds = array<i64: 2, 1000, 64>}, {transform_indices = @transform_6, window_bounds = array<i64: 1000, 128>}]} {
    %get3A = arith.constant 0 : index
    %get3A_0 = arith.constant 0 : index
    %get3A_1 = arith.constant 0 : index
    %get3A_2 = vector.load %arg1[%get3A, %get3A_0, %get3A_1] : memref<2x1000x64xf32, #tpu.memory_space<vmem>>, vector<1x1000x64xf32>
    %get3A_3 = vector.shape_cast %get3A_2 : vector<1x1000x64xf32> to vector<1000x64xf32>
    %get3A_4 = arith.constant 1 : index
    %get3A_5 = arith.constant 0 : index
    %get3A_6 = arith.constant 0 : index
    %get3A_7 = vector.load %arg1[%get3A_4, %get3A_5, %get3A_6] : memref<2x1000x64xf32, #tpu.memory_space<vmem>>, vector<1x1000x64xf32>
    %get3A_8 = vector.shape_cast %get3A_7 : vector<1x1000x64xf32> to vector<1000x64xf32>
    %concatenate3A = tpu.concatenate %get3A_3, %get3A_8 in 1 : vector<1000x64xf32>, vector<1000x64xf32> -> vector<1000x128xf32>
    %get3A_9 = arith.constant 0 : index
    %get3A_10 = arith.constant 0 : index
    %get3A_11 = vector.load %arg3[%get3A_9, %get3A_10] : memref<128x128xf32, #tpu.memory_space<vmem>>, vector<128x128xf32>
    %dot_general3A = arith.constant dense<0.000000e+00> : vector<1000x128xf32>
    %dot_general3A_12 = tpu.matmul %concatenate3A, %get3A_11, %dot_general3A {dimension_numbers = #tpu.dot_dimension_numbers<[1], [1], [0], [0], [0, 0, 1, 0], [], []>, transpose_lhs_hint = false} : vector<1000x128xf32>, vector<128x128xf32>, vector<1000x128xf32> -> vector<1000x128xf32>
    %get3A_13 = arith.constant 0 : index
    %get3A_14 = arith.constant 0 : index
    %get3A_15 = vector.load %arg2[%get3A_13, %get3A_14] : memref<1000x128xf32, #tpu.memory_space<vmem>>, vector<1000x128xf32>
    %add3A = arith.addf %dot_general3A_12, %get3A_15 : vector<1000x128xf32>
    %max3A = arith.constant 0.000000e+00 : f32
    %max3A_16 = vector.broadcast %max3A : f32 to vector<1000x128xf32>
    %max3A_17 = arith.maximumf %add3A, %max3A_16 : vector<1000x128xf32>
    %slice3A = vector.extract_strided_slice %max3A_17 {offsets = [0, 0], sizes = [1000, 64], strides = [1, 1]} : vector<1000x128xf32> to vector<1000x64xf32>
    %swap3A = arith.constant 0 : index
    %swap3A_18 = arith.constant 0 : index
    %swap3A_19 = arith.constant 0 : index
    %swap3A_20 = vector.load %arg6[%swap3A, %swap3A_18, %swap3A_19] : memref<2x1000x64xf32, #tpu.memory_space<vmem>>, vector<1x1000x64xf32>
    %swap3A_21 = vector.shape_cast %swap3A_20 : vector<1x1000x64xf32> to vector<1000x64xf32>
    %swap3A_22 = vector.shape_cast %slice3A : vector<1000x64xf32> to vector<1x1000x64xf32>
    tpu.vector_store %arg6[%swap3A, %swap3A_18, %swap3A_19], %swap3A_22 {strides = array<i32>} : memref<2x1000x64xf32, #tpu.memory_space<vmem>>, vector<1x1000x64xf32>,
    %slice3A_23 = vector.extract_strided_slice %max3A_17 {offsets = [0, 64], sizes = [1000, 64], strides = [1, 1]} : vector<1000x128xf32> to vector<1000x64xf32>
    %swap3A_24 = arith.constant 1 : index
    %swap3A_25 = arith.constant 0 : index
    %swap3A_26 = arith.constant 0 : index
    %swap3A_27 = vector.load %arg6[%swap3A_24, %swap3A_25, %swap3A_26] : memref<2x1000x64xf32, #tpu.memory_space<vmem>>, vector<1x1000x64xf32>
    %swap3A_28 = vector.shape_cast %swap3A_27 : vector<1x1000x64xf32> to vector<1000x64xf32>
    %swap3A_29 = vector.shape_cast %slice3A_23 : vector<1000x64xf32> to vector<1x1000x64xf32>
    tpu.vector_store %arg6[%swap3A_24, %swap3A_25, %swap3A_26], %swap3A_29 {strides = array<i32>} : memref<2x1000x64xf32, #tpu.memory_space<vmem>>, vector<1x1000x64xf32>,
    %get3A_30 = arith.constant 0 : index
    %get3A_31 = arith.constant 0 : index
    %get3A_32 = vector.load %arg4[%get3A_30, %get3A_31] : memref<128x128xf32, #tpu.memory_space<vmem>>, vector<128x128xf32>
    %dot_general3A_33 = arith.constant dense<0.000000e+00> : vector<1000x128xf32>
    %dot_general3A_34 = tpu.matmul %max3A_17, %get3A_32, %dot_general3A_33 {dimension_numbers = #tpu.dot_dimension_numbers<[1], [1], [0], [0], [0, 0, 1, 0], [], []>, transpose_lhs_hint = false} : vector<1000x128xf32>, vector<128x128xf32>, vector<1000x128xf32> -> vector<1000x128xf32>
    %get3A_35 = arith.constant 0 : index
    %get3A_36 = arith.constant 0 : index
    %get3A_37 = vector.load %arg5[%get3A_35, %get3A_36] : memref<1x128xf32, #tpu.memory_space<vmem>>, vector<1x128xf32>
    %add3A_38 = vector.broadcast %get3A_37 : vector<1x128xf32> to vector<1000x128xf32>
    %add3A_39 = arith.addf %dot_general3A_34, %add3A_38 : vector<1000x128xf32>
    %swap3A_40 = arith.constant 0 : index
    %swap3A_41 = arith.constant 0 : index
    %swap3A_42 = vector.load %arg7[%swap3A_40, %swap3A_41] : memref<1000x128xf32, #tpu.memory_space<vmem>>, vector<1000x128xf32>
    tpu.vector_store %arg7[%swap3A_40, %swap3A_41], %add3A_39 {strides = array<i32>} : memref<1000x128xf32, #tpu.memory_space<vmem>>, vector<1000x128xf32>,
    return
  }
  func.func @transform_0(%arg0: i32) -> (i32, i32, i32) {
    %c0_i32 = arith.constant 0 : i32
    %c0_i32_0 = arith.constant 0 : i32
    %c0_i32_1 = arith.constant 0 : i32
    return %c0_i32, %arg0, %c0_i32_0 : i32, i32, i32
  }
  func.func @transform_1(%arg0: i32) -> (i32, i32) {
    %c0_i32 = arith.constant 0 : i32
    %c0_i32_0 = arith.constant 0 : i32
    return %arg0, %c0_i32 : i32, i32
  }
  func.func @transform_2(%arg0: i32) -> (i32, i32) {
    %c0_i32 = arith.constant 0 : i32
    %c0_i32_0 = arith.constant 0 : i32
    %c0_i32_1 = arith.constant 0 : i32
    return %c0_i32, %c0_i32_0 : i32, i32
  }
  func.func @transform_3(%arg0: i32) -> (i32, i32) {
    %c0_i32 = arith.constant 0 : i32
    %c0_i32_0 = arith.constant 0 : i32
    %c0_i32_1 = arith.constant 0 : i32
    return %c0_i32, %c0_i32_0 : i32, i32
  }
  func.func @transform_4(%arg0: i32) -> (i32, i32) {
    %c0_i32 = arith.constant 0 : i32
    %c0_i32_0 = arith.constant 0 : i32
    %c0_i32_1 = arith.constant 0 : i32
    return %c0_i32, %c0_i32_0 : i32, i32
  }
  func.func @transform_5(%arg0: i32) -> (i32, i32, i32) {
    %c0_i32 = arith.constant 0 : i32
    %c0_i32_0 = arith.constant 0 : i32
    %c0_i32_1 = arith.constant 0 : i32
    return %c0_i32, %arg0, %c0_i32_0 : i32, i32, i32
  }
  func.func @transform_6(%arg0: i32) -> (i32, i32) {
    %c0_i32 = arith.constant 0 : i32
    %c0_i32_0 = arith.constant 0 : i32
    return %arg0, %c0_i32 : i32, i32
  }
}

module attributes {stable_mosaic.version = 14 : i64} {
  func.func @_dense3_body(%arg0: i32, %arg1: memref<2x1000x64xf32, #tpu.memory_space<vmem>>, %arg2: memref<1000x128xf32, #tpu.memory_space<vmem>>, %arg3: memref<128x128xf32, #tpu.memory_space<vmem>>, %arg4: memref<1x128xf32, #tpu.memory_space<vmem>>, %arg5: memref<1x1xf32, #tpu.memory_space<vmem>>, %arg6: memref<1000x1xf32, #tpu.memory_space<vmem>>) attributes {dimension_semantics = [#tpu.dimension_semantics<arbitrary>], iteration_bounds = array<i64: 10>, scalar_prefetch = 0 : i64, scratch_operands = 0 : i64, tpu.core_type = #tpu.core_type<tc>, window_params = [{transform_indices = @transform_0, window_bounds = array<i64: 2, 1000, 64>}, {transform_indices = @transform_1, window_bounds = array<i64: 1000, 128>}, {pipeline_mode = #tpu.pipeline_mode<synchronous>, transform_indices = @transform_2, window_bounds = array<i64: 128, 128>}, {pipeline_mode = #tpu.pipeline_mode<synchronous>, transform_indices = @transform_3, window_bounds = array<i64: 1, 128>}, {pipeline_mode = #tpu.pipeline_mode<synchronous>, transform_indices = @transform_4, window_bounds = array<i64: 1, 1>}, {transform_indices = @transform_5, window_bounds = array<i64: 1000, 1>}]} {
    %get3A = arith.constant 0 : index
    %get3A_0 = arith.constant 0 : index
    %get3A_1 = arith.constant 0 : index
    %get3A_2 = vector.load %arg1[%get3A, %get3A_0, %get3A_1] : memref<2x1000x64xf32, #tpu.memory_space<vmem>>, vector<1x1000x64xf32>
    %get3A_3 = vector.shape_cast %get3A_2 : vector<1x1000x64xf32> to vector<1000x64xf32>
    %get3A_4 = arith.constant 1 : index
    %get3A_5 = arith.constant 0 : index
    %get3A_6 = arith.constant 0 : index
    %get3A_7 = vector.load %arg1[%get3A_4, %get3A_5, %get3A_6] : memref<2x1000x64xf32, #tpu.memory_space<vmem>>, vector<1x1000x64xf32>
    %get3A_8 = vector.shape_cast %get3A_7 : vector<1x1000x64xf32> to vector<1000x64xf32>
    %concatenate3A = tpu.concatenate %get3A_3, %get3A_8 in 1 : vector<1000x64xf32>, vector<1000x64xf32> -> vector<1000x128xf32>
    %get3A_9 = arith.constant 0 : index
    %get3A_10 = arith.constant 0 : index
    %get3A_11 = vector.load %arg3[%get3A_9, %get3A_10] : memref<128x128xf32, #tpu.memory_space<vmem>>, vector<128x128xf32>
    %dot_general3A = arith.constant dense<0.000000e+00> : vector<1000x128xf32>
    %dot_general3A_12 = tpu.matmul %concatenate3A, %get3A_11, %dot_general3A {dimension_numbers = #tpu.dot_dimension_numbers<[1], [1], [0], [0], [0, 0, 1, 0], [], []>, transpose_lhs_hint = false} : vector<1000x128xf32>, vector<128x128xf32>, vector<1000x128xf32> -> vector<1000x128xf32>
    %get3A_13 = arith.constant 0 : index
    %get3A_14 = arith.constant 0 : index
    %get3A_15 = vector.load %arg2[%get3A_13, %get3A_14] : memref<1000x128xf32, #tpu.memory_space<vmem>>, vector<1000x128xf32>
    %add3A = arith.addf %dot_general3A_12, %get3A_15 : vector<1000x128xf32>
    %max3A = arith.constant 0.000000e+00 : f32
    %max3A_16 = vector.broadcast %max3A : f32 to vector<1000x128xf32>
    %max3A_17 = arith.maximumf %add3A, %max3A_16 : vector<1000x128xf32>
    %get3A_18 = arith.constant 0 : index
    %get3A_19 = arith.constant 0 : index
    %get3A_20 = vector.load %arg4[%get3A_18, %get3A_19] : memref<1x128xf32, #tpu.memory_space<vmem>>, vector<1x128xf32>
    %mul3A = vector.broadcast %get3A_20 : vector<1x128xf32> to vector<1000x128xf32>
    %mul3A_21 = arith.mulf %max3A_17, %mul3A : vector<1000x128xf32>
    %reduce_sum3A = arith.constant dense<0.000000e+00> : vector<1000xf32>
    %reduce_sum3A_22 = vector.multi_reduction <add>, %mul3A_21, %reduce_sum3A [1] : vector<1000x128xf32> to vector<1000xf32>
    %broadcast_in_dim3A = vector.shape_cast %reduce_sum3A_22 : vector<1000xf32> to vector<1000x1xf32>
    %get3A_23 = arith.constant 0 : index
    %get3A_24 = arith.constant 0 : index
    %get3A_25 = vector.load %arg5[%get3A_23, %get3A_24] : memref<1x1xf32, #tpu.memory_space<vmem>>, vector<1x1xf32>
    %get3A_26 = vector.extract %get3A_25[0, 0] : f32 from vector<1x1xf32>
    %add3A_27 = vector.broadcast %get3A_26 : f32 to vector<1000x1xf32>
    %add3A_28 = arith.addf %broadcast_in_dim3A, %add3A_27 : vector<1000x1xf32>
    %swap3A = arith.constant 0 : index
    %swap3A_29 = arith.constant 0 : index
    %swap3A_30 = vector.load %arg6[%swap3A, %swap3A_29] : memref<1000x1xf32, #tpu.memory_space<vmem>>, vector<1000x1xf32>
    tpu.vector_store %arg6[%swap3A, %swap3A_29], %add3A_28 {strides = array<i32>} : memref<1000x1xf32, #tpu.memory_space<vmem>>, vector<1000x1xf32>,
    return
  }
  func.func @transform_0(%arg0: i32) -> (i32, i32, i32) {
    %c0_i32 = arith.constant 0 : i32
    %c0_i32_0 = arith.constant 0 : i32
    %c0_i32_1 = arith.constant 0 : i32
    return %c0_i32, %arg0, %c0_i32_0 : i32, i32, i32
  }
  func.func @transform_1(%arg0: i32) -> (i32, i32) {
    %c0_i32 = arith.constant 0 : i32
    %c0_i32_0 = arith.constant 0 : i32
    return %arg0, %c0_i32 : i32, i32
  }
  func.func @transform_2(%arg0: i32) -> (i32, i32) {
    %c0_i32 = arith.constant 0 : i32
    %c0_i32_0 = arith.constant 0 : i32
    %c0_i32_1 = arith.constant 0 : i32
    return %c0_i32, %c0_i32_0 : i32, i32
  }
  func.func @transform_3(%arg0: i32) -> (i32, i32) {
    %c0_i32 = arith.constant 0 : i32
    %c0_i32_0 = arith.constant 0 : i32
    %c0_i32_1 = arith.constant 0 : i32
    return %c0_i32, %c0_i32_0 : i32, i32
  }
  func.func @transform_4(%arg0: i32) -> (i32, i32) {
    %c0_i32 = arith.constant 0 : i32
    %c0_i32_0 = arith.constant 0 : i32
    %c0_i32_1 = arith.constant 0 : i32
    return %c0_i32, %c0_i32_0 : i32, i32
  }
  func.func @transform_5(%arg0: i32) -> (i32, i32) {
    %c0_i32 = arith.constant 0 : i32
    %c0_i32_0 = arith.constant 0 : i32
    return %arg0, %c0_i32 : i32, i32
  }
}

</mosaic_0001>

<sc_bundles>
// kernel: kernel.10.cloned.1.call-start
scs
__scs_entry_jumppad:
0x0: {  	(pc) =	sbr.rel $0x88, $3  }
0x1: {  	(tag) =	ssettag $0x0;
	lr =	simm.s32 $0x1  }
0x2: {  	[smem:$0x3F97] =	sst lr;
	_ =	strace $0xD0000000  }
0x3: {  	_ = 	snop  }
0x4: {  	_ = 	snop  }
0x5: {  	_ = 	snop  }
0x6: {  	_ = 	snop  }
0x7: {  	_ = 	snop  }
__scs_overlays_trampoline_lowered:
0x8: {  	[smem:$0x3FA6] =	sst s0  }
0x9: {  	[smem:$0x3FA7] =	sst s1  }
0xa: {  	[smem:$0x3FA8] =	sst s2  }
0xb: {  	[smem:$0x3FA9] =	sst s3  }
0xc: {  	[smem:$0x3FAA] =	sst s4  }
0xd: {  	[smem:$0x3FAB] =	sst s5  }
0xe: {  	[smem:$0x3FAC] =	sst s6  }
0xf: {  	[smem:$0x3FAD] =	sst s7  }
0x10: {  	[smem:$0x3FAE] =	sst s8  }
0x11: {  	[smem:$0x3FAF] =	sst s9;
	s0 =	simm.s32 @!p0 $0x0  }
0x12: {  	s1 =	sld [smem:$0x3F95];
	s0 =	simm.s32 @p0 $0x1  }
0x13: {  	[smem:$0x3FB0] =	sst s0;
	s0 =	simm.s32 @!p1 $0x0  }
0x14: {  	s2 =	sld [smem:$0x3F94];
	s0 =	simm.s32 @p1 $0x1  }
0x15: {  	[smem:$0x3FB1] =	sst s0;
	s0 =	simm.s32 @!p2 $0x0  }
0x16: {  	s3 =	sld [smem:$0x3FDB];
	s0 =	simm.s32 @p2 $0x1  }
0x17: {  	s4 =	simm.s32 $0x1BF5;
	[smem:$0x3FB3] =	sst s0  }
0x18: {  	s0 =	sld [smem:$0x3F96];
	_ =	swait.ge [sflag:s4], $0x0  }
0x19: {  	s7 =	sld [smem:$0x3F97]  }
0x1a: {  	s8 =	sadd.s32 $0xFFFFE003, lr  }
0x1b: {  	s9 =	sadd.s32 $0xFFFFFEF7, lr;
	s5 =	simm.s32 $0xFFFFFFFF;
	p2 =	slt.u32 s8, $0xFFFFF086  }
0x1c: {  	p1 =	slt.u32 s9, $0xF7A;
	s5 =	simm.s32 @!p2 $0x0  }
0x1d: {  	s5 =	simm.s32 @p1 $0x1;
	p0 =	seq.s32 s7, s2  }
0x1e: {  	s7 =	smul.u32 @!p0 $0xF7A, s2;
	p2 =	seq.s32 @!p0 s5, $0x0  }
0x1f: {  	s9 =	smul.u32 $0xF7A, s1;
	s8 =	simm.s32 @!p0 $0x1BF5;
	p2 =	por !p2, p0  }
0x20: {  	[sflag:s8] =	ssyncset.s32 @!p0 $0xFFFFF086;
	s6 =	sadd.s32 @!p0 s3, s7;
	s7 =	simm.s32 @!p0 $0x108  }
0x21: {  	s3 =	sadd.s32 s3, s9;
	s6 =	sadd.s32 @!p0 $0x88, s6;
	s7 =	simm.s32 @p2 $0x1082  }
0x22: {  	[simem:s7], [sflag:s8] =	dma.local @!p0 [hbm:s6], $0xF7A  }
0x23: {  	s9 =	sor.u32 $0xD0000000, s2;
	s6 =	simm.s32 $0x108;
	_ =	swait.ge @!p0 [sflag:s8], $0x0  }
0x24: {  	s3 =	sadd.s32 $0x88, s3;
	s6 =	simm.s32 @!p1 $0x1082;
	[sflag:s4] =	ssyncset.s32 $0xFFFFF086  }
0x25: {  	[simem:s6], [sflag:s4] =	dma.local [hbm:s3], $0xF7A  }
0x26: {  	[smem:$0x3F97] =	sst s1;
	(tag) =	ssettag s2;
	_ =	strace s9  }
0x27: {  	s1 =	sld [smem:$0x3FA7]  }
0x28: {  	s2 =	sld [smem:$0x3FA8]  }
0x29: {  	s4 =	sld [smem:$0x3FAA]  }
0x2a: {  	p0 =	seq.s32 s5, $0x0;
	s5 =	sld [smem:$0x3FAB]  }
0x2b: {  	s6 =	sld [smem:$0x3FAC]  }
0x2c: {  	s7 =	sld [smem:$0x3FAD]  }
0x2d: {  	s3 =	simm.s32 $0x108;
	s8 =	sld [smem:$0x3FAE]  }
0x2e: {  	s3 =	simm.s32 @!p0 $0x1082;
	s9 =	sld [smem:$0x3FAF]  }
0x2f: {  	lr =	sadd.s32 s0, s3;
	s0 =	sld [smem:$0x3FA6]  }
0x30: {  	s3 =	sld [smem:$0x3FA9]  }
0x31: {  	[smem:$0x3FB2] =	sst s10  }
0x32: {  	s10 =	sld [smem:$0x3FB0];
	_ =	sdelay $0x3  }
0x33: {  	p0 =	seq.s32 s10, $0x1;
	s10 =	sld [smem:$0x3FB2];
	_ =	sdelay $0x3  }
0x34: {  	[smem:$0x3FB2] =	sst s10  }
0x35: {  	s10 =	sld [smem:$0x3FB1];
	_ =	sdelay $0x3  }
0x36: {  	p1 =	seq.s32 s10, $0x1;
	s10 =	sld [smem:$0x3FB2];
	_ =	sdelay $0x3  }
0x37: {  	[smem:$0x3FB2] =	sst s10  }
0x38: {  	s10 =	sld [smem:$0x3FB3]  }
0x39: {  	_ = 	snop;
	(pc) =	sbr.ind lr, $3  }
0x3a: {  	_ = 	snop  }
0x3b: {  	_ = 	snop  }
0x3c: {  	p2 =	seq.s32 s10, $0x1;
	s10 =	sld [smem:$0x3FB2]  }
0x3d: {  	_ =	shalt  }
0x3e: {  	_ =	shalt  }
0x3f: {  	_ =	shalt  }
0x40: {  	_ =	shalt  }
0x41: {  	_ =	shalt  }
0x42: {  	_ =	shalt  }
0x43: {  	_ =	shalt  }
0x44: {  	_ =	shalt  }
0x45: {  	_ =	shalt  }
0x46: {  	_ =	shalt  }
0x47: {  	_ =	shalt  }
0x48: {  	_ =	shalt  }
0x49: {  	_ =	shalt  }
0x4a: {  	_ =	shalt  }
0x4b: {  	_ =	shalt  }
0x4c: {  	_ =	shalt  }
0x4d: {  	_ =	shalt  }
0x4e: {  	_ =	shalt  }
0x4f: {  	_ =	shalt  }
0x50: {  	_ =	shalt  }
0x51: {  	_ =	shalt  }
0x52: {  	_ =	shalt  }
0x53: {  	_ =	shalt  }
0x54: {  	_ =	shalt  }
0x55: {  	_ =	shalt  }
0x56: {  	_ =	shalt  }
0x57: {  	_ =	shalt  }
0x58: {  	_ =	shalt  }
0x59: {  	_ =	shalt  }
0x5a: {  	_ =	shalt  }
0x5b: {  	_ =	shalt  }
0x5c: {  	_ =	shalt  }
0x5d: {  	_ =	shalt  }
0x5e: {  	_ =	shalt  }
0x5f: {  	_ =	shalt  }
0x60: {  	_ =	shalt  }
0x61: {  	_ =	shalt  }
0x62: {  	_ =	shalt  }
0x63: {  	_ =	shalt  }
0x64: {  	_ =	shalt  }
0x65: {  	_ =	shalt  }
0x66: {  	_ =	shalt  }
0x67: {  	_ =	shalt  }
0x68: {  	_ =	shalt  }
0x69: {  	_ =	shalt  }
0x6a: {  	_ =	shalt  }
0x6b: {  	_ =	shalt  }
0x6c: {  	_ =	shalt  }
0x6d: {  	_ =	shalt  }
0x6e: {  	_ =	shalt  }
0x6f: {  	_ =	shalt  }
0x70: {  	_ =	shalt  }
0x71: {  	_ =	shalt  }
0x72: {  	_ =	shalt  }
0x73: {  	_ =	shalt  }
0x74: {  	_ =	shalt  }
0x75: {  	_ =	shalt  }
0x76: {  	_ =	shalt  }
0x77: {  	_ =	shalt  }
0x78: {  	_ =	shalt  }
0x79: {  	_ =	shalt  }
0x7a: {  	_ =	shalt  }
0x7b: {  	_ =	shalt  }
0x7c: {  	_ =	shalt  }
0x7d: {  	_ =	shalt  }
0x7e: {  	_ =	shalt  }
0x7f: {  	_ =	shalt  }
0x80: {  	_ =	shalt  }
0x81: {  	_ =	shalt  }
0x82: {  	_ =	shalt  }
0x83: {  	_ =	shalt  }
0x84: {  	_ =	shalt  }
0x85: {  	_ =	shalt  }
0x86: {  	_ =	shalt  }
0x87: {  	_ =	shalt  }
.Lfunc_end0:
.L_simem_size_0:
called_computation.1_lowered:
.L_overlay_start_0:
0x88: {  	s2 =	sld [smem:$0x3FD9]  }
0x89: {  	s3 =	sld [smem:$0x3FFE];
	_ =	sdelay $0x1  }
0x8a: {  	s1 =	srdreg.scid  }
0x8b: {  	s0 =	sand.u32 $0x1, s1  }
0x8c: {  	s16 =	sshll.u32 s0, $0xA;
	s2 =	sadd.s32 s3, s2  }
0x8d: {  	s2 =	sadd.s32 s2, s16  }
0x8e: {  	[smem:$0x3FBE] =	sst s2  }
0x8f: {  	_ = 	snop  }
0x90: {  	(tm) =	ssettm $0x1  }
0x91: {  	s17 =	sld [smem:$0x3FFB];
	_ =	sdelay $0x3  }
0x92: {  	_ =	strace s17  }
0x93: {  	s2 =	sld [smem:$0x3FFC];
	_ =	sdelay $0x3  }
0x94: {  	_ =	strace s2  }
0x95: {  	s2 =	sld [smem:$0x3FFD];
	_ =	sdelay $0x3  }
0x96: {  	_ =	strace s2  }
0x97: {  	_ =	strace $0x8FFFFFFF  }
0x98: {  	s18 =	sld [smem:$0x3FDB];
	_ =	sdelay $0x1  }
0x99: {  	s19 =	simm.s32 $_scs_section_size  }
0x9a: {  	s4 =	simm.s32 $_size__tile_overlayer_lowered;
	s5 =	simm.s32 $_tile_overlayer_lowered  }
0x9b: {  	s22 =	simm.s32 $0x1BFF;
	s21 =	sshll.u32 s5, $0x1;
	s2 =	sadd.s32 s19, s18  }
0x9c: {  	s6 =	simm.s32 $0x0;
	s20 =	sshll.u32 s4, $0x1;
	s4 =	sadd.s32 s21, s2  }
0x9d: {  	[timem:s6], [sflag:s22] =	dma.local [hbm:s4], s20  }
0x9e: {  	_ =	swait.ge [sflag:s22], s20  }
0x9f: {  	s3 =	ssub.s32 $0x0, s20;
	[sflag:s22] =	ssyncset.done $0x0  }
0xa0: {  	[sflag:s22] =	ssyncadd.s32 s3;
	_ =	sdelay $0x1  }
0xa1: {  	s23 =	simm.s32 $0x1B8B  }
0xa2: {  	_ =	swait.ge [sflag:s23], $0x1  }
0xa3: {  	[sflag:s23] =	ssyncset.done $0x0  }
0xa4: {  	s25 =	simm.s32 $0x1B8E;
	s24 =	sld [smem:$0x3FFE];
	[sflag:s23] =	ssyncadd.s32 $0xFFFFFFFF  }
0xa5: {  	s26 =	simm.s32 $execute0_lowered;
	[smem:$0x3FD2] =	sst s25  }
0xa6: {  	s4 =	sshll.u32 s26, $0x1;
	_ =	strace $0x80000049;
	[dreg:$0x1] =	wrdreg $0xFFFFFFFF  }
0xa7: {  	s28 =	simm.s32 $_size_execute0_lowered;
	s2 =	sadd.s32 s2, s4;
	[dreg:$0x0] =	wrdreg $0x0  }
0xa8: {  	s4 =	sshll.u32 s28, $0x1;
	[dreg:$0x2] =	wrdreg s2  }
0xa9: {  	[dreg:$0x3] =	wrdreg s4  }
0xaa: {  	[dreg:$0x4] =	wrdreg $0xC0  }
0xab: {  	_ =	task [dreg:s6], $0x5FFFF  }
0xac: {  	[dreg:$0x1] =	wrdreg $0xFFFFFFFF  }
0xad: {  	[dreg:$0x0] =	wrdreg $0x60  }
0xae: {  	[dreg:$0x2] =	wrdreg s24  }
0xaf: {  	[dreg:$0x3] =	wrdreg $0x104400  }
0xb0: {  	[dreg:$0x4] =	wrdreg $0x9  }
0xb1: {  	_ =	task.clear_ibuf [dreg:s6], $0x5FFFF;
	_ =	strace $0x90000049  }
0xb2: {  	s29 =	simm.s32 $0x9;
	_ =	strace $0x8000004B  }
0xb3: {  	_ =	swait.ge [sflag:s29], $0x1  }
0xb4: {  	[sflag:s29] =	ssyncadd.s32 $0xFFFFFFFF  }
0xb5: {  	_ =	strace $0x9000004B  }
0xb6: {  	_ =	sfence  }
0xb7: {  	s30 =	sld [smem:$0x0];
	_ =	sdelay $0x2  }
0xb8: {  	s31 =	sshll.u32 s1, $0xD;
	s1 =	sshrl.u32 s1, $0x2  }
0xb9: {  	s3 =	sand.u32 $0x4000, s31;
	s1 =	sadd.s32 s1, s30  }
0xba: {  	s0 =	sor.u32 s3, s0;
	s1 =	sshll.u32 s1, $0x11  }
0xbb: {  	s0 =	sor.u32 s1, s0  }
0xbc: {  	s0 =	sadd.s32 $0x8F2B, s0  }
0xbd: {  	[sflag:s0] =	ssyncadd.remote.s32 $0x1  }
0xbe: {  	_ =	sfence.sel $0xFFFF  }
0xbf: {  	[dreg:$0x0] =	wrdreg $0xFFFFFFFF;
	(pc) =	sbr.abs _section_cstart, $3  }
0xc0: {  	[dreg:$0x1] =	wrdreg $0xFFFFFFFF  }
0xc1: {  	_ =	task.clear_ibuf [dreg:s6], $0x2FFFF;
	_ =	strace $0x9FFFFFFF  }
0xc2: {  	(tm) =	ssettm $0x7FFFFFFF  }
0xc3: {  	_ =	shalt  }
tec
execute0_lowered:
.L_overlay_start_1:
0x0: {  	(tag) =	ssettag $0x1  }
0x1: {  	s9 =	stileid.u32  }
0x2: {  	s5 =	smul.u32 $0xA000, s9  }
0x3: {  	s1 =	srdreg.scid;
	s7 =	smul.u32 $0x9C4, s9  }
0x4: {  	s1 =	sand.u32 $0x1, s1;
	s24 =	smul.u32 $0x28000, s9  }
0x5: {  	s0 =	rddreg [dreg:$0x0];
	s6 =	smul.u32 $0xA0000, s1  }
0x6: {  	s2 =	rddreg [dreg:$0x1];
	s4 =	smul.u32 $0x13880, s1  }
0x7: {  	s3 =	simm.s32 $0x0;
	s7 =	sadd.s32 s7, s0;
	s23 =	sadd.s32 s5, s6  }
0x8: {  	s8 =	sadd.s32 s4, s0;
	s6 =	sshrl.u32 s24, $0x2;
	s4 =	sshrl.u32 s23, $0x3  }
0x9: {  	s0 =	sadd.s32 s4, s0;
	s4 =	sadd.s32 s5, s2;
	s5 =	sadd.s32 s6, s2  }
0xa: {  	[smem:$0x7FF] =	sst s3;
	s6 =	sadd.s32 $0x400, s5  }
0xb: {  	_ =	strace $0x8000004A;
	s26 =	sadd.s32 $0x800, s5;
	[dreg:$0x3] =	wrdreg s6  }
0xc: {  	s9 =	sadd.s32 $0xC00, s5;
	[dreg:$0x4] =	wrdreg s26  }
0xd: {  	s10 =	sadd.s32 $0x1000, s5;
	[dreg:$0x5] =	wrdreg s9  }
0xe: {  	s11 =	sadd.s32 $0x1400, s5;
	[dreg:$0x6] =	wrdreg s10  }
0xf: {  	s12 =	sadd.s32 $0x1800, s5;
	[dreg:$0x7] =	wrdreg s11  }
0x10: {  	s13 =	sadd.s32 $0x1C00, s5;
	[dreg:$0x8] =	wrdreg s12  }
0x11: {  	s14 =	sadd.s32 $0x2000, s5;
	[dreg:$0x9] =	wrdreg s13  }
0x12: {  	s15 =	sadd.s32 $0x2400, s5;
	[dreg:$0xa] =	wrdreg s14  }
0x13: {  	s16 =	sadd.s32 $0x2800, s5;
	[dreg:$0xb] =	wrdreg s15  }
0x14: {  	s17 =	sadd.s32 $0x2C00, s5;
	[dreg:$0xc] =	wrdreg s16  }
0x15: {  	s18 =	sadd.s32 $0x3000, s5;
	[dreg:$0xd] =	wrdreg s17  }
0x16: {  	s19 =	sadd.s32 $0x3400, s5;
	[dreg:$0xe] =	wrdreg s18  }
0x17: {  	s20 =	sadd.s32 $0x3800, s5;
	[dreg:$0xf] =	wrdreg s19  }
0x18: {  	s21 =	sadd.s32 $0x3C00, s5;
	[dreg:$0x10] =	wrdreg s20  }
0x19: {  	s22 =	sadd.s32 $0x4000, s5;
	[dreg:$0x11] =	wrdreg s21  }
0x1a: {  	s1 =	ssub.s32 $0x2, s1;
	s23 =	sadd.s32 $0x4400, s5;
	[dreg:$0x12] =	wrdreg s22  }
0x1b: {  	s25 =	sshrl.u32 s1, $0x1;
	s24 =	sadd.s32 $0x4800, s5;
	[dreg:$0x13] =	wrdreg s23  }
0x1c: {  	s1 =	ssub.s32 s1, s25;
	s25 =	sadd.s32 $0x4C00, s5;
	[dreg:$0x14] =	wrdreg s24  }
0x1d: {  	[dreg:$0x15] =	wrdreg s25;
	s26 =	sadd.s32 $0x5000, s5  }
0x1e: {  	s9 =	sadd.s32 $0x5400, s5;
	[dreg:$0x16] =	wrdreg s26  }
0x1f: {  	s10 =	sadd.s32 $0x5800, s5;
	[dreg:$0x17] =	wrdreg s9  }
0x20: {  	s11 =	sadd.s32 $0x5C00, s5;
	[dreg:$0x18] =	wrdreg s10  }
0x21: {  	s12 =	sadd.s32 $0x6000, s5;
	[dreg:$0x19] =	wrdreg s11  }
0x22: {  	s13 =	sadd.s32 $0x6400, s5;
	[dreg:$0x1a] =	wrdreg s12  }
0x23: {  	s14 =	sadd.s32 $0x6800, s5;
	[dreg:$0x1b] =	wrdreg s13  }
0x24: {  	s15 =	sadd.s32 $0x6C00, s5;
	[dreg:$0x1c] =	wrdreg s14  }
0x25: {  	s16 =	sadd.s32 $0x7000, s5;
	[dreg:$0x1d] =	wrdreg s15  }
0x26: {  	s17 =	sadd.s32 $0x7400, s5;
	[dreg:$0x1e] =	wrdreg s16  }
0x27: {  	s18 =	sadd.s32 $0x7800, s5;
	[dreg:$0x1f] =	wrdreg s17  }
0x28: {  	s19 =	sadd.s32 $0x7C00, s5;
	[smem:$0x7F5] =	sst s18  }
0x29: {  	s20 =	sadd.s32 $0x8000, s5;
	[smem:$0x7F6] =	sst s19  }
0x2a: {  	s21 =	sadd.s32 $0x8400, s5;
	[smem:$0x7F7] =	sst s20  }
0x2b: {  	s28 =	simm.s32 $0xD840;
	s22 =	sadd.s32 $0x8800, s5;
	[smem:$0x7F8] =	sst s21  }
0x2c: {  	s29 =	simm.s32 $0xEC40;
	s23 =	sadd.s32 $0x8C00, s5;
	[smem:$0x7F9] =	sst s22  }
0x2d: {  	s30 =	simm.s32 $0x1;
	s24 =	sadd.s32 $0x9000, s5;
	[smem:$0x7FA] =	sst s23  }
0x2e: {  	s31 =	simm.s32 $0x2;
	s25 =	sadd.s32 $0x9400, s5;
	[smem:$0x7FB] =	sst s24  }
0x2f: {  	s6 =	simm.s32 $0x6;
	[smem:$0x7FC] =	sst s25;
	s26 =	sadd.s32 $0x9800, s5  }
0x30: {  	s15 =	sadd.s32 $0x9C00, s5;
	s16 =	sadd.s32 $0xB200, s7;
	s17 =	sadd.s32 $0x1400, s7  }
0x31: {  	s18 =	sadd.s32 $0x15000, s8;
	s19 =	sadd.s32 $0x3C200, s0;
	s20 =	smax.u32 s1, $0x1  }
0x32: {  	s21 =	simm.s32 $0x10040;
	s22 =	simm.s32 $0xB;
	s23 =	simm.s32 $0x50  }
0x33: {  	s24 =	simm.s32 $0x9C40;
	s25 =	simm.s32 $0xB040;
	s0 =	simm.s32 $0x3  }
0x34: {  	s1 =	simm.s32 $0x4;
	s5 =	simm.s32 $0x5;
	s7 =	simm.s32 $0x7  }
0x35: {  	s8 =	simm.s32 $0x8;
	s9 =	simm.s32 $0x9;
	s10 =	simm.s32 $0xA  }
0x36: {  	v0 =	vimm.f32 $0.0e+00;
	s11 =	simm.s32 $0x0;
	[smem:$0x7FD] =	sst s26;
	s26 =	simm.s32 $0xC440  }
.LBB2_1:
0x37: {  	[tilespmem:$0x10040] =	vst v0  }
0x38: {  	[tilespmem:$0x10050] =	vst v0  }
0x39: {  	[tilespmem:$0x10060] =	vst v0  }
0x3a: {  	[tilespmem:$0x10070] =	vst v0  }
0x3b: {  	[tilespmem:$0x10080] =	vst v0  }
0x3c: {  	[tilespmem:$0x10090] =	vst v0  }
0x3d: {  	[tilespmem:$0x100A0] =	vst v0  }
0x3e: {  	[tilespmem:$0x100B0] =	vst v0  }
0x3f: {  	[tilespmem:$0x100C0] =	vst v0  }
0x40: {  	[tilespmem:$0x100D0] =	vst v0  }
0x41: {  	[tilespmem:$0x100E0] =	vst v0  }
0x42: {  	[tilespmem:$0x100F0] =	vst v0  }
0x43: {  	[tilespmem:$0x10100] =	vst v0  }
0x44: {  	[tilespmem:$0x10110] =	vst v0  }
0x45: {  	[tilespmem:$0x10120] =	vst v0  }
0x46: {  	[tilespmem:$0x10130] =	vst v0  }
0x47: {  	[tilespmem:$0x10140] =	vst v0  }
0x48: {  	[tilespmem:$0x10150] =	vst v0  }
0x49: {  	[tilespmem:$0x10160] =	vst v0  }
0x4a: {  	[tilespmem:$0x10170] =	vst v0  }
0x4b: {  	[tilespmem:$0x10180] =	vst v0  }
0x4c: {  	[tilespmem:$0x10190] =	vst v0  }
0x4d: {  	[tilespmem:$0x101A0] =	vst v0  }
0x4e: {  	[tilespmem:$0x101B0] =	vst v0  }
0x4f: {  	[tilespmem:$0x101C0] =	vst v0  }
0x50: {  	[tilespmem:$0x101D0] =	vst v0  }
0x51: {  	[tilespmem:$0x101E0] =	vst v0  }
0x52: {  	[tilespmem:$0x101F0] =	vst v0  }
0x53: {  	[tilespmem:$0x10200] =	vst v0  }
0x54: {  	[tilespmem:$0x10210] =	vst v0  }
0x55: {  	[tilespmem:$0x10220] =	vst v0  }
0x56: {  	[tilespmem:$0x10230] =	vst v0  }
0x57: {  	[tilespmem:$0x10240] =	vst v0  }
0x58: {  	[tilespmem:$0x10250] =	vst v0  }
0x59: {  	[tilespmem:$0x10260] =	vst v0  }
0x5a: {  	[tilespmem:$0x10270] =	vst v0  }
0x5b: {  	[tilespmem:$0x10280] =	vst v0  }
0x5c: {  	[tilespmem:$0x10290] =	vst v0  }
0x5d: {  	[tilespmem:$0x102A0] =	vst v0  }
0x5e: {  	[tilespmem:$0x102B0] =	vst v0  }
0x5f: {  	[tilespmem:$0x102C0] =	vst v0  }
0x60: {  	[tilespmem:$0x102D0] =	vst v0  }
0x61: {  	[tilespmem:$0x102E0] =	vst v0  }
0x62: {  	[tilespmem:$0x102F0] =	vst v0  }
0x63: {  	[tilespmem:$0x10300] =	vst v0  }
0x64: {  	[tilespmem:$0x10310] =	vst v0  }
0x65: {  	[tilespmem:$0x10320] =	vst v0  }
0x66: {  	[tilespmem:$0x10330] =	vst v0  }
0x67: {  	[tilespmem:$0x10340] =	vst v0  }
0x68: {  	[tilespmem:$0x10350] =	vst v0  }
0x69: {  	[tilespmem:$0x10360] =	vst v0  }
0x6a: {  	[tilespmem:$0x10370] =	vst v0  }
0x6b: {  	[tilespmem:$0x10380] =	vst v0  }
0x6c: {  	[tilespmem:$0x10390] =	vst v0  }
0x6d: {  	[tilespmem:$0x103A0] =	vst v0  }
0x6e: {  	[tilespmem:$0x103B0] =	vst v0  }
0x6f: {  	[tilespmem:$0x103C0] =	vst v0  }
0x70: {  	[tilespmem:$0x103D0] =	vst v0  }
0x71: {  	[tilespmem:$0x103E0] =	vst v0  }
0x72: {  	[tilespmem:$0x103F0] =	vst v0  }
0x73: {  	[tilespmem:$0x10400] =	vst v0  }
0x74: {  	[tilespmem:$0x10410] =	vst v0  }
0x75: {  	[tilespmem:$0x10420] =	vst v0  }
0x76: {  	[tilespmem:$0x10430] =	vst v0  }
0x77: {  	[spmem:s4] =	stream.linear.scatter [tilespmem:s21], [sflag:$0xB], $0x400, $0x38;
	[tilespmem:$0x1A440] =	vst v63  }
0x78: {  	_ =	swait.ge [sflag:s22], $0x400  }
0x79: {  	[sflag:s22] =	ssyncset.done $0x0  }
0x7a: {  	s12 =	rddreg [dreg:$0x3];
	[sflag:s22] =	ssyncadd.s32 $0xFFFFFC00  }
0x7b: {  	[spmem:s12] =	stream.linear.scatter [tilespmem:s21], [sflag:$0xB], $0x400, $0x38;
	[tilespmem:$0x1A440] =	vst v63  }
0x7c: {  	_ =	swait.ge [sflag:s22], $0x400  }
0x7d: {  	[sflag:s22] =	ssyncset.done $0x0  }
0x7e: {  	s13 =	rddreg [dreg:$0x4];
	[sflag:s22] =	ssyncadd.s32 $0xFFFFFC00  }
0x7f: {  	[spmem:s13] =	stream.linear.scatter [tilespmem:s21], [sflag:$0xB], $0x400, $0x38;
	[tilespmem:$0x1A440] =	vst v63  }
0x80: {  	_ =	swait.ge [sflag:s22], $0x400  }
0x81: {  	[sflag:s22] =	ssyncset.done $0x0  }
0x82: {  	s14 =	rddreg [dreg:$0x5];
	[sflag:s22] =	ssyncadd.s32 $0xFFFFFC00  }
0x83: {  	[spmem:s14] =	stream.linear.scatter [tilespmem:s21], [sflag:$0xB], $0x400, $0x38;
	[tilespmem:$0x1A440] =	vst v63  }
0x84: {  	_ =	swait.ge [sflag:s22], $0x400  }
0x85: {  	[sflag:s22] =	ssyncset.done $0x0  }
0x86: {  	s13 =	rddreg [dreg:$0x6];
	[sflag:s22] =	ssyncadd.s32 $0xFFFFFC00  }
0x87: {  	[spmem:s13] =	stream.linear.scatter [tilespmem:s21], [sflag:$0xB], $0x400, $0x38;
	[tilespmem:$0x1A440] =	vst v63  }
0x88: {  	_ =	swait.ge [sflag:s22], $0x400  }
0x89: {  	[sflag:s22] =	ssyncset.done $0x0  }
0x8a: {  	s14 =	rddreg [dreg:$0x7];
	[sflag:s22] =	ssyncadd.s32 $0xFFFFFC00  }
0x8b: {  	[spmem:s14] =	stream.linear.scatter [tilespmem:s21], [sflag:$0xB], $0x400, $0x38;
	[tilespmem:$0x1A440] =	vst v63  }
0x8c: {  	_ =	swait.ge [sflag:s22], $0x400  }
0x8d: {  	[sflag:s22] =	ssyncset.done $0x0  }
0x8e: {  	s13 =	rddreg [dreg:$0x8];
	[sflag:s22] =	ssyncadd.s32 $0xFFFFFC00  }
0x8f: {  	[spmem:s13] =	stream.linear.scatter [tilespmem:s21], [sflag:$0xB], $0x400, $0x38;
	[tilespmem:$0x1A440] =	vst v63  }
0x90: {  	_ =	swait.ge [sflag:s22], $0x400  }
0x91: {  	[sflag:s22] =	ssyncset.done $0x0  }
0x92: {  	s14 =	rddreg [dreg:$0x9];
	[sflag:s22] =	ssyncadd.s32 $0xFFFFFC00  }
0x93: {  	[spmem:s14] =	stream.linear.scatter [tilespmem:s21], [sflag:$0xB], $0x400, $0x38;
	[tilespmem:$0x1A440] =	vst v63  }
0x94: {  	_ =	swait.ge [sflag:s22], $0x400  }
0x95: {  	[sflag:s22] =	ssyncset.done $0x0  }
0x96: {  	s13 =	rddreg [dreg:$0xa];
	[sflag:s22] =	ssyncadd.s32 $0xFFFFFC00  }
0x97: {  	[spmem:s13] =	stream.linear.scatter [tilespmem:s21], [sflag:$0xB], $0x400, $0x38;
	[tilespmem:$0x1A440] =	vst v63  }
0x98: {  	_ =	swait.ge [sflag:s22], $0x400  }
0x99: {  	[sflag:s22] =	ssyncset.done $0x0  }
0x9a: {  	s14 =	rddreg [dreg:$0xb];
	[sflag:s22] =	ssyncadd.s32 $0xFFFFFC00  }
0x9b: {  	[spmem:s14] =	stream.linear.scatter [tilespmem:s21], [sflag:$0xB], $0x400, $0x38;
	[tilespmem:$0x1A440] =	vst v63  }
0x9c: {  	_ =	swait.ge [sflag:s22], $0x400  }
0x9d: {  	[sflag:s22] =	ssyncset.done $0x0  }
0x9e: {  	s13 =	rddreg [dreg:$0xc];
	[sflag:s22] =	ssyncadd.s32 $0xFFFFFC00  }
0x9f: {  	[spmem:s13] =	stream.linear.scatter [tilespmem:s21], [sflag:$0xB], $0x400, $0x38;
	[tilespmem:$0x1A440] =	vst v63  }
0xa0: {  	_ =	swait.ge [sflag:s22], $0x400  }
0xa1: {  	[sflag:s22] =	ssyncset.done $0x0  }
0xa2: {  	s14 =	rddreg [dreg:$0xd];
	[sflag:s22] =	ssyncadd.s32 $0xFFFFFC00  }
0xa3: {  	[spmem:s14] =	stream.linear.scatter [tilespmem:s21], [sflag:$0xB], $0x400, $0x38;
	[tilespmem:$0x1A440] =	vst v63  }
0xa4: {  	_ =	swait.ge [sflag:s22], $0x400  }
0xa5: {  	[sflag:s22] =	ssyncset.done $0x0  }
0xa6: {  	s13 =	rddreg [dreg:$0xe];
	[sflag:s22] =	ssyncadd.s32 $0xFFFFFC00  }
0xa7: {  	[spmem:s13] =	stream.linear.scatter [tilespmem:s21], [sflag:$0xB], $0x400, $0x38;
	[tilespmem:$0x1A440] =	vst v63  }
0xa8: {  	_ =	swait.ge [sflag:s22], $0x400  }
0xa9: {  	[sflag:s22] =	ssyncset.done $0x0  }
0xaa: {  	s14 =	rddreg [dreg:$0xf];
	[sflag:s22] =	ssyncadd.s32 $0xFFFFFC00  }
0xab: {  	[spmem:s14] =	stream.linear.scatter [tilespmem:s21], [sflag:$0xB], $0x400, $0x38;
	[tilespmem:$0x1A440] =	vst v63  }
0xac: {  	_ =	swait.ge [sflag:s22], $0x400  }
0xad: {  	[sflag:s22] =	ssyncset.done $0x0  }
0xae: {  	s13 =	rddreg [dreg:$0x10];
	[sflag:s22] =	ssyncadd.s32 $0xFFFFFC00  }
0xaf: {  	[spmem:s13] =	stream.linear.scatter [tilespmem:s21], [sflag:$0xB], $0x400, $0x38;
	[tilespmem:$0x1A440] =	vst v63  }
0xb0: {  	_ =	swait.ge [sflag:s22], $0x400  }
0xb1: {  	[sflag:s22] =	ssyncset.done $0x0  }
0xb2: {  	s14 =	rddreg [dreg:$0x11];
	[sflag:s22] =	ssyncadd.s32 $0xFFFFFC00  }
0xb3: {  	[spmem:s14] =	stream.linear.scatter [tilespmem:s21], [sflag:$0xB], $0x400, $0x38;
	[tilespmem:$0x1A440] =	vst v63  }
0xb4: {  	_ =	swait.ge [sflag:s22], $0x400  }
0xb5: {  	[sflag:s22] =	ssyncset.done $0x0  }
0xb6: {  	s13 =	rddreg [dreg:$0x12];
	[sflag:s22] =	ssyncadd.s32 $0xFFFFFC00  }
0xb7: {  	[spmem:s13] =	stream.linear.scatter [tilespmem:s21], [sflag:$0xB], $0x400, $0x38;
	[tilespmem:$0x1A440] =	vst v63  }
0xb8: {  	_ =	swait.ge [sflag:s22], $0x400  }
0xb9: {  	[sflag:s22] =	ssyncset.done $0x0  }
0xba: {  	s14 =	rddreg [dreg:$0x13];
	[sflag:s22] =	ssyncadd.s32 $0xFFFFFC00  }
0xbb: {  	[spmem:s14] =	stream.linear.scatter [tilespmem:s21], [sflag:$0xB], $0x400, $0x38;
	[tilespmem:$0x1A440] =	vst v63  }
0xbc: {  	_ =	swait.ge [sflag:s22], $0x400  }
0xbd: {  	[sflag:s22] =	ssyncset.done $0x0  }
0xbe: {  	s13 =	rddreg [dreg:$0x14];
	[sflag:s22] =	ssyncadd.s32 $0xFFFFFC00  }
0xbf: {  	[spmem:s13] =	stream.linear.scatter [tilespmem:s21], [sflag:$0xB], $0x400, $0x38;
	[tilespmem:$0x1A440] =	vst v63  }
0xc0: {  	_ =	swait.ge [sflag:s22], $0x400  }
0xc1: {  	[sflag:s22] =	ssyncset.done $0x0  }
0xc2: {  	s14 =	rddreg [dreg:$0x15];
	[sflag:s22] =	ssyncadd.s32 $0xFFFFFC00  }
0xc3: {  	[spmem:s14] =	stream.linear.scatter [tilespmem:s21], [sflag:$0xB], $0x400, $0x38;
	[tilespmem:$0x1A440] =	vst v63  }
0xc4: {  	_ =	swait.ge [sflag:s22], $0x400  }
0xc5: {  	[sflag:s22] =	ssyncset.done $0x0  }
0xc6: {  	s13 =	rddreg [dreg:$0x16];
	[sflag:s22] =	ssyncadd.s32 $0xFFFFFC00  }
0xc7: {  	[spmem:s13] =	stream.linear.scatter [tilespmem:s21], [sflag:$0xB], $0x400, $0x38;
	[tilespmem:$0x1A440] =	vst v63  }
0xc8: {  	_ =	swait.ge [sflag:s22], $0x400  }
0xc9: {  	[sflag:s22] =	ssyncset.done $0x0  }
0xca: {  	s14 =	rddreg [dreg:$0x17];
	[sflag:s22] =	ssyncadd.s32 $0xFFFFFC00  }
0xcb: {  	[spmem:s14] =	stream.linear.scatter [tilespmem:s21], [sflag:$0xB], $0x400, $0x38;
	[tilespmem:$0x1A440] =	vst v63  }
0xcc: {  	_ =	swait.ge [sflag:s22], $0x400  }
0xcd: {  	[sflag:s22] =	ssyncset.done $0x0  }
0xce: {  	s13 =	rddreg [dreg:$0x18];
	[sflag:s22] =	ssyncadd.s32 $0xFFFFFC00  }
0xcf: {  	[spmem:s13] =	stream.linear.scatter [tilespmem:s21], [sflag:$0xB], $0x400, $0x38;
	[tilespmem:$0x1A440] =	vst v63  }
0xd0: {  	_ =	swait.ge [sflag:s22], $0x400  }
0xd1: {  	[sflag:s22] =	ssyncset.done $0x0  }
0xd2: {  	s14 =	rddreg [dreg:$0x19];
	[sflag:s22] =	ssyncadd.s32 $0xFFFFFC00  }
0xd3: {  	[spmem:s14] =	stream.linear.scatter [tilespmem:s21], [sflag:$0xB], $0x400, $0x38;
	[tilespmem:$0x1A440] =	vst v63  }
0xd4: {  	_ =	swait.ge [sflag:s22], $0x400  }
0xd5: {  	[sflag:s22] =	ssyncset.done $0x0  }
0xd6: {  	s13 =	rddreg [dreg:$0x1a];
	[sflag:s22] =	ssyncadd.s32 $0xFFFFFC00  }
0xd7: {  	[spmem:s13] =	stream.linear.scatter [tilespmem:s21], [sflag:$0xB], $0x400, $0x38;
	[tilespmem:$0x1A440] =	vst v63  }
0xd8: {  	_ =	swait.ge [sflag:s22], $0x400  }
0xd9: {  	[sflag:s22] =	ssyncset.done $0x0  }
0xda: {  	s14 =	rddreg [dreg:$0x1b];
	[sflag:s22] =	ssyncadd.s32 $0xFFFFFC00  }
0xdb: {  	[spmem:s14] =	stream.linear.scatter [tilespmem:s21], [sflag:$0xB], $0x400, $0x38;
	[tilespmem:$0x1A440] =	vst v63  }
0xdc: {  	_ =	swait.ge [sflag:s22], $0x400  }
0xdd: {  	[sflag:s22] =	ssyncset.done $0x0  }
0xde: {  	s13 =	rddreg [dreg:$0x1c];
	[sflag:s22] =	ssyncadd.s32 $0xFFFFFC00  }
0xdf: {  	[spmem:s13] =	stream.linear.scatter [tilespmem:s21], [sflag:$0xB], $0x400, $0x38;
	[tilespmem:$0x1A440] =	vst v63  }
0xe0: {  	_ =	swait.ge [sflag:s22], $0x400  }
0xe1: {  	[sflag:s22] =	ssyncset.done $0x0  }
0xe2: {  	s14 =	rddreg [dreg:$0x1d];
	[sflag:s22] =	ssyncadd.s32 $0xFFFFFC00  }
0xe3: {  	[spmem:s14] =	stream.linear.scatter [tilespmem:s21], [sflag:$0xB], $0x400, $0x38;
	[tilespmem:$0x1A440] =	vst v63  }
0xe4: {  	_ =	swait.ge [sflag:s22], $0x400  }
0xe5: {  	[sflag:s22] =	ssyncset.done $0x0  }
0xe6: {  	s13 =	rddreg [dreg:$0x1e];
	[sflag:s22] =	ssyncadd.s32 $0xFFFFFC00  }
0xe7: {  	[spmem:s13] =	stream.linear.scatter [tilespmem:s21], [sflag:$0xB], $0x400, $0x38;
	[tilespmem:$0x1A440] =	vst v63  }
0xe8: {  	_ =	swait.ge [sflag:s22], $0x400  }
0xe9: {  	[sflag:s22] =	ssyncset.done $0x0  }
0xea: {  	s14 =	rddreg [dreg:$0x1f];
	[sflag:s22] =	ssyncadd.s32 $0xFFFFFC00  }
0xeb: {  	[spmem:s14] =	stream.linear.scatter [tilespmem:s21], [sflag:$0xB], $0x400, $0x38;
	[tilespmem:$0x1A440] =	vst v63  }
0xec: {  	_ =	swait.ge [sflag:s22], $0x400  }
0xed: {  	s13 =	sld [smem:$0x7F5]  }
0xee: {  	[sflag:s22] =	ssyncset.done $0x0  }
0xef: {  	[sflag:s22] =	ssyncadd.s32 $0xFFFFFC00  }
0xf0: {  	[spmem:s13] =	stream.linear.scatter [tilespmem:s21], [sflag:$0xB], $0x400, $0x38;
	[tilespmem:$0x1A440] =	vst v63  }
0xf1: {  	_ =	swait.ge [sflag:s22], $0x400  }
0xf2: {  	s14 =	sld [smem:$0x7F6]  }
0xf3: {  	[sflag:s22] =	ssyncset.done $0x0  }
0xf4: {  	[sflag:s22] =	ssyncadd.s32 $0xFFFFFC00  }
0xf5: {  	[spmem:s14] =	stream.linear.scatter [tilespmem:s21], [sflag:$0xB], $0x400, $0x38;
	[tilespmem:$0x1A440] =	vst v63  }
0xf6: {  	_ =	swait.ge [sflag:s22], $0x400  }
0xf7: {  	s13 =	sld [smem:$0x7F7]  }
0xf8: {  	[sflag:s22] =	ssyncset.done $0x0  }
0xf9: {  	[sflag:s22] =	ssyncadd.s32 $0xFFFFFC00  }
0xfa: {  	[spmem:s13] =	stream.linear.scatter [tilespmem:s21], [sflag:$0xB], $0x400, $0x38;
	[tilespmem:$0x1A440] =	vst v63  }
0xfb: {  	_ =	swait.ge [sflag:s22], $0x400  }
0xfc: {  	s14 =	sld [smem:$0x7F8]  }
0xfd: {  	[sflag:s22] =	ssyncset.done $0x0  }
0xfe: {  	[sflag:s22] =	ssyncadd.s32 $0xFFFFFC00  }
0xff: {  	[spmem:s14] =	stream.linear.scatter [tilespmem:s21], [sflag:$0xB], $0x400, $0x38;
	[tilespmem:$0x1A440] =	vst v63  }
0x100: {  	_ =	swait.ge [sflag:s22], $0x400  }
0x101: {  	s13 =	sld [smem:$0x7F9]  }
0x102: {  	[sflag:s22] =	ssyncset.done $0x0  }
0x103: {  	[sflag:s22] =	ssyncadd.s32 $0xFFFFFC00  }
0x104: {  	[spmem:s13] =	stream.linear.scatter [tilespmem:s21], [sflag:$0xB], $0x400, $0x38;
	[tilespmem:$0x1A440] =	vst v63  }
0x105: {  	_ =	swait.ge [sflag:s22], $0x400  }
0x106: {  	s14 =	sld [smem:$0x7FA]  }
0x107: {  	[sflag:s22] =	ssyncset.done $0x0  }
0x108: {  	[sflag:s22] =	ssyncadd.s32 $0xFFFFFC00  }
0x109: {  	[spmem:s14] =	stream.linear.scatter [tilespmem:s21], [sflag:$0xB], $0x400, $0x38;
	[tilespmem:$0x1A440] =	vst v63  }
0x10a: {  	_ =	swait.ge [sflag:s22], $0x400  }
0x10b: {  	s13 =	sld [smem:$0x7FB]  }
0x10c: {  	[sflag:s22] =	ssyncset.done $0x0  }
0x10d: {  	[sflag:s22] =	ssyncadd.s32 $0xFFFFFC00  }
0x10e: {  	[spmem:s13] =	stream.linear.scatter [tilespmem:s21], [sflag:$0xB], $0x400, $0x38;
	[tilespmem:$0x1A440] =	vst v63  }
0x10f: {  	_ =	swait.ge [sflag:s22], $0x400  }
0x110: {  	s14 =	sld [smem:$0x7FC]  }
0x111: {  	[sflag:s22] =	ssyncset.done $0x0  }
0x112: {  	[sflag:s22] =	ssyncadd.s32 $0xFFFFFC00  }
0x113: {  	[spmem:s14] =	stream.linear.scatter [tilespmem:s21], [sflag:$0xB], $0x400, $0x38;
	[tilespmem:$0x1A440] =	vst v63  }
0x114: {  	_ =	swait.ge [sflag:s22], $0x400  }
0x115: {  	s13 =	sld [smem:$0x7FD]  }
0x116: {  	[sflag:s22] =	ssyncset.done $0x0  }
0x117: {  	[sflag:s22] =	ssyncadd.s32 $0xFFFFFC00  }
0x118: {  	[spmem:s13] =	stream.linear.scatter [tilespmem:s21], [sflag:$0xB], $0x400, $0x38;
	[tilespmem:$0x1A440] =	vst v63  }
0x119: {  	_ =	swait.ge [sflag:s22], $0x400  }
0x11a: {  	[sflag:s22] =	ssyncset.done $0x0  }
0x11b: {  	[sflag:s22] =	ssyncadd.s32 $0xFFFFFC00  }
0x11c: {  	[spmem:s15] =	stream.linear.scatter [tilespmem:s21], [sflag:$0xB], $0x400, $0x38;
	[tilespmem:$0x1A440] =	vst v63  }
0x11d: {  	_ =	swait.ge [sflag:s22], $0x400  }
0x11e: {  	[sflag:s22] =	ssyncset.done $0x0  }
0x11f: {  	[sflag:s22] =	ssyncadd.s32 $0xFFFFFC00  }
0x120: {  	[tilespmem:s3], [sflag:$0xB] =	stream.linear.gather [hbm4b:s16+s3], $0x4E20, $0x38;
	[tilespmem:$0x1A440] =	vst v63  }
0x121: {  	_ =	swait.ge [sflag:s22], $0x4E20  }
0x122: {  	[sflag:s22] =	ssyncset.done $0x0  }
0x123: {  	s14 =	simm.s32 $0x4E20;
	[sflag:s22] =	ssyncadd.s32 $0xFFFFB1E0  }
0x124: {  	[tilespmem:s14], [sflag:$0xB] =	stream.linear.gather [hbm4b:s17+s3], $0x4E20, $0x38;
	[tilespmem:$0x1A440] =	vst v63  }
0x125: {  	_ =	swait.ge [sflag:s22], $0x4E20  }
0x126: {  	[sflag:s22] =	ssyncset.done $0x0  }
0x127: {  	[sflag:s22] =	ssyncadd.s32 $0xFFFFB1E0  }
0x128: {  	[bflag:$0x0] =	sbarrier.arrive $0xFFFF  }
0x129: {  	[tilespmem:s24], [sflag:$0x1] =	stream.indirect.gather [hbm4b:s18+s23], $0x40, s3, s23, $0xb8;
	[tilespmem:$0x1A440] =	vst v63  }
0x12a: {  	_ = 	snop  }
0x12b: {  	[tilespmem:s25], [sflag:$0x2] =	stream.indirect.gather [hbm4b:s18+s23], $0x40, s23, s23, $0xb8;
	[tilespmem:$0x1A440] =	vst v63  }
0x12c: {  	s13 =	simm.s32 $0xA0  }
0x12d: {  	[tilespmem:s26], [sflag:$0x3] =	stream.indirect.gather [hbm4b:s18+s23], $0x40, s13, s23, $0xb8;
	[tilespmem:$0x1A440] =	vst v63  }
0x12e: {  	s14 =	simm.s32 $0xF0  }
0x12f: {  	[tilespmem:s28], [sflag:$0x4] =	stream.indirect.gather [hbm4b:s18+s23], $0x40, s14, s23, $0xb8;
	[tilespmem:$0x1A440] =	vst v63  }
0x130: {  	s13 =	simm.s32 $0x140  }
0x131: {  	[tilespmem:s29], [sflag:$0x5] =	stream.indirect.gather [hbm4b:s18+s23], $0x40, s13, s23, $0xb8;
	[tilespmem:$0x1A440] =	vst v63  }
0x132: {  	_ =	swait.ge [sflag:s30], $0x1400  }
0x133: {  	[sflag:s30] =	ssyncset.done $0x0  }
0x134: {  	s14 =	simm.s32 $0x4E20;
	[sflag:s30] =	ssyncadd.s32 $0xFFFFEC00  }
0x135: {  	[spmem:s2] =	stream.indirect.scatter.add.f32 [tilespmem:s24], [sflag:$0x6], $0x40, s14, s23, $0xb8;
	[tilespmem:$0x1A440] =	vst v63  }
0x136: {  	_ =	swait.ge [sflag:s31], $0x1400  }
0x137: {  	[sflag:s31] =	ssyncset.done $0x0  }
0x138: {  	s13 =	simm.s32 $0x4E70;
	[sflag:s31] =	ssyncadd.s32 $0xFFFFEC00  }
0x139: {  	[spmem:s2] =	stream.indirect.scatter.add.f32 [tilespmem:s25], [sflag:$0x7], $0x40, s13, s23, $0xb8;
	[tilespmem:$0x1A440] =	vst v63  }
0x13a: {  	_ =	swait.ge [sflag:s0], $0x1400  }
0x13b: {  	[sflag:s0] =	ssyncset.done $0x0  }
0x13c: {  	s14 =	simm.s32 $0x4EC0;
	[sflag:s0] =	ssyncadd.s32 $0xFFFFEC00  }
0x13d: {  	[spmem:s2] =	stream.indirect.scatter.add.f32 [tilespmem:s26], [sflag:$0x8], $0x40, s14, s23, $0xb8;
	[tilespmem:$0x1A440] =	vst v63  }
0x13e: {  	_ =	swait.ge [sflag:s1], $0x1400  }
0x13f: {  	[sflag:s1] =	ssyncset.done $0x0  }
0x140: {  	s13 =	simm.s32 $0x4F10;
	[sflag:s1] =	ssyncadd.s32 $0xFFFFEC00  }
0x141: {  	[spmem:s2] =	stream.indirect.scatter.add.f32 [tilespmem:s28], [sflag:$0x9], $0x40, s13, s23, $0xb8;
	[tilespmem:$0x1A440] =	vst v63  }
0x142: {  	_ =	swait.ge [sflag:s5], $0x1400  }
0x143: {  	[sflag:s5] =	ssyncset.done $0x0  }
0x144: {  	s14 =	simm.s32 $0x4F60;
	[sflag:s5] =	ssyncadd.s32 $0xFFFFEC00  }
0x145: {  	[spmem:s2] =	stream.indirect.scatter.add.f32 [tilespmem:s29], [sflag:$0xA], $0x40, s14, s23, $0xb8;
	[tilespmem:$0x1A440] =	vst v63  }
0x146: {  	_ =	swait.ge [sflag:s6], $0x1400  }
0x147: {  	[sflag:s6] =	ssyncset.done $0x0  }
0x148: {  	s13 =	simm.s32 $0x190;
	[sflag:s6] =	ssyncadd.s32 $0xFFFFEC00  }
0x149: {  	[tilespmem:s24], [sflag:$0x1] =	stream.indirect.gather [hbm4b:s18+s23], $0x40, s13, s23, $0xb8;
	[tilespmem:$0x1A440] =	vst v63  }
0x14a: {  	_ =	swait.ge [sflag:s7], $0x1400  }
0x14b: {  	[sflag:s7] =	ssyncset.done $0x0  }
0x14c: {  	s14 =	simm.s32 $0x1E0;
	[sflag:s7] =	ssyncadd.s32 $0xFFFFEC00  }
0x14d: {  	[tilespmem:s25], [sflag:$0x2] =	stream.indirect.gather [hbm4b:s18+s23], $0x40, s14, s23, $0xb8;
	[tilespmem:$0x1A440] =	vst v63  }
0x14e: {  	_ =	swait.ge [sflag:s8], $0x1400  }
0x14f: {  	[sflag:s8] =	ssyncset.done $0x0  }
0x150: {  	s13 =	simm.s32 $0x230;
	[sflag:s8] =	ssyncadd.s32 $0xFFFFEC00  }
0x151: {  	[tilespmem:s26], [sflag:$0x3] =	stream.indirect.gather [hbm4b:s18+s23], $0x40, s13, s23, $0xb8;
	[tilespmem:$0x1A440] =	vst v63  }
0x152: {  	_ =	swait.ge [sflag:s9], $0x1400  }
0x153: {  	[sflag:s9] =	ssyncset.done $0x0  }
0x154: {  	s14 =	simm.s32 $0x280;
	[sflag:s9] =	ssyncadd.s32 $0xFFFFEC00  }
0x155: {  	[tilespmem:s28], [sflag:$0x4] =	stream.indirect.gather [hbm4b:s18+s23], $0x40, s14, s23, $0xb8;
	[tilespmem:$0x1A440] =	vst v63  }
0x156: {  	_ =	swait.ge [sflag:s10], $0x1400  }
0x157: {  	[sflag:s10] =	ssyncset.done $0x0  }
0x158: {  	s12 =	simm.s32 $0x640;
	s13 =	simm.s32 $0x2D0;
	[sflag:s10] =	ssyncadd.s32 $0xFFFFEC00  }
.LBB2_2:
0x159: {  	[tilespmem:s29], [sflag:$0x5] =	stream.indirect.gather [hbm4b:s18+s23], $0x40, s13, s23, $0xb8;
	[tilespmem:$0x1A440] =	vst v63  }
0x15a: {  	s13 =	smov.u32 s12  }
0x15b: {  	p0 =	sne.s32 s12, $0x12C00;
	s12 =	sadd.s32 $0x640, s12;
	_ =	swait.ge [sflag:s30], $0x1400  }
0x15c: {  	s13 =	sshra.s32 s13, $0x2;
	[sflag:s30] =	ssyncset.done $0x0  }
0x15d: {  	s14 =	sadd.s32 $0x4E20, s13;
	[sflag:s30] =	ssyncadd.s32 $0xFFFFEC00  }
0x15e: {  	[spmem:s2] =	stream.indirect.scatter.add.f32 [tilespmem:s24], [sflag:$0x6], $0x40, s14, s23, $0xb8;
	[tilespmem:$0x1A440] =	vst v63  }
0x15f: {  	_ =	swait.ge [sflag:s31], $0x1400  }
0x160: {  	[sflag:s31] =	ssyncset.done $0x0  }
0x161: {  	s14 =	sadd.s32 $0x4E70, s13;
	[sflag:s31] =	ssyncadd.s32 $0xFFFFEC00  }
0x162: {  	[spmem:s2] =	stream.indirect.scatter.add.f32 [tilespmem:s25], [sflag:$0x7], $0x40, s14, s23, $0xb8;
	[tilespmem:$0x1A440] =	vst v63  }
0x163: {  	_ =	swait.ge [sflag:s0], $0x1400  }
0x164: {  	[sflag:s0] =	ssyncset.done $0x0  }
0x165: {  	s14 =	sadd.s32 $0x4EC0, s13;
	[sflag:s0] =	ssyncadd.s32 $0xFFFFEC00  }
0x166: {  	[spmem:s2] =	stream.indirect.scatter.add.f32 [tilespmem:s26], [sflag:$0x8], $0x40, s14, s23, $0xb8;
	[tilespmem:$0x1A440] =	vst v63  }
0x167: {  	_ =	swait.ge [sflag:s1], $0x1400  }
0x168: {  	[sflag:s1] =	ssyncset.done $0x0  }
0x169: {  	s14 =	sadd.s32 $0x4F10, s13;
	[sflag:s1] =	ssyncadd.s32 $0xFFFFEC00  }
0x16a: {  	[spmem:s2] =	stream.indirect.scatter.add.f32 [tilespmem:s28], [sflag:$0x9], $0x40, s14, s23, $0xb8;
	[tilespmem:$0x1A440] =	vst v63  }
0x16b: {  	_ =	swait.ge [sflag:s5], $0x1400  }
0x16c: {  	[sflag:s5] =	ssyncset.done $0x0  }
0x16d: {  	s14 =	sadd.s32 $0x4F60, s13;
	[sflag:s5] =	ssyncadd.s32 $0xFFFFEC00  }
0x16e: {  	[spmem:s2] =	stream.indirect.scatter.add.f32 [tilespmem:s29], [sflag:$0xA], $0x40, s14, s23, $0xb8;
	[tilespmem:$0x1A440] =	vst v63  }
0x16f: {  	_ =	swait.ge [sflag:s6], $0x1400  }
0x170: {  	[sflag:s6] =	ssyncset.done $0x0  }
0x171: {  	s14 =	sadd.s32 $0x190, s13;
	[sflag:s6] =	ssyncadd.s32 $0xFFFFEC00  }
0x172: {  	[tilespmem:s24], [sflag:$0x1] =	stream.indirect.gather [hbm4b:s18+s23], $0x40, s14, s23, $0xb8;
	[tilespmem:$0x1A440] =	vst v63  }
0x173: {  	_ =	swait.ge [sflag:s7], $0x1400  }
0x174: {  	[sflag:s7] =	ssyncset.done $0x0  }
0x175: {  	s14 =	sadd.s32 $0x1E0, s13;
	[sflag:s7] =	ssyncadd.s32 $0xFFFFEC00  }
0x176: {  	[tilespmem:s25], [sflag:$0x2] =	stream.indirect.gather [hbm4b:s18+s23], $0x40, s14, s23, $0xb8;
	[tilespmem:$0x1A440] =	vst v63  }
0x177: {  	_ =	swait.ge [sflag:s8], $0x1400  }
0x178: {  	[sflag:s8] =	ssyncset.done $0x0  }
0x179: {  	s14 =	sadd.s32 $0x230, s13;
	[sflag:s8] =	ssyncadd.s32 $0xFFFFEC00  }
0x17a: {  	[tilespmem:s26], [sflag:$0x3] =	stream.indirect.gather [hbm4b:s18+s23], $0x40, s14, s23, $0xb8;
	[tilespmem:$0x1A440] =	vst v63  }
0x17b: {  	_ =	swait.ge [sflag:s9], $0x1400  }
0x17c: {  	[sflag:s9] =	ssyncset.done $0x0  }
.Ltmp0:
0x17d: {  	s14 =	sadd.s32 $0x280, s13;
	[sflag:s9] =	ssyncadd.s32 $0xFFFFEC00;
	(pc) =	sbr.rel @p0 .LBB2_2-.Ltmp0, $4  }
0x17e: {  	[tilespmem:s28], [sflag:$0x4] =	stream.indirect.gather [hbm4b:s18+s23], $0x40, s14, s23, $0xb8;
	[tilespmem:$0x1A440] =	vst v63  }
0x17f: {  	_ =	swait.ge [sflag:s10], $0x1400  }
0x180: {  	[sflag:s10] =	ssyncset.done $0x0  }
0x181: {  	s13 =	sadd.s32 $0x2D0, s13;
	[sflag:s10] =	ssyncadd.s32 $0xFFFFEC00  }
0x182: {  	[tilespmem:s29], [sflag:$0x5] =	stream.indirect.gather [hbm4b:s18+s23], $0x40, s13, s23, $0xb8;
	[tilespmem:$0x1A440] =	vst v63  }
0x183: {  	_ =	swait.ge [sflag:s30], $0x1400  }
0x184: {  	[sflag:s30] =	ssyncset.done $0x0  }
0x185: {  	s12 =	simm.s32 $0x9AB0;
	[sflag:s30] =	ssyncadd.s32 $0xFFFFEC00  }
0x186: {  	[spmem:s2] =	stream.indirect.scatter.add.f32 [tilespmem:s24], [sflag:$0x6], $0x40, s12, s23, $0xb8;
	[tilespmem:$0x1A440] =	vst v63  }
0x187: {  	_ =	swait.ge [sflag:s31], $0x1400  }
0x188: {  	[sflag:s31] =	ssyncset.done $0x0  }
0x189: {  	s13 =	simm.s32 $0x9B00;
	[sflag:s31] =	ssyncadd.s32 $0xFFFFEC00  }
0x18a: {  	[spmem:s2] =	stream.indirect.scatter.add.f32 [tilespmem:s25], [sflag:$0x7], $0x40, s13, s23, $0xb8;
	[tilespmem:$0x1A440] =	vst v63  }
0x18b: {  	_ =	swait.ge [sflag:s0], $0x1400  }
0x18c: {  	[sflag:s0] =	ssyncset.done $0x0  }
0x18d: {  	s14 =	simm.s32 $0x9B50;
	[sflag:s0] =	ssyncadd.s32 $0xFFFFEC00  }
0x18e: {  	[spmem:s2] =	stream.indirect.scatter.add.f32 [tilespmem:s26], [sflag:$0x8], $0x40, s14, s23, $0xb8;
	[tilespmem:$0x1A440] =	vst v63  }
0x18f: {  	_ =	swait.ge [sflag:s1], $0x1400  }
0x190: {  	[sflag:s1] =	ssyncset.done $0x0  }
0x191: {  	s13 =	simm.s32 $0x9BA0;
	[sflag:s1] =	ssyncadd.s32 $0xFFFFEC00  }
0x192: {  	[spmem:s2] =	stream.indirect.scatter.add.f32 [tilespmem:s28], [sflag:$0x9], $0x40, s13, s23, $0xb8;
	[tilespmem:$0x1A440] =	vst v63  }
0x193: {  	_ =	swait.ge [sflag:s5], $0x1400  }
0x194: {  	[sflag:s5] =	ssyncset.done $0x0  }
0x195: {  	s14 =	simm.s32 $0x9BF0;
	[sflag:s5] =	ssyncadd.s32 $0xFFFFEC00  }
0x196: {  	[spmem:s2] =	stream.indirect.scatter.add.f32 [tilespmem:s29], [sflag:$0xA], $0x40, s14, s23, $0xb8;
	[tilespmem:$0x1A440] =	vst v63  }
0x197: {  	_ =	swait.ge [sflag:s6], $0x1400  }
0x198: {  	[sflag:s6] =	ssyncset.done $0x0  }
0x199: {  	[sflag:s6] =	ssyncadd.s32 $0xFFFFEC00  }
0x19a: {  	_ =	swait.ge [sflag:s7], $0x1400  }
0x19b: {  	[sflag:s7] =	ssyncset.done $0x0  }
0x19c: {  	[sflag:s7] =	ssyncadd.s32 $0xFFFFEC00  }
0x19d: {  	_ =	swait.ge [sflag:s8], $0x1400  }
0x19e: {  	[sflag:s8] =	ssyncset.done $0x0  }
0x19f: {  	[sflag:s8] =	ssyncadd.s32 $0xFFFFEC00  }
0x1a0: {  	_ =	swait.ge [sflag:s9], $0x1400  }
0x1a1: {  	[sflag:s9] =	ssyncset.done $0x0  }
0x1a2: {  	[sflag:s9] =	ssyncadd.s32 $0xFFFFEC00  }
0x1a3: {  	s13 =	stileid.u32;
	_ =	swait.ge [sflag:s10], $0x1400  }
0x1a4: {  	s11 =	sadd.s32 $0x1, s11;
	s12 =	sshll.u32 s13, $0x6;
	[sflag:s10] =	ssyncset.done $0x0  }
0x1a5: {  	p0 =	sne.s32 s11, s20;
	s12 =	sor.u32 $0x1C0B, s12;
	[sflag:s10] =	ssyncadd.s32 $0xFFFFEC00  }
.Ltmp1:
0x1a6: {  	s14 =	sshrl.u32 s4, $0x3;
	[bflag:$0x0] =	sbarrier.arrive $0xFFFF;
	(pc) =	sbr.rel @p0 .LBB2_1-.Ltmp1, $4  }
0x1a7: {  	[hbm:s19], [sflag:s12] =	dma.local [spmem:s14], $0x1400  }
0x1a8: {  	_ =	swait.ge [sflag:s22], $0x1400  }
0x1a9: {  	[sflag:s22] =	ssyncset.done $0x0  }
0x1aa: {  	[sflag:s22] =	ssyncadd.s32 $0xFFFFEC00  }
0x1ab: {  	_ =	sfence.sel $0x180000  }
0x1ac: {  	[bflag:$0x0] =	sbarrier.arrive $0xFFFF  }
0x1ad: {  	_ =	strace $0x9000004A  }
0x1ae: {  	s0 =	stileid.u32;
	[bflag:$0x2] =	sbarrier.arrive $0xFFFF  }
0x1af: {  	p0 =	sne.s32 s0, $0x0;
	s0 =	rddreg [dreg:$0x2]  }
0x1b0: {  	s0 =	sadd.s32 @!p0 $0x100000, s0  }
0x1b1: {  	[sflag:s0] =	ssyncadd.tile.s32 @!p0 $0x1;
	_ =	shalt  }
.Lfunc_end2:
_tile_overlayer_lowered:
.L_overlay_start_2:
0x1b2: {  	(tag) =	ssettag $0x2  }
0x1b3: {  	s0 =	rddreg [dreg:$0x0];
	s2 =	stileid.u32  }
0x1b4: {  	s1 =	rddreg [dreg:$0x1];
	p0 =	sne.s32 s2, $0x0  }
0x1b5: {  	s3 =	rddreg [dreg:$0x2];
	[bflag:$0x3] =	sbarrier.arrive $0xFFFF;
	s2 =	simm.s32 @!p0 $0x1C0B  }
0x1b6: {  	[timem:s3], [sflag:s2] =	dma.local @!p0 [hbm:s0], s1  }
0x1b7: {  	s0 =	simm.s32 @!p0 $0xB  }
0x1b8: {  	_ =	swait.ge @!p0 [sflag:s0], s1  }
0x1b9: {  	s1 =	ssub.s32 @!p0 $0x0, s1;
	[sflag:s0] =	ssyncset.done @!p0 $0x0  }
0x1ba: {  	[sflag:s0] =	ssyncadd.s32 @!p0 s1  }
0x1bb: {  	[bflag:$0x3] =	sbarrier.arrive $0xFFFF  }
0x1bc: {  	_ =	shalt  }

// kernel: kernel.7.cloned.1.call-start
scs
__scs_entry_jumppad:
0x0: {  	(pc) =	sbr.rel $0x88, $3  }
0x1: {  	(tag) =	ssettag $0x0;
	lr =	simm.s32 $0x1  }
0x2: {  	[smem:$0x3F97] =	sst lr;
	_ =	strace $0xD0000000  }
0x3: {  	_ = 	snop  }
0x4: {  	_ = 	snop  }
0x5: {  	_ = 	snop  }
0x6: {  	_ = 	snop  }
0x7: {  	_ = 	snop  }
__scs_overlays_trampoline_lowered:
0x8: {  	[smem:$0x3FA6] =	sst s0  }
0x9: {  	[smem:$0x3FA7] =	sst s1  }
0xa: {  	[smem:$0x3FA8] =	sst s2  }
0xb: {  	[smem:$0x3FA9] =	sst s3  }
0xc: {  	[smem:$0x3FAA] =	sst s4  }
0xd: {  	[smem:$0x3FAB] =	sst s5  }
0xe: {  	[smem:$0x3FAC] =	sst s6  }
0xf: {  	[smem:$0x3FAD] =	sst s7  }
0x10: {  	[smem:$0x3FAE] =	sst s8  }
0x11: {  	[smem:$0x3FAF] =	sst s9;
	s0 =	simm.s32 @!p0 $0x0  }
0x12: {  	s1 =	sld [smem:$0x3F95];
	s0 =	simm.s32 @p0 $0x1  }
0x13: {  	[smem:$0x3FB0] =	sst s0;
	s0 =	simm.s32 @!p1 $0x0  }
0x14: {  	s2 =	sld [smem:$0x3F94];
	s0 =	simm.s32 @p1 $0x1  }
0x15: {  	[smem:$0x3FB1] =	sst s0;
	s0 =	simm.s32 @!p2 $0x0  }
0x16: {  	s3 =	sld [smem:$0x3FDB];
	s0 =	simm.s32 @p2 $0x1  }
0x17: {  	s4 =	simm.s32 $0x1BF5;
	[smem:$0x3FB3] =	sst s0  }
0x18: {  	s0 =	sld [smem:$0x3F96];
	_ =	swait.ge [sflag:s4], $0x0  }
0x19: {  	s7 =	sld [smem:$0x3F97]  }
0x1a: {  	s8 =	sadd.s32 $0xFFFFE003, lr  }
0x1b: {  	s9 =	sadd.s32 $0xFFFFFEF7, lr;
	s5 =	simm.s32 $0xFFFFFFFF;
	p2 =	slt.u32 s8, $0xFFFFF086  }
0x1c: {  	p1 =	slt.u32 s9, $0xF7A;
	s5 =	simm.s32 @!p2 $0x0  }
0x1d: {  	s5 =	simm.s32 @p1 $0x1;
	p0 =	seq.s32 s7, s2  }
0x1e: {  	s7 =	smul.u32 @!p0 $0xF7A, s2;
	p2 =	seq.s32 @!p0 s5, $0x0  }
0x1f: {  	s9 =	smul.u32 $0xF7A, s1;
	s8 =	simm.s32 @!p0 $0x1BF5;
	p2 =	por !p2, p0  }
0x20: {  	[sflag:s8] =	ssyncset.s32 @!p0 $0xFFFFF086;
	s6 =	sadd.s32 @!p0 s3, s7;
	s7 =	simm.s32 @!p0 $0x108  }
0x21: {  	s3 =	sadd.s32 s3, s9;
	s6 =	sadd.s32 @!p0 $0x88, s6;
	s7 =	simm.s32 @p2 $0x1082  }
0x22: {  	[simem:s7], [sflag:s8] =	dma.local @!p0 [hbm:s6], $0xF7A  }
0x23: {  	s9 =	sor.u32 $0xD0000000, s2;
	s6 =	simm.s32 $0x108;
	_ =	swait.ge @!p0 [sflag:s8], $0x0  }
0x24: {  	s3 =	sadd.s32 $0x88, s3;
	s6 =	simm.s32 @!p1 $0x1082;
	[sflag:s4] =	ssyncset.s32 $0xFFFFF086  }
0x25: {  	[simem:s6], [sflag:s4] =	dma.local [hbm:s3], $0xF7A  }
0x26: {  	[smem:$0x3F97] =	sst s1;
	(tag) =	ssettag s2;
	_ =	strace s9  }
0x27: {  	s1 =	sld [smem:$0x3FA7]  }
0x28: {  	s2 =	sld [smem:$0x3FA8]  }
0x29: {  	s4 =	sld [smem:$0x3FAA]  }
0x2a: {  	p0 =	seq.s32 s5, $0x0;
	s5 =	sld [smem:$0x3FAB]  }
0x2b: {  	s6 =	sld [smem:$0x3FAC]  }
0x2c: {  	s7 =	sld [smem:$0x3FAD]  }
0x2d: {  	s3 =	simm.s32 $0x108;
	s8 =	sld [smem:$0x3FAE]  }
0x2e: {  	s3 =	simm.s32 @!p0 $0x1082;
	s9 =	sld [smem:$0x3FAF]  }
0x2f: {  	lr =	sadd.s32 s0, s3;
	s0 =	sld [smem:$0x3FA6]  }
0x30: {  	s3 =	sld [smem:$0x3FA9]  }
0x31: {  	[smem:$0x3FB2] =	sst s10  }
0x32: {  	s10 =	sld [smem:$0x3FB0];
	_ =	sdelay $0x3  }
0x33: {  	p0 =	seq.s32 s10, $0x1;
	s10 =	sld [smem:$0x3FB2];
	_ =	sdelay $0x3  }
0x34: {  	[smem:$0x3FB2] =	sst s10  }
0x35: {  	s10 =	sld [smem:$0x3FB1];
	_ =	sdelay $0x3  }
0x36: {  	p1 =	seq.s32 s10, $0x1;
	s10 =	sld [smem:$0x3FB2];
	_ =	sdelay $0x3  }
0x37: {  	[smem:$0x3FB2] =	sst s10  }
0x38: {  	s10 =	sld [smem:$0x3FB3]  }
0x39: {  	_ = 	snop;
	(pc) =	sbr.ind lr, $3  }
0x3a: {  	_ = 	snop  }
0x3b: {  	_ = 	snop  }
0x3c: {  	p2 =	seq.s32 s10, $0x1;
	s10 =	sld [smem:$0x3FB2]  }
0x3d: {  	_ =	shalt  }
0x3e: {  	_ =	shalt  }
0x3f: {  	_ =	shalt  }
0x40: {  	_ =	shalt  }
0x41: {  	_ =	shalt  }
0x42: {  	_ =	shalt  }
0x43: {  	_ =	shalt  }
0x44: {  	_ =	shalt  }
0x45: {  	_ =	shalt  }
0x46: {  	_ =	shalt  }
0x47: {  	_ =	shalt  }
0x48: {  	_ =	shalt  }
0x49: {  	_ =	shalt  }
0x4a: {  	_ =	shalt  }
0x4b: {  	_ =	shalt  }
0x4c: {  	_ =	shalt  }
0x4d: {  	_ =	shalt  }
0x4e: {  	_ =	shalt  }
0x4f: {  	_ =	shalt  }
0x50: {  	_ =	shalt  }
0x51: {  	_ =	shalt  }
0x52: {  	_ =	shalt  }
0x53: {  	_ =	shalt  }
0x54: {  	_ =	shalt  }
0x55: {  	_ =	shalt  }
0x56: {  	_ =	shalt  }
0x57: {  	_ =	shalt  }
0x58: {  	_ =	shalt  }
0x59: {  	_ =	shalt  }
0x5a: {  	_ =	shalt  }
0x5b: {  	_ =	shalt  }
0x5c: {  	_ =	shalt  }
0x5d: {  	_ =	shalt  }
0x5e: {  	_ =	shalt  }
0x5f: {  	_ =	shalt  }
0x60: {  	_ =	shalt  }
0x61: {  	_ =	shalt  }
0x62: {  	_ =	shalt  }
0x63: {  	_ =	shalt  }
0x64: {  	_ =	shalt  }
0x65: {  	_ =	shalt  }
0x66: {  	_ =	shalt  }
0x67: {  	_ =	shalt  }
0x68: {  	_ =	shalt  }
0x69: {  	_ =	shalt  }
0x6a: {  	_ =	shalt  }
0x6b: {  	_ =	shalt  }
0x6c: {  	_ =	shalt  }
0x6d: {  	_ =	shalt  }
0x6e: {  	_ =	shalt  }
0x6f: {  	_ =	shalt  }
0x70: {  	_ =	shalt  }
0x71: {  	_ =	shalt  }
0x72: {  	_ =	shalt  }
0x73: {  	_ =	shalt  }
0x74: {  	_ =	shalt  }
0x75: {  	_ =	shalt  }
0x76: {  	_ =	shalt  }
0x77: {  	_ =	shalt  }
0x78: {  	_ =	shalt  }
0x79: {  	_ =	shalt  }
0x7a: {  	_ =	shalt  }
0x7b: {  	_ =	shalt  }
0x7c: {  	_ =	shalt  }
0x7d: {  	_ =	shalt  }
0x7e: {  	_ =	shalt  }
0x7f: {  	_ =	shalt  }
0x80: {  	_ =	shalt  }
0x81: {  	_ =	shalt  }
0x82: {  	_ =	shalt  }
0x83: {  	_ =	shalt  }
0x84: {  	_ =	shalt  }
0x85: {  	_ =	shalt  }
0x86: {  	_ =	shalt  }
0x87: {  	_ =	shalt  }
.Lfunc_end0:
.L_simem_size_0:
called_computation_lowered:
.L_overlay_start_0:
0x88: {  	s2 =	sld [smem:$0x3FD9]  }
0x89: {  	s3 =	sld [smem:$0x3FFE];
	_ =	sdelay $0x1  }
0x8a: {  	s1 =	srdreg.scid  }
0x8b: {  	s0 =	sand.u32 $0x1, s1  }
0x8c: {  	s16 =	sshll.u32 s0, $0xA;
	s2 =	sadd.s32 s3, s2  }
0x8d: {  	s2 =	sadd.s32 s2, s16  }
0x8e: {  	[smem:$0x3FBE] =	sst s2  }
0x8f: {  	_ = 	snop  }
0x90: {  	(tm) =	ssettm $0x1  }
0x91: {  	s17 =	sld [smem:$0x3FFB];
	_ =	sdelay $0x3  }
0x92: {  	_ =	strace s17  }
0x93: {  	s2 =	sld [smem:$0x3FFC];
	_ =	sdelay $0x3  }
0x94: {  	_ =	strace s2  }
0x95: {  	s2 =	sld [smem:$0x3FFD];
	_ =	sdelay $0x3  }
0x96: {  	_ =	strace s2  }
0x97: {  	_ =	strace $0x8FFFFFFF  }
0x98: {  	s18 =	sld [smem:$0x3FDB];
	_ =	sdelay $0x1  }
0x99: {  	s19 =	simm.s32 $_scs_section_size  }
0x9a: {  	s4 =	simm.s32 $_size__tile_overlayer_lowered;
	s5 =	simm.s32 $_tile_overlayer_lowered  }
0x9b: {  	s22 =	simm.s32 $0x1BFF;
	s21 =	sshll.u32 s5, $0x1;
	s2 =	sadd.s32 s19, s18  }
0x9c: {  	s6 =	simm.s32 $0x0;
	s20 =	sshll.u32 s4, $0x1;
	s4 =	sadd.s32 s21, s2  }
0x9d: {  	[timem:s6], [sflag:s22] =	dma.local [hbm:s4], s20  }
0x9e: {  	_ =	swait.ge [sflag:s22], s20  }
0x9f: {  	s3 =	ssub.s32 $0x0, s20;
	[sflag:s22] =	ssyncset.done $0x0  }
0xa0: {  	[sflag:s22] =	ssyncadd.s32 s3;
	_ =	sdelay $0x1  }
0xa1: {  	s23 =	simm.s32 $0x1B8B  }
0xa2: {  	_ =	swait.ge [sflag:s23], $0x1  }
0xa3: {  	[sflag:s23] =	ssyncset.done $0x0  }
0xa4: {  	s25 =	simm.s32 $0x1B8E;
	s24 =	sld [smem:$0x3FFE];
	[sflag:s23] =	ssyncadd.s32 $0xFFFFFFFF  }
0xa5: {  	s26 =	simm.s32 $execute0_lowered;
	[smem:$0x3FD2] =	sst s25  }
0xa6: {  	s4 =	sshll.u32 s26, $0x1;
	_ =	strace $0x80000046;
	[dreg:$0x1] =	wrdreg $0xFFFFFFFF  }
0xa7: {  	s28 =	simm.s32 $_size_execute0_lowered;
	s2 =	sadd.s32 s2, s4;
	[dreg:$0x0] =	wrdreg $0x0  }
0xa8: {  	s4 =	sshll.u32 s28, $0x1;
	[dreg:$0x2] =	wrdreg s2  }
0xa9: {  	[dreg:$0x3] =	wrdreg s4  }
0xaa: {  	[dreg:$0x4] =	wrdreg $0xC0  }
0xab: {  	_ =	task [dreg:s6], $0x5FFFF  }
0xac: {  	[dreg:$0x1] =	wrdreg $0xFFFFFFFF  }
0xad: {  	[dreg:$0x0] =	wrdreg $0x60  }
0xae: {  	[dreg:$0x2] =	wrdreg s24  }
0xaf: {  	[dreg:$0x3] =	wrdreg $0x104400  }
0xb0: {  	[dreg:$0x4] =	wrdreg $0x9  }
0xb1: {  	_ =	task.clear_ibuf [dreg:s6], $0x5FFFF;
	_ =	strace $0x90000046  }
0xb2: {  	s29 =	simm.s32 $0x9;
	_ =	strace $0x80000048  }
0xb3: {  	_ =	swait.ge [sflag:s29], $0x1  }
0xb4: {  	[sflag:s29] =	ssyncadd.s32 $0xFFFFFFFF  }
0xb5: {  	_ =	strace $0x90000048  }
0xb6: {  	_ =	sfence  }
0xb7: {  	s30 =	sld [smem:$0x0];
	_ =	sdelay $0x2  }
0xb8: {  	s31 =	sshll.u32 s1, $0xD;
	s1 =	sshrl.u32 s1, $0x2  }
0xb9: {  	s3 =	sand.u32 $0x4000, s31;
	s1 =	sadd.s32 s1, s30  }
0xba: {  	s0 =	sor.u32 s3, s0;
	s1 =	sshll.u32 s1, $0x11  }
0xbb: {  	s0 =	sor.u32 s1, s0  }
0xbc: {  	s0 =	sadd.s32 $0x8F2B, s0  }
0xbd: {  	[sflag:s0] =	ssyncadd.remote.s32 $0x1  }
0xbe: {  	_ =	sfence.sel $0xFFFF  }
0xbf: {  	[dreg:$0x0] =	wrdreg $0xFFFFFFFF;
	(pc) =	sbr.abs _section_cstart, $3  }
0xc0: {  	[dreg:$0x1] =	wrdreg $0xFFFFFFFF  }
0xc1: {  	_ =	task.clear_ibuf [dreg:s6], $0x2FFFF;
	_ =	strace $0x9FFFFFFF  }
0xc2: {  	(tm) =	ssettm $0x7FFFFFFF  }
0xc3: {  	_ =	shalt  }
tec
execute0_lowered:
.L_overlay_start_1:
0x0: {  	(tag) =	ssettag $0x1  }
0x1: {  	s9 =	stileid.u32  }
0x2: {  	s5 =	smul.u32 $0xA000, s9  }
0x3: {  	s1 =	srdreg.scid;
	s7 =	smul.u32 $0x9C4, s9  }
0x4: {  	s1 =	sand.u32 $0x1, s1;
	s24 =	smul.u32 $0x28000, s9  }
0x5: {  	s0 =	rddreg [dreg:$0x0];
	s6 =	smul.u32 $0xA0000, s1  }
0x6: {  	s2 =	rddreg [dreg:$0x1];
	s4 =	smul.u32 $0x13880, s1  }
0x7: {  	s3 =	simm.s32 $0x0;
	s7 =	sadd.s32 s7, s0;
	s23 =	sadd.s32 s5, s6  }
0x8: {  	s8 =	sadd.s32 s4, s0;
	s6 =	sshrl.u32 s24, $0x2;
	s4 =	sshrl.u32 s23, $0x3  }
0x9: {  	s0 =	sadd.s32 s4, s0;
	s4 =	sadd.s32 s5, s2;
	s5 =	sadd.s32 s6, s2  }
0xa: {  	[smem:$0x7FF] =	sst s3;
	s6 =	sadd.s32 $0x400, s5  }
0xb: {  	_ =	strace $0x80000047;
	s26 =	sadd.s32 $0x800, s5;
	[dreg:$0x3] =	wrdreg s6  }
0xc: {  	s9 =	sadd.s32 $0xC00, s5;
	[dreg:$0x4] =	wrdreg s26  }
0xd: {  	s10 =	sadd.s32 $0x1000, s5;
	[dreg:$0x5] =	wrdreg s9  }
0xe: {  	s11 =	sadd.s32 $0x1400, s5;
	[dreg:$0x6] =	wrdreg s10  }
0xf: {  	s12 =	sadd.s32 $0x1800, s5;
	[dreg:$0x7] =	wrdreg s11  }
0x10: {  	s13 =	sadd.s32 $0x1C00, s5;
	[dreg:$0x8] =	wrdreg s12  }
0x11: {  	s14 =	sadd.s32 $0x2000, s5;
	[dreg:$0x9] =	wrdreg s13  }
0x12: {  	s15 =	sadd.s32 $0x2400, s5;
	[dreg:$0xa] =	wrdreg s14  }
0x13: {  	s16 =	sadd.s32 $0x2800, s5;
	[dreg:$0xb] =	wrdreg s15  }
0x14: {  	s17 =	sadd.s32 $0x2C00, s5;
	[dreg:$0xc] =	wrdreg s16  }
0x15: {  	s18 =	sadd.s32 $0x3000, s5;
	[dreg:$0xd] =	wrdreg s17  }
0x16: {  	s19 =	sadd.s32 $0x3400, s5;
	[dreg:$0xe] =	wrdreg s18  }
0x17: {  	s20 =	sadd.s32 $0x3800, s5;
	[dreg:$0xf] =	wrdreg s19  }
0x18: {  	s21 =	sadd.s32 $0x3C00, s5;
	[dreg:$0x10] =	wrdreg s20  }
0x19: {  	s22 =	sadd.s32 $0x4000, s5;
	[dreg:$0x11] =	wrdreg s21  }
0x1a: {  	s1 =	ssub.s32 $0x2, s1;
	s23 =	sadd.s32 $0x4400, s5;
	[dreg:$0x12] =	wrdreg s22  }
0x1b: {  	s25 =	sshrl.u32 s1, $0x1;
	s24 =	sadd.s32 $0x4800, s5;
	[dreg:$0x13] =	wrdreg s23  }
0x1c: {  	s1 =	ssub.s32 s1, s25;
	s25 =	sadd.s32 $0x4C00, s5;
	[dreg:$0x14] =	wrdreg s24  }
0x1d: {  	[dreg:$0x15] =	wrdreg s25;
	s26 =	sadd.s32 $0x5000, s5  }
0x1e: {  	s9 =	sadd.s32 $0x5400, s5;
	[dreg:$0x16] =	wrdreg s26  }
0x1f: {  	s10 =	sadd.s32 $0x5800, s5;
	[dreg:$0x17] =	wrdreg s9  }
0x20: {  	s11 =	sadd.s32 $0x5C00, s5;
	[dreg:$0x18] =	wrdreg s10  }
0x21: {  	s12 =	sadd.s32 $0x6000, s5;
	[dreg:$0x19] =	wrdreg s11  }
0x22: {  	s13 =	sadd.s32 $0x6400, s5;
	[dreg:$0x1a] =	wrdreg s12  }
0x23: {  	s14 =	sadd.s32 $0x6800, s5;
	[dreg:$0x1b] =	wrdreg s13  }
0x24: {  	s15 =	sadd.s32 $0x6C00, s5;
	[dreg:$0x1c] =	wrdreg s14  }
0x25: {  	s16 =	sadd.s32 $0x7000, s5;
	[dreg:$0x1d] =	wrdreg s15  }
0x26: {  	s17 =	sadd.s32 $0x7400, s5;
	[dreg:$0x1e] =	wrdreg s16  }
0x27: {  	s18 =	sadd.s32 $0x7800, s5;
	[dreg:$0x1f] =	wrdreg s17  }
0x28: {  	s19 =	sadd.s32 $0x7C00, s5;
	[smem:$0x7F5] =	sst s18  }
0x29: {  	s20 =	sadd.s32 $0x8000, s5;
	[smem:$0x7F6] =	sst s19  }
0x2a: {  	s21 =	sadd.s32 $0x8400, s5;
	[smem:$0x7F7] =	sst s20  }
0x2b: {  	s28 =	simm.s32 $0xD840;
	s22 =	sadd.s32 $0x8800, s5;
	[smem:$0x7F8] =	sst s21  }
0x2c: {  	s29 =	simm.s32 $0xEC40;
	s23 =	sadd.s32 $0x8C00, s5;
	[smem:$0x7F9] =	sst s22  }
0x2d: {  	s30 =	simm.s32 $0x1;
	s24 =	sadd.s32 $0x9000, s5;
	[smem:$0x7FA] =	sst s23  }
0x2e: {  	s31 =	simm.s32 $0x2;
	s25 =	sadd.s32 $0x9400, s5;
	[smem:$0x7FB] =	sst s24  }
0x2f: {  	s6 =	simm.s32 $0x6;
	[smem:$0x7FC] =	sst s25;
	s26 =	sadd.s32 $0x9800, s5  }
0x30: {  	s15 =	sadd.s32 $0x9C00, s5;
	s16 =	sadd.s32 $0xB200, s7;
	s17 =	sadd.s32 $0x1400, s7  }
0x31: {  	s18 =	sadd.s32 $0x15000, s8;
	s19 =	sadd.s32 $0x3C200, s0;
	s20 =	smax.u32 s1, $0x1  }
0x32: {  	s21 =	simm.s32 $0x10040;
	s22 =	simm.s32 $0xB;
	s23 =	simm.s32 $0x50  }
0x33: {  	s24 =	simm.s32 $0x9C40;
	s25 =	simm.s32 $0xB040;
	s0 =	simm.s32 $0x3  }
0x34: {  	s1 =	simm.s32 $0x4;
	s5 =	simm.s32 $0x5;
	s7 =	simm.s32 $0x7  }
0x35: {  	s8 =	simm.s32 $0x8;
	s9 =	simm.s32 $0x9;
	s10 =	simm.s32 $0xA  }
0x36: {  	v0 =	vimm.f32 $0.0e+00;
	s11 =	simm.s32 $0x0;
	[smem:$0x7FD] =	sst s26;
	s26 =	simm.s32 $0xC440  }
.LBB2_1:
0x37: {  	[tilespmem:$0x10040] =	vst v0  }
0x38: {  	[tilespmem:$0x10050] =	vst v0  }
0x39: {  	[tilespmem:$0x10060] =	vst v0  }
0x3a: {  	[tilespmem:$0x10070] =	vst v0  }
0x3b: {  	[tilespmem:$0x10080] =	vst v0  }
0x3c: {  	[tilespmem:$0x10090] =	vst v0  }
0x3d: {  	[tilespmem:$0x100A0] =	vst v0  }
0x3e: {  	[tilespmem:$0x100B0] =	vst v0  }
0x3f: {  	[tilespmem:$0x100C0] =	vst v0  }
0x40: {  	[tilespmem:$0x100D0] =	vst v0  }
0x41: {  	[tilespmem:$0x100E0] =	vst v0  }
0x42: {  	[tilespmem:$0x100F0] =	vst v0  }
0x43: {  	[tilespmem:$0x10100] =	vst v0  }
0x44: {  	[tilespmem:$0x10110] =	vst v0  }
0x45: {  	[tilespmem:$0x10120] =	vst v0  }
0x46: {  	[tilespmem:$0x10130] =	vst v0  }
0x47: {  	[tilespmem:$0x10140] =	vst v0  }
0x48: {  	[tilespmem:$0x10150] =	vst v0  }
0x49: {  	[tilespmem:$0x10160] =	vst v0  }
0x4a: {  	[tilespmem:$0x10170] =	vst v0  }
0x4b: {  	[tilespmem:$0x10180] =	vst v0  }
0x4c: {  	[tilespmem:$0x10190] =	vst v0  }
0x4d: {  	[tilespmem:$0x101A0] =	vst v0  }
0x4e: {  	[tilespmem:$0x101B0] =	vst v0  }
0x4f: {  	[tilespmem:$0x101C0] =	vst v0  }
0x50: {  	[tilespmem:$0x101D0] =	vst v0  }
0x51: {  	[tilespmem:$0x101E0] =	vst v0  }
0x52: {  	[tilespmem:$0x101F0] =	vst v0  }
0x53: {  	[tilespmem:$0x10200] =	vst v0  }
0x54: {  	[tilespmem:$0x10210] =	vst v0  }
0x55: {  	[tilespmem:$0x10220] =	vst v0  }
0x56: {  	[tilespmem:$0x10230] =	vst v0  }
0x57: {  	[tilespmem:$0x10240] =	vst v0  }
0x58: {  	[tilespmem:$0x10250] =	vst v0  }
0x59: {  	[tilespmem:$0x10260] =	vst v0  }
0x5a: {  	[tilespmem:$0x10270] =	vst v0  }
0x5b: {  	[tilespmem:$0x10280] =	vst v0  }
0x5c: {  	[tilespmem:$0x10290] =	vst v0  }
0x5d: {  	[tilespmem:$0x102A0] =	vst v0  }
0x5e: {  	[tilespmem:$0x102B0] =	vst v0  }
0x5f: {  	[tilespmem:$0x102C0] =	vst v0  }
0x60: {  	[tilespmem:$0x102D0] =	vst v0  }
0x61: {  	[tilespmem:$0x102E0] =	vst v0  }
0x62: {  	[tilespmem:$0x102F0] =	vst v0  }
0x63: {  	[tilespmem:$0x10300] =	vst v0  }
0x64: {  	[tilespmem:$0x10310] =	vst v0  }
0x65: {  	[tilespmem:$0x10320] =	vst v0  }
0x66: {  	[tilespmem:$0x10330] =	vst v0  }
0x67: {  	[tilespmem:$0x10340] =	vst v0  }
0x68: {  	[tilespmem:$0x10350] =	vst v0  }
0x69: {  	[tilespmem:$0x10360] =	vst v0  }
0x6a: {  	[tilespmem:$0x10370] =	vst v0  }
0x6b: {  	[tilespmem:$0x10380] =	vst v0  }
0x6c: {  	[tilespmem:$0x10390] =	vst v0  }
0x6d: {  	[tilespmem:$0x103A0] =	vst v0  }
0x6e: {  	[tilespmem:$0x103B0] =	vst v0  }
0x6f: {  	[tilespmem:$0x103C0] =	vst v0  }
0x70: {  	[tilespmem:$0x103D0] =	vst v0  }
0x71: {  	[tilespmem:$0x103E0] =	vst v0  }
0x72: {  	[tilespmem:$0x103F0] =	vst v0  }
0x73: {  	[tilespmem:$0x10400] =	vst v0  }
0x74: {  	[tilespmem:$0x10410] =	vst v0  }
0x75: {  	[tilespmem:$0x10420] =	vst v0  }
0x76: {  	[tilespmem:$0x10430] =	vst v0  }
0x77: {  	[spmem:s4] =	stream.linear.scatter [tilespmem:s21], [sflag:$0xB], $0x400, $0x38;
	[tilespmem:$0x1A440] =	vst v63  }
0x78: {  	_ =	swait.ge [sflag:s22], $0x400  }
0x79: {  	[sflag:s22] =	ssyncset.done $0x0  }
0x7a: {  	s12 =	rddreg [dreg:$0x3];
	[sflag:s22] =	ssyncadd.s32 $0xFFFFFC00  }
0x7b: {  	[spmem:s12] =	stream.linear.scatter [tilespmem:s21], [sflag:$0xB], $0x400, $0x38;
	[tilespmem:$0x1A440] =	vst v63  }
0x7c: {  	_ =	swait.ge [sflag:s22], $0x400  }
0x7d: {  	[sflag:s22] =	ssyncset.done $0x0  }
0x7e: {  	s13 =	rddreg [dreg:$0x4];
	[sflag:s22] =	ssyncadd.s32 $0xFFFFFC00  }
0x7f: {  	[spmem:s13] =	stream.linear.scatter [tilespmem:s21], [sflag:$0xB], $0x400, $0x38;
	[tilespmem:$0x1A440] =	vst v63  }
0x80: {  	_ =	swait.ge [sflag:s22], $0x400  }
0x81: {  	[sflag:s22] =	ssyncset.done $0x0  }
0x82: {  	s14 =	rddreg [dreg:$0x5];
	[sflag:s22] =	ssyncadd.s32 $0xFFFFFC00  }
0x83: {  	[spmem:s14] =	stream.linear.scatter [tilespmem:s21], [sflag:$0xB], $0x400, $0x38;
	[tilespmem:$0x1A440] =	vst v63  }
0x84: {  	_ =	swait.ge [sflag:s22], $0x400  }
0x85: {  	[sflag:s22] =	ssyncset.done $0x0  }
0x86: {  	s13 =	rddreg [dreg:$0x6];
	[sflag:s22] =	ssyncadd.s32 $0xFFFFFC00  }
0x87: {  	[spmem:s13] =	stream.linear.scatter [tilespmem:s21], [sflag:$0xB], $0x400, $0x38;
	[tilespmem:$0x1A440] =	vst v63  }
0x88: {  	_ =	swait.ge [sflag:s22], $0x400  }
0x89: {  	[sflag:s22] =	ssyncset.done $0x0  }
0x8a: {  	s14 =	rddreg [dreg:$0x7];
	[sflag:s22] =	ssyncadd.s32 $0xFFFFFC00  }
0x8b: {  	[spmem:s14] =	stream.linear.scatter [tilespmem:s21], [sflag:$0xB], $0x400, $0x38;
	[tilespmem:$0x1A440] =	vst v63  }
0x8c: {  	_ =	swait.ge [sflag:s22], $0x400  }
0x8d: {  	[sflag:s22] =	ssyncset.done $0x0  }
0x8e: {  	s13 =	rddreg [dreg:$0x8];
	[sflag:s22] =	ssyncadd.s32 $0xFFFFFC00  }
0x8f: {  	[spmem:s13] =	stream.linear.scatter [tilespmem:s21], [sflag:$0xB], $0x400, $0x38;
	[tilespmem:$0x1A440] =	vst v63  }
0x90: {  	_ =	swait.ge [sflag:s22], $0x400  }
0x91: {  	[sflag:s22] =	ssyncset.done $0x0  }
0x92: {  	s14 =	rddreg [dreg:$0x9];
	[sflag:s22] =	ssyncadd.s32 $0xFFFFFC00  }
0x93: {  	[spmem:s14] =	stream.linear.scatter [tilespmem:s21], [sflag:$0xB], $0x400, $0x38;
	[tilespmem:$0x1A440] =	vst v63  }
0x94: {  	_ =	swait.ge [sflag:s22], $0x400  }
0x95: {  	[sflag:s22] =	ssyncset.done $0x0  }
0x96: {  	s13 =	rddreg [dreg:$0xa];
	[sflag:s22] =	ssyncadd.s32 $0xFFFFFC00  }
0x97: {  	[spmem:s13] =	stream.linear.scatter [tilespmem:s21], [sflag:$0xB], $0x400, $0x38;
	[tilespmem:$0x1A440] =	vst v63  }
0x98: {  	_ =	swait.ge [sflag:s22], $0x400  }
0x99: {  	[sflag:s22] =	ssyncset.done $0x0  }
0x9a: {  	s14 =	rddreg [dreg:$0xb];
	[sflag:s22] =	ssyncadd.s32 $0xFFFFFC00  }
0x9b: {  	[spmem:s14] =	stream.linear.scatter [tilespmem:s21], [sflag:$0xB], $0x400, $0x38;
	[tilespmem:$0x1A440] =	vst v63  }
0x9c: {  	_ =	swait.ge [sflag:s22], $0x400  }
0x9d: {  	[sflag:s22] =	ssyncset.done $0x0  }
0x9e: {  	s13 =	rddreg [dreg:$0xc];
	[sflag:s22] =	ssyncadd.s32 $0xFFFFFC00  }
0x9f: {  	[spmem:s13] =	stream.linear.scatter [tilespmem:s21], [sflag:$0xB], $0x400, $0x38;
	[tilespmem:$0x1A440] =	vst v63  }
0xa0: {  	_ =	swait.ge [sflag:s22], $0x400  }
0xa1: {  	[sflag:s22] =	ssyncset.done $0x0  }
0xa2: {  	s14 =	rddreg [dreg:$0xd];
	[sflag:s22] =	ssyncadd.s32 $0xFFFFFC00  }
0xa3: {  	[spmem:s14] =	stream.linear.scatter [tilespmem:s21], [sflag:$0xB], $0x400, $0x38;
	[tilespmem:$0x1A440] =	vst v63  }
0xa4: {  	_ =	swait.ge [sflag:s22], $0x400  }
0xa5: {  	[sflag:s22] =	ssyncset.done $0x0  }
0xa6: {  	s13 =	rddreg [dreg:$0xe];
	[sflag:s22] =	ssyncadd.s32 $0xFFFFFC00  }
0xa7: {  	[spmem:s13] =	stream.linear.scatter [tilespmem:s21], [sflag:$0xB], $0x400, $0x38;
	[tilespmem:$0x1A440] =	vst v63  }
0xa8: {  	_ =	swait.ge [sflag:s22], $0x400  }
0xa9: {  	[sflag:s22] =	ssyncset.done $0x0  }
0xaa: {  	s14 =	rddreg [dreg:$0xf];
	[sflag:s22] =	ssyncadd.s32 $0xFFFFFC00  }
0xab: {  	[spmem:s14] =	stream.linear.scatter [tilespmem:s21], [sflag:$0xB], $0x400, $0x38;
	[tilespmem:$0x1A440] =	vst v63  }
0xac: {  	_ =	swait.ge [sflag:s22], $0x400  }
0xad: {  	[sflag:s22] =	ssyncset.done $0x0  }
0xae: {  	s13 =	rddreg [dreg:$0x10];
	[sflag:s22] =	ssyncadd.s32 $0xFFFFFC00  }
0xaf: {  	[spmem:s13] =	stream.linear.scatter [tilespmem:s21], [sflag:$0xB], $0x400, $0x38;
	[tilespmem:$0x1A440] =	vst v63  }
0xb0: {  	_ =	swait.ge [sflag:s22], $0x400  }
0xb1: {  	[sflag:s22] =	ssyncset.done $0x0  }
0xb2: {  	s14 =	rddreg [dreg:$0x11];
	[sflag:s22] =	ssyncadd.s32 $0xFFFFFC00  }
0xb3: {  	[spmem:s14] =	stream.linear.scatter [tilespmem:s21], [sflag:$0xB], $0x400, $0x38;
	[tilespmem:$0x1A440] =	vst v63  }
0xb4: {  	_ =	swait.ge [sflag:s22], $0x400  }
0xb5: {  	[sflag:s22] =	ssyncset.done $0x0  }
0xb6: {  	s13 =	rddreg [dreg:$0x12];
	[sflag:s22] =	ssyncadd.s32 $0xFFFFFC00  }
0xb7: {  	[spmem:s13] =	stream.linear.scatter [tilespmem:s21], [sflag:$0xB], $0x400, $0x38;
	[tilespmem:$0x1A440] =	vst v63  }
0xb8: {  	_ =	swait.ge [sflag:s22], $0x400  }
0xb9: {  	[sflag:s22] =	ssyncset.done $0x0  }
0xba: {  	s14 =	rddreg [dreg:$0x13];
	[sflag:s22] =	ssyncadd.s32 $0xFFFFFC00  }
0xbb: {  	[spmem:s14] =	stream.linear.scatter [tilespmem:s21], [sflag:$0xB], $0x400, $0x38;
	[tilespmem:$0x1A440] =	vst v63  }
0xbc: {  	_ =	swait.ge [sflag:s22], $0x400  }
0xbd: {  	[sflag:s22] =	ssyncset.done $0x0  }
0xbe: {  	s13 =	rddreg [dreg:$0x14];
	[sflag:s22] =	ssyncadd.s32 $0xFFFFFC00  }
0xbf: {  	[spmem:s13] =	stream.linear.scatter [tilespmem:s21], [sflag:$0xB], $0x400, $0x38;
	[tilespmem:$0x1A440] =	vst v63  }
0xc0: {  	_ =	swait.ge [sflag:s22], $0x400  }
0xc1: {  	[sflag:s22] =	ssyncset.done $0x0  }
0xc2: {  	s14 =	rddreg [dreg:$0x15];
	[sflag:s22] =	ssyncadd.s32 $0xFFFFFC00  }
0xc3: {  	[spmem:s14] =	stream.linear.scatter [tilespmem:s21], [sflag:$0xB], $0x400, $0x38;
	[tilespmem:$0x1A440] =	vst v63  }
0xc4: {  	_ =	swait.ge [sflag:s22], $0x400  }
0xc5: {  	[sflag:s22] =	ssyncset.done $0x0  }
0xc6: {  	s13 =	rddreg [dreg:$0x16];
	[sflag:s22] =	ssyncadd.s32 $0xFFFFFC00  }
0xc7: {  	[spmem:s13] =	stream.linear.scatter [tilespmem:s21], [sflag:$0xB], $0x400, $0x38;
	[tilespmem:$0x1A440] =	vst v63  }
0xc8: {  	_ =	swait.ge [sflag:s22], $0x400  }
0xc9: {  	[sflag:s22] =	ssyncset.done $0x0  }
0xca: {  	s14 =	rddreg [dreg:$0x17];
	[sflag:s22] =	ssyncadd.s32 $0xFFFFFC00  }
0xcb: {  	[spmem:s14] =	stream.linear.scatter [tilespmem:s21], [sflag:$0xB], $0x400, $0x38;
	[tilespmem:$0x1A440] =	vst v63  }
0xcc: {  	_ =	swait.ge [sflag:s22], $0x400  }
0xcd: {  	[sflag:s22] =	ssyncset.done $0x0  }
0xce: {  	s13 =	rddreg [dreg:$0x18];
	[sflag:s22] =	ssyncadd.s32 $0xFFFFFC00  }
0xcf: {  	[spmem:s13] =	stream.linear.scatter [tilespmem:s21], [sflag:$0xB], $0x400, $0x38;
	[tilespmem:$0x1A440] =	vst v63  }
0xd0: {  	_ =	swait.ge [sflag:s22], $0x400  }
0xd1: {  	[sflag:s22] =	ssyncset.done $0x0  }
0xd2: {  	s14 =	rddreg [dreg:$0x19];
	[sflag:s22] =	ssyncadd.s32 $0xFFFFFC00  }
0xd3: {  	[spmem:s14] =	stream.linear.scatter [tilespmem:s21], [sflag:$0xB], $0x400, $0x38;
	[tilespmem:$0x1A440] =	vst v63  }
0xd4: {  	_ =	swait.ge [sflag:s22], $0x400  }
0xd5: {  	[sflag:s22] =	ssyncset.done $0x0  }
0xd6: {  	s13 =	rddreg [dreg:$0x1a];
	[sflag:s22] =	ssyncadd.s32 $0xFFFFFC00  }
0xd7: {  	[spmem:s13] =	stream.linear.scatter [tilespmem:s21], [sflag:$0xB], $0x400, $0x38;
	[tilespmem:$0x1A440] =	vst v63  }
0xd8: {  	_ =	swait.ge [sflag:s22], $0x400  }
0xd9: {  	[sflag:s22] =	ssyncset.done $0x0  }
0xda: {  	s14 =	rddreg [dreg:$0x1b];
	[sflag:s22] =	ssyncadd.s32 $0xFFFFFC00  }
0xdb: {  	[spmem:s14] =	stream.linear.scatter [tilespmem:s21], [sflag:$0xB], $0x400, $0x38;
	[tilespmem:$0x1A440] =	vst v63  }
0xdc: {  	_ =	swait.ge [sflag:s22], $0x400  }
0xdd: {  	[sflag:s22] =	ssyncset.done $0x0  }
0xde: {  	s13 =	rddreg [dreg:$0x1c];
	[sflag:s22] =	ssyncadd.s32 $0xFFFFFC00  }
0xdf: {  	[spmem:s13] =	stream.linear.scatter [tilespmem:s21], [sflag:$0xB], $0x400, $0x38;
	[tilespmem:$0x1A440] =	vst v63  }
0xe0: {  	_ =	swait.ge [sflag:s22], $0x400  }
0xe1: {  	[sflag:s22] =	ssyncset.done $0x0  }
0xe2: {  	s14 =	rddreg [dreg:$0x1d];
	[sflag:s22] =	ssyncadd.s32 $0xFFFFFC00  }
0xe3: {  	[spmem:s14] =	stream.linear.scatter [tilespmem:s21], [sflag:$0xB], $0x400, $0x38;
	[tilespmem:$0x1A440] =	vst v63  }
0xe4: {  	_ =	swait.ge [sflag:s22], $0x400  }
0xe5: {  	[sflag:s22] =	ssyncset.done $0x0  }
0xe6: {  	s13 =	rddreg [dreg:$0x1e];
	[sflag:s22] =	ssyncadd.s32 $0xFFFFFC00  }
0xe7: {  	[spmem:s13] =	stream.linear.scatter [tilespmem:s21], [sflag:$0xB], $0x400, $0x38;
	[tilespmem:$0x1A440] =	vst v63  }
0xe8: {  	_ =	swait.ge [sflag:s22], $0x400  }
0xe9: {  	[sflag:s22] =	ssyncset.done $0x0  }
0xea: {  	s14 =	rddreg [dreg:$0x1f];
	[sflag:s22] =	ssyncadd.s32 $0xFFFFFC00  }
0xeb: {  	[spmem:s14] =	stream.linear.scatter [tilespmem:s21], [sflag:$0xB], $0x400, $0x38;
	[tilespmem:$0x1A440] =	vst v63  }
0xec: {  	_ =	swait.ge [sflag:s22], $0x400  }
0xed: {  	s13 =	sld [smem:$0x7F5]  }
0xee: {  	[sflag:s22] =	ssyncset.done $0x0  }
0xef: {  	[sflag:s22] =	ssyncadd.s32 $0xFFFFFC00  }
0xf0: {  	[spmem:s13] =	stream.linear.scatter [tilespmem:s21], [sflag:$0xB], $0x400, $0x38;
	[tilespmem:$0x1A440] =	vst v63  }
0xf1: {  	_ =	swait.ge [sflag:s22], $0x400  }
0xf2: {  	s14 =	sld [smem:$0x7F6]  }
0xf3: {  	[sflag:s22] =	ssyncset.done $0x0  }
0xf4: {  	[sflag:s22] =	ssyncadd.s32 $0xFFFFFC00  }
0xf5: {  	[spmem:s14] =	stream.linear.scatter [tilespmem:s21], [sflag:$0xB], $0x400, $0x38;
	[tilespmem:$0x1A440] =	vst v63  }
0xf6: {  	_ =	swait.ge [sflag:s22], $0x400  }
0xf7: {  	s13 =	sld [smem:$0x7F7]  }
0xf8: {  	[sflag:s22] =	ssyncset.done $0x0  }
0xf9: {  	[sflag:s22] =	ssyncadd.s32 $0xFFFFFC00  }
0xfa: {  	[spmem:s13] =	stream.linear.scatter [tilespmem:s21], [sflag:$0xB], $0x400, $0x38;
	[tilespmem:$0x1A440] =	vst v63  }
0xfb: {  	_ =	swait.ge [sflag:s22], $0x400  }
0xfc: {  	s14 =	sld [smem:$0x7F8]  }
0xfd: {  	[sflag:s22] =	ssyncset.done $0x0  }
0xfe: {  	[sflag:s22] =	ssyncadd.s32 $0xFFFFFC00  }
0xff: {  	[spmem:s14] =	stream.linear.scatter [tilespmem:s21], [sflag:$0xB], $0x400, $0x38;
	[tilespmem:$0x1A440] =	vst v63  }
0x100: {  	_ =	swait.ge [sflag:s22], $0x400  }
0x101: {  	s13 =	sld [smem:$0x7F9]  }
0x102: {  	[sflag:s22] =	ssyncset.done $0x0  }
0x103: {  	[sflag:s22] =	ssyncadd.s32 $0xFFFFFC00  }
0x104: {  	[spmem:s13] =	stream.linear.scatter [tilespmem:s21], [sflag:$0xB], $0x400, $0x38;
	[tilespmem:$0x1A440] =	vst v63  }
0x105: {  	_ =	swait.ge [sflag:s22], $0x400  }
0x106: {  	s14 =	sld [smem:$0x7FA]  }
0x107: {  	[sflag:s22] =	ssyncset.done $0x0  }
0x108: {  	[sflag:s22] =	ssyncadd.s32 $0xFFFFFC00  }
0x109: {  	[spmem:s14] =	stream.linear.scatter [tilespmem:s21], [sflag:$0xB], $0x400, $0x38;
	[tilespmem:$0x1A440] =	vst v63  }
0x10a: {  	_ =	swait.ge [sflag:s22], $0x400  }
0x10b: {  	s13 =	sld [smem:$0x7FB]  }
0x10c: {  	[sflag:s22] =	ssyncset.done $0x0  }
0x10d: {  	[sflag:s22] =	ssyncadd.s32 $0xFFFFFC00  }
0x10e: {  	[spmem:s13] =	stream.linear.scatter [tilespmem:s21], [sflag:$0xB], $0x400, $0x38;
	[tilespmem:$0x1A440] =	vst v63  }
0x10f: {  	_ =	swait.ge [sflag:s22], $0x400  }
0x110: {  	s14 =	sld [smem:$0x7FC]  }
0x111: {  	[sflag:s22] =	ssyncset.done $0x0  }
0x112: {  	[sflag:s22] =	ssyncadd.s32 $0xFFFFFC00  }
0x113: {  	[spmem:s14] =	stream.linear.scatter [tilespmem:s21], [sflag:$0xB], $0x400, $0x38;
	[tilespmem:$0x1A440] =	vst v63  }
0x114: {  	_ =	swait.ge [sflag:s22], $0x400  }
0x115: {  	s13 =	sld [smem:$0x7FD]  }
0x116: {  	[sflag:s22] =	ssyncset.done $0x0  }
0x117: {  	[sflag:s22] =	ssyncadd.s32 $0xFFFFFC00  }
0x118: {  	[spmem:s13] =	stream.linear.scatter [tilespmem:s21], [sflag:$0xB], $0x400, $0x38;
	[tilespmem:$0x1A440] =	vst v63  }
0x119: {  	_ =	swait.ge [sflag:s22], $0x400  }
0x11a: {  	[sflag:s22] =	ssyncset.done $0x0  }
0x11b: {  	[sflag:s22] =	ssyncadd.s32 $0xFFFFFC00  }
0x11c: {  	[spmem:s15] =	stream.linear.scatter [tilespmem:s21], [sflag:$0xB], $0x400, $0x38;
	[tilespmem:$0x1A440] =	vst v63  }
0x11d: {  	_ =	swait.ge [sflag:s22], $0x400  }
0x11e: {  	[sflag:s22] =	ssyncset.done $0x0  }
0x11f: {  	[sflag:s22] =	ssyncadd.s32 $0xFFFFFC00  }
0x120: {  	[tilespmem:s3], [sflag:$0xB] =	stream.linear.gather [hbm4b:s16+s3], $0x4E20, $0x38;
	[tilespmem:$0x1A440] =	vst v63  }
0x121: {  	_ =	swait.ge [sflag:s22], $0x4E20  }
0x122: {  	[sflag:s22] =	ssyncset.done $0x0  }
0x123: {  	s14 =	simm.s32 $0x4E20;
	[sflag:s22] =	ssyncadd.s32 $0xFFFFB1E0  }
0x124: {  	[tilespmem:s14], [sflag:$0xB] =	stream.linear.gather [hbm4b:s17+s3], $0x4E20, $0x38;
	[tilespmem:$0x1A440] =	vst v63  }
0x125: {  	_ =	swait.ge [sflag:s22], $0x4E20  }
0x126: {  	[sflag:s22] =	ssyncset.done $0x0  }
0x127: {  	[sflag:s22] =	ssyncadd.s32 $0xFFFFB1E0  }
0x128: {  	[bflag:$0x0] =	sbarrier.arrive $0xFFFF  }
0x129: {  	[tilespmem:s24], [sflag:$0x1] =	stream.indirect.gather [hbm4b:s18+s23], $0x40, s3, s23, $0xb8;
	[tilespmem:$0x1A440] =	vst v63  }
0x12a: {  	_ = 	snop  }
0x12b: {  	[tilespmem:s25], [sflag:$0x2] =	stream.indirect.gather [hbm4b:s18+s23], $0x40, s23, s23, $0xb8;
	[tilespmem:$0x1A440] =	vst v63  }
0x12c: {  	s13 =	simm.s32 $0xA0  }
0x12d: {  	[tilespmem:s26], [sflag:$0x3] =	stream.indirect.gather [hbm4b:s18+s23], $0x40, s13, s23, $0xb8;
	[tilespmem:$0x1A440] =	vst v63  }
0x12e: {  	s14 =	simm.s32 $0xF0  }
0x12f: {  	[tilespmem:s28], [sflag:$0x4] =	stream.indirect.gather [hbm4b:s18+s23], $0x40, s14, s23, $0xb8;
	[tilespmem:$0x1A440] =	vst v63  }
0x130: {  	s13 =	simm.s32 $0x140  }
0x131: {  	[tilespmem:s29], [sflag:$0x5] =	stream.indirect.gather [hbm4b:s18+s23], $0x40, s13, s23, $0xb8;
	[tilespmem:$0x1A440] =	vst v63  }
0x132: {  	_ =	swait.ge [sflag:s30], $0x1400  }
0x133: {  	[sflag:s30] =	ssyncset.done $0x0  }
0x134: {  	s14 =	simm.s32 $0x4E20;
	[sflag:s30] =	ssyncadd.s32 $0xFFFFEC00  }
0x135: {  	[spmem:s2] =	stream.indirect.scatter.add.f32 [tilespmem:s24], [sflag:$0x6], $0x40, s14, s23, $0xb8;
	[tilespmem:$0x1A440] =	vst v63  }
0x136: {  	_ =	swait.ge [sflag:s31], $0x1400  }
0x137: {  	[sflag:s31] =	ssyncset.done $0x0  }
0x138: {  	s13 =	simm.s32 $0x4E70;
	[sflag:s31] =	ssyncadd.s32 $0xFFFFEC00  }
0x139: {  	[spmem:s2] =	stream.indirect.scatter.add.f32 [tilespmem:s25], [sflag:$0x7], $0x40, s13, s23, $0xb8;
	[tilespmem:$0x1A440] =	vst v63  }
0x13a: {  	_ =	swait.ge [sflag:s0], $0x1400  }
0x13b: {  	[sflag:s0] =	ssyncset.done $0x0  }
0x13c: {  	s14 =	simm.s32 $0x4EC0;
	[sflag:s0] =	ssyncadd.s32 $0xFFFFEC00  }
0x13d: {  	[spmem:s2] =	stream.indirect.scatter.add.f32 [tilespmem:s26], [sflag:$0x8], $0x40, s14, s23, $0xb8;
	[tilespmem:$0x1A440] =	vst v63  }
0x13e: {  	_ =	swait.ge [sflag:s1], $0x1400  }
0x13f: {  	[sflag:s1] =	ssyncset.done $0x0  }
0x140: {  	s13 =	simm.s32 $0x4F10;
	[sflag:s1] =	ssyncadd.s32 $0xFFFFEC00  }
0x141: {  	[spmem:s2] =	stream.indirect.scatter.add.f32 [tilespmem:s28], [sflag:$0x9], $0x40, s13, s23, $0xb8;
	[tilespmem:$0x1A440] =	vst v63  }
0x142: {  	_ =	swait.ge [sflag:s5], $0x1400  }
0x143: {  	[sflag:s5] =	ssyncset.done $0x0  }
0x144: {  	s14 =	simm.s32 $0x4F60;
	[sflag:s5] =	ssyncadd.s32 $0xFFFFEC00  }
0x145: {  	[spmem:s2] =	stream.indirect.scatter.add.f32 [tilespmem:s29], [sflag:$0xA], $0x40, s14, s23, $0xb8;
	[tilespmem:$0x1A440] =	vst v63  }
0x146: {  	_ =	swait.ge [sflag:s6], $0x1400  }
0x147: {  	[sflag:s6] =	ssyncset.done $0x0  }
0x148: {  	s13 =	simm.s32 $0x190;
	[sflag:s6] =	ssyncadd.s32 $0xFFFFEC00  }
0x149: {  	[tilespmem:s24], [sflag:$0x1] =	stream.indirect.gather [hbm4b:s18+s23], $0x40, s13, s23, $0xb8;
	[tilespmem:$0x1A440] =	vst v63  }
0x14a: {  	_ =	swait.ge [sflag:s7], $0x1400  }
0x14b: {  	[sflag:s7] =	ssyncset.done $0x0  }
0x14c: {  	s14 =	simm.s32 $0x1E0;
	[sflag:s7] =	ssyncadd.s32 $0xFFFFEC00  }
0x14d: {  	[tilespmem:s25], [sflag:$0x2] =	stream.indirect.gather [hbm4b:s18+s23], $0x40, s14, s23, $0xb8;
	[tilespmem:$0x1A440] =	vst v63  }
0x14e: {  	_ =	swait.ge [sflag:s8], $0x1400  }
0x14f: {  	[sflag:s8] =	ssyncset.done $0x0  }
0x150: {  	s13 =	simm.s32 $0x230;
	[sflag:s8] =	ssyncadd.s32 $0xFFFFEC00  }
0x151: {  	[tilespmem:s26], [sflag:$0x3] =	stream.indirect.gather [hbm4b:s18+s23], $0x40, s13, s23, $0xb8;
	[tilespmem:$0x1A440] =	vst v63  }
0x152: {  	_ =	swait.ge [sflag:s9], $0x1400  }
0x153: {  	[sflag:s9] =	ssyncset.done $0x0  }
0x154: {  	s14 =	simm.s32 $0x280;
	[sflag:s9] =	ssyncadd.s32 $0xFFFFEC00  }
0x155: {  	[tilespmem:s28], [sflag:$0x4] =	stream.indirect.gather [hbm4b:s18+s23], $0x40, s14, s23, $0xb8;
	[tilespmem:$0x1A440] =	vst v63  }
0x156: {  	_ =	swait.ge [sflag:s10], $0x1400  }
0x157: {  	[sflag:s10] =	ssyncset.done $0x0  }
0x158: {  	s12 =	simm.s32 $0x640;
	s13 =	simm.s32 $0x2D0;
	[sflag:s10] =	ssyncadd.s32 $0xFFFFEC00  }
.LBB2_2:
0x159: {  	[tilespmem:s29], [sflag:$0x5] =	stream.indirect.gather [hbm4b:s18+s23], $0x40, s13, s23, $0xb8;
	[tilespmem:$0x1A440] =	vst v63  }
0x15a: {  	s13 =	smov.u32 s12  }
0x15b: {  	p0 =	sne.s32 s12, $0x12C00;
	s12 =	sadd.s32 $0x640, s12;
	_ =	swait.ge [sflag:s30], $0x1400  }
0x15c: {  	s13 =	sshra.s32 s13, $0x2;
	[sflag:s30] =	ssyncset.done $0x0  }
0x15d: {  	s14 =	sadd.s32 $0x4E20, s13;
	[sflag:s30] =	ssyncadd.s32 $0xFFFFEC00  }
0x15e: {  	[spmem:s2] =	stream.indirect.scatter.add.f32 [tilespmem:s24], [sflag:$0x6], $0x40, s14, s23, $0xb8;
	[tilespmem:$0x1A440] =	vst v63  }
0x15f: {  	_ =	swait.ge [sflag:s31], $0x1400  }
0x160: {  	[sflag:s31] =	ssyncset.done $0x0  }
0x161: {  	s14 =	sadd.s32 $0x4E70, s13;
	[sflag:s31] =	ssyncadd.s32 $0xFFFFEC00  }
0x162: {  	[spmem:s2] =	stream.indirect.scatter.add.f32 [tilespmem:s25], [sflag:$0x7], $0x40, s14, s23, $0xb8;
	[tilespmem:$0x1A440] =	vst v63  }
0x163: {  	_ =	swait.ge [sflag:s0], $0x1400  }
0x164: {  	[sflag:s0] =	ssyncset.done $0x0  }
0x165: {  	s14 =	sadd.s32 $0x4EC0, s13;
	[sflag:s0] =	ssyncadd.s32 $0xFFFFEC00  }
0x166: {  	[spmem:s2] =	stream.indirect.scatter.add.f32 [tilespmem:s26], [sflag:$0x8], $0x40, s14, s23, $0xb8;
	[tilespmem:$0x1A440] =	vst v63  }
0x167: {  	_ =	swait.ge [sflag:s1], $0x1400  }
0x168: {  	[sflag:s1] =	ssyncset.done $0x0  }
0x169: {  	s14 =	sadd.s32 $0x4F10, s13;
	[sflag:s1] =	ssyncadd.s32 $0xFFFFEC00  }
0x16a: {  	[spmem:s2] =	stream.indirect.scatter.add.f32 [tilespmem:s28], [sflag:$0x9], $0x40, s14, s23, $0xb8;
	[tilespmem:$0x1A440] =	vst v63  }
0x16b: {  	_ =	swait.ge [sflag:s5], $0x1400  }
0x16c: {  	[sflag:s5] =	ssyncset.done $0x0  }
0x16d: {  	s14 =	sadd.s32 $0x4F60, s13;
	[sflag:s5] =	ssyncadd.s32 $0xFFFFEC00  }
0x16e: {  	[spmem:s2] =	stream.indirect.scatter.add.f32 [tilespmem:s29], [sflag:$0xA], $0x40, s14, s23, $0xb8;
	[tilespmem:$0x1A440] =	vst v63  }
0x16f: {  	_ =	swait.ge [sflag:s6], $0x1400  }
0x170: {  	[sflag:s6] =	ssyncset.done $0x0  }
0x171: {  	s14 =	sadd.s32 $0x190, s13;
	[sflag:s6] =	ssyncadd.s32 $0xFFFFEC00  }
0x172: {  	[tilespmem:s24], [sflag:$0x1] =	stream.indirect.gather [hbm4b:s18+s23], $0x40, s14, s23, $0xb8;
	[tilespmem:$0x1A440] =	vst v63  }
0x173: {  	_ =	swait.ge [sflag:s7], $0x1400  }
0x174: {  	[sflag:s7] =	ssyncset.done $0x0  }
0x175: {  	s14 =	sadd.s32 $0x1E0, s13;
	[sflag:s7] =	ssyncadd.s32 $0xFFFFEC00  }
0x176: {  	[tilespmem:s25], [sflag:$0x2] =	stream.indirect.gather [hbm4b:s18+s23], $0x40, s14, s23, $0xb8;
	[tilespmem:$0x1A440] =	vst v63  }
0x177: {  	_ =	swait.ge [sflag:s8], $0x1400  }
0x178: {  	[sflag:s8] =	ssyncset.done $0x0  }
0x179: {  	s14 =	sadd.s32 $0x230, s13;
	[sflag:s8] =	ssyncadd.s32 $0xFFFFEC00  }
0x17a: {  	[tilespmem:s26], [sflag:$0x3] =	stream.indirect.gather [hbm4b:s18+s23], $0x40, s14, s23, $0xb8;
	[tilespmem:$0x1A440] =	vst v63  }
0x17b: {  	_ =	swait.ge [sflag:s9], $0x1400  }
0x17c: {  	[sflag:s9] =	ssyncset.done $0x0  }
.Ltmp0:
0x17d: {  	s14 =	sadd.s32 $0x280, s13;
	[sflag:s9] =	ssyncadd.s32 $0xFFFFEC00;
	(pc) =	sbr.rel @p0 .LBB2_2-.Ltmp0, $4  }
0x17e: {  	[tilespmem:s28], [sflag:$0x4] =	stream.indirect.gather [hbm4b:s18+s23], $0x40, s14, s23, $0xb8;
	[tilespmem:$0x1A440] =	vst v63  }
0x17f: {  	_ =	swait.ge [sflag:s10], $0x1400  }
0x180: {  	[sflag:s10] =	ssyncset.done $0x0  }
0x181: {  	s13 =	sadd.s32 $0x2D0, s13;
	[sflag:s10] =	ssyncadd.s32 $0xFFFFEC00  }
0x182: {  	[tilespmem:s29], [sflag:$0x5] =	stream.indirect.gather [hbm4b:s18+s23], $0x40, s13, s23, $0xb8;
	[tilespmem:$0x1A440] =	vst v63  }
0x183: {  	_ =	swait.ge [sflag:s30], $0x1400  }
0x184: {  	[sflag:s30] =	ssyncset.done $0x0  }
0x185: {  	s12 =	simm.s32 $0x9AB0;
	[sflag:s30] =	ssyncadd.s32 $0xFFFFEC00  }
0x186: {  	[spmem:s2] =	stream.indirect.scatter.add.f32 [tilespmem:s24], [sflag:$0x6], $0x40, s12, s23, $0xb8;
	[tilespmem:$0x1A440] =	vst v63  }
0x187: {  	_ =	swait.ge [sflag:s31], $0x1400  }
0x188: {  	[sflag:s31] =	ssyncset.done $0x0  }
0x189: {  	s13 =	simm.s32 $0x9B00;
	[sflag:s31] =	ssyncadd.s32 $0xFFFFEC00  }
0x18a: {  	[spmem:s2] =	stream.indirect.scatter.add.f32 [tilespmem:s25], [sflag:$0x7], $0x40, s13, s23, $0xb8;
	[tilespmem:$0x1A440] =	vst v63  }
0x18b: {  	_ =	swait.ge [sflag:s0], $0x1400  }
0x18c: {  	[sflag:s0] =	ssyncset.done $0x0  }
0x18d: {  	s14 =	simm.s32 $0x9B50;
	[sflag:s0] =	ssyncadd.s32 $0xFFFFEC00  }
0x18e: {  	[spmem:s2] =	stream.indirect.scatter.add.f32 [tilespmem:s26], [sflag:$0x8], $0x40, s14, s23, $0xb8;
	[tilespmem:$0x1A440] =	vst v63  }
0x18f: {  	_ =	swait.ge [sflag:s1], $0x1400  }
0x190: {  	[sflag:s1] =	ssyncset.done $0x0  }
0x191: {  	s13 =	simm.s32 $0x9BA0;
	[sflag:s1] =	ssyncadd.s32 $0xFFFFEC00  }
0x192: {  	[spmem:s2] =	stream.indirect.scatter.add.f32 [tilespmem:s28], [sflag:$0x9], $0x40, s13, s23, $0xb8;
	[tilespmem:$0x1A440] =	vst v63  }
0x193: {  	_ =	swait.ge [sflag:s5], $0x1400  }
0x194: {  	[sflag:s5] =	ssyncset.done $0x0  }
0x195: {  	s14 =	simm.s32 $0x9BF0;
	[sflag:s5] =	ssyncadd.s32 $0xFFFFEC00  }
0x196: {  	[spmem:s2] =	stream.indirect.scatter.add.f32 [tilespmem:s29], [sflag:$0xA], $0x40, s14, s23, $0xb8;
	[tilespmem:$0x1A440] =	vst v63  }
0x197: {  	_ =	swait.ge [sflag:s6], $0x1400  }
0x198: {  	[sflag:s6] =	ssyncset.done $0x0  }
0x199: {  	[sflag:s6] =	ssyncadd.s32 $0xFFFFEC00  }
0x19a: {  	_ =	swait.ge [sflag:s7], $0x1400  }
0x19b: {  	[sflag:s7] =	ssyncset.done $0x0  }
0x19c: {  	[sflag:s7] =	ssyncadd.s32 $0xFFFFEC00  }
0x19d: {  	_ =	swait.ge [sflag:s8], $0x1400  }
0x19e: {  	[sflag:s8] =	ssyncset.done $0x0  }
0x19f: {  	[sflag:s8] =	ssyncadd.s32 $0xFFFFEC00  }
0x1a0: {  	_ =	swait.ge [sflag:s9], $0x1400  }
0x1a1: {  	[sflag:s9] =	ssyncset.done $0x0  }
0x1a2: {  	[sflag:s9] =	ssyncadd.s32 $0xFFFFEC00  }
0x1a3: {  	s13 =	stileid.u32;
	_ =	swait.ge [sflag:s10], $0x1400  }
0x1a4: {  	s11 =	sadd.s32 $0x1, s11;
	s12 =	sshll.u32 s13, $0x6;
	[sflag:s10] =	ssyncset.done $0x0  }
0x1a5: {  	p0 =	sne.s32 s11, s20;
	s12 =	sor.u32 $0x1C0B, s12;
	[sflag:s10] =	ssyncadd.s32 $0xFFFFEC00  }
.Ltmp1:
0x1a6: {  	s14 =	sshrl.u32 s4, $0x3;
	[bflag:$0x0] =	sbarrier.arrive $0xFFFF;
	(pc) =	sbr.rel @p0 .LBB2_1-.Ltmp1, $4  }
0x1a7: {  	[hbm:s19], [sflag:s12] =	dma.local [spmem:s14], $0x1400  }
0x1a8: {  	_ =	swait.ge [sflag:s22], $0x1400  }
0x1a9: {  	[sflag:s22] =	ssyncset.done $0x0  }
0x1aa: {  	[sflag:s22] =	ssyncadd.s32 $0xFFFFEC00  }
0x1ab: {  	_ =	sfence.sel $0x180000  }
0x1ac: {  	[bflag:$0x0] =	sbarrier.arrive $0xFFFF  }
0x1ad: {  	_ =	strace $0x90000047  }
0x1ae: {  	s0 =	stileid.u32;
	[bflag:$0x2] =	sbarrier.arrive $0xFFFF  }
0x1af: {  	p0 =	sne.s32 s0, $0x0;
	s0 =	rddreg [dreg:$0x2]  }
0x1b0: {  	s0 =	sadd.s32 @!p0 $0x100000, s0  }
0x1b1: {  	[sflag:s0] =	ssyncadd.tile.s32 @!p0 $0x1;
	_ =	shalt  }
.Lfunc_end2:
_tile_overlayer_lowered:
.L_overlay_start_2:
0x1b2: {  	(tag) =	ssettag $0x2  }
0x1b3: {  	s0 =	rddreg [dreg:$0x0];
	s2 =	stileid.u32  }
0x1b4: {  	s1 =	rddreg [dreg:$0x1];
	p0 =	sne.s32 s2, $0x0  }
0x1b5: {  	s3 =	rddreg [dreg:$0x2];
	[bflag:$0x3] =	sbarrier.arrive $0xFFFF;
	s2 =	simm.s32 @!p0 $0x1C0B  }
0x1b6: {  	[timem:s3], [sflag:s2] =	dma.local @!p0 [hbm:s0], s1  }
0x1b7: {  	s0 =	simm.s32 @!p0 $0xB  }
0x1b8: {  	_ =	swait.ge @!p0 [sflag:s0], s1  }
0x1b9: {  	s1 =	ssub.s32 @!p0 $0x0, s1;
	[sflag:s0] =	ssyncset.done @!p0 $0x0  }
0x1ba: {  	[sflag:s0] =	ssyncadd.s32 @!p0 s1  }
0x1bb: {  	[bflag:$0x3] =	sbarrier.arrive $0xFFFF  }
0x1bc: {  	_ =	shalt  }

</sc_bundles>
